<compile_context>
chip_gen: v7x
topology: tpu7x:2x2x1
jax: 0.10.2.dev20260603
libtpu: 0.0.44.dev20260713+nightly
codegen_flags: <defaults>
</compile_context>

<pallas_src>
import jax
import jax.numpy as jnp
from jax import lax
from jax.experimental import pallas as pl
from jax.experimental.pallas import tpu as pltpu
from jax.experimental.pallas import tpu_sc as plsc

NUM_EMB = 100000
DIM = 128
N_IDX = 800000
N_BAGS = 50000

NW = 32
B_PER = 1568
OFF_LOAD = B_PER + 32
K = 432
KIDX = 448
KW = KIDX + 16
PAD = K + KW
FB = 16
NVEC = DIM // 16
BS_STEPS = 11


def _sload(ref, i):
    return ref[pl.ds(i, 16)][0]


def _body(fi_hbm, offs_hbm, w_hbm, table_hbm, out_hbm,
          offs_v, idx0, idx1, w0, w1, rows0, rows1, out_v,
          sem, si0, si1, smg0, smg1, sw0, sw1, sf):
    wid = lax.axis_index("s") * 2 + lax.axis_index("c")
    base = pl.multiple_of(wid * B_PER, 16)
    nb = jnp.minimum(jnp.int32(B_PER), jnp.int32(N_BAGS) - base)
    pltpu.async_copy(offs_hbm.at[pl.ds(base, OFF_LOAD)], offs_v, sem).wait()
    p0 = _sload(offs_v, 0)
    pN = _sload(offs_v, nb)
    p0a = jnp.bitwise_and(p0, jnp.int32(-8))
    shift = p0 - p0a
    nchunks = (pN - p0 + (K - 1)) // K

    zeros = tuple(jnp.zeros((16,), jnp.float32) for _ in range(NVEC))

    def store_bag(b, accs):
        par = jnp.bitwise_and(lax.shift_right_logical(b, 4), 1)
        r = jnp.bitwise_and(b, FB - 1)
        for d in range(NVEC):
            out_v[par, r, pl.ds(16 * d, 16)] = accs[d]

    def maybe_flush(b):
        @pl.when(jnp.bitwise_and(b, FB - 1) == FB - 1)
        def _():
            f = lax.shift_right_logical(b, 4)
            par = jnp.bitwise_and(f, 1)

            @pl.when(f >= 1)
            def _():
                pltpu.make_async_copy(
                    out_v.at[0], out_hbm.at[pl.ds(0, FB)], sf).wait()

            dst = pl.multiple_of(base + b - (FB - 1), FB)
            pltpu.async_copy(out_v.at[par], out_hbm.at[pl.ds(dst, FB)], sf)

    def chunk_pa(c):
        return pl.multiple_of(p0a + c * K, 8)

    STREAM_SIZES = [128, 128, 128, 64]
    STREAM_OFF = [0, 128, 256, 384]

    def issue_idx(c, ibuf, si):
        pltpu.async_copy(fi_hbm.at[pl.ds(chunk_pa(c), KIDX)], ibuf, si)

    def wait_idx(ibuf, si):
        pltpu.make_async_copy(fi_hbm.at[pl.ds(0, KIDX)], ibuf, si).wait()

    def issue_gather(ibuf, rbuf, smg):
        for j, sz in enumerate(STREAM_SIZES):
            pltpu.async_copy(
                table_hbm.at[ibuf.at[pl.ds(STREAM_OFF[j], sz)]],
                rbuf.at[pl.ds(STREAM_OFF[j], sz)], smg)

    def wait_gather(rbuf, smg):
        for j, sz in enumerate(STREAM_SIZES):
            pltpu.make_async_copy(table_hbm.at[pl.ds(0, sz)],
                                  rbuf.at[pl.ds(STREAM_OFF[j], sz)], smg).wait()

    def issue_w(c, wbuf, sw):
        pltpu.async_copy(w_hbm.at[pl.ds(chunk_pa(c), KW)], wbuf, sw)

    def wait_w(wbuf, sw):
        pltpu.make_async_copy(w_hbm.at[pl.ds(0, KW)], wbuf, sw).wait()

    def chunk_pend(c):
        pstart = p0 + c * K
        return pstart, pstart + jnp.clip(pN - pstart, 0, K)

    def search_chunk(b, pend):
        def bs_body(_, lohi):
            lo, hi = lohi
            mid = (lo + hi) // 2
            take = _sload(offs_v, mid) <= pend - 1
            return (jnp.where(take, mid, lo), jnp.where(take, hi, mid))

        bL, _unused = lax.fori_loop(0, BS_STEPS, bs_body, (b, nb))
        b_next = jnp.where(_sload(offs_v, bL + 1) <= pend, bL + 1, bL)
        return bL, b_next

    def compute_chunk(c, b, bL, accs, rbuf, wbuf):
        pstart, pend = chunk_pend(c)
        nbag = bL - b + 1

        def bag_body(j, st):
            accs2 = st[:-1]
            sb = st[-1]
            bb = b + j
            eb = _sload(offs_v, bb + 1)
            s_rel = jnp.where(j == 0, 0, sb - pstart)
            e_rel = jnp.minimum(eb, pend) - pstart

            @plsc.parallel_loop(s_rel, e_rel, unroll=4, carry=accs2)
            def accs3(q, a):
                sidx = shift + q
                wv = jnp.full((16,), _sload(wbuf, sidx), jnp.float32)
                return tuple(a[d] + wv * rbuf[sidx, pl.ds(16 * d, 16)]
                             for d in range(NVEC))
            done = jnp.logical_and(eb <= pend, bb < nb)

            @pl.when(done)
            def _():
                store_bag(bb, accs3)
                maybe_flush(bb)

            return tuple(jnp.where(done, z, a)
                         for z, a in zip(zeros, accs3)) + (eb,)

        st = lax.fori_loop(0, nbag, bag_body, accs + (jnp.int32(0),))
        return st[:-1]

    @pl.when(nchunks > 0)
    def _():
        issue_idx(0, idx0, si0)
        wait_idx(idx0, si0)
        issue_gather(idx0, rows0, smg0)
        issue_w(0, w0, sw0)

    nch2 = (nchunks + 1) // 2

    def pair_body(t, carry):
        c0 = 2 * t
        c1 = c0 + 1
        b = carry[0]
        accs = carry[1:]

        _unused, pend0 = chunk_pend(c0)
        bL0, bnext0 = search_chunk(b, pend0)

        @pl.when(c1 < nchunks)
        def _():
            issue_idx(c1, idx1, si1)
            wait_idx(idx1, si1)
            issue_gather(idx1, rows1, smg1)
            issue_w(c1, w1, sw1)

        wait_gather(rows0, smg0)
        wait_w(w0, sw0)

        @pl.when(c0 + 2 < nchunks)
        def _():
            issue_idx(c0 + 2, idx0, si0)

        accs = compute_chunk(c0, b, bL0, accs, rows0, w0)
        b = bnext0

        @pl.when(c0 + 2 < nchunks)
        def _():
            wait_idx(idx0, si0)
            issue_gather(idx0, rows0, smg0)
            issue_w(c0 + 2, w0, sw0)

        _unused2, pend1 = chunk_pend(c1)
        bL1, bnext1 = search_chunk(b, pend1)

        @pl.when(c1 < nchunks)
        def _():
            wait_gather(rows1, smg1)
            wait_w(w1, sw1)

        accs = compute_chunk(c1, b, bL1, accs, rows1, w1)
        return (bnext1,) + accs

    st = lax.fori_loop(0, nch2, pair_body, (jnp.int32(0),) + zeros)
    b_final = st[0]
    accs_final = st[1:]

    def tail_body(bb, accs2):
        store_bag(bb, accs2)
        maybe_flush(bb)
        return zeros

    lax.fori_loop(b_final, nb, tail_body, accs_final)

    pltpu.make_async_copy(out_v.at[0], out_hbm.at[pl.ds(0, FB)], sf).wait()


def kernel(feature_indices, feature_offsets, feature_weights, emb_table):
    off_pad = (NW - 1) * B_PER + OFF_LOAD - N_BAGS
    offs_pad = jnp.concatenate(
        [feature_offsets, jnp.full((off_pad,), N_IDX, jnp.int32)])
    fi_pad = jnp.concatenate(
        [feature_indices, jnp.zeros((PAD,), jnp.int32)])
    w_pad = jnp.concatenate(
        [feature_weights, jnp.zeros((PAD,), jnp.float32)])
    mesh = plsc.VectorSubcoreMesh(core_axis_name="c", subcore_axis_name="s")
    f = pl.kernel(
        _body,
        out_type=jax.ShapeDtypeStruct((N_BAGS, DIM), jnp.float32),
        mesh=mesh,
        scratch_types=[
            pltpu.VMEM((OFF_LOAD,), jnp.int32),
            pltpu.VMEM((KIDX,), jnp.int32),
            pltpu.VMEM((KIDX,), jnp.int32),
            pltpu.VMEM((KW,), jnp.float32),
            pltpu.VMEM((KW,), jnp.float32),
            pltpu.VMEM((KIDX, DIM), jnp.float32),
            pltpu.VMEM((KIDX, DIM), jnp.float32),
            pltpu.VMEM((2, FB, DIM), jnp.float32),
            pltpu.SemaphoreType.DMA,
            pltpu.SemaphoreType.DMA,
            pltpu.SemaphoreType.DMA,
            pltpu.SemaphoreType.DMA,
            pltpu.SemaphoreType.DMA,
            pltpu.SemaphoreType.DMA,
            pltpu.SemaphoreType.DMA,
            pltpu.SemaphoreType.DMA,
        ],
    )
    return f(fi_pad, offs_pad, w_pad, emb_table)

# --- scband reference (transcript-rebuilt; emitter-appended) ---
"""Pipeline reference for scband-base-gaecommon-67817533604336 (READ-ONLY COPY).

The authoritative reference and input builder live on the scoring server;
editing this copy changes nothing except your own understanding.
"""

import jax, jax.numpy as jnp
import numpy as np

NUM_EMB = 100000
DIM = 128
N_IDX = 800000
N_BAGS = 50000


def setup_inputs(seed: int = 0) -> dict:
    key = jax.random.key(seed)
    k1, k2, k3, k4 = jax.random.split(key, 4)
    feature_indices = jax.random.randint(k1, (N_IDX,), 0, NUM_EMB, dtype=jnp.int32)
    offsets = jnp.sort(jax.random.randint(k2, (N_BAGS,), 0, N_IDX, dtype=jnp.int32))
    # EmbeddingBag requires offsets[0] == 0
    feature_offsets = offsets.at[0].set(0)
    feature_weights = jax.random.uniform(k3, (N_IDX,), dtype=jnp.float32)
    # learned parameter: EmbeddingBag weight table
    emb_table = jax.random.normal(k4, (NUM_EMB, DIM), dtype=jnp.float32) * 0.02
    return {
        "feature_indices": feature_indices,
        "feature_offsets": feature_offsets,
        "feature_weights": feature_weights,
        "emb_table": emb_table,
    }


def reference(feature_indices, feature_offsets, feature_weights, emb_table):
    """Faithful jax translation of nn.EmbeddingBag(mode='sum') with per_sample_weights,
    i.e. self.feature_embedder(feature_indices, feature_offsets, per_sample_weights=feature_weights).
    out[b] = sum_{i in bag b} feature_weights[i] * emb_table[feature_indices[i]]
    """
    gathered = jnp.take(emb_table, feature_indices, axis=0)  # [N_IDX, DIM]
    weighted = gathered * feature_weights[:, None]
    # map each flat index position to its bag id via the offsets array
    positions = jnp.arange(feature_indices.shape[0], dtype=jnp.int32)
    bag_ids = jnp.searchsorted(feature_offsets, positions, side="right") - 1
    out = jax.ops.segment_sum(weighted, bag_ids, num_segments=N_BAGS)  # [N_BAGS, DIM]
    return out

if __name__ == "__main__":
    import jax
    _d = setup_inputs()
    print(jax.jit(kernel)(*tuple(_d.values())))

</pallas_src>

<mosaic_0001>
#map = affine_map<(d0, d1) -> (0)>
#map1 = affine_map<(d0, d1) -> (0, 0)>
module attributes {stable_mosaic.version = 14 : i64} {
  func.func @_body(%arg0: i32, %arg1: i32, %arg2: memref<800896xi32, #tpu.memory_space<hbm>>, %arg3: memref<50208xi32, #tpu.memory_space<hbm>>, %arg4: memref<800896xf32, #tpu.memory_space<hbm>>, %arg5: memref<100000x128xf32, #tpu.memory_space<hbm>>, %arg6: memref<50000x128xf32, #tpu.memory_space<hbm>>, %arg7: memref<1600xi32, #tpu.memory_space<vmem>>, %arg8: memref<448xi32, #tpu.memory_space<vmem>>, %arg9: memref<448xi32, #tpu.memory_space<vmem>>, %arg10: memref<464xf32, #tpu.memory_space<vmem>>, %arg11: memref<464xf32, #tpu.memory_space<vmem>>, %arg12: memref<448x128xf32, #tpu.memory_space<vmem>>, %arg13: memref<448x128xf32, #tpu.memory_space<vmem>>, %arg14: memref<2x16x128xf32, #tpu.memory_space<vmem>>, %arg15: memref<!tpu.dma_semaphore, #tpu.memory_space<semaphore_mem>>, %arg16: memref<!tpu.dma_semaphore, #tpu.memory_space<semaphore_mem>>, %arg17: memref<!tpu.dma_semaphore, #tpu.memory_space<semaphore_mem>>, %arg18: memref<!tpu.dma_semaphore, #tpu.memory_space<semaphore_mem>>, %arg19: memref<!tpu.dma_semaphore, #tpu.memory_space<semaphore_mem>>, %arg20: memref<!tpu.dma_semaphore, #tpu.memory_space<semaphore_mem>>, %arg21: memref<!tpu.dma_semaphore, #tpu.memory_space<semaphore_mem>>, %arg22: memref<!tpu.dma_semaphore, #tpu.memory_space<semaphore_mem>>) attributes {dimension_semantics = [#tpu.dimension_semantics<core_parallel>, #tpu.dimension_semantics<subcore_parallel>], iteration_bounds = array<i64: 2, 16>, scalar_prefetch = 0 : i64, scratch_operands = 16 : i64, tpu.core_type = #tpu.core_type<sc_vector_subcore>, window_params = [{transform_indices = #map}, {transform_indices = #map}, {transform_indices = #map}, {transform_indices = #map1}, {transform_indices = #map1}]} {
    %mul3A = arith.constant 2 : i32
    %mul3A_0 = arith.muli %arg1, %mul3A : i32
    %add3A = arith.addi %mul3A_0, %arg0 : i32
    %mul3A_1 = arith.constant 1568 : i32
    %mul3A_2 = arith.muli %add3A, %mul3A_1 : i32
    %multiple_of3A = tpu.assume_multiple %mul3A_2, 16 : i32
    %sub3A = arith.constant 50000 : i32
    %sub3A_3 = arith.subi %sub3A, %multiple_of3A : i32
    %min3A = arith.constant 1568 : i32
    %min3A_4 = arith.minsi %min3A, %sub3A_3 : i32
    %dma_start3A = tpu.memref_slice %arg3[%multiple_of3A] : memref<50208xi32, #tpu.memory_space<hbm>> -> memref<1600xi32, #tpu.memory_space<hbm>>
    %dma_start3A_5 = tpu.memref_slice %arg3[%multiple_of3A] : memref<50208xi32, #tpu.memory_space<hbm>> -> memref<1600xi32, #tpu.memory_space<hbm>>
    tpu.enqueue_dma source(%dma_start3A_5 : memref<1600xi32, #tpu.memory_space<hbm>>) target(%arg7 : memref<1600xi32, #tpu.memory_space<vmem>>) target_semaphore(%arg15 : memref<!tpu.dma_semaphore, #tpu.memory_space<semaphore_mem>>)
    %dma_wait3A = tpu.memref_slice %arg3[%multiple_of3A] : memref<50208xi32, #tpu.memory_space<hbm>> -> memref<1600xi32, #tpu.memory_space<hbm>>
    %dma_wait3A_6 = tpu.memref_slice %arg3[%multiple_of3A] : memref<50208xi32, #tpu.memory_space<hbm>> -> memref<1600xi32, #tpu.memory_space<hbm>>
    tpu.wait_dma2 semaphore(%arg15 : memref<!tpu.dma_semaphore, #tpu.memory_space<semaphore_mem>>) src(%dma_wait3A_6 : memref<1600xi32, #tpu.memory_space<hbm>>) dst(%arg7 : memref<1600xi32, #tpu.memory_space<vmem>>)
    %get3A = arith.constant 0 : index
    %get3A_7 = tpu.vector_load %arg7[%get3A] {strides = array<i32>} : memref<1600xi32, #tpu.memory_space<vmem>>, vector<16xi32>,
    %get3A_8 = vector.shape_cast %get3A_7 : vector<16xi32> to vector<16xi32>
    %slice3A = vector.extract_strided_slice %get3A_8 {offsets = [0], sizes = [1], strides = [1]} : vector<16xi32> to vector<1xi32>
    %squeeze3A = vector.extract %slice3A[0] : i32 from vector<1xi32>
    %get3A_9 = arith.index_cast %min3A_4 : i32 to index
    %get3A_10 = tpu.vector_load %arg7[%get3A_9] {strides = array<i32>} : memref<1600xi32, #tpu.memory_space<vmem>>, vector<16xi32>,
    %get3A_11 = vector.shape_cast %get3A_10 : vector<16xi32> to vector<16xi32>
    %slice3A_12 = vector.extract_strided_slice %get3A_11 {offsets = [0], sizes = [1], strides = [1]} : vector<16xi32> to vector<1xi32>
    %squeeze3A_13 = vector.extract %slice3A_12[0] : i32 from vector<1xi32>
    %and3A = arith.constant -8 : i32
    %and3A_14 = arith.andi %squeeze3A, %and3A : i32
    %sub3A_15 = arith.subi %squeeze3A, %and3A_14 : i32
    %sub3A_16 = arith.subi %squeeze3A_13, %squeeze3A : i32
    %add3A_17 = arith.constant 431 : i32
    %add3A_18 = arith.addi %sub3A_16, %add3A_17 : i32
    %jit3A = arith.constant 432 : i32
    %div3A = arith.divsi %add3A_18, %jit3A : i32
    %sign3A = arith.constant 0 : i32
    %sign3A_19 = arith.cmpi sgt, %add3A_18, %sign3A : i32
    %sign3A_20 = arith.extui %sign3A_19 : i1 to i32
    %sign3A_21 = arith.constant 0 : i32
    %sign3A_22 = arith.cmpi slt, %add3A_18, %sign3A_21 : i32
    %sign3A_23 = arith.extui %sign3A_22 : i1 to i32
    %sign3A_24 = arith.subi %sign3A_20, %sign3A_23 : i32
    %sign3A_25 = arith.constant 0 : i32
    %sign3A_26 = arith.cmpi sgt, %jit3A, %sign3A_25 : i32
    %sign3A_27 = arith.extui %sign3A_26 : i1 to i32
    %sign3A_28 = arith.constant 0 : i32
    %sign3A_29 = arith.cmpi slt, %jit3A, %sign3A_28 : i32
    %sign3A_30 = arith.extui %sign3A_29 : i1 to i32
    %sign3A_31 = arith.subi %sign3A_27, %sign3A_30 : i32
    %ne3A = arith.cmpi ne, %sign3A_24, %sign3A_31 : i32
    %rem3A = arith.remsi %add3A_18, %jit3A : i32
    %ne3A_32 = arith.constant 0 : i32
    %ne3A_33 = arith.cmpi ne, %rem3A, %ne3A_32 : i32
    %and3A_34 = arith.andi %ne3A, %ne3A_33 : i1
    %sub3A_35 = arith.constant 1 : i32
    %sub3A_36 = arith.subi %div3A, %sub3A_35 : i32
    %select_n3A = arith.select %and3A_34, %sub3A_36, %div3A : i32
    %broadcast_in_dim3A = arith.constant 0.000000e+00 : f32
    %broadcast_in_dim3A_37 = vector.broadcast %broadcast_in_dim3A : f32 to vector<16xf32>
    %broadcast_in_dim3A_38 = arith.constant 0.000000e+00 : f32
    %broadcast_in_dim3A_39 = vector.broadcast %broadcast_in_dim3A_38 : f32 to vector<16xf32>
    %broadcast_in_dim3A_40 = arith.constant 0.000000e+00 : f32
    %broadcast_in_dim3A_41 = vector.broadcast %broadcast_in_dim3A_40 : f32 to vector<16xf32>
    %broadcast_in_dim3A_42 = arith.constant 0.000000e+00 : f32
    %broadcast_in_dim3A_43 = vector.broadcast %broadcast_in_dim3A_42 : f32 to vector<16xf32>
    %broadcast_in_dim3A_44 = arith.constant 0.000000e+00 : f32
    %broadcast_in_dim3A_45 = vector.broadcast %broadcast_in_dim3A_44 : f32 to vector<16xf32>
    %broadcast_in_dim3A_46 = arith.constant 0.000000e+00 : f32
    %broadcast_in_dim3A_47 = vector.broadcast %broadcast_in_dim3A_46 : f32 to vector<16xf32>
    %broadcast_in_dim3A_48 = arith.constant 0.000000e+00 : f32
    %broadcast_in_dim3A_49 = vector.broadcast %broadcast_in_dim3A_48 : f32 to vector<16xf32>
    %broadcast_in_dim3A_50 = arith.constant 0.000000e+00 : f32
    %broadcast_in_dim3A_51 = vector.broadcast %broadcast_in_dim3A_50 : f32 to vector<16xf32>
    %gt3A = arith.constant 0 : i32
    %gt3A_52 = arith.cmpi sgt, %select_n3A, %gt3A : i32
    %convert_element_type3A = arith.extui %gt3A_52 : i1 to i32
    %cond3A = arith.constant 0 : i32
    %cond3A_53 = arith.cmpi ne, %convert_element_type3A, %cond3A : i32
    scf.if %cond3A_53 {
      %add3A_116 = arith.constant 0 : i32
      %add3A_117 = arith.addi %and3A_14, %add3A_116 : i32
      %multiple_of3A_118 = tpu.assume_multiple %add3A_117, 8 : i32
      %dma_start3A_119 = tpu.memref_slice %arg2[%multiple_of3A_118] : memref<800896xi32, #tpu.memory_space<hbm>> -> memref<448xi32, #tpu.memory_space<hbm>>
      %dma_start3A_120 = tpu.memref_slice %arg2[%multiple_of3A_118] : memref<800896xi32, #tpu.memory_space<hbm>> -> memref<448xi32, #tpu.memory_space<hbm>>
      tpu.enqueue_dma source(%dma_start3A_120 : memref<448xi32, #tpu.memory_space<hbm>>) target(%arg8 : memref<448xi32, #tpu.memory_space<vmem>>) target_semaphore(%arg16 : memref<!tpu.dma_semaphore, #tpu.memory_space<semaphore_mem>>)
      %dma_wait3A_121 = arith.constant 0 : i32
      %dma_wait3A_122 = tpu.memref_slice %arg2[%dma_wait3A_121] : memref<800896xi32, #tpu.memory_space<hbm>> -> memref<448xi32, #tpu.memory_space<hbm>>
      %dma_wait3A_123 = arith.constant 0 : i32
      %dma_wait3A_124 = tpu.memref_slice %arg2[%dma_wait3A_123] : memref<800896xi32, #tpu.memory_space<hbm>> -> memref<448xi32, #tpu.memory_space<hbm>>
      tpu.wait_dma2 semaphore(%arg16 : memref<!tpu.dma_semaphore, #tpu.memory_space<semaphore_mem>>) src(%dma_wait3A_124 : memref<448xi32, #tpu.memory_space<hbm>>) dst(%arg8 : memref<448xi32, #tpu.memory_space<vmem>>)
      %dma_start3A_125 = arith.constant 0 : i32
      %dma_start3A_126 = arith.constant 0 : i32
      %dma_start3A_127 = tpu.memref_slice %arg12[%dma_start3A_125, %dma_start3A_126] : memref<448x128xf32, #tpu.memory_space<vmem>> -> memref<128x128xf32, #tpu.memory_space<vmem>>
      %dma_start3A_128 = arith.constant 0 : i32
      %dma_start3A_129 = tpu.memref_slice %arg8[%dma_start3A_128] : memref<448xi32, #tpu.memory_space<vmem>> -> memref<128xi32, #tpu.memory_space<vmem>>
      %dma_start3A_130 = arith.constant 0 : i32
      %dma_start3A_131 = arith.constant 0 : i32
      %dma_start3A_132 = tpu.memref_slice %arg5[%dma_start3A_130, %dma_start3A_131] : memref<100000x128xf32, #tpu.memory_space<hbm>> -> memref<100000x128xf32, #tpu.memory_space<hbm>>
      tpu.enqueue_indirect_dma source(%dma_start3A_132 : memref<100000x128xf32, #tpu.memory_space<hbm>>) target(%dma_start3A_127 : memref<128x128xf32, #tpu.memory_space<vmem>>) offsets(%dma_start3A_129 : memref<128xi32, #tpu.memory_space<vmem>>) semaphore(%arg18 : memref<!tpu.dma_semaphore, #tpu.memory_space<semaphore_mem>>)
      %dma_start3A_133 = arith.constant 128 : i32
      %dma_start3A_134 = arith.constant 0 : i32
      %dma_start3A_135 = tpu.memref_slice %arg12[%dma_start3A_133, %dma_start3A_134] : memref<448x128xf32, #tpu.memory_space<vmem>> -> memref<128x128xf32, #tpu.memory_space<vmem>>
      %dma_start3A_136 = arith.constant 128 : i32
      %dma_start3A_137 = tpu.memref_slice %arg8[%dma_start3A_136] : memref<448xi32, #tpu.memory_space<vmem>> -> memref<128xi32, #tpu.memory_space<vmem>>
      %dma_start3A_138 = arith.constant 0 : i32
      %dma_start3A_139 = arith.constant 0 : i32
      %dma_start3A_140 = tpu.memref_slice %arg5[%dma_start3A_138, %dma_start3A_139] : memref<100000x128xf32, #tpu.memory_space<hbm>> -> memref<100000x128xf32, #tpu.memory_space<hbm>>
      tpu.enqueue_indirect_dma source(%dma_start3A_140 : memref<100000x128xf32, #tpu.memory_space<hbm>>) target(%dma_start3A_135 : memref<128x128xf32, #tpu.memory_space<vmem>>) offsets(%dma_start3A_137 : memref<128xi32, #tpu.memory_space<vmem>>) semaphore(%arg18 : memref<!tpu.dma_semaphore, #tpu.memory_space<semaphore_mem>>)
      %dma_start3A_141 = arith.constant 256 : i32
      %dma_start3A_142 = arith.constant 0 : i32
      %dma_start3A_143 = tpu.memref_slice %arg12[%dma_start3A_141, %dma_start3A_142] : memref<448x128xf32, #tpu.memory_space<vmem>> -> memref<128x128xf32, #tpu.memory_space<vmem>>
      %dma_start3A_144 = arith.constant 256 : i32
      %dma_start3A_145 = tpu.memref_slice %arg8[%dma_start3A_144] : memref<448xi32, #tpu.memory_space<vmem>> -> memref<128xi32, #tpu.memory_space<vmem>>
      %dma_start3A_146 = arith.constant 0 : i32
      %dma_start3A_147 = arith.constant 0 : i32
      %dma_start3A_148 = tpu.memref_slice %arg5[%dma_start3A_146, %dma_start3A_147] : memref<100000x128xf32, #tpu.memory_space<hbm>> -> memref<100000x128xf32, #tpu.memory_space<hbm>>
      tpu.enqueue_indirect_dma source(%dma_start3A_148 : memref<100000x128xf32, #tpu.memory_space<hbm>>) target(%dma_start3A_143 : memref<128x128xf32, #tpu.memory_space<vmem>>) offsets(%dma_start3A_145 : memref<128xi32, #tpu.memory_space<vmem>>) semaphore(%arg18 : memref<!tpu.dma_semaphore, #tpu.memory_space<semaphore_mem>>)
      %dma_start3A_149 = arith.constant 384 : i32
      %dma_start3A_150 = arith.constant 0 : i32
      %dma_start3A_151 = tpu.memref_slice %arg12[%dma_start3A_149, %dma_start3A_150] : memref<448x128xf32, #tpu.memory_space<vmem>> -> memref<64x128xf32, #tpu.memory_space<vmem>>
      %dma_start3A_152 = arith.constant 384 : i32
      %dma_start3A_153 = tpu.memref_slice %arg8[%dma_start3A_152] : memref<448xi32, #tpu.memory_space<vmem>> -> memref<64xi32, #tpu.memory_space<vmem>>
      %dma_start3A_154 = arith.constant 0 : i32
      %dma_start3A_155 = arith.constant 0 : i32
      %dma_start3A_156 = tpu.memref_slice %arg5[%dma_start3A_154, %dma_start3A_155] : memref<100000x128xf32, #tpu.memory_space<hbm>> -> memref<100000x128xf32, #tpu.memory_space<hbm>>
      tpu.enqueue_indirect_dma source(%dma_start3A_156 : memref<100000x128xf32, #tpu.memory_space<hbm>>) target(%dma_start3A_151 : memref<64x128xf32, #tpu.memory_space<vmem>>) offsets(%dma_start3A_153 : memref<64xi32, #tpu.memory_space<vmem>>) semaphore(%arg18 : memref<!tpu.dma_semaphore, #tpu.memory_space<semaphore_mem>>)
      %add3A_157 = arith.constant 0 : i32
      %add3A_158 = arith.addi %and3A_14, %add3A_157 : i32
      %multiple_of3A_159 = tpu.assume_multiple %add3A_158, 8 : i32
      %dma_start3A_160 = tpu.memref_slice %arg4[%multiple_of3A_159] : memref<800896xf32, #tpu.memory_space<hbm>> -> memref<464xf32, #tpu.memory_space<hbm>>
      %dma_start3A_161 = tpu.memref_slice %arg4[%multiple_of3A_159] : memref<800896xf32, #tpu.memory_space<hbm>> -> memref<464xf32, #tpu.memory_space<hbm>>
      tpu.enqueue_dma source(%dma_start3A_161 : memref<464xf32, #tpu.memory_space<hbm>>) target(%arg10 : memref<464xf32, #tpu.memory_space<vmem>>) target_semaphore(%arg20 : memref<!tpu.dma_semaphore, #tpu.memory_space<semaphore_mem>>)
    } else {
    }
    %add3A_54 = arith.constant 1 : i32
    %add3A_55 = arith.addi %select_n3A, %add3A_54 : i32
    %jit3A_56 = arith.constant 2 : i32
    %div3A_57 = arith.divsi %add3A_55, %jit3A_56 : i32
    %sign3A_58 = arith.constant 0 : i32
    %sign3A_59 = arith.cmpi sgt, %add3A_55, %sign3A_58 : i32
    %sign3A_60 = arith.extui %sign3A_59 : i1 to i32
    %sign3A_61 = arith.constant 0 : i32
    %sign3A_62 = arith.cmpi slt, %add3A_55, %sign3A_61 : i32
    %sign3A_63 = arith.extui %sign3A_62 : i1 to i32
    %sign3A_64 = arith.subi %sign3A_60, %sign3A_63 : i32
    %sign3A_65 = arith.constant 0 : i32
    %sign3A_66 = arith.cmpi sgt, %jit3A_56, %sign3A_65 : i32
    %sign3A_67 = arith.extui %sign3A_66 : i1 to i32
    %sign3A_68 = arith.constant 0 : i32
    %sign3A_69 = arith.cmpi slt, %jit3A_56, %sign3A_68 : i32
    %sign3A_70 = arith.extui %sign3A_69 : i1 to i32
    %sign3A_71 = arith.subi %sign3A_67, %sign3A_70 : i32
    %ne3A_72 = arith.cmpi ne, %sign3A_64, %sign3A_71 : i32
    %rem3A_73 = arith.remsi %add3A_55, %jit3A_56 : i32
    %ne3A_74 = arith.constant 0 : i32
    %ne3A_75 = arith.cmpi ne, %rem3A_73, %ne3A_74 : i32
    %and3A_76 = arith.andi %ne3A_72, %ne3A_75 : i1
    %sub3A_77 = arith.constant 1 : i32
    %sub3A_78 = arith.subi %div3A_57, %sub3A_77 : i32
    %select_n3A_79 = arith.select %and3A_76, %sub3A_78, %div3A_57 : i32
    %while3A = arith.constant 0 : i32
    %while3A_80 = arith.constant 0 : i32
    %while3A_81 = arith.subi %select_n3A_79, %while3A : i32
    %while3A_82 = arith.addi %while3A, %while3A_81 : i32
    %while3A_83 = arith.constant 1 : i32
    %while3A_84 = arith.divsi %while3A_81, %while3A_83 : i32
    %while3A_85 = arith.muli %while3A_84, %while3A_83 : i32
    %while3A_86 = arith.addi %while3A, %while3A_85 : i32
    %while3A_87 = arith.constant 1 : i32
    %while3A_88:9 = scf.for %while3A_116 = %while3A to %while3A_86 step %while3A_87 iter_args(%while3A_117 = %while3A_80, %while3A_118 = %broadcast_in_dim3A_37, %while3A_119 = %broadcast_in_dim3A_39, %while3A_120 = %broadcast_in_dim3A_41, %while3A_121 = %broadcast_in_dim3A_43, %while3A_122 = %broadcast_in_dim3A_45, %while3A_123 = %broadcast_in_dim3A_47, %while3A_124 = %broadcast_in_dim3A_49, %while3A_125 = %broadcast_in_dim3A_51) -> (i32, vector<16xf32>, vector<16xf32>, vector<16xf32>, vector<16xf32>, vector<16xf32>, vector<16xf32>, vector<16xf32>, vector<16xf32>)  : i32 {
      %mul3A_126 = arith.constant 2 : i32
      %mul3A_127 = arith.muli %mul3A_126, %while3A_116 : i32
      %add3A_128 = arith.constant 1 : i32
      %add3A_129 = arith.addi %mul3A_127, %add3A_128 : i32
      %mul3A_130 = arith.constant 432 : i32
      %mul3A_131 = arith.muli %mul3A_127, %mul3A_130 : i32
      %add3A_132 = arith.addi %squeeze3A, %mul3A_131 : i32
      %sub3A_133 = arith.subi %squeeze3A_13, %add3A_132 : i32
      %jit3A_134 = arith.constant 0 : i32
      %jit3A_135 = arith.constant 432 : i32
      %max3A = arith.maxsi %jit3A_134, %sub3A_133 : i32
      %min3A_136 = arith.minsi %jit3A_135, %max3A : i32
      %add3A_137 = arith.addi %add3A_132, %min3A_136 : i32
      %scan3A = arith.constant 0 : i32
      %scan3A_138 = arith.constant 11 : i32
      %scan3A_139 = arith.addi %scan3A, %scan3A_138 : i32
      %scan3A_140 = arith.constant 1 : i32
      %scan3A_141:2 = scf.for %scan3A_298 = %scan3A to %scan3A_139 step %scan3A_140 iter_args(%scan3A_299 = %while3A_117, %scan3A_300 = %min3A_4) -> (i32, i32)  : i32 {
        %add3A_301 = arith.addi %scan3A_299, %scan3A_300 : i32
        %jit3A_302 = arith.constant 2 : i32
        %div3A_303 = arith.divsi %add3A_301, %jit3A_302 : i32
        %sign3A_304 = arith.constant 0 : i32
        %sign3A_305 = arith.cmpi sgt, %add3A_301, %sign3A_304 : i32
        %sign3A_306 = arith.extui %sign3A_305 : i1 to i32
        %sign3A_307 = arith.constant 0 : i32
        %sign3A_308 = arith.cmpi slt, %add3A_301, %sign3A_307 : i32
        %sign3A_309 = arith.extui %sign3A_308 : i1 to i32
        %sign3A_310 = arith.subi %sign3A_306, %sign3A_309 : i32
        %sign3A_311 = arith.constant 0 : i32
        %sign3A_312 = arith.cmpi sgt, %jit3A_302, %sign3A_311 : i32
        %sign3A_313 = arith.extui %sign3A_312 : i1 to i32
        %sign3A_314 = arith.constant 0 : i32
        %sign3A_315 = arith.cmpi slt, %jit3A_302, %sign3A_314 : i32
        %sign3A_316 = arith.extui %sign3A_315 : i1 to i32
        %sign3A_317 = arith.subi %sign3A_313, %sign3A_316 : i32
        %ne3A_318 = arith.cmpi ne, %sign3A_310, %sign3A_317 : i32
        %rem3A_319 = arith.remsi %add3A_301, %jit3A_302 : i32
        %ne3A_320 = arith.constant 0 : i32
        %ne3A_321 = arith.cmpi ne, %rem3A_319, %ne3A_320 : i32
        %and3A_322 = arith.andi %ne3A_318, %ne3A_321 : i1
        %sub3A_323 = arith.constant 1 : i32
        %sub3A_324 = arith.subi %div3A_303, %sub3A_323 : i32
        %select_n3A_325 = arith.select %and3A_322, %sub3A_324, %div3A_303 : i32
        %get3A_326 = arith.index_cast %select_n3A_325 : i32 to index
        %get3A_327 = tpu.vector_load %arg7[%get3A_326] {strides = array<i32>} : memref<1600xi32, #tpu.memory_space<vmem>>, vector<16xi32>,
        %get3A_328 = vector.shape_cast %get3A_327 : vector<16xi32> to vector<16xi32>
        %slice3A_329 = vector.extract_strided_slice %get3A_328 {offsets = [0], sizes = [1], strides = [1]} : vector<16xi32> to vector<1xi32>
        %squeeze3A_330 = vector.extract %slice3A_329[0] : i32 from vector<1xi32>
        %sub3A_331 = arith.constant 1 : i32
        %sub3A_332 = arith.subi %add3A_137, %sub3A_331 : i32
        %le3A_333 = arith.cmpi sle, %squeeze3A_330, %sub3A_332 : i32
        %select_n3A_334 = arith.select %le3A_333, %select_n3A_325, %scan3A_299 : i32
        %select_n3A_335 = arith.select %le3A_333, %scan3A_300, %select_n3A_325 : i32
        scf.yield %select_n3A_334, %select_n3A_335 : i32, i32
      }
      %scan3A_142 = arith.constant 11 : i32
      %add3A_143 = arith.constant 1 : i32
      %add3A_144 = arith.addi %scan3A_141#0, %add3A_143 : i32
      %get3A_145 = arith.index_cast %add3A_144 : i32 to index
      %get3A_146 = tpu.vector_load %arg7[%get3A_145] {strides = array<i32>} : memref<1600xi32, #tpu.memory_space<vmem>>, vector<16xi32>,
      %get3A_147 = vector.shape_cast %get3A_146 : vector<16xi32> to vector<16xi32>
      %slice3A_148 = vector.extract_strided_slice %get3A_147 {offsets = [0], sizes = [1], strides = [1]} : vector<16xi32> to vector<1xi32>
      %squeeze3A_149 = vector.extract %slice3A_148[0] : i32 from vector<1xi32>
      %le3A = arith.cmpi sle, %squeeze3A_149, %add3A_137 : i32
      %add3A_150 = arith.constant 1 : i32
      %add3A_151 = arith.addi %scan3A_141#0, %add3A_150 : i32
      %select_n3A_152 = arith.select %le3A, %add3A_151, %scan3A_141#0 : i32
      %lt3A = arith.cmpi slt, %add3A_129, %select_n3A : i32
      %convert_element_type3A_153 = arith.extui %lt3A : i1 to i32
      %cond3A_154 = arith.constant 0 : i32
      %cond3A_155 = arith.cmpi ne, %convert_element_type3A_153, %cond3A_154 : i32
      scf.if %cond3A_155 {
        %mul3A_298 = arith.constant 432 : i32
        %mul3A_299 = arith.muli %add3A_129, %mul3A_298 : i32
        %add3A_300 = arith.addi %and3A_14, %mul3A_299 : i32
        %multiple_of3A_301 = tpu.assume_multiple %add3A_300, 8 : i32
        %dma_start3A_302 = tpu.memref_slice %arg2[%multiple_of3A_301] : memref<800896xi32, #tpu.memory_space<hbm>> -> memref<448xi32, #tpu.memory_space<hbm>>
        %dma_start3A_303 = tpu.memref_slice %arg2[%multiple_of3A_301] : memref<800896xi32, #tpu.memory_space<hbm>> -> memref<448xi32, #tpu.memory_space<hbm>>
        tpu.enqueue_dma source(%dma_start3A_303 : memref<448xi32, #tpu.memory_space<hbm>>) target(%arg9 : memref<448xi32, #tpu.memory_space<vmem>>) target_semaphore(%arg17 : memref<!tpu.dma_semaphore, #tpu.memory_space<semaphore_mem>>)
        %dma_wait3A_304 = arith.constant 0 : i32
        %dma_wait3A_305 = tpu.memref_slice %arg2[%dma_wait3A_304] : memref<800896xi32, #tpu.memory_space<hbm>> -> memref<448xi32, #tpu.memory_space<hbm>>
        %dma_wait3A_306 = arith.constant 0 : i32
        %dma_wait3A_307 = tpu.memref_slice %arg2[%dma_wait3A_306] : memref<800896xi32, #tpu.memory_space<hbm>> -> memref<448xi32, #tpu.memory_space<hbm>>
        tpu.wait_dma2 semaphore(%arg17 : memref<!tpu.dma_semaphore, #tpu.memory_space<semaphore_mem>>) src(%dma_wait3A_307 : memref<448xi32, #tpu.memory_space<hbm>>) dst(%arg9 : memref<448xi32, #tpu.memory_space<vmem>>)
        %dma_start3A_308 = arith.constant 0 : i32
        %dma_start3A_309 = arith.constant 0 : i32
        %dma_start3A_310 = tpu.memref_slice %arg13[%dma_start3A_308, %dma_start3A_309] : memref<448x128xf32, #tpu.memory_space<vmem>> -> memref<128x128xf32, #tpu.memory_space<vmem>>
        %dma_start3A_311 = arith.constant 0 : i32
        %dma_start3A_312 = tpu.memref_slice %arg9[%dma_start3A_311] : memref<448xi32, #tpu.memory_space<vmem>> -> memref<128xi32, #tpu.memory_space<vmem>>
        %dma_start3A_313 = arith.constant 0 : i32
        %dma_start3A_314 = arith.constant 0 : i32
        %dma_start3A_315 = tpu.memref_slice %arg5[%dma_start3A_313, %dma_start3A_314] : memref<100000x128xf32, #tpu.memory_space<hbm>> -> memref<100000x128xf32, #tpu.memory_space<hbm>>
        tpu.enqueue_indirect_dma source(%dma_start3A_315 : memref<100000x128xf32, #tpu.memory_space<hbm>>) target(%dma_start3A_310 : memref<128x128xf32, #tpu.memory_space<vmem>>) offsets(%dma_start3A_312 : memref<128xi32, #tpu.memory_space<vmem>>) semaphore(%arg19 : memref<!tpu.dma_semaphore, #tpu.memory_space<semaphore_mem>>)
        %dma_start3A_316 = arith.constant 128 : i32
        %dma_start3A_317 = arith.constant 0 : i32
        %dma_start3A_318 = tpu.memref_slice %arg13[%dma_start3A_316, %dma_start3A_317] : memref<448x128xf32, #tpu.memory_space<vmem>> -> memref<128x128xf32, #tpu.memory_space<vmem>>
        %dma_start3A_319 = arith.constant 128 : i32
        %dma_start3A_320 = tpu.memref_slice %arg9[%dma_start3A_319] : memref<448xi32, #tpu.memory_space<vmem>> -> memref<128xi32, #tpu.memory_space<vmem>>
        %dma_start3A_321 = arith.constant 0 : i32
        %dma_start3A_322 = arith.constant 0 : i32
        %dma_start3A_323 = tpu.memref_slice %arg5[%dma_start3A_321, %dma_start3A_322] : memref<100000x128xf32, #tpu.memory_space<hbm>> -> memref<100000x128xf32, #tpu.memory_space<hbm>>
        tpu.enqueue_indirect_dma source(%dma_start3A_323 : memref<100000x128xf32, #tpu.memory_space<hbm>>) target(%dma_start3A_318 : memref<128x128xf32, #tpu.memory_space<vmem>>) offsets(%dma_start3A_320 : memref<128xi32, #tpu.memory_space<vmem>>) semaphore(%arg19 : memref<!tpu.dma_semaphore, #tpu.memory_space<semaphore_mem>>)
        %dma_start3A_324 = arith.constant 256 : i32
        %dma_start3A_325 = arith.constant 0 : i32
        %dma_start3A_326 = tpu.memref_slice %arg13[%dma_start3A_324, %dma_start3A_325] : memref<448x128xf32, #tpu.memory_space<vmem>> -> memref<128x128xf32, #tpu.memory_space<vmem>>
        %dma_start3A_327 = arith.constant 256 : i32
        %dma_start3A_328 = tpu.memref_slice %arg9[%dma_start3A_327] : memref<448xi32, #tpu.memory_space<vmem>> -> memref<128xi32, #tpu.memory_space<vmem>>
        %dma_start3A_329 = arith.constant 0 : i32
        %dma_start3A_330 = arith.constant 0 : i32
        %dma_start3A_331 = tpu.memref_slice %arg5[%dma_start3A_329, %dma_start3A_330] : memref<100000x128xf32, #tpu.memory_space<hbm>> -> memref<100000x128xf32, #tpu.memory_space<hbm>>
        tpu.enqueue_indirect_dma source(%dma_start3A_331 : memref<100000x128xf32, #tpu.memory_space<hbm>>) target(%dma_start3A_326 : memref<128x128xf32, #tpu.memory_space<vmem>>) offsets(%dma_start3A_328 : memref<128xi32, #tpu.memory_space<vmem>>) semaphore(%arg19 : memref<!tpu.dma_semaphore, #tpu.memory_space<semaphore_mem>>)
        %dma_start3A_332 = arith.constant 384 : i32
        %dma_start3A_333 = arith.constant 0 : i32
        %dma_start3A_334 = tpu.memref_slice %arg13[%dma_start3A_332, %dma_start3A_333] : memref<448x128xf32, #tpu.memory_space<vmem>> -> memref<64x128xf32, #tpu.memory_space<vmem>>
        %dma_start3A_335 = arith.constant 384 : i32
        %dma_start3A_336 = tpu.memref_slice %arg9[%dma_start3A_335] : memref<448xi32, #tpu.memory_space<vmem>> -> memref<64xi32, #tpu.memory_space<vmem>>
        %dma_start3A_337 = arith.constant 0 : i32
        %dma_start3A_338 = arith.constant 0 : i32
        %dma_start3A_339 = tpu.memref_slice %arg5[%dma_start3A_337, %dma_start3A_338] : memref<100000x128xf32, #tpu.memory_space<hbm>> -> memref<100000x128xf32, #tpu.memory_space<hbm>>
        tpu.enqueue_indirect_dma source(%dma_start3A_339 : memref<100000x128xf32, #tpu.memory_space<hbm>>) target(%dma_start3A_334 : memref<64x128xf32, #tpu.memory_space<vmem>>) offsets(%dma_start3A_336 : memref<64xi32, #tpu.memory_space<vmem>>) semaphore(%arg19 : memref<!tpu.dma_semaphore, #tpu.memory_space<semaphore_mem>>)
        %mul3A_340 = arith.constant 432 : i32
        %mul3A_341 = arith.muli %add3A_129, %mul3A_340 : i32
        %add3A_342 = arith.addi %and3A_14, %mul3A_341 : i32
        %multiple_of3A_343 = tpu.assume_multiple %add3A_342, 8 : i32
        %dma_start3A_344 = tpu.memref_slice %arg4[%multiple_of3A_343] : memref<800896xf32, #tpu.memory_space<hbm>> -> memref<464xf32, #tpu.memory_space<hbm>>
        %dma_start3A_345 = tpu.memref_slice %arg4[%multiple_of3A_343] : memref<800896xf32, #tpu.memory_space<hbm>> -> memref<464xf32, #tpu.memory_space<hbm>>
        tpu.enqueue_dma source(%dma_start3A_345 : memref<464xf32, #tpu.memory_space<hbm>>) target(%arg11 : memref<464xf32, #tpu.memory_space<vmem>>) target_semaphore(%arg21 : memref<!tpu.dma_semaphore, #tpu.memory_space<semaphore_mem>>)
      } else {
      }
      %dma_wait3A_156 = arith.constant 0 : i32
      %dma_wait3A_157 = arith.constant 0 : i32
      %dma_wait3A_158 = tpu.memref_slice %arg12[%dma_wait3A_156, %dma_wait3A_157] : memref<448x128xf32, #tpu.memory_space<vmem>> -> memref<128x128xf32, #tpu.memory_space<vmem>>
      %dma_wait3A_159 = arith.constant 0 : i32
      %dma_wait3A_160 = arith.constant 0 : i32
      %dma_wait3A_161 = tpu.memref_slice %arg5[%dma_wait3A_159, %dma_wait3A_160] : memref<100000x128xf32, #tpu.memory_space<hbm>> -> memref<128x128xf32, #tpu.memory_space<hbm>>
      %dma_wait3A_162 = arith.constant 0 : i32
      %dma_wait3A_163 = arith.constant 0 : i32
      %dma_wait3A_164 = tpu.memref_slice %arg12[%dma_wait3A_162, %dma_wait3A_163] : memref<448x128xf32, #tpu.memory_space<vmem>> -> memref<128x128xf32, #tpu.memory_space<vmem>>
      %dma_wait3A_165 = arith.constant 0 : i32
      %dma_wait3A_166 = arith.constant 0 : i32
      %dma_wait3A_167 = tpu.memref_slice %arg5[%dma_wait3A_165, %dma_wait3A_166] : memref<100000x128xf32, #tpu.memory_space<hbm>> -> memref<128x128xf32, #tpu.memory_space<hbm>>
      tpu.wait_dma2 semaphore(%arg18 : memref<!tpu.dma_semaphore, #tpu.memory_space<semaphore_mem>>) src(%dma_wait3A_167 : memref<128x128xf32, #tpu.memory_space<hbm>>) dst(%dma_wait3A_164 : memref<128x128xf32, #tpu.memory_space<vmem>>)
      %dma_wait3A_168 = arith.constant 128 : i32
      %dma_wait3A_169 = arith.constant 0 : i32
      %dma_wait3A_170 = tpu.memref_slice %arg12[%dma_wait3A_168, %dma_wait3A_169] : memref<448x128xf32, #tpu.memory_space<vmem>> -> memref<128x128xf32, #tpu.memory_space<vmem>>
      %dma_wait3A_171 = arith.constant 0 : i32
      %dma_wait3A_172 = arith.constant 0 : i32
      %dma_wait3A_173 = tpu.memref_slice %arg5[%dma_wait3A_171, %dma_wait3A_172] : memref<100000x128xf32, #tpu.memory_space<hbm>> -> memref<128x128xf32, #tpu.memory_space<hbm>>
      %dma_wait3A_174 = arith.constant 128 : i32
      %dma_wait3A_175 = arith.constant 0 : i32
      %dma_wait3A_176 = tpu.memref_slice %arg12[%dma_wait3A_174, %dma_wait3A_175] : memref<448x128xf32, #tpu.memory_space<vmem>> -> memref<128x128xf32, #tpu.memory_space<vmem>>
      %dma_wait3A_177 = arith.constant 0 : i32
      %dma_wait3A_178 = arith.constant 0 : i32
      %dma_wait3A_179 = tpu.memref_slice %arg5[%dma_wait3A_177, %dma_wait3A_178] : memref<100000x128xf32, #tpu.memory_space<hbm>> -> memref<128x128xf32, #tpu.memory_space<hbm>>
      tpu.wait_dma2 semaphore(%arg18 : memref<!tpu.dma_semaphore, #tpu.memory_space<semaphore_mem>>) src(%dma_wait3A_179 : memref<128x128xf32, #tpu.memory_space<hbm>>) dst(%dma_wait3A_176 : memref<128x128xf32, #tpu.memory_space<vmem>>)
      %dma_wait3A_180 = arith.constant 256 : i32
      %dma_wait3A_181 = arith.constant 0 : i32
      %dma_wait3A_182 = tpu.memref_slice %arg12[%dma_wait3A_180, %dma_wait3A_181] : memref<448x128xf32, #tpu.memory_space<vmem>> -> memref<128x128xf32, #tpu.memory_space<vmem>>
      %dma_wait3A_183 = arith.constant 0 : i32
      %dma_wait3A_184 = arith.constant 0 : i32
      %dma_wait3A_185 = tpu.memref_slice %arg5[%dma_wait3A_183, %dma_wait3A_184] : memref<100000x128xf32, #tpu.memory_space<hbm>> -> memref<128x128xf32, #tpu.memory_space<hbm>>
      %dma_wait3A_186 = arith.constant 256 : i32
      %dma_wait3A_187 = arith.constant 0 : i32
      %dma_wait3A_188 = tpu.memref_slice %arg12[%dma_wait3A_186, %dma_wait3A_187] : memref<448x128xf32, #tpu.memory_space<vmem>> -> memref<128x128xf32, #tpu.memory_space<vmem>>
      %dma_wait3A_189 = arith.constant 0 : i32
      %dma_wait3A_190 = arith.constant 0 : i32
      %dma_wait3A_191 = tpu.memref_slice %arg5[%dma_wait3A_189, %dma_wait3A_190] : memref<100000x128xf32, #tpu.memory_space<hbm>> -> memref<128x128xf32, #tpu.memory_space<hbm>>
      tpu.wait_dma2 semaphore(%arg18 : memref<!tpu.dma_semaphore, #tpu.memory_space<semaphore_mem>>) src(%dma_wait3A_191 : memref<128x128xf32, #tpu.memory_space<hbm>>) dst(%dma_wait3A_188 : memref<128x128xf32, #tpu.memory_space<vmem>>)
      %dma_wait3A_192 = arith.constant 384 : i32
      %dma_wait3A_193 = arith.constant 0 : i32
      %dma_wait3A_194 = tpu.memref_slice %arg12[%dma_wait3A_192, %dma_wait3A_193] : memref<448x128xf32, #tpu.memory_space<vmem>> -> memref<64x128xf32, #tpu.memory_space<vmem>>
      %dma_wait3A_195 = arith.constant 0 : i32
      %dma_wait3A_196 = arith.constant 0 : i32
      %dma_wait3A_197 = tpu.memref_slice %arg5[%dma_wait3A_195, %dma_wait3A_196] : memref<100000x128xf32, #tpu.memory_space<hbm>> -> memref<64x128xf32, #tpu.memory_space<hbm>>
      %dma_wait3A_198 = arith.constant 384 : i32
      %dma_wait3A_199 = arith.constant 0 : i32
      %dma_wait3A_200 = tpu.memref_slice %arg12[%dma_wait3A_198, %dma_wait3A_199] : memref<448x128xf32, #tpu.memory_space<vmem>> -> memref<64x128xf32, #tpu.memory_space<vmem>>
      %dma_wait3A_201 = arith.constant 0 : i32
      %dma_wait3A_202 = arith.constant 0 : i32
      %dma_wait3A_203 = tpu.memref_slice %arg5[%dma_wait3A_201, %dma_wait3A_202] : memref<100000x128xf32, #tpu.memory_space<hbm>> -> memref<64x128xf32, #tpu.memory_space<hbm>>
      tpu.wait_dma2 semaphore(%arg18 : memref<!tpu.dma_semaphore, #tpu.memory_space<semaphore_mem>>) src(%dma_wait3A_203 : memref<64x128xf32, #tpu.memory_space<hbm>>) dst(%dma_wait3A_200 : memref<64x128xf32, #tpu.memory_space<vmem>>)
      %dma_wait3A_204 = arith.constant 0 : i32
      %dma_wait3A_205 = tpu.memref_slice %arg4[%dma_wait3A_204] : memref<800896xf32, #tpu.memory_space<hbm>> -> memref<464xf32, #tpu.memory_space<hbm>>
      %dma_wait3A_206 = arith.constant 0 : i32
      %dma_wait3A_207 = tpu.memref_slice %arg4[%dma_wait3A_206] : memref<800896xf32, #tpu.memory_space<hbm>> -> memref<464xf32, #tpu.memory_space<hbm>>
      tpu.wait_dma2 semaphore(%arg20 : memref<!tpu.dma_semaphore, #tpu.memory_space<semaphore_mem>>) src(%dma_wait3A_207 : memref<464xf32, #tpu.memory_space<hbm>>) dst(%arg10 : memref<464xf32, #tpu.memory_space<vmem>>)
      %add3A_208 = arith.constant 2 : i32
      %add3A_209 = arith.addi %mul3A_127, %add3A_208 : i32
      %lt3A_210 = arith.cmpi slt, %add3A_209, %select_n3A : i32
      %convert_element_type3A_211 = arith.extui %lt3A_210 : i1 to i32
      %cond3A_212 = arith.constant 0 : i32
      %cond3A_213 = arith.cmpi ne, %convert_element_type3A_211, %cond3A_212 : i32
      scf.if %cond3A_213 {
        %add3A_298 = arith.constant 2 : i32
        %add3A_299 = arith.addi %mul3A_127, %add3A_298 : i32
        %mul3A_300 = arith.constant 432 : i32
        %mul3A_301 = arith.muli %add3A_299, %mul3A_300 : i32
        %add3A_302 = arith.addi %and3A_14, %mul3A_301 : i32
        %multiple_of3A_303 = tpu.assume_multiple %add3A_302, 8 : i32
        %dma_start3A_304 = tpu.memref_slice %arg2[%multiple_of3A_303] : memref<800896xi32, #tpu.memory_space<hbm>> -> memref<448xi32, #tpu.memory_space<hbm>>
        %dma_start3A_305 = tpu.memref_slice %arg2[%multiple_of3A_303] : memref<800896xi32, #tpu.memory_space<hbm>> -> memref<448xi32, #tpu.memory_space<hbm>>
        tpu.enqueue_dma source(%dma_start3A_305 : memref<448xi32, #tpu.memory_space<hbm>>) target(%arg8 : memref<448xi32, #tpu.memory_space<vmem>>) target_semaphore(%arg16 : memref<!tpu.dma_semaphore, #tpu.memory_space<semaphore_mem>>)
      } else {
      }
      %mul3A_214 = arith.constant 432 : i32
      %mul3A_215 = arith.muli %mul3A_127, %mul3A_214 : i32
      %add3A_216 = arith.addi %squeeze3A, %mul3A_215 : i32
      %sub3A_217 = arith.subi %squeeze3A_13, %add3A_216 : i32
      %jit3A_218 = arith.constant 0 : i32
      %jit3A_219 = arith.constant 432 : i32
      %max3A_220 = arith.maxsi %jit3A_218, %sub3A_217 : i32
      %min3A_221 = arith.minsi %jit3A_219, %max3A_220 : i32
      %add3A_222 = arith.addi %add3A_216, %min3A_221 : i32
      %sub3A_223 = arith.subi %scan3A_141#0, %while3A_117 : i32
      %add3A_224 = arith.constant 1 : i32
      %add3A_225 = arith.addi %sub3A_223, %add3A_224 : i32
      %while3A_226 = arith.constant 0 : i32
      %while3A_227 = arith.constant 0 : i32
      %while3A_228 = arith.subi %add3A_225, %while3A_226 : i32
      %while3A_229 = arith.addi %while3A_226, %while3A_228 : i32
      %while3A_230 = arith.constant 1 : i32
      %while3A_231 = arith.divsi %while3A_228, %while3A_230 : i32
      %while3A_232 = arith.muli %while3A_231, %while3A_230 : i32
      %while3A_233 = arith.addi %while3A_226, %while3A_232 : i32
      %while3A_234 = arith.constant 1 : i32
      %while3A_235:9 = scf.for %while3A_298 = %while3A_226 to %while3A_233 step %while3A_234 iter_args(%while3A_299 = %while3A_118, %while3A_300 = %while3A_119, %while3A_301 = %while3A_120, %while3A_302 = %while3A_121, %while3A_303 = %while3A_122, %while3A_304 = %while3A_123, %while3A_305 = %while3A_124, %while3A_306 = %while3A_125, %while3A_307 = %while3A_227) -> (vector<16xf32>, vector<16xf32>, vector<16xf32>, vector<16xf32>, vector<16xf32>, vector<16xf32>, vector<16xf32>, vector<16xf32>, i32)  : i32 {
        %add3A_308 = arith.addi %while3A_117, %while3A_298 : i32
        %add3A_309 = arith.constant 1 : i32
        %add3A_310 = arith.addi %add3A_308, %add3A_309 : i32
        %get3A_311 = arith.index_cast %add3A_310 : i32 to index
        %get3A_312 = tpu.vector_load %arg7[%get3A_311] {strides = array<i32>} : memref<1600xi32, #tpu.memory_space<vmem>>, vector<16xi32>,
        %get3A_313 = vector.shape_cast %get3A_312 : vector<16xi32> to vector<16xi32>
        %slice3A_314 = vector.extract_strided_slice %get3A_313 {offsets = [0], sizes = [1], strides = [1]} : vector<16xi32> to vector<1xi32>
        %squeeze3A_315 = vector.extract %slice3A_314[0] : i32 from vector<1xi32>
        %eq3A = arith.constant 0 : i32
        %eq3A_316 = arith.cmpi eq, %while3A_298, %eq3A : i32
        %sub3A_317 = arith.subi %while3A_307, %add3A_216 : i32
        %jit3A_318 = arith.constant 0 : i32
        %select_n3A_319 = arith.select %eq3A_316, %jit3A_318, %sub3A_317 : i32
        %min3A_320 = arith.minsi %squeeze3A_315, %add3A_222 : i32
        %sub3A_321 = arith.subi %min3A_320, %add3A_216 : i32
        %parallel_loop3A = arith.constant 1 : i32
        %parallel_loop3A_322:8 = scf.for %parallel_loop3A_337 = %select_n3A_319 to %sub3A_321 step %parallel_loop3A iter_args(%parallel_loop3A_338 = %while3A_299, %parallel_loop3A_339 = %while3A_300, %parallel_loop3A_340 = %while3A_301, %parallel_loop3A_341 = %while3A_302, %parallel_loop3A_342 = %while3A_303, %parallel_loop3A_343 = %while3A_304, %parallel_loop3A_344 = %while3A_305, %parallel_loop3A_345 = %while3A_306) -> (vector<16xf32>, vector<16xf32>, vector<16xf32>, vector<16xf32>, vector<16xf32>, vector<16xf32>, vector<16xf32>, vector<16xf32>)  : i32 {
          %parallel_loop3A_346 = arith.addi %sub3A_15, %parallel_loop3A_337 : i32
          %parallel_loop3A_347 = arith.index_cast %parallel_loop3A_346 : i32 to index
          %parallel_loop3A_348 = tpu.vector_load %arg10[%parallel_loop3A_347] {strides = array<i32>} : memref<464xf32, #tpu.memory_space<vmem>>, vector<16xf32>,
          %parallel_loop3A_349 = vector.shape_cast %parallel_loop3A_348 : vector<16xf32> to vector<16xf32>
          %parallel_loop3A_350 = vector.extract_strided_slice %parallel_loop3A_349 {offsets = [0], sizes = [1], strides = [1]} : vector<16xf32> to vector<1xf32>
          %parallel_loop3A_351 = vector.extract %parallel_loop3A_350[0] : f32 from vector<1xf32>
          %parallel_loop3A_352 = vector.broadcast %parallel_loop3A_351 : f32 to vector<16xf32>
          %parallel_loop3A_353 = arith.index_cast %parallel_loop3A_346 : i32 to index
          %parallel_loop3A_354 = arith.constant 0 : index
          %parallel_loop3A_355 = tpu.vector_load %arg12[%parallel_loop3A_353, %parallel_loop3A_354] {strides = array<i32>} : memref<448x128xf32, #tpu.memory_space<vmem>>, vector<1x16xf32>,
          %parallel_loop3A_356 = vector.shape_cast %parallel_loop3A_355 : vector<1x16xf32> to vector<16xf32>
          %parallel_loop3A_357 = arith.mulf %parallel_loop3A_352, %parallel_loop3A_356 : vector<16xf32>
          %parallel_loop3A_358 = arith.addf %parallel_loop3A_338, %parallel_loop3A_357 : vector<16xf32>
          %parallel_loop3A_359 = arith.index_cast %parallel_loop3A_346 : i32 to index
          %parallel_loop3A_360 = arith.constant 16 : index
          %parallel_loop3A_361 = tpu.vector_load %arg12[%parallel_loop3A_359, %parallel_loop3A_360] {strides = array<i32>} : memref<448x128xf32, #tpu.memory_space<vmem>>, vector<1x16xf32>,
          %parallel_loop3A_362 = vector.shape_cast %parallel_loop3A_361 : vector<1x16xf32> to vector<16xf32>
          %parallel_loop3A_363 = arith.mulf %parallel_loop3A_352, %parallel_loop3A_362 : vector<16xf32>
          %parallel_loop3A_364 = arith.addf %parallel_loop3A_339, %parallel_loop3A_363 : vector<16xf32>
          %parallel_loop3A_365 = arith.index_cast %parallel_loop3A_346 : i32 to index
          %parallel_loop3A_366 = arith.constant 32 : index
          %parallel_loop3A_367 = tpu.vector_load %arg12[%parallel_loop3A_365, %parallel_loop3A_366] {strides = array<i32>} : memref<448x128xf32, #tpu.memory_space<vmem>>, vector<1x16xf32>,
          %parallel_loop3A_368 = vector.shape_cast %parallel_loop3A_367 : vector<1x16xf32> to vector<16xf32>
          %parallel_loop3A_369 = arith.mulf %parallel_loop3A_352, %parallel_loop3A_368 : vector<16xf32>
          %parallel_loop3A_370 = arith.addf %parallel_loop3A_340, %parallel_loop3A_369 : vector<16xf32>
          %parallel_loop3A_371 = arith.index_cast %parallel_loop3A_346 : i32 to index
          %parallel_loop3A_372 = arith.constant 48 : index
          %parallel_loop3A_373 = tpu.vector_load %arg12[%parallel_loop3A_371, %parallel_loop3A_372] {strides = array<i32>} : memref<448x128xf32, #tpu.memory_space<vmem>>, vector<1x16xf32>,
          %parallel_loop3A_374 = vector.shape_cast %parallel_loop3A_373 : vector<1x16xf32> to vector<16xf32>
          %parallel_loop3A_375 = arith.mulf %parallel_loop3A_352, %parallel_loop3A_374 : vector<16xf32>
          %parallel_loop3A_376 = arith.addf %parallel_loop3A_341, %parallel_loop3A_375 : vector<16xf32>
          %parallel_loop3A_377 = arith.index_cast %parallel_loop3A_346 : i32 to index
          %parallel_loop3A_378 = arith.constant 64 : index
          %parallel_loop3A_379 = tpu.vector_load %arg12[%parallel_loop3A_377, %parallel_loop3A_378] {strides = array<i32>} : memref<448x128xf32, #tpu.memory_space<vmem>>, vector<1x16xf32>,
          %parallel_loop3A_380 = vector.shape_cast %parallel_loop3A_379 : vector<1x16xf32> to vector<16xf32>
          %parallel_loop3A_381 = arith.mulf %parallel_loop3A_352, %parallel_loop3A_380 : vector<16xf32>
          %parallel_loop3A_382 = arith.addf %parallel_loop3A_342, %parallel_loop3A_381 : vector<16xf32>
          %parallel_loop3A_383 = arith.index_cast %parallel_loop3A_346 : i32 to index
          %parallel_loop3A_384 = arith.constant 80 : index
          %parallel_loop3A_385 = tpu.vector_load %arg12[%parallel_loop3A_383, %parallel_loop3A_384] {strides = array<i32>} : memref<448x128xf32, #tpu.memory_space<vmem>>, vector<1x16xf32>,
          %parallel_loop3A_386 = vector.shape_cast %parallel_loop3A_385 : vector<1x16xf32> to vector<16xf32>
          %parallel_loop3A_387 = arith.mulf %parallel_loop3A_352, %parallel_loop3A_386 : vector<16xf32>
          %parallel_loop3A_388 = arith.addf %parallel_loop3A_343, %parallel_loop3A_387 : vector<16xf32>
          %parallel_loop3A_389 = arith.index_cast %parallel_loop3A_346 : i32 to index
          %parallel_loop3A_390 = arith.constant 96 : index
          %parallel_loop3A_391 = tpu.vector_load %arg12[%parallel_loop3A_389, %parallel_loop3A_390] {strides = array<i32>} : memref<448x128xf32, #tpu.memory_space<vmem>>, vector<1x16xf32>,
          %parallel_loop3A_392 = vector.shape_cast %parallel_loop3A_391 : vector<1x16xf32> to vector<16xf32>
          %parallel_loop3A_393 = arith.mulf %parallel_loop3A_352, %parallel_loop3A_392 : vector<16xf32>
          %parallel_loop3A_394 = arith.addf %parallel_loop3A_344, %parallel_loop3A_393 : vector<16xf32>
          %parallel_loop3A_395 = arith.index_cast %parallel_loop3A_346 : i32 to index
          %parallel_loop3A_396 = arith.constant 112 : index
          %parallel_loop3A_397 = tpu.vector_load %arg12[%parallel_loop3A_395, %parallel_loop3A_396] {strides = array<i32>} : memref<448x128xf32, #tpu.memory_space<vmem>>, vector<1x16xf32>,
          %parallel_loop3A_398 = vector.shape_cast %parallel_loop3A_397 : vector<1x16xf32> to vector<16xf32>
          %parallel_loop3A_399 = arith.mulf %parallel_loop3A_352, %parallel_loop3A_398 : vector<16xf32>
          %parallel_loop3A_400 = arith.addf %parallel_loop3A_345, %parallel_loop3A_399 : vector<16xf32>
          scf.yield %parallel_loop3A_358, %parallel_loop3A_364, %parallel_loop3A_370, %parallel_loop3A_376, %parallel_loop3A_382, %parallel_loop3A_388, %parallel_loop3A_394, %parallel_loop3A_400 : vector<16xf32>, vector<16xf32>, vector<16xf32>, vector<16xf32>, vector<16xf32>, vector<16xf32>, vector<16xf32>, vector<16xf32>
        } {sc.loop_unroll_factor = 4 : i64, sc.parallel_access}
        %le3A_323 = arith.cmpi sle, %squeeze3A_315, %add3A_222 : i32
        %lt3A_324 = arith.cmpi slt, %add3A_308, %min3A_4 : i32
        %and3A_325 = arith.andi %le3A_323, %lt3A_324 : i1
        %convert_element_type3A_326 = arith.extui %and3A_325 : i1 to i32
        %cond3A_327 = arith.constant 0 : i32
        %cond3A_328 = arith.cmpi ne, %convert_element_type3A_326, %cond3A_327 : i32
        scf.if %cond3A_328 {
          %shift_right_logical3A = arith.constant 4 : i32
          %shift_right_logical3A_337 = arith.shrui %add3A_308, %shift_right_logical3A : i32
          %and3A_338 = arith.constant 1 : i32
          %and3A_339 = arith.andi %shift_right_logical3A_337, %and3A_338 : i32
          %and3A_340 = arith.constant 15 : i32
          %and3A_341 = arith.andi %add3A_308, %and3A_340 : i32
          %swap3A = arith.index_cast %and3A_339 : i32 to index
          %swap3A_342 = arith.index_cast %and3A_341 : i32 to index
          %swap3A_343 = arith.constant 0 : index
          %swap3A_344 = tpu.vector_load %arg14[%swap3A, %swap3A_342, %swap3A_343] {strides = array<i32>} : memref<2x16x128xf32, #tpu.memory_space<vmem>>, vector<1x1x16xf32>,
          %swap3A_345 = vector.shape_cast %swap3A_344 : vector<1x1x16xf32> to vector<16xf32>
          %swap3A_346 = vector.shape_cast %parallel_loop3A_322#0 : vector<16xf32> to vector<1x1x16xf32>
          tpu.vector_store %arg14[%swap3A, %swap3A_342, %swap3A_343], %swap3A_346 {strides = array<i32>} : memref<2x16x128xf32, #tpu.memory_space<vmem>>, vector<1x1x16xf32>,
          %swap3A_347 = arith.index_cast %and3A_339 : i32 to index
          %swap3A_348 = arith.index_cast %and3A_341 : i32 to index
          %swap3A_349 = arith.constant 16 : index
          %swap3A_350 = tpu.vector_load %arg14[%swap3A_347, %swap3A_348, %swap3A_349] {strides = array<i32>} : memref<2x16x128xf32, #tpu.memory_space<vmem>>, vector<1x1x16xf32>,
          %swap3A_351 = vector.shape_cast %swap3A_350 : vector<1x1x16xf32> to vector<16xf32>
          %swap3A_352 = vector.shape_cast %parallel_loop3A_322#1 : vector<16xf32> to vector<1x1x16xf32>
          tpu.vector_store %arg14[%swap3A_347, %swap3A_348, %swap3A_349], %swap3A_352 {strides = array<i32>} : memref<2x16x128xf32, #tpu.memory_space<vmem>>, vector<1x1x16xf32>,
          %swap3A_353 = arith.index_cast %and3A_339 : i32 to index
          %swap3A_354 = arith.index_cast %and3A_341 : i32 to index
          %swap3A_355 = arith.constant 32 : index
          %swap3A_356 = tpu.vector_load %arg14[%swap3A_353, %swap3A_354, %swap3A_355] {strides = array<i32>} : memref<2x16x128xf32, #tpu.memory_space<vmem>>, vector<1x1x16xf32>,
          %swap3A_357 = vector.shape_cast %swap3A_356 : vector<1x1x16xf32> to vector<16xf32>
          %swap3A_358 = vector.shape_cast %parallel_loop3A_322#2 : vector<16xf32> to vector<1x1x16xf32>
          tpu.vector_store %arg14[%swap3A_353, %swap3A_354, %swap3A_355], %swap3A_358 {strides = array<i32>} : memref<2x16x128xf32, #tpu.memory_space<vmem>>, vector<1x1x16xf32>,
          %swap3A_359 = arith.index_cast %and3A_339 : i32 to index
          %swap3A_360 = arith.index_cast %and3A_341 : i32 to index
          %swap3A_361 = arith.constant 48 : index
          %swap3A_362 = tpu.vector_load %arg14[%swap3A_359, %swap3A_360, %swap3A_361] {strides = array<i32>} : memref<2x16x128xf32, #tpu.memory_space<vmem>>, vector<1x1x16xf32>,
          %swap3A_363 = vector.shape_cast %swap3A_362 : vector<1x1x16xf32> to vector<16xf32>
          %swap3A_364 = vector.shape_cast %parallel_loop3A_322#3 : vector<16xf32> to vector<1x1x16xf32>
          tpu.vector_store %arg14[%swap3A_359, %swap3A_360, %swap3A_361], %swap3A_364 {strides = array<i32>} : memref<2x16x128xf32, #tpu.memory_space<vmem>>, vector<1x1x16xf32>,
          %swap3A_365 = arith.index_cast %and3A_339 : i32 to index
          %swap3A_366 = arith.index_cast %and3A_341 : i32 to index
          %swap3A_367 = arith.constant 64 : index
          %swap3A_368 = tpu.vector_load %arg14[%swap3A_365, %swap3A_366, %swap3A_367] {strides = array<i32>} : memref<2x16x128xf32, #tpu.memory_space<vmem>>, vector<1x1x16xf32>,
          %swap3A_369 = vector.shape_cast %swap3A_368 : vector<1x1x16xf32> to vector<16xf32>
          %swap3A_370 = vector.shape_cast %parallel_loop3A_322#4 : vector<16xf32> to vector<1x1x16xf32>
          tpu.vector_store %arg14[%swap3A_365, %swap3A_366, %swap3A_367], %swap3A_370 {strides = array<i32>} : memref<2x16x128xf32, #tpu.memory_space<vmem>>, vector<1x1x16xf32>,
          %swap3A_371 = arith.index_cast %and3A_339 : i32 to index
          %swap3A_372 = arith.index_cast %and3A_341 : i32 to index
          %swap3A_373 = arith.constant 80 : index
          %swap3A_374 = tpu.vector_load %arg14[%swap3A_371, %swap3A_372, %swap3A_373] {strides = array<i32>} : memref<2x16x128xf32, #tpu.memory_space<vmem>>, vector<1x1x16xf32>,
          %swap3A_375 = vector.shape_cast %swap3A_374 : vector<1x1x16xf32> to vector<16xf32>
          %swap3A_376 = vector.shape_cast %parallel_loop3A_322#5 : vector<16xf32> to vector<1x1x16xf32>
          tpu.vector_store %arg14[%swap3A_371, %swap3A_372, %swap3A_373], %swap3A_376 {strides = array<i32>} : memref<2x16x128xf32, #tpu.memory_space<vmem>>, vector<1x1x16xf32>,
          %swap3A_377 = arith.index_cast %and3A_339 : i32 to index
          %swap3A_378 = arith.index_cast %and3A_341 : i32 to index
          %swap3A_379 = arith.constant 96 : index
          %swap3A_380 = tpu.vector_load %arg14[%swap3A_377, %swap3A_378, %swap3A_379] {strides = array<i32>} : memref<2x16x128xf32, #tpu.memory_space<vmem>>, vector<1x1x16xf32>,
          %swap3A_381 = vector.shape_cast %swap3A_380 : vector<1x1x16xf32> to vector<16xf32>
          %swap3A_382 = vector.shape_cast %parallel_loop3A_322#6 : vector<16xf32> to vector<1x1x16xf32>
          tpu.vector_store %arg14[%swap3A_377, %swap3A_378, %swap3A_379], %swap3A_382 {strides = array<i32>} : memref<2x16x128xf32, #tpu.memory_space<vmem>>, vector<1x1x16xf32>,
          %swap3A_383 = arith.index_cast %and3A_339 : i32 to index
          %swap3A_384 = arith.index_cast %and3A_341 : i32 to index
          %swap3A_385 = arith.constant 112 : index
          %swap3A_386 = tpu.vector_load %arg14[%swap3A_383, %swap3A_384, %swap3A_385] {strides = array<i32>} : memref<2x16x128xf32, #tpu.memory_space<vmem>>, vector<1x1x16xf32>,
          %swap3A_387 = vector.shape_cast %swap3A_386 : vector<1x1x16xf32> to vector<16xf32>
          %swap3A_388 = vector.shape_cast %parallel_loop3A_322#7 : vector<16xf32> to vector<1x1x16xf32>
          tpu.vector_store %arg14[%swap3A_383, %swap3A_384, %swap3A_385], %swap3A_388 {strides = array<i32>} : memref<2x16x128xf32, #tpu.memory_space<vmem>>, vector<1x1x16xf32>,
          %and3A_389 = arith.constant 15 : i32
          %and3A_390 = arith.andi %add3A_308, %and3A_389 : i32
          %eq3A_391 = arith.constant 15 : i32
          %eq3A_392 = arith.cmpi eq, %and3A_390, %eq3A_391 : i32
          %convert_element_type3A_393 = arith.extui %eq3A_392 : i1 to i32
          %cond3A_394 = arith.constant 0 : i32
          %cond3A_395 = arith.cmpi ne, %convert_element_type3A_393, %cond3A_394 : i32
          scf.if %cond3A_395 {
            %shift_right_logical3A_396 = arith.constant 4 : i32
            %shift_right_logical3A_397 = arith.shrui %add3A_308, %shift_right_logical3A_396 : i32
            %and3A_398 = arith.constant 1 : i32
            %and3A_399 = arith.andi %shift_right_logical3A_397, %and3A_398 : i32
            %ge3A = arith.constant 1 : i32
            %ge3A_400 = arith.cmpi sge, %shift_right_logical3A_397, %ge3A : i32
            %convert_element_type3A_401 = arith.extui %ge3A_400 : i1 to i32
            %cond3A_402 = arith.constant 0 : i32
            %cond3A_403 = arith.cmpi ne, %convert_element_type3A_401, %cond3A_402 : i32
            scf.if %cond3A_403 {
              %dma_wait3A_420 = arith.constant 0 : i32
              %dma_wait3A_421 = arith.constant 0 : i32
              %dma_wait3A_422 = arith.constant 0 : i32
              %dma_wait3A_423 = tpu.memref_slice %arg14[%dma_wait3A_420, %dma_wait3A_421, %dma_wait3A_422] : memref<2x16x128xf32, #tpu.memory_space<vmem>> -> memref<1x16x128xf32, #tpu.memory_space<vmem>>
              %dma_wait3A_424 = tpu.memref_squeeze %dma_wait3A_423 : memref<1x16x128xf32, #tpu.memory_space<vmem>> -> memref<16x128xf32, #tpu.memory_space<vmem>>
              %dma_wait3A_425 = arith.constant 0 : i32
              %dma_wait3A_426 = arith.constant 0 : i32
              %dma_wait3A_427 = tpu.memref_slice %arg6[%dma_wait3A_425, %dma_wait3A_426] : memref<50000x128xf32, #tpu.memory_space<hbm>> -> memref<16x128xf32, #tpu.memory_space<hbm>>
              %dma_wait3A_428 = arith.constant 0 : i32
              %dma_wait3A_429 = arith.constant 0 : i32
              %dma_wait3A_430 = tpu.memref_slice %arg6[%dma_wait3A_428, %dma_wait3A_429] : memref<50000x128xf32, #tpu.memory_space<hbm>> -> memref<16x128xf32, #tpu.memory_space<hbm>>
              %dma_wait3A_431 = arith.constant 0 : i32
              %dma_wait3A_432 = arith.constant 0 : i32
              %dma_wait3A_433 = tpu.memref_slice %arg14[%dma_wait3A_420, %dma_wait3A_431, %dma_wait3A_432] : memref<2x16x128xf32, #tpu.memory_space<vmem>> -> memref<1x16x128xf32, #tpu.memory_space<vmem>>
              %dma_wait3A_434 = tpu.memref_squeeze %dma_wait3A_433 : memref<1x16x128xf32, #tpu.memory_space<vmem>> -> memref<16x128xf32, #tpu.memory_space<vmem>>
              tpu.wait_dma2 semaphore(%arg22 : memref<!tpu.dma_semaphore, #tpu.memory_space<semaphore_mem>>) src(%dma_wait3A_434 : memref<16x128xf32, #tpu.memory_space<vmem>>) dst(%dma_wait3A_430 : memref<16x128xf32, #tpu.memory_space<hbm>>)
            } else {
            }
            %add3A_404 = arith.addi %multiple_of3A, %add3A_308 : i32
            %sub3A_405 = arith.constant 15 : i32
            %sub3A_406 = arith.subi %add3A_404, %sub3A_405 : i32
            %multiple_of3A_407 = tpu.assume_multiple %sub3A_406, 16 : i32
            %dma_start3A_408 = arith.constant 0 : i32
            %dma_start3A_409 = arith.constant 0 : i32
            %dma_start3A_410 = tpu.memref_slice %arg14[%and3A_399, %dma_start3A_408, %dma_start3A_409] : memref<2x16x128xf32, #tpu.memory_space<vmem>> -> memref<1x16x128xf32, #tpu.memory_space<vmem>>
            %dma_start3A_411 = tpu.memref_squeeze %dma_start3A_410 : memref<1x16x128xf32, #tpu.memory_space<vmem>> -> memref<16x128xf32, #tpu.memory_space<vmem>>
            %dma_start3A_412 = arith.constant 0 : i32
            %dma_start3A_413 = tpu.memref_slice %arg6[%multiple_of3A_407, %dma_start3A_412] : memref<50000x128xf32, #tpu.memory_space<hbm>> -> memref<16x128xf32, #tpu.memory_space<hbm>>
            %dma_start3A_414 = arith.constant 0 : i32
            %dma_start3A_415 = tpu.memref_slice %arg6[%multiple_of3A_407, %dma_start3A_414] : memref<50000x128xf32, #tpu.memory_space<hbm>> -> memref<16x128xf32, #tpu.memory_space<hbm>>
            %dma_start3A_416 = arith.constant 0 : i32
            %dma_start3A_417 = arith.constant 0 : i32
            %dma_start3A_418 = tpu.memref_slice %arg14[%and3A_399, %dma_start3A_416, %dma_start3A_417] : memref<2x16x128xf32, #tpu.memory_space<vmem>> -> memref<1x16x128xf32, #tpu.memory_space<vmem>>
            %dma_start3A_419 = tpu.memref_squeeze %dma_start3A_418 : memref<1x16x128xf32, #tpu.memory_space<vmem>> -> memref<16x128xf32, #tpu.memory_space<vmem>>
            tpu.enqueue_dma source(%dma_start3A_419 : memref<16x128xf32, #tpu.memory_space<vmem>>) target(%dma_start3A_415 : memref<16x128xf32, #tpu.memory_space<hbm>>) target_semaphore(%arg22 : memref<!tpu.dma_semaphore, #tpu.memory_space<semaphore_mem>>)
          } else {
          }
        } else {
        }
        %select_n3A_329 = arith.select %and3A_325, %broadcast_in_dim3A_37, %parallel_loop3A_322#0 : vector<16xf32>
        %select_n3A_330 = arith.select %and3A_325, %broadcast_in_dim3A_39, %parallel_loop3A_322#1 : vector<16xf32>
        %select_n3A_331 = arith.select %and3A_325, %broadcast_in_dim3A_41, %parallel_loop3A_322#2 : vector<16xf32>
        %select_n3A_332 = arith.select %and3A_325, %broadcast_in_dim3A_43, %parallel_loop3A_322#3 : vector<16xf32>
        %select_n3A_333 = arith.select %and3A_325, %broadcast_in_dim3A_45, %parallel_loop3A_322#4 : vector<16xf32>
        %select_n3A_334 = arith.select %and3A_325, %broadcast_in_dim3A_47, %parallel_loop3A_322#5 : vector<16xf32>
        %select_n3A_335 = arith.select %and3A_325, %broadcast_in_dim3A_49, %parallel_loop3A_322#6 : vector<16xf32>
        %select_n3A_336 = arith.select %and3A_325, %broadcast_in_dim3A_51, %parallel_loop3A_322#7 : vector<16xf32>
        scf.yield %select_n3A_329, %select_n3A_330, %select_n3A_331, %select_n3A_332, %select_n3A_333, %select_n3A_334, %select_n3A_335, %select_n3A_336, %squeeze3A_315 : vector<16xf32>, vector<16xf32>, vector<16xf32>, vector<16xf32>, vector<16xf32>, vector<16xf32>, vector<16xf32>, vector<16xf32>, i32
      }
      %while3A_236 = arith.constant 1 : i32
      %while3A_237:9 = scf.for %while3A_298 = %while3A_233 to %while3A_229 step %while3A_236 iter_args(%while3A_299 = %while3A_235#0, %while3A_300 = %while3A_235#1, %while3A_301 = %while3A_235#2, %while3A_302 = %while3A_235#3, %while3A_303 = %while3A_235#4, %while3A_304 = %while3A_235#5, %while3A_305 = %while3A_235#6, %while3A_306 = %while3A_235#7, %while3A_307 = %while3A_235#8) -> (vector<16xf32>, vector<16xf32>, vector<16xf32>, vector<16xf32>, vector<16xf32>, vector<16xf32>, vector<16xf32>, vector<16xf32>, i32)  : i32 {
        %add3A_308 = arith.addi %while3A_117, %while3A_298 : i32
        %add3A_309 = arith.constant 1 : i32
        %add3A_310 = arith.addi %add3A_308, %add3A_309 : i32
        %get3A_311 = arith.index_cast %add3A_310 : i32 to index
        %get3A_312 = tpu.vector_load %arg7[%get3A_311] {strides = array<i32>} : memref<1600xi32, #tpu.memory_space<vmem>>, vector<16xi32>,
        %get3A_313 = vector.shape_cast %get3A_312 : vector<16xi32> to vector<16xi32>
        %slice3A_314 = vector.extract_strided_slice %get3A_313 {offsets = [0], sizes = [1], strides = [1]} : vector<16xi32> to vector<1xi32>
        %squeeze3A_315 = vector.extract %slice3A_314[0] : i32 from vector<1xi32>
        %eq3A = arith.constant 0 : i32
        %eq3A_316 = arith.cmpi eq, %while3A_298, %eq3A : i32
        %sub3A_317 = arith.subi %while3A_307, %add3A_216 : i32
        %jit3A_318 = arith.constant 0 : i32
        %select_n3A_319 = arith.select %eq3A_316, %jit3A_318, %sub3A_317 : i32
        %min3A_320 = arith.minsi %squeeze3A_315, %add3A_222 : i32
        %sub3A_321 = arith.subi %min3A_320, %add3A_216 : i32
        %parallel_loop3A = arith.constant 1 : i32
        %parallel_loop3A_322:8 = scf.for %parallel_loop3A_337 = %select_n3A_319 to %sub3A_321 step %parallel_loop3A iter_args(%parallel_loop3A_338 = %while3A_299, %parallel_loop3A_339 = %while3A_300, %parallel_loop3A_340 = %while3A_301, %parallel_loop3A_341 = %while3A_302, %parallel_loop3A_342 = %while3A_303, %parallel_loop3A_343 = %while3A_304, %parallel_loop3A_344 = %while3A_305, %parallel_loop3A_345 = %while3A_306) -> (vector<16xf32>, vector<16xf32>, vector<16xf32>, vector<16xf32>, vector<16xf32>, vector<16xf32>, vector<16xf32>, vector<16xf32>)  : i32 {
          %parallel_loop3A_346 = arith.addi %sub3A_15, %parallel_loop3A_337 : i32
          %parallel_loop3A_347 = arith.index_cast %parallel_loop3A_346 : i32 to index
          %parallel_loop3A_348 = tpu.vector_load %arg10[%parallel_loop3A_347] {strides = array<i32>} : memref<464xf32, #tpu.memory_space<vmem>>, vector<16xf32>,
          %parallel_loop3A_349 = vector.shape_cast %parallel_loop3A_348 : vector<16xf32> to vector<16xf32>
          %parallel_loop3A_350 = vector.extract_strided_slice %parallel_loop3A_349 {offsets = [0], sizes = [1], strides = [1]} : vector<16xf32> to vector<1xf32>
          %parallel_loop3A_351 = vector.extract %parallel_loop3A_350[0] : f32 from vector<1xf32>
          %parallel_loop3A_352 = vector.broadcast %parallel_loop3A_351 : f32 to vector<16xf32>
          %parallel_loop3A_353 = arith.index_cast %parallel_loop3A_346 : i32 to index
          %parallel_loop3A_354 = arith.constant 0 : index
          %parallel_loop3A_355 = tpu.vector_load %arg12[%parallel_loop3A_353, %parallel_loop3A_354] {strides = array<i32>} : memref<448x128xf32, #tpu.memory_space<vmem>>, vector<1x16xf32>,
          %parallel_loop3A_356 = vector.shape_cast %parallel_loop3A_355 : vector<1x16xf32> to vector<16xf32>
          %parallel_loop3A_357 = arith.mulf %parallel_loop3A_352, %parallel_loop3A_356 : vector<16xf32>
          %parallel_loop3A_358 = arith.addf %parallel_loop3A_338, %parallel_loop3A_357 : vector<16xf32>
          %parallel_loop3A_359 = arith.index_cast %parallel_loop3A_346 : i32 to index
          %parallel_loop3A_360 = arith.constant 16 : index
          %parallel_loop3A_361 = tpu.vector_load %arg12[%parallel_loop3A_359, %parallel_loop3A_360] {strides = array<i32>} : memref<448x128xf32, #tpu.memory_space<vmem>>, vector<1x16xf32>,
          %parallel_loop3A_362 = vector.shape_cast %parallel_loop3A_361 : vector<1x16xf32> to vector<16xf32>
          %parallel_loop3A_363 = arith.mulf %parallel_loop3A_352, %parallel_loop3A_362 : vector<16xf32>
          %parallel_loop3A_364 = arith.addf %parallel_loop3A_339, %parallel_loop3A_363 : vector<16xf32>
          %parallel_loop3A_365 = arith.index_cast %parallel_loop3A_346 : i32 to index
          %parallel_loop3A_366 = arith.constant 32 : index
          %parallel_loop3A_367 = tpu.vector_load %arg12[%parallel_loop3A_365, %parallel_loop3A_366] {strides = array<i32>} : memref<448x128xf32, #tpu.memory_space<vmem>>, vector<1x16xf32>,
          %parallel_loop3A_368 = vector.shape_cast %parallel_loop3A_367 : vector<1x16xf32> to vector<16xf32>
          %parallel_loop3A_369 = arith.mulf %parallel_loop3A_352, %parallel_loop3A_368 : vector<16xf32>
          %parallel_loop3A_370 = arith.addf %parallel_loop3A_340, %parallel_loop3A_369 : vector<16xf32>
          %parallel_loop3A_371 = arith.index_cast %parallel_loop3A_346 : i32 to index
          %parallel_loop3A_372 = arith.constant 48 : index
          %parallel_loop3A_373 = tpu.vector_load %arg12[%parallel_loop3A_371, %parallel_loop3A_372] {strides = array<i32>} : memref<448x128xf32, #tpu.memory_space<vmem>>, vector<1x16xf32>,
          %parallel_loop3A_374 = vector.shape_cast %parallel_loop3A_373 : vector<1x16xf32> to vector<16xf32>
          %parallel_loop3A_375 = arith.mulf %parallel_loop3A_352, %parallel_loop3A_374 : vector<16xf32>
          %parallel_loop3A_376 = arith.addf %parallel_loop3A_341, %parallel_loop3A_375 : vector<16xf32>
          %parallel_loop3A_377 = arith.index_cast %parallel_loop3A_346 : i32 to index
          %parallel_loop3A_378 = arith.constant 64 : index
          %parallel_loop3A_379 = tpu.vector_load %arg12[%parallel_loop3A_377, %parallel_loop3A_378] {strides = array<i32>} : memref<448x128xf32, #tpu.memory_space<vmem>>, vector<1x16xf32>,
          %parallel_loop3A_380 = vector.shape_cast %parallel_loop3A_379 : vector<1x16xf32> to vector<16xf32>
          %parallel_loop3A_381 = arith.mulf %parallel_loop3A_352, %parallel_loop3A_380 : vector<16xf32>
          %parallel_loop3A_382 = arith.addf %parallel_loop3A_342, %parallel_loop3A_381 : vector<16xf32>
          %parallel_loop3A_383 = arith.index_cast %parallel_loop3A_346 : i32 to index
          %parallel_loop3A_384 = arith.constant 80 : index
          %parallel_loop3A_385 = tpu.vector_load %arg12[%parallel_loop3A_383, %parallel_loop3A_384] {strides = array<i32>} : memref<448x128xf32, #tpu.memory_space<vmem>>, vector<1x16xf32>,
          %parallel_loop3A_386 = vector.shape_cast %parallel_loop3A_385 : vector<1x16xf32> to vector<16xf32>
          %parallel_loop3A_387 = arith.mulf %parallel_loop3A_352, %parallel_loop3A_386 : vector<16xf32>
          %parallel_loop3A_388 = arith.addf %parallel_loop3A_343, %parallel_loop3A_387 : vector<16xf32>
          %parallel_loop3A_389 = arith.index_cast %parallel_loop3A_346 : i32 to index
          %parallel_loop3A_390 = arith.constant 96 : index
          %parallel_loop3A_391 = tpu.vector_load %arg12[%parallel_loop3A_389, %parallel_loop3A_390] {strides = array<i32>} : memref<448x128xf32, #tpu.memory_space<vmem>>, vector<1x16xf32>,
          %parallel_loop3A_392 = vector.shape_cast %parallel_loop3A_391 : vector<1x16xf32> to vector<16xf32>
          %parallel_loop3A_393 = arith.mulf %parallel_loop3A_352, %parallel_loop3A_392 : vector<16xf32>
          %parallel_loop3A_394 = arith.addf %parallel_loop3A_344, %parallel_loop3A_393 : vector<16xf32>
          %parallel_loop3A_395 = arith.index_cast %parallel_loop3A_346 : i32 to index
          %parallel_loop3A_396 = arith.constant 112 : index
          %parallel_loop3A_397 = tpu.vector_load %arg12[%parallel_loop3A_395, %parallel_loop3A_396] {strides = array<i32>} : memref<448x128xf32, #tpu.memory_space<vmem>>, vector<1x16xf32>,
          %parallel_loop3A_398 = vector.shape_cast %parallel_loop3A_397 : vector<1x16xf32> to vector<16xf32>
          %parallel_loop3A_399 = arith.mulf %parallel_loop3A_352, %parallel_loop3A_398 : vector<16xf32>
          %parallel_loop3A_400 = arith.addf %parallel_loop3A_345, %parallel_loop3A_399 : vector<16xf32>
          scf.yield %parallel_loop3A_358, %parallel_loop3A_364, %parallel_loop3A_370, %parallel_loop3A_376, %parallel_loop3A_382, %parallel_loop3A_388, %parallel_loop3A_394, %parallel_loop3A_400 : vector<16xf32>, vector<16xf32>, vector<16xf32>, vector<16xf32>, vector<16xf32>, vector<16xf32>, vector<16xf32>, vector<16xf32>
        } {sc.loop_unroll_factor = 4 : i64, sc.parallel_access}
        %le3A_323 = arith.cmpi sle, %squeeze3A_315, %add3A_222 : i32
        %lt3A_324 = arith.cmpi slt, %add3A_308, %min3A_4 : i32
        %and3A_325 = arith.andi %le3A_323, %lt3A_324 : i1
        %convert_element_type3A_326 = arith.extui %and3A_325 : i1 to i32
        %cond3A_327 = arith.constant 0 : i32
        %cond3A_328 = arith.cmpi ne, %convert_element_type3A_326, %cond3A_327 : i32
        scf.if %cond3A_328 {
          %shift_right_logical3A = arith.constant 4 : i32
          %shift_right_logical3A_337 = arith.shrui %add3A_308, %shift_right_logical3A : i32
          %and3A_338 = arith.constant 1 : i32
          %and3A_339 = arith.andi %shift_right_logical3A_337, %and3A_338 : i32
          %and3A_340 = arith.constant 15 : i32
          %and3A_341 = arith.andi %add3A_308, %and3A_340 : i32
          %swap3A = arith.index_cast %and3A_339 : i32 to index
          %swap3A_342 = arith.index_cast %and3A_341 : i32 to index
          %swap3A_343 = arith.constant 0 : index
          %swap3A_344 = tpu.vector_load %arg14[%swap3A, %swap3A_342, %swap3A_343] {strides = array<i32>} : memref<2x16x128xf32, #tpu.memory_space<vmem>>, vector<1x1x16xf32>,
          %swap3A_345 = vector.shape_cast %swap3A_344 : vector<1x1x16xf32> to vector<16xf32>
          %swap3A_346 = vector.shape_cast %parallel_loop3A_322#0 : vector<16xf32> to vector<1x1x16xf32>
          tpu.vector_store %arg14[%swap3A, %swap3A_342, %swap3A_343], %swap3A_346 {strides = array<i32>} : memref<2x16x128xf32, #tpu.memory_space<vmem>>, vector<1x1x16xf32>,
          %swap3A_347 = arith.index_cast %and3A_339 : i32 to index
          %swap3A_348 = arith.index_cast %and3A_341 : i32 to index
          %swap3A_349 = arith.constant 16 : index
          %swap3A_350 = tpu.vector_load %arg14[%swap3A_347, %swap3A_348, %swap3A_349] {strides = array<i32>} : memref<2x16x128xf32, #tpu.memory_space<vmem>>, vector<1x1x16xf32>,
          %swap3A_351 = vector.shape_cast %swap3A_350 : vector<1x1x16xf32> to vector<16xf32>
          %swap3A_352 = vector.shape_cast %parallel_loop3A_322#1 : vector<16xf32> to vector<1x1x16xf32>
          tpu.vector_store %arg14[%swap3A_347, %swap3A_348, %swap3A_349], %swap3A_352 {strides = array<i32>} : memref<2x16x128xf32, #tpu.memory_space<vmem>>, vector<1x1x16xf32>,
          %swap3A_353 = arith.index_cast %and3A_339 : i32 to index
          %swap3A_354 = arith.index_cast %and3A_341 : i32 to index
          %swap3A_355 = arith.constant 32 : index
          %swap3A_356 = tpu.vector_load %arg14[%swap3A_353, %swap3A_354, %swap3A_355] {strides = array<i32>} : memref<2x16x128xf32, #tpu.memory_space<vmem>>, vector<1x1x16xf32>,
          %swap3A_357 = vector.shape_cast %swap3A_356 : vector<1x1x16xf32> to vector<16xf32>
          %swap3A_358 = vector.shape_cast %parallel_loop3A_322#2 : vector<16xf32> to vector<1x1x16xf32>
          tpu.vector_store %arg14[%swap3A_353, %swap3A_354, %swap3A_355], %swap3A_358 {strides = array<i32>} : memref<2x16x128xf32, #tpu.memory_space<vmem>>, vector<1x1x16xf32>,
          %swap3A_359 = arith.index_cast %and3A_339 : i32 to index
          %swap3A_360 = arith.index_cast %and3A_341 : i32 to index
          %swap3A_361 = arith.constant 48 : index
          %swap3A_362 = tpu.vector_load %arg14[%swap3A_359, %swap3A_360, %swap3A_361] {strides = array<i32>} : memref<2x16x128xf32, #tpu.memory_space<vmem>>, vector<1x1x16xf32>,
          %swap3A_363 = vector.shape_cast %swap3A_362 : vector<1x1x16xf32> to vector<16xf32>
          %swap3A_364 = vector.shape_cast %parallel_loop3A_322#3 : vector<16xf32> to vector<1x1x16xf32>
          tpu.vector_store %arg14[%swap3A_359, %swap3A_360, %swap3A_361], %swap3A_364 {strides = array<i32>} : memref<2x16x128xf32, #tpu.memory_space<vmem>>, vector<1x1x16xf32>,
          %swap3A_365 = arith.index_cast %and3A_339 : i32 to index
          %swap3A_366 = arith.index_cast %and3A_341 : i32 to index
          %swap3A_367 = arith.constant 64 : index
          %swap3A_368 = tpu.vector_load %arg14[%swap3A_365, %swap3A_366, %swap3A_367] {strides = array<i32>} : memref<2x16x128xf32, #tpu.memory_space<vmem>>, vector<1x1x16xf32>,
          %swap3A_369 = vector.shape_cast %swap3A_368 : vector<1x1x16xf32> to vector<16xf32>
          %swap3A_370 = vector.shape_cast %parallel_loop3A_322#4 : vector<16xf32> to vector<1x1x16xf32>
          tpu.vector_store %arg14[%swap3A_365, %swap3A_366, %swap3A_367], %swap3A_370 {strides = array<i32>} : memref<2x16x128xf32, #tpu.memory_space<vmem>>, vector<1x1x16xf32>,
          %swap3A_371 = arith.index_cast %and3A_339 : i32 to index
          %swap3A_372 = arith.index_cast %and3A_341 : i32 to index
          %swap3A_373 = arith.constant 80 : index
          %swap3A_374 = tpu.vector_load %arg14[%swap3A_371, %swap3A_372, %swap3A_373] {strides = array<i32>} : memref<2x16x128xf32, #tpu.memory_space<vmem>>, vector<1x1x16xf32>,
          %swap3A_375 = vector.shape_cast %swap3A_374 : vector<1x1x16xf32> to vector<16xf32>
          %swap3A_376 = vector.shape_cast %parallel_loop3A_322#5 : vector<16xf32> to vector<1x1x16xf32>
          tpu.vector_store %arg14[%swap3A_371, %swap3A_372, %swap3A_373], %swap3A_376 {strides = array<i32>} : memref<2x16x128xf32, #tpu.memory_space<vmem>>, vector<1x1x16xf32>,
          %swap3A_377 = arith.index_cast %and3A_339 : i32 to index
          %swap3A_378 = arith.index_cast %and3A_341 : i32 to index
          %swap3A_379 = arith.constant 96 : index
          %swap3A_380 = tpu.vector_load %arg14[%swap3A_377, %swap3A_378, %swap3A_379] {strides = array<i32>} : memref<2x16x128xf32, #tpu.memory_space<vmem>>, vector<1x1x16xf32>,
          %swap3A_381 = vector.shape_cast %swap3A_380 : vector<1x1x16xf32> to vector<16xf32>
          %swap3A_382 = vector.shape_cast %parallel_loop3A_322#6 : vector<16xf32> to vector<1x1x16xf32>
          tpu.vector_store %arg14[%swap3A_377, %swap3A_378, %swap3A_379], %swap3A_382 {strides = array<i32>} : memref<2x16x128xf32, #tpu.memory_space<vmem>>, vector<1x1x16xf32>,
          %swap3A_383 = arith.index_cast %and3A_339 : i32 to index
          %swap3A_384 = arith.index_cast %and3A_341 : i32 to index
          %swap3A_385 = arith.constant 112 : index
          %swap3A_386 = tpu.vector_load %arg14[%swap3A_383, %swap3A_384, %swap3A_385] {strides = array<i32>} : memref<2x16x128xf32, #tpu.memory_space<vmem>>, vector<1x1x16xf32>,
          %swap3A_387 = vector.shape_cast %swap3A_386 : vector<1x1x16xf32> to vector<16xf32>
          %swap3A_388 = vector.shape_cast %parallel_loop3A_322#7 : vector<16xf32> to vector<1x1x16xf32>
          tpu.vector_store %arg14[%swap3A_383, %swap3A_384, %swap3A_385], %swap3A_388 {strides = array<i32>} : memref<2x16x128xf32, #tpu.memory_space<vmem>>, vector<1x1x16xf32>,
          %and3A_389 = arith.constant 15 : i32
          %and3A_390 = arith.andi %add3A_308, %and3A_389 : i32
          %eq3A_391 = arith.constant 15 : i32
          %eq3A_392 = arith.cmpi eq, %and3A_390, %eq3A_391 : i32
          %convert_element_type3A_393 = arith.extui %eq3A_392 : i1 to i32
          %cond3A_394 = arith.constant 0 : i32
          %cond3A_395 = arith.cmpi ne, %convert_element_type3A_393, %cond3A_394 : i32
          scf.if %cond3A_395 {
            %shift_right_logical3A_396 = arith.constant 4 : i32
            %shift_right_logical3A_397 = arith.shrui %add3A_308, %shift_right_logical3A_396 : i32
            %and3A_398 = arith.constant 1 : i32
            %and3A_399 = arith.andi %shift_right_logical3A_397, %and3A_398 : i32
            %ge3A = arith.constant 1 : i32
            %ge3A_400 = arith.cmpi sge, %shift_right_logical3A_397, %ge3A : i32
            %convert_element_type3A_401 = arith.extui %ge3A_400 : i1 to i32
            %cond3A_402 = arith.constant 0 : i32
            %cond3A_403 = arith.cmpi ne, %convert_element_type3A_401, %cond3A_402 : i32
            scf.if %cond3A_403 {
              %dma_wait3A_420 = arith.constant 0 : i32
              %dma_wait3A_421 = arith.constant 0 : i32
              %dma_wait3A_422 = arith.constant 0 : i32
              %dma_wait3A_423 = tpu.memref_slice %arg14[%dma_wait3A_420, %dma_wait3A_421, %dma_wait3A_422] : memref<2x16x128xf32, #tpu.memory_space<vmem>> -> memref<1x16x128xf32, #tpu.memory_space<vmem>>
              %dma_wait3A_424 = tpu.memref_squeeze %dma_wait3A_423 : memref<1x16x128xf32, #tpu.memory_space<vmem>> -> memref<16x128xf32, #tpu.memory_space<vmem>>
              %dma_wait3A_425 = arith.constant 0 : i32
              %dma_wait3A_426 = arith.constant 0 : i32
              %dma_wait3A_427 = tpu.memref_slice %arg6[%dma_wait3A_425, %dma_wait3A_426] : memref<50000x128xf32, #tpu.memory_space<hbm>> -> memref<16x128xf32, #tpu.memory_space<hbm>>
              %dma_wait3A_428 = arith.constant 0 : i32
              %dma_wait3A_429 = arith.constant 0 : i32
              %dma_wait3A_430 = tpu.memref_slice %arg6[%dma_wait3A_428, %dma_wait3A_429] : memref<50000x128xf32, #tpu.memory_space<hbm>> -> memref<16x128xf32, #tpu.memory_space<hbm>>
              %dma_wait3A_431 = arith.constant 0 : i32
              %dma_wait3A_432 = arith.constant 0 : i32
              %dma_wait3A_433 = tpu.memref_slice %arg14[%dma_wait3A_420, %dma_wait3A_431, %dma_wait3A_432] : memref<2x16x128xf32, #tpu.memory_space<vmem>> -> memref<1x16x128xf32, #tpu.memory_space<vmem>>
              %dma_wait3A_434 = tpu.memref_squeeze %dma_wait3A_433 : memref<1x16x128xf32, #tpu.memory_space<vmem>> -> memref<16x128xf32, #tpu.memory_space<vmem>>
              tpu.wait_dma2 semaphore(%arg22 : memref<!tpu.dma_semaphore, #tpu.memory_space<semaphore_mem>>) src(%dma_wait3A_434 : memref<16x128xf32, #tpu.memory_space<vmem>>) dst(%dma_wait3A_430 : memref<16x128xf32, #tpu.memory_space<hbm>>)
            } else {
            }
            %add3A_404 = arith.addi %multiple_of3A, %add3A_308 : i32
            %sub3A_405 = arith.constant 15 : i32
            %sub3A_406 = arith.subi %add3A_404, %sub3A_405 : i32
            %multiple_of3A_407 = tpu.assume_multiple %sub3A_406, 16 : i32
            %dma_start3A_408 = arith.constant 0 : i32
            %dma_start3A_409 = arith.constant 0 : i32
            %dma_start3A_410 = tpu.memref_slice %arg14[%and3A_399, %dma_start3A_408, %dma_start3A_409] : memref<2x16x128xf32, #tpu.memory_space<vmem>> -> memref<1x16x128xf32, #tpu.memory_space<vmem>>
            %dma_start3A_411 = tpu.memref_squeeze %dma_start3A_410 : memref<1x16x128xf32, #tpu.memory_space<vmem>> -> memref<16x128xf32, #tpu.memory_space<vmem>>
            %dma_start3A_412 = arith.constant 0 : i32
            %dma_start3A_413 = tpu.memref_slice %arg6[%multiple_of3A_407, %dma_start3A_412] : memref<50000x128xf32, #tpu.memory_space<hbm>> -> memref<16x128xf32, #tpu.memory_space<hbm>>
            %dma_start3A_414 = arith.constant 0 : i32
            %dma_start3A_415 = tpu.memref_slice %arg6[%multiple_of3A_407, %dma_start3A_414] : memref<50000x128xf32, #tpu.memory_space<hbm>> -> memref<16x128xf32, #tpu.memory_space<hbm>>
            %dma_start3A_416 = arith.constant 0 : i32
            %dma_start3A_417 = arith.constant 0 : i32
            %dma_start3A_418 = tpu.memref_slice %arg14[%and3A_399, %dma_start3A_416, %dma_start3A_417] : memref<2x16x128xf32, #tpu.memory_space<vmem>> -> memref<1x16x128xf32, #tpu.memory_space<vmem>>
            %dma_start3A_419 = tpu.memref_squeeze %dma_start3A_418 : memref<1x16x128xf32, #tpu.memory_space<vmem>> -> memref<16x128xf32, #tpu.memory_space<vmem>>
            tpu.enqueue_dma source(%dma_start3A_419 : memref<16x128xf32, #tpu.memory_space<vmem>>) target(%dma_start3A_415 : memref<16x128xf32, #tpu.memory_space<hbm>>) target_semaphore(%arg22 : memref<!tpu.dma_semaphore, #tpu.memory_space<semaphore_mem>>)
          } else {
          }
        } else {
        }
        %select_n3A_329 = arith.select %and3A_325, %broadcast_in_dim3A_37, %parallel_loop3A_322#0 : vector<16xf32>
        %select_n3A_330 = arith.select %and3A_325, %broadcast_in_dim3A_39, %parallel_loop3A_322#1 : vector<16xf32>
        %select_n3A_331 = arith.select %and3A_325, %broadcast_in_dim3A_41, %parallel_loop3A_322#2 : vector<16xf32>
        %select_n3A_332 = arith.select %and3A_325, %broadcast_in_dim3A_43, %parallel_loop3A_322#3 : vector<16xf32>
        %select_n3A_333 = arith.select %and3A_325, %broadcast_in_dim3A_45, %parallel_loop3A_322#4 : vector<16xf32>
        %select_n3A_334 = arith.select %and3A_325, %broadcast_in_dim3A_47, %parallel_loop3A_322#5 : vector<16xf32>
        %select_n3A_335 = arith.select %and3A_325, %broadcast_in_dim3A_49, %parallel_loop3A_322#6 : vector<16xf32>
        %select_n3A_336 = arith.select %and3A_325, %broadcast_in_dim3A_51, %parallel_loop3A_322#7 : vector<16xf32>
        scf.yield %select_n3A_329, %select_n3A_330, %select_n3A_331, %select_n3A_332, %select_n3A_333, %select_n3A_334, %select_n3A_335, %select_n3A_336, %squeeze3A_315 : vector<16xf32>, vector<16xf32>, vector<16xf32>, vector<16xf32>, vector<16xf32>, vector<16xf32>, vector<16xf32>, vector<16xf32>, i32
      }
      %add3A_238 = arith.constant 2 : i32
      %add3A_239 = arith.addi %mul3A_127, %add3A_238 : i32
      %lt3A_240 = arith.cmpi slt, %add3A_239, %select_n3A : i32
      %convert_element_type3A_241 = arith.extui %lt3A_240 : i1 to i32
      %cond3A_242 = arith.constant 0 : i32
      %cond3A_243 = arith.cmpi ne, %convert_element_type3A_241, %cond3A_242 : i32
      scf.if %cond3A_243 {
        %dma_wait3A_298 = arith.constant 0 : i32
        %dma_wait3A_299 = tpu.memref_slice %arg2[%dma_wait3A_298] : memref<800896xi32, #tpu.memory_space<hbm>> -> memref<448xi32, #tpu.memory_space<hbm>>
        %dma_wait3A_300 = arith.constant 0 : i32
        %dma_wait3A_301 = tpu.memref_slice %arg2[%dma_wait3A_300] : memref<800896xi32, #tpu.memory_space<hbm>> -> memref<448xi32, #tpu.memory_space<hbm>>
        tpu.wait_dma2 semaphore(%arg16 : memref<!tpu.dma_semaphore, #tpu.memory_space<semaphore_mem>>) src(%dma_wait3A_301 : memref<448xi32, #tpu.memory_space<hbm>>) dst(%arg8 : memref<448xi32, #tpu.memory_space<vmem>>)
        %dma_start3A_302 = arith.constant 0 : i32
        %dma_start3A_303 = arith.constant 0 : i32
        %dma_start3A_304 = tpu.memref_slice %arg12[%dma_start3A_302, %dma_start3A_303] : memref<448x128xf32, #tpu.memory_space<vmem>> -> memref<128x128xf32, #tpu.memory_space<vmem>>
        %dma_start3A_305 = arith.constant 0 : i32
        %dma_start3A_306 = tpu.memref_slice %arg8[%dma_start3A_305] : memref<448xi32, #tpu.memory_space<vmem>> -> memref<128xi32, #tpu.memory_space<vmem>>
        %dma_start3A_307 = arith.constant 0 : i32
        %dma_start3A_308 = arith.constant 0 : i32
        %dma_start3A_309 = tpu.memref_slice %arg5[%dma_start3A_307, %dma_start3A_308] : memref<100000x128xf32, #tpu.memory_space<hbm>> -> memref<100000x128xf32, #tpu.memory_space<hbm>>
        tpu.enqueue_indirect_dma source(%dma_start3A_309 : memref<100000x128xf32, #tpu.memory_space<hbm>>) target(%dma_start3A_304 : memref<128x128xf32, #tpu.memory_space<vmem>>) offsets(%dma_start3A_306 : memref<128xi32, #tpu.memory_space<vmem>>) semaphore(%arg18 : memref<!tpu.dma_semaphore, #tpu.memory_space<semaphore_mem>>)
        %dma_start3A_310 = arith.constant 128 : i32
        %dma_start3A_311 = arith.constant 0 : i32
        %dma_start3A_312 = tpu.memref_slice %arg12[%dma_start3A_310, %dma_start3A_311] : memref<448x128xf32, #tpu.memory_space<vmem>> -> memref<128x128xf32, #tpu.memory_space<vmem>>
        %dma_start3A_313 = arith.constant 128 : i32
        %dma_start3A_314 = tpu.memref_slice %arg8[%dma_start3A_313] : memref<448xi32, #tpu.memory_space<vmem>> -> memref<128xi32, #tpu.memory_space<vmem>>
        %dma_start3A_315 = arith.constant 0 : i32
        %dma_start3A_316 = arith.constant 0 : i32
        %dma_start3A_317 = tpu.memref_slice %arg5[%dma_start3A_315, %dma_start3A_316] : memref<100000x128xf32, #tpu.memory_space<hbm>> -> memref<100000x128xf32, #tpu.memory_space<hbm>>
        tpu.enqueue_indirect_dma source(%dma_start3A_317 : memref<100000x128xf32, #tpu.memory_space<hbm>>) target(%dma_start3A_312 : memref<128x128xf32, #tpu.memory_space<vmem>>) offsets(%dma_start3A_314 : memref<128xi32, #tpu.memory_space<vmem>>) semaphore(%arg18 : memref<!tpu.dma_semaphore, #tpu.memory_space<semaphore_mem>>)
        %dma_start3A_318 = arith.constant 256 : i32
        %dma_start3A_319 = arith.constant 0 : i32
        %dma_start3A_320 = tpu.memref_slice %arg12[%dma_start3A_318, %dma_start3A_319] : memref<448x128xf32, #tpu.memory_space<vmem>> -> memref<128x128xf32, #tpu.memory_space<vmem>>
        %dma_start3A_321 = arith.constant 256 : i32
        %dma_start3A_322 = tpu.memref_slice %arg8[%dma_start3A_321] : memref<448xi32, #tpu.memory_space<vmem>> -> memref<128xi32, #tpu.memory_space<vmem>>
        %dma_start3A_323 = arith.constant 0 : i32
        %dma_start3A_324 = arith.constant 0 : i32
        %dma_start3A_325 = tpu.memref_slice %arg5[%dma_start3A_323, %dma_start3A_324] : memref<100000x128xf32, #tpu.memory_space<hbm>> -> memref<100000x128xf32, #tpu.memory_space<hbm>>
        tpu.enqueue_indirect_dma source(%dma_start3A_325 : memref<100000x128xf32, #tpu.memory_space<hbm>>) target(%dma_start3A_320 : memref<128x128xf32, #tpu.memory_space<vmem>>) offsets(%dma_start3A_322 : memref<128xi32, #tpu.memory_space<vmem>>) semaphore(%arg18 : memref<!tpu.dma_semaphore, #tpu.memory_space<semaphore_mem>>)
        %dma_start3A_326 = arith.constant 384 : i32
        %dma_start3A_327 = arith.constant 0 : i32
        %dma_start3A_328 = tpu.memref_slice %arg12[%dma_start3A_326, %dma_start3A_327] : memref<448x128xf32, #tpu.memory_space<vmem>> -> memref<64x128xf32, #tpu.memory_space<vmem>>
        %dma_start3A_329 = arith.constant 384 : i32
        %dma_start3A_330 = tpu.memref_slice %arg8[%dma_start3A_329] : memref<448xi32, #tpu.memory_space<vmem>> -> memref<64xi32, #tpu.memory_space<vmem>>
        %dma_start3A_331 = arith.constant 0 : i32
        %dma_start3A_332 = arith.constant 0 : i32
        %dma_start3A_333 = tpu.memref_slice %arg5[%dma_start3A_331, %dma_start3A_332] : memref<100000x128xf32, #tpu.memory_space<hbm>> -> memref<100000x128xf32, #tpu.memory_space<hbm>>
        tpu.enqueue_indirect_dma source(%dma_start3A_333 : memref<100000x128xf32, #tpu.memory_space<hbm>>) target(%dma_start3A_328 : memref<64x128xf32, #tpu.memory_space<vmem>>) offsets(%dma_start3A_330 : memref<64xi32, #tpu.memory_space<vmem>>) semaphore(%arg18 : memref<!tpu.dma_semaphore, #tpu.memory_space<semaphore_mem>>)
        %add3A_334 = arith.constant 2 : i32
        %add3A_335 = arith.addi %mul3A_127, %add3A_334 : i32
        %mul3A_336 = arith.constant 432 : i32
        %mul3A_337 = arith.muli %add3A_335, %mul3A_336 : i32
        %add3A_338 = arith.addi %and3A_14, %mul3A_337 : i32
        %multiple_of3A_339 = tpu.assume_multiple %add3A_338, 8 : i32
        %dma_start3A_340 = tpu.memref_slice %arg4[%multiple_of3A_339] : memref<800896xf32, #tpu.memory_space<hbm>> -> memref<464xf32, #tpu.memory_space<hbm>>
        %dma_start3A_341 = tpu.memref_slice %arg4[%multiple_of3A_339] : memref<800896xf32, #tpu.memory_space<hbm>> -> memref<464xf32, #tpu.memory_space<hbm>>
        tpu.enqueue_dma source(%dma_start3A_341 : memref<464xf32, #tpu.memory_space<hbm>>) target(%arg10 : memref<464xf32, #tpu.memory_space<vmem>>) target_semaphore(%arg20 : memref<!tpu.dma_semaphore, #tpu.memory_space<semaphore_mem>>)
      } else {
      }
      %mul3A_244 = arith.constant 432 : i32
      %mul3A_245 = arith.muli %add3A_129, %mul3A_244 : i32
      %add3A_246 = arith.addi %squeeze3A, %mul3A_245 : i32
      %sub3A_247 = arith.subi %squeeze3A_13, %add3A_246 : i32
      %jit3A_248 = arith.constant 0 : i32
      %jit3A_249 = arith.constant 432 : i32
      %max3A_250 = arith.maxsi %jit3A_248, %sub3A_247 : i32
      %min3A_251 = arith.minsi %jit3A_249, %max3A_250 : i32
      %add3A_252 = arith.addi %add3A_246, %min3A_251 : i32
      %scan3A_253 = arith.constant 0 : i32
      %scan3A_254 = arith.constant 11 : i32
      %scan3A_255 = arith.addi %scan3A_253, %scan3A_254 : i32
      %scan3A_256 = arith.constant 1 : i32
      %scan3A_257:2 = scf.for %scan3A_298 = %scan3A_253 to %scan3A_255 step %scan3A_256 iter_args(%scan3A_299 = %select_n3A_152, %scan3A_300 = %min3A_4) -> (i32, i32)  : i32 {
        %add3A_301 = arith.addi %scan3A_299, %scan3A_300 : i32
        %jit3A_302 = arith.constant 2 : i32
        %div3A_303 = arith.divsi %add3A_301, %jit3A_302 : i32
        %sign3A_304 = arith.constant 0 : i32
        %sign3A_305 = arith.cmpi sgt, %add3A_301, %sign3A_304 : i32
        %sign3A_306 = arith.extui %sign3A_305 : i1 to i32
        %sign3A_307 = arith.constant 0 : i32
        %sign3A_308 = arith.cmpi slt, %add3A_301, %sign3A_307 : i32
        %sign3A_309 = arith.extui %sign3A_308 : i1 to i32
        %sign3A_310 = arith.subi %sign3A_306, %sign3A_309 : i32
        %sign3A_311 = arith.constant 0 : i32
        %sign3A_312 = arith.cmpi sgt, %jit3A_302, %sign3A_311 : i32
        %sign3A_313 = arith.extui %sign3A_312 : i1 to i32
        %sign3A_314 = arith.constant 0 : i32
        %sign3A_315 = arith.cmpi slt, %jit3A_302, %sign3A_314 : i32
        %sign3A_316 = arith.extui %sign3A_315 : i1 to i32
        %sign3A_317 = arith.subi %sign3A_313, %sign3A_316 : i32
        %ne3A_318 = arith.cmpi ne, %sign3A_310, %sign3A_317 : i32
        %rem3A_319 = arith.remsi %add3A_301, %jit3A_302 : i32
        %ne3A_320 = arith.constant 0 : i32
        %ne3A_321 = arith.cmpi ne, %rem3A_319, %ne3A_320 : i32
        %and3A_322 = arith.andi %ne3A_318, %ne3A_321 : i1
        %sub3A_323 = arith.constant 1 : i32
        %sub3A_324 = arith.subi %div3A_303, %sub3A_323 : i32
        %select_n3A_325 = arith.select %and3A_322, %sub3A_324, %div3A_303 : i32
        %get3A_326 = arith.index_cast %select_n3A_325 : i32 to index
        %get3A_327 = tpu.vector_load %arg7[%get3A_326] {strides = array<i32>} : memref<1600xi32, #tpu.memory_space<vmem>>, vector<16xi32>,
        %get3A_328 = vector.shape_cast %get3A_327 : vector<16xi32> to vector<16xi32>
        %slice3A_329 = vector.extract_strided_slice %get3A_328 {offsets = [0], sizes = [1], strides = [1]} : vector<16xi32> to vector<1xi32>
        %squeeze3A_330 = vector.extract %slice3A_329[0] : i32 from vector<1xi32>
        %sub3A_331 = arith.constant 1 : i32
        %sub3A_332 = arith.subi %add3A_252, %sub3A_331 : i32
        %le3A_333 = arith.cmpi sle, %squeeze3A_330, %sub3A_332 : i32
        %select_n3A_334 = arith.select %le3A_333, %select_n3A_325, %scan3A_299 : i32
        %select_n3A_335 = arith.select %le3A_333, %scan3A_300, %select_n3A_325 : i32
        scf.yield %select_n3A_334, %select_n3A_335 : i32, i32
      }
      %scan3A_258 = arith.constant 11 : i32
      %add3A_259 = arith.constant 1 : i32
      %add3A_260 = arith.addi %scan3A_257#0, %add3A_259 : i32
      %get3A_261 = arith.index_cast %add3A_260 : i32 to index
      %get3A_262 = tpu.vector_load %arg7[%get3A_261] {strides = array<i32>} : memref<1600xi32, #tpu.memory_space<vmem>>, vector<16xi32>,
      %get3A_263 = vector.shape_cast %get3A_262 : vector<16xi32> to vector<16xi32>
      %slice3A_264 = vector.extract_strided_slice %get3A_263 {offsets = [0], sizes = [1], strides = [1]} : vector<16xi32> to vector<1xi32>
      %squeeze3A_265 = vector.extract %slice3A_264[0] : i32 from vector<1xi32>
      %le3A_266 = arith.cmpi sle, %squeeze3A_265, %add3A_252 : i32
      %add3A_267 = arith.constant 1 : i32
      %add3A_268 = arith.addi %scan3A_257#0, %add3A_267 : i32
      %select_n3A_269 = arith.select %le3A_266, %add3A_268, %scan3A_257#0 : i32
      %lt3A_270 = arith.cmpi slt, %add3A_129, %select_n3A : i32
      %convert_element_type3A_271 = arith.extui %lt3A_270 : i1 to i32
      %cond3A_272 = arith.constant 0 : i32
      %cond3A_273 = arith.cmpi ne, %convert_element_type3A_271, %cond3A_272 : i32
      scf.if %cond3A_273 {
        %dma_wait3A_298 = arith.constant 0 : i32
        %dma_wait3A_299 = arith.constant 0 : i32
        %dma_wait3A_300 = tpu.memref_slice %arg13[%dma_wait3A_298, %dma_wait3A_299] : memref<448x128xf32, #tpu.memory_space<vmem>> -> memref<128x128xf32, #tpu.memory_space<vmem>>
        %dma_wait3A_301 = arith.constant 0 : i32
        %dma_wait3A_302 = arith.constant 0 : i32
        %dma_wait3A_303 = tpu.memref_slice %arg5[%dma_wait3A_301, %dma_wait3A_302] : memref<100000x128xf32, #tpu.memory_space<hbm>> -> memref<128x128xf32, #tpu.memory_space<hbm>>
        %dma_wait3A_304 = arith.constant 0 : i32
        %dma_wait3A_305 = arith.constant 0 : i32
        %dma_wait3A_306 = tpu.memref_slice %arg13[%dma_wait3A_304, %dma_wait3A_305] : memref<448x128xf32, #tpu.memory_space<vmem>> -> memref<128x128xf32, #tpu.memory_space<vmem>>
        %dma_wait3A_307 = arith.constant 0 : i32
        %dma_wait3A_308 = arith.constant 0 : i32
        %dma_wait3A_309 = tpu.memref_slice %arg5[%dma_wait3A_307, %dma_wait3A_308] : memref<100000x128xf32, #tpu.memory_space<hbm>> -> memref<128x128xf32, #tpu.memory_space<hbm>>
        tpu.wait_dma2 semaphore(%arg19 : memref<!tpu.dma_semaphore, #tpu.memory_space<semaphore_mem>>) src(%dma_wait3A_309 : memref<128x128xf32, #tpu.memory_space<hbm>>) dst(%dma_wait3A_306 : memref<128x128xf32, #tpu.memory_space<vmem>>)
        %dma_wait3A_310 = arith.constant 128 : i32
        %dma_wait3A_311 = arith.constant 0 : i32
        %dma_wait3A_312 = tpu.memref_slice %arg13[%dma_wait3A_310, %dma_wait3A_311] : memref<448x128xf32, #tpu.memory_space<vmem>> -> memref<128x128xf32, #tpu.memory_space<vmem>>
        %dma_wait3A_313 = arith.constant 0 : i32
        %dma_wait3A_314 = arith.constant 0 : i32
        %dma_wait3A_315 = tpu.memref_slice %arg5[%dma_wait3A_313, %dma_wait3A_314] : memref<100000x128xf32, #tpu.memory_space<hbm>> -> memref<128x128xf32, #tpu.memory_space<hbm>>
        %dma_wait3A_316 = arith.constant 128 : i32
        %dma_wait3A_317 = arith.constant 0 : i32
        %dma_wait3A_318 = tpu.memref_slice %arg13[%dma_wait3A_316, %dma_wait3A_317] : memref<448x128xf32, #tpu.memory_space<vmem>> -> memref<128x128xf32, #tpu.memory_space<vmem>>
        %dma_wait3A_319 = arith.constant 0 : i32
        %dma_wait3A_320 = arith.constant 0 : i32
        %dma_wait3A_321 = tpu.memref_slice %arg5[%dma_wait3A_319, %dma_wait3A_320] : memref<100000x128xf32, #tpu.memory_space<hbm>> -> memref<128x128xf32, #tpu.memory_space<hbm>>
        tpu.wait_dma2 semaphore(%arg19 : memref<!tpu.dma_semaphore, #tpu.memory_space<semaphore_mem>>) src(%dma_wait3A_321 : memref<128x128xf32, #tpu.memory_space<hbm>>) dst(%dma_wait3A_318 : memref<128x128xf32, #tpu.memory_space<vmem>>)
        %dma_wait3A_322 = arith.constant 256 : i32
        %dma_wait3A_323 = arith.constant 0 : i32
        %dma_wait3A_324 = tpu.memref_slice %arg13[%dma_wait3A_322, %dma_wait3A_323] : memref<448x128xf32, #tpu.memory_space<vmem>> -> memref<128x128xf32, #tpu.memory_space<vmem>>
        %dma_wait3A_325 = arith.constant 0 : i32
        %dma_wait3A_326 = arith.constant 0 : i32
        %dma_wait3A_327 = tpu.memref_slice %arg5[%dma_wait3A_325, %dma_wait3A_326] : memref<100000x128xf32, #tpu.memory_space<hbm>> -> memref<128x128xf32, #tpu.memory_space<hbm>>
        %dma_wait3A_328 = arith.constant 256 : i32
        %dma_wait3A_329 = arith.constant 0 : i32
        %dma_wait3A_330 = tpu.memref_slice %arg13[%dma_wait3A_328, %dma_wait3A_329] : memref<448x128xf32, #tpu.memory_space<vmem>> -> memref<128x128xf32, #tpu.memory_space<vmem>>
        %dma_wait3A_331 = arith.constant 0 : i32
        %dma_wait3A_332 = arith.constant 0 : i32
        %dma_wait3A_333 = tpu.memref_slice %arg5[%dma_wait3A_331, %dma_wait3A_332] : memref<100000x128xf32, #tpu.memory_space<hbm>> -> memref<128x128xf32, #tpu.memory_space<hbm>>
        tpu.wait_dma2 semaphore(%arg19 : memref<!tpu.dma_semaphore, #tpu.memory_space<semaphore_mem>>) src(%dma_wait3A_333 : memref<128x128xf32, #tpu.memory_space<hbm>>) dst(%dma_wait3A_330 : memref<128x128xf32, #tpu.memory_space<vmem>>)
        %dma_wait3A_334 = arith.constant 384 : i32
        %dma_wait3A_335 = arith.constant 0 : i32
        %dma_wait3A_336 = tpu.memref_slice %arg13[%dma_wait3A_334, %dma_wait3A_335] : memref<448x128xf32, #tpu.memory_space<vmem>> -> memref<64x128xf32, #tpu.memory_space<vmem>>
        %dma_wait3A_337 = arith.constant 0 : i32
        %dma_wait3A_338 = arith.constant 0 : i32
        %dma_wait3A_339 = tpu.memref_slice %arg5[%dma_wait3A_337, %dma_wait3A_338] : memref<100000x128xf32, #tpu.memory_space<hbm>> -> memref<64x128xf32, #tpu.memory_space<hbm>>
        %dma_wait3A_340 = arith.constant 384 : i32
        %dma_wait3A_341 = arith.constant 0 : i32
        %dma_wait3A_342 = tpu.memref_slice %arg13[%dma_wait3A_340, %dma_wait3A_341] : memref<448x128xf32, #tpu.memory_space<vmem>> -> memref<64x128xf32, #tpu.memory_space<vmem>>
        %dma_wait3A_343 = arith.constant 0 : i32
        %dma_wait3A_344 = arith.constant 0 : i32
        %dma_wait3A_345 = tpu.memref_slice %arg5[%dma_wait3A_343, %dma_wait3A_344] : memref<100000x128xf32, #tpu.memory_space<hbm>> -> memref<64x128xf32, #tpu.memory_space<hbm>>
        tpu.wait_dma2 semaphore(%arg19 : memref<!tpu.dma_semaphore, #tpu.memory_space<semaphore_mem>>) src(%dma_wait3A_345 : memref<64x128xf32, #tpu.memory_space<hbm>>) dst(%dma_wait3A_342 : memref<64x128xf32, #tpu.memory_space<vmem>>)
        %dma_wait3A_346 = arith.constant 0 : i32
        %dma_wait3A_347 = tpu.memref_slice %arg4[%dma_wait3A_346] : memref<800896xf32, #tpu.memory_space<hbm>> -> memref<464xf32, #tpu.memory_space<hbm>>
        %dma_wait3A_348 = arith.constant 0 : i32
        %dma_wait3A_349 = tpu.memref_slice %arg4[%dma_wait3A_348] : memref<800896xf32, #tpu.memory_space<hbm>> -> memref<464xf32, #tpu.memory_space<hbm>>
        tpu.wait_dma2 semaphore(%arg21 : memref<!tpu.dma_semaphore, #tpu.memory_space<semaphore_mem>>) src(%dma_wait3A_349 : memref<464xf32, #tpu.memory_space<hbm>>) dst(%arg11 : memref<464xf32, #tpu.memory_space<vmem>>)
      } else {
      }
      %mul3A_274 = arith.constant 432 : i32
      %mul3A_275 = arith.muli %add3A_129, %mul3A_274 : i32
      %add3A_276 = arith.addi %squeeze3A, %mul3A_275 : i32
      %sub3A_277 = arith.subi %squeeze3A_13, %add3A_276 : i32
      %jit3A_278 = arith.constant 0 : i32
      %jit3A_279 = arith.constant 432 : i32
      %max3A_280 = arith.maxsi %jit3A_278, %sub3A_277 : i32
      %min3A_281 = arith.minsi %jit3A_279, %max3A_280 : i32
      %add3A_282 = arith.addi %add3A_276, %min3A_281 : i32
      %sub3A_283 = arith.subi %scan3A_257#0, %select_n3A_152 : i32
      %add3A_284 = arith.constant 1 : i32
      %add3A_285 = arith.addi %sub3A_283, %add3A_284 : i32
      %while3A_286 = arith.constant 0 : i32
      %while3A_287 = arith.constant 0 : i32
      %while3A_288 = arith.subi %add3A_285, %while3A_286 : i32
      %while3A_289 = arith.addi %while3A_286, %while3A_288 : i32
      %while3A_290 = arith.constant 1 : i32
      %while3A_291 = arith.divsi %while3A_288, %while3A_290 : i32
      %while3A_292 = arith.muli %while3A_291, %while3A_290 : i32
      %while3A_293 = arith.addi %while3A_286, %while3A_292 : i32
      %while3A_294 = arith.constant 1 : i32
      %while3A_295:9 = scf.for %while3A_298 = %while3A_286 to %while3A_293 step %while3A_294 iter_args(%while3A_299 = %while3A_237#0, %while3A_300 = %while3A_237#1, %while3A_301 = %while3A_237#2, %while3A_302 = %while3A_237#3, %while3A_303 = %while3A_237#4, %while3A_304 = %while3A_237#5, %while3A_305 = %while3A_237#6, %while3A_306 = %while3A_237#7, %while3A_307 = %while3A_287) -> (vector<16xf32>, vector<16xf32>, vector<16xf32>, vector<16xf32>, vector<16xf32>, vector<16xf32>, vector<16xf32>, vector<16xf32>, i32)  : i32 {
        %add3A_308 = arith.addi %select_n3A_152, %while3A_298 : i32
        %add3A_309 = arith.constant 1 : i32
        %add3A_310 = arith.addi %add3A_308, %add3A_309 : i32
        %get3A_311 = arith.index_cast %add3A_310 : i32 to index
        %get3A_312 = tpu.vector_load %arg7[%get3A_311] {strides = array<i32>} : memref<1600xi32, #tpu.memory_space<vmem>>, vector<16xi32>,
        %get3A_313 = vector.shape_cast %get3A_312 : vector<16xi32> to vector<16xi32>
        %slice3A_314 = vector.extract_strided_slice %get3A_313 {offsets = [0], sizes = [1], strides = [1]} : vector<16xi32> to vector<1xi32>
        %squeeze3A_315 = vector.extract %slice3A_314[0] : i32 from vector<1xi32>
        %eq3A = arith.constant 0 : i32
        %eq3A_316 = arith.cmpi eq, %while3A_298, %eq3A : i32
        %sub3A_317 = arith.subi %while3A_307, %add3A_276 : i32
        %jit3A_318 = arith.constant 0 : i32
        %select_n3A_319 = arith.select %eq3A_316, %jit3A_318, %sub3A_317 : i32
        %min3A_320 = arith.minsi %squeeze3A_315, %add3A_282 : i32
        %sub3A_321 = arith.subi %min3A_320, %add3A_276 : i32
        %parallel_loop3A = arith.constant 1 : i32
        %parallel_loop3A_322:8 = scf.for %parallel_loop3A_337 = %select_n3A_319 to %sub3A_321 step %parallel_loop3A iter_args(%parallel_loop3A_338 = %while3A_299, %parallel_loop3A_339 = %while3A_300, %parallel_loop3A_340 = %while3A_301, %parallel_loop3A_341 = %while3A_302, %parallel_loop3A_342 = %while3A_303, %parallel_loop3A_343 = %while3A_304, %parallel_loop3A_344 = %while3A_305, %parallel_loop3A_345 = %while3A_306) -> (vector<16xf32>, vector<16xf32>, vector<16xf32>, vector<16xf32>, vector<16xf32>, vector<16xf32>, vector<16xf32>, vector<16xf32>)  : i32 {
          %parallel_loop3A_346 = arith.addi %sub3A_15, %parallel_loop3A_337 : i32
          %parallel_loop3A_347 = arith.index_cast %parallel_loop3A_346 : i32 to index
          %parallel_loop3A_348 = tpu.vector_load %arg11[%parallel_loop3A_347] {strides = array<i32>} : memref<464xf32, #tpu.memory_space<vmem>>, vector<16xf32>,
          %parallel_loop3A_349 = vector.shape_cast %parallel_loop3A_348 : vector<16xf32> to vector<16xf32>
          %parallel_loop3A_350 = vector.extract_strided_slice %parallel_loop3A_349 {offsets = [0], sizes = [1], strides = [1]} : vector<16xf32> to vector<1xf32>
          %parallel_loop3A_351 = vector.extract %parallel_loop3A_350[0] : f32 from vector<1xf32>
          %parallel_loop3A_352 = vector.broadcast %parallel_loop3A_351 : f32 to vector<16xf32>
          %parallel_loop3A_353 = arith.index_cast %parallel_loop3A_346 : i32 to index
          %parallel_loop3A_354 = arith.constant 0 : index
          %parallel_loop3A_355 = tpu.vector_load %arg13[%parallel_loop3A_353, %parallel_loop3A_354] {strides = array<i32>} : memref<448x128xf32, #tpu.memory_space<vmem>>, vector<1x16xf32>,
          %parallel_loop3A_356 = vector.shape_cast %parallel_loop3A_355 : vector<1x16xf32> to vector<16xf32>
          %parallel_loop3A_357 = arith.mulf %parallel_loop3A_352, %parallel_loop3A_356 : vector<16xf32>
          %parallel_loop3A_358 = arith.addf %parallel_loop3A_338, %parallel_loop3A_357 : vector<16xf32>
          %parallel_loop3A_359 = arith.index_cast %parallel_loop3A_346 : i32 to index
          %parallel_loop3A_360 = arith.constant 16 : index
          %parallel_loop3A_361 = tpu.vector_load %arg13[%parallel_loop3A_359, %parallel_loop3A_360] {strides = array<i32>} : memref<448x128xf32, #tpu.memory_space<vmem>>, vector<1x16xf32>,
          %parallel_loop3A_362 = vector.shape_cast %parallel_loop3A_361 : vector<1x16xf32> to vector<16xf32>
          %parallel_loop3A_363 = arith.mulf %parallel_loop3A_352, %parallel_loop3A_362 : vector<16xf32>
          %parallel_loop3A_364 = arith.addf %parallel_loop3A_339, %parallel_loop3A_363 : vector<16xf32>
          %parallel_loop3A_365 = arith.index_cast %parallel_loop3A_346 : i32 to index
          %parallel_loop3A_366 = arith.constant 32 : index
          %parallel_loop3A_367 = tpu.vector_load %arg13[%parallel_loop3A_365, %parallel_loop3A_366] {strides = array<i32>} : memref<448x128xf32, #tpu.memory_space<vmem>>, vector<1x16xf32>,
          %parallel_loop3A_368 = vector.shape_cast %parallel_loop3A_367 : vector<1x16xf32> to vector<16xf32>
          %parallel_loop3A_369 = arith.mulf %parallel_loop3A_352, %parallel_loop3A_368 : vector<16xf32>
          %parallel_loop3A_370 = arith.addf %parallel_loop3A_340, %parallel_loop3A_369 : vector<16xf32>
          %parallel_loop3A_371 = arith.index_cast %parallel_loop3A_346 : i32 to index
          %parallel_loop3A_372 = arith.constant 48 : index
          %parallel_loop3A_373 = tpu.vector_load %arg13[%parallel_loop3A_371, %parallel_loop3A_372] {strides = array<i32>} : memref<448x128xf32, #tpu.memory_space<vmem>>, vector<1x16xf32>,
          %parallel_loop3A_374 = vector.shape_cast %parallel_loop3A_373 : vector<1x16xf32> to vector<16xf32>
          %parallel_loop3A_375 = arith.mulf %parallel_loop3A_352, %parallel_loop3A_374 : vector<16xf32>
          %parallel_loop3A_376 = arith.addf %parallel_loop3A_341, %parallel_loop3A_375 : vector<16xf32>
          %parallel_loop3A_377 = arith.index_cast %parallel_loop3A_346 : i32 to index
          %parallel_loop3A_378 = arith.constant 64 : index
          %parallel_loop3A_379 = tpu.vector_load %arg13[%parallel_loop3A_377, %parallel_loop3A_378] {strides = array<i32>} : memref<448x128xf32, #tpu.memory_space<vmem>>, vector<1x16xf32>,
          %parallel_loop3A_380 = vector.shape_cast %parallel_loop3A_379 : vector<1x16xf32> to vector<16xf32>
          %parallel_loop3A_381 = arith.mulf %parallel_loop3A_352, %parallel_loop3A_380 : vector<16xf32>
          %parallel_loop3A_382 = arith.addf %parallel_loop3A_342, %parallel_loop3A_381 : vector<16xf32>
          %parallel_loop3A_383 = arith.index_cast %parallel_loop3A_346 : i32 to index
          %parallel_loop3A_384 = arith.constant 80 : index
          %parallel_loop3A_385 = tpu.vector_load %arg13[%parallel_loop3A_383, %parallel_loop3A_384] {strides = array<i32>} : memref<448x128xf32, #tpu.memory_space<vmem>>, vector<1x16xf32>,
          %parallel_loop3A_386 = vector.shape_cast %parallel_loop3A_385 : vector<1x16xf32> to vector<16xf32>
          %parallel_loop3A_387 = arith.mulf %parallel_loop3A_352, %parallel_loop3A_386 : vector<16xf32>
          %parallel_loop3A_388 = arith.addf %parallel_loop3A_343, %parallel_loop3A_387 : vector<16xf32>
          %parallel_loop3A_389 = arith.index_cast %parallel_loop3A_346 : i32 to index
          %parallel_loop3A_390 = arith.constant 96 : index
          %parallel_loop3A_391 = tpu.vector_load %arg13[%parallel_loop3A_389, %parallel_loop3A_390] {strides = array<i32>} : memref<448x128xf32, #tpu.memory_space<vmem>>, vector<1x16xf32>,
          %parallel_loop3A_392 = vector.shape_cast %parallel_loop3A_391 : vector<1x16xf32> to vector<16xf32>
          %parallel_loop3A_393 = arith.mulf %parallel_loop3A_352, %parallel_loop3A_392 : vector<16xf32>
          %parallel_loop3A_394 = arith.addf %parallel_loop3A_344, %parallel_loop3A_393 : vector<16xf32>
          %parallel_loop3A_395 = arith.index_cast %parallel_loop3A_346 : i32 to index
          %parallel_loop3A_396 = arith.constant 112 : index
          %parallel_loop3A_397 = tpu.vector_load %arg13[%parallel_loop3A_395, %parallel_loop3A_396] {strides = array<i32>} : memref<448x128xf32, #tpu.memory_space<vmem>>, vector<1x16xf32>,
          %parallel_loop3A_398 = vector.shape_cast %parallel_loop3A_397 : vector<1x16xf32> to vector<16xf32>
          %parallel_loop3A_399 = arith.mulf %parallel_loop3A_352, %parallel_loop3A_398 : vector<16xf32>
          %parallel_loop3A_400 = arith.addf %parallel_loop3A_345, %parallel_loop3A_399 : vector<16xf32>
          scf.yield %parallel_loop3A_358, %parallel_loop3A_364, %parallel_loop3A_370, %parallel_loop3A_376, %parallel_loop3A_382, %parallel_loop3A_388, %parallel_loop3A_394, %parallel_loop3A_400 : vector<16xf32>, vector<16xf32>, vector<16xf32>, vector<16xf32>, vector<16xf32>, vector<16xf32>, vector<16xf32>, vector<16xf32>
        } {sc.loop_unroll_factor = 4 : i64, sc.parallel_access}
        %le3A_323 = arith.cmpi sle, %squeeze3A_315, %add3A_282 : i32
        %lt3A_324 = arith.cmpi slt, %add3A_308, %min3A_4 : i32
        %and3A_325 = arith.andi %le3A_323, %lt3A_324 : i1
        %convert_element_type3A_326 = arith.extui %and3A_325 : i1 to i32
        %cond3A_327 = arith.constant 0 : i32
        %cond3A_328 = arith.cmpi ne, %convert_element_type3A_326, %cond3A_327 : i32
        scf.if %cond3A_328 {
          %shift_right_logical3A = arith.constant 4 : i32
          %shift_right_logical3A_337 = arith.shrui %add3A_308, %shift_right_logical3A : i32
          %and3A_338 = arith.constant 1 : i32
          %and3A_339 = arith.andi %shift_right_logical3A_337, %and3A_338 : i32
          %and3A_340 = arith.constant 15 : i32
          %and3A_341 = arith.andi %add3A_308, %and3A_340 : i32
          %swap3A = arith.index_cast %and3A_339 : i32 to index
          %swap3A_342 = arith.index_cast %and3A_341 : i32 to index
          %swap3A_343 = arith.constant 0 : index
          %swap3A_344 = tpu.vector_load %arg14[%swap3A, %swap3A_342, %swap3A_343] {strides = array<i32>} : memref<2x16x128xf32, #tpu.memory_space<vmem>>, vector<1x1x16xf32>,
          %swap3A_345 = vector.shape_cast %swap3A_344 : vector<1x1x16xf32> to vector<16xf32>
          %swap3A_346 = vector.shape_cast %parallel_loop3A_322#0 : vector<16xf32> to vector<1x1x16xf32>
          tpu.vector_store %arg14[%swap3A, %swap3A_342, %swap3A_343], %swap3A_346 {strides = array<i32>} : memref<2x16x128xf32, #tpu.memory_space<vmem>>, vector<1x1x16xf32>,
          %swap3A_347 = arith.index_cast %and3A_339 : i32 to index
          %swap3A_348 = arith.index_cast %and3A_341 : i32 to index
          %swap3A_349 = arith.constant 16 : index
          %swap3A_350 = tpu.vector_load %arg14[%swap3A_347, %swap3A_348, %swap3A_349] {strides = array<i32>} : memref<2x16x128xf32, #tpu.memory_space<vmem>>, vector<1x1x16xf32>,
          %swap3A_351 = vector.shape_cast %swap3A_350 : vector<1x1x16xf32> to vector<16xf32>
          %swap3A_352 = vector.shape_cast %parallel_loop3A_322#1 : vector<16xf32> to vector<1x1x16xf32>
          tpu.vector_store %arg14[%swap3A_347, %swap3A_348, %swap3A_349], %swap3A_352 {strides = array<i32>} : memref<2x16x128xf32, #tpu.memory_space<vmem>>, vector<1x1x16xf32>,
          %swap3A_353 = arith.index_cast %and3A_339 : i32 to index
          %swap3A_354 = arith.index_cast %and3A_341 : i32 to index
          %swap3A_355 = arith.constant 32 : index
          %swap3A_356 = tpu.vector_load %arg14[%swap3A_353, %swap3A_354, %swap3A_355] {strides = array<i32>} : memref<2x16x128xf32, #tpu.memory_space<vmem>>, vector<1x1x16xf32>,
          %swap3A_357 = vector.shape_cast %swap3A_356 : vector<1x1x16xf32> to vector<16xf32>
          %swap3A_358 = vector.shape_cast %parallel_loop3A_322#2 : vector<16xf32> to vector<1x1x16xf32>
          tpu.vector_store %arg14[%swap3A_353, %swap3A_354, %swap3A_355], %swap3A_358 {strides = array<i32>} : memref<2x16x128xf32, #tpu.memory_space<vmem>>, vector<1x1x16xf32>,
          %swap3A_359 = arith.index_cast %and3A_339 : i32 to index
          %swap3A_360 = arith.index_cast %and3A_341 : i32 to index
          %swap3A_361 = arith.constant 48 : index
          %swap3A_362 = tpu.vector_load %arg14[%swap3A_359, %swap3A_360, %swap3A_361] {strides = array<i32>} : memref<2x16x128xf32, #tpu.memory_space<vmem>>, vector<1x1x16xf32>,
          %swap3A_363 = vector.shape_cast %swap3A_362 : vector<1x1x16xf32> to vector<16xf32>
          %swap3A_364 = vector.shape_cast %parallel_loop3A_322#3 : vector<16xf32> to vector<1x1x16xf32>
          tpu.vector_store %arg14[%swap3A_359, %swap3A_360, %swap3A_361], %swap3A_364 {strides = array<i32>} : memref<2x16x128xf32, #tpu.memory_space<vmem>>, vector<1x1x16xf32>,
          %swap3A_365 = arith.index_cast %and3A_339 : i32 to index
          %swap3A_366 = arith.index_cast %and3A_341 : i32 to index
          %swap3A_367 = arith.constant 64 : index
          %swap3A_368 = tpu.vector_load %arg14[%swap3A_365, %swap3A_366, %swap3A_367] {strides = array<i32>} : memref<2x16x128xf32, #tpu.memory_space<vmem>>, vector<1x1x16xf32>,
          %swap3A_369 = vector.shape_cast %swap3A_368 : vector<1x1x16xf32> to vector<16xf32>
          %swap3A_370 = vector.shape_cast %parallel_loop3A_322#4 : vector<16xf32> to vector<1x1x16xf32>
          tpu.vector_store %arg14[%swap3A_365, %swap3A_366, %swap3A_367], %swap3A_370 {strides = array<i32>} : memref<2x16x128xf32, #tpu.memory_space<vmem>>, vector<1x1x16xf32>,
          %swap3A_371 = arith.index_cast %and3A_339 : i32 to index
          %swap3A_372 = arith.index_cast %and3A_341 : i32 to index
          %swap3A_373 = arith.constant 80 : index
          %swap3A_374 = tpu.vector_load %arg14[%swap3A_371, %swap3A_372, %swap3A_373] {strides = array<i32>} : memref<2x16x128xf32, #tpu.memory_space<vmem>>, vector<1x1x16xf32>,
          %swap3A_375 = vector.shape_cast %swap3A_374 : vector<1x1x16xf32> to vector<16xf32>
          %swap3A_376 = vector.shape_cast %parallel_loop3A_322#5 : vector<16xf32> to vector<1x1x16xf32>
          tpu.vector_store %arg14[%swap3A_371, %swap3A_372, %swap3A_373], %swap3A_376 {strides = array<i32>} : memref<2x16x128xf32, #tpu.memory_space<vmem>>, vector<1x1x16xf32>,
          %swap3A_377 = arith.index_cast %and3A_339 : i32 to index
          %swap3A_378 = arith.index_cast %and3A_341 : i32 to index
          %swap3A_379 = arith.constant 96 : index
          %swap3A_380 = tpu.vector_load %arg14[%swap3A_377, %swap3A_378, %swap3A_379] {strides = array<i32>} : memref<2x16x128xf32, #tpu.memory_space<vmem>>, vector<1x1x16xf32>,
          %swap3A_381 = vector.shape_cast %swap3A_380 : vector<1x1x16xf32> to vector<16xf32>
          %swap3A_382 = vector.shape_cast %parallel_loop3A_322#6 : vector<16xf32> to vector<1x1x16xf32>
          tpu.vector_store %arg14[%swap3A_377, %swap3A_378, %swap3A_379], %swap3A_382 {strides = array<i32>} : memref<2x16x128xf32, #tpu.memory_space<vmem>>, vector<1x1x16xf32>,
          %swap3A_383 = arith.index_cast %and3A_339 : i32 to index
          %swap3A_384 = arith.index_cast %and3A_341 : i32 to index
          %swap3A_385 = arith.constant 112 : index
          %swap3A_386 = tpu.vector_load %arg14[%swap3A_383, %swap3A_384, %swap3A_385] {strides = array<i32>} : memref<2x16x128xf32, #tpu.memory_space<vmem>>, vector<1x1x16xf32>,
          %swap3A_387 = vector.shape_cast %swap3A_386 : vector<1x1x16xf32> to vector<16xf32>
          %swap3A_388 = vector.shape_cast %parallel_loop3A_322#7 : vector<16xf32> to vector<1x1x16xf32>
          tpu.vector_store %arg14[%swap3A_383, %swap3A_384, %swap3A_385], %swap3A_388 {strides = array<i32>} : memref<2x16x128xf32, #tpu.memory_space<vmem>>, vector<1x1x16xf32>,
          %and3A_389 = arith.constant 15 : i32
          %and3A_390 = arith.andi %add3A_308, %and3A_389 : i32
          %eq3A_391 = arith.constant 15 : i32
          %eq3A_392 = arith.cmpi eq, %and3A_390, %eq3A_391 : i32
          %convert_element_type3A_393 = arith.extui %eq3A_392 : i1 to i32
          %cond3A_394 = arith.constant 0 : i32
          %cond3A_395 = arith.cmpi ne, %convert_element_type3A_393, %cond3A_394 : i32
          scf.if %cond3A_395 {
            %shift_right_logical3A_396 = arith.constant 4 : i32
            %shift_right_logical3A_397 = arith.shrui %add3A_308, %shift_right_logical3A_396 : i32
            %and3A_398 = arith.constant 1 : i32
            %and3A_399 = arith.andi %shift_right_logical3A_397, %and3A_398 : i32
            %ge3A = arith.constant 1 : i32
            %ge3A_400 = arith.cmpi sge, %shift_right_logical3A_397, %ge3A : i32
            %convert_element_type3A_401 = arith.extui %ge3A_400 : i1 to i32
            %cond3A_402 = arith.constant 0 : i32
            %cond3A_403 = arith.cmpi ne, %convert_element_type3A_401, %cond3A_402 : i32
            scf.if %cond3A_403 {
              %dma_wait3A_420 = arith.constant 0 : i32
              %dma_wait3A_421 = arith.constant 0 : i32
              %dma_wait3A_422 = arith.constant 0 : i32
              %dma_wait3A_423 = tpu.memref_slice %arg14[%dma_wait3A_420, %dma_wait3A_421, %dma_wait3A_422] : memref<2x16x128xf32, #tpu.memory_space<vmem>> -> memref<1x16x128xf32, #tpu.memory_space<vmem>>
              %dma_wait3A_424 = tpu.memref_squeeze %dma_wait3A_423 : memref<1x16x128xf32, #tpu.memory_space<vmem>> -> memref<16x128xf32, #tpu.memory_space<vmem>>
              %dma_wait3A_425 = arith.constant 0 : i32
              %dma_wait3A_426 = arith.constant 0 : i32
              %dma_wait3A_427 = tpu.memref_slice %arg6[%dma_wait3A_425, %dma_wait3A_426] : memref<50000x128xf32, #tpu.memory_space<hbm>> -> memref<16x128xf32, #tpu.memory_space<hbm>>
              %dma_wait3A_428 = arith.constant 0 : i32
              %dma_wait3A_429 = arith.constant 0 : i32
              %dma_wait3A_430 = tpu.memref_slice %arg6[%dma_wait3A_428, %dma_wait3A_429] : memref<50000x128xf32, #tpu.memory_space<hbm>> -> memref<16x128xf32, #tpu.memory_space<hbm>>
              %dma_wait3A_431 = arith.constant 0 : i32
              %dma_wait3A_432 = arith.constant 0 : i32
              %dma_wait3A_433 = tpu.memref_slice %arg14[%dma_wait3A_420, %dma_wait3A_431, %dma_wait3A_432] : memref<2x16x128xf32, #tpu.memory_space<vmem>> -> memref<1x16x128xf32, #tpu.memory_space<vmem>>
              %dma_wait3A_434 = tpu.memref_squeeze %dma_wait3A_433 : memref<1x16x128xf32, #tpu.memory_space<vmem>> -> memref<16x128xf32, #tpu.memory_space<vmem>>
              tpu.wait_dma2 semaphore(%arg22 : memref<!tpu.dma_semaphore, #tpu.memory_space<semaphore_mem>>) src(%dma_wait3A_434 : memref<16x128xf32, #tpu.memory_space<vmem>>) dst(%dma_wait3A_430 : memref<16x128xf32, #tpu.memory_space<hbm>>)
            } else {
            }
            %add3A_404 = arith.addi %multiple_of3A, %add3A_308 : i32
            %sub3A_405 = arith.constant 15 : i32
            %sub3A_406 = arith.subi %add3A_404, %sub3A_405 : i32
            %multiple_of3A_407 = tpu.assume_multiple %sub3A_406, 16 : i32
            %dma_start3A_408 = arith.constant 0 : i32
            %dma_start3A_409 = arith.constant 0 : i32
            %dma_start3A_410 = tpu.memref_slice %arg14[%and3A_399, %dma_start3A_408, %dma_start3A_409] : memref<2x16x128xf32, #tpu.memory_space<vmem>> -> memref<1x16x128xf32, #tpu.memory_space<vmem>>
            %dma_start3A_411 = tpu.memref_squeeze %dma_start3A_410 : memref<1x16x128xf32, #tpu.memory_space<vmem>> -> memref<16x128xf32, #tpu.memory_space<vmem>>
            %dma_start3A_412 = arith.constant 0 : i32
            %dma_start3A_413 = tpu.memref_slice %arg6[%multiple_of3A_407, %dma_start3A_412] : memref<50000x128xf32, #tpu.memory_space<hbm>> -> memref<16x128xf32, #tpu.memory_space<hbm>>
            %dma_start3A_414 = arith.constant 0 : i32
            %dma_start3A_415 = tpu.memref_slice %arg6[%multiple_of3A_407, %dma_start3A_414] : memref<50000x128xf32, #tpu.memory_space<hbm>> -> memref<16x128xf32, #tpu.memory_space<hbm>>
            %dma_start3A_416 = arith.constant 0 : i32
            %dma_start3A_417 = arith.constant 0 : i32
            %dma_start3A_418 = tpu.memref_slice %arg14[%and3A_399, %dma_start3A_416, %dma_start3A_417] : memref<2x16x128xf32, #tpu.memory_space<vmem>> -> memref<1x16x128xf32, #tpu.memory_space<vmem>>
            %dma_start3A_419 = tpu.memref_squeeze %dma_start3A_418 : memref<1x16x128xf32, #tpu.memory_space<vmem>> -> memref<16x128xf32, #tpu.memory_space<vmem>>
            tpu.enqueue_dma source(%dma_start3A_419 : memref<16x128xf32, #tpu.memory_space<vmem>>) target(%dma_start3A_415 : memref<16x128xf32, #tpu.memory_space<hbm>>) target_semaphore(%arg22 : memref<!tpu.dma_semaphore, #tpu.memory_space<semaphore_mem>>)
          } else {
          }
        } else {
        }
        %select_n3A_329 = arith.select %and3A_325, %broadcast_in_dim3A_37, %parallel_loop3A_322#0 : vector<16xf32>
        %select_n3A_330 = arith.select %and3A_325, %broadcast_in_dim3A_39, %parallel_loop3A_322#1 : vector<16xf32>
        %select_n3A_331 = arith.select %and3A_325, %broadcast_in_dim3A_41, %parallel_loop3A_322#2 : vector<16xf32>
        %select_n3A_332 = arith.select %and3A_325, %broadcast_in_dim3A_43, %parallel_loop3A_322#3 : vector<16xf32>
        %select_n3A_333 = arith.select %and3A_325, %broadcast_in_dim3A_45, %parallel_loop3A_322#4 : vector<16xf32>
        %select_n3A_334 = arith.select %and3A_325, %broadcast_in_dim3A_47, %parallel_loop3A_322#5 : vector<16xf32>
        %select_n3A_335 = arith.select %and3A_325, %broadcast_in_dim3A_49, %parallel_loop3A_322#6 : vector<16xf32>
        %select_n3A_336 = arith.select %and3A_325, %broadcast_in_dim3A_51, %parallel_loop3A_322#7 : vector<16xf32>
        scf.yield %select_n3A_329, %select_n3A_330, %select_n3A_331, %select_n3A_332, %select_n3A_333, %select_n3A_334, %select_n3A_335, %select_n3A_336, %squeeze3A_315 : vector<16xf32>, vector<16xf32>, vector<16xf32>, vector<16xf32>, vector<16xf32>, vector<16xf32>, vector<16xf32>, vector<16xf32>, i32
      }
      %while3A_296 = arith.constant 1 : i32
      %while3A_297:9 = scf.for %while3A_298 = %while3A_293 to %while3A_289 step %while3A_296 iter_args(%while3A_299 = %while3A_295#0, %while3A_300 = %while3A_295#1, %while3A_301 = %while3A_295#2, %while3A_302 = %while3A_295#3, %while3A_303 = %while3A_295#4, %while3A_304 = %while3A_295#5, %while3A_305 = %while3A_295#6, %while3A_306 = %while3A_295#7, %while3A_307 = %while3A_295#8) -> (vector<16xf32>, vector<16xf32>, vector<16xf32>, vector<16xf32>, vector<16xf32>, vector<16xf32>, vector<16xf32>, vector<16xf32>, i32)  : i32 {
        %add3A_308 = arith.addi %select_n3A_152, %while3A_298 : i32
        %add3A_309 = arith.constant 1 : i32
        %add3A_310 = arith.addi %add3A_308, %add3A_309 : i32
        %get3A_311 = arith.index_cast %add3A_310 : i32 to index
        %get3A_312 = tpu.vector_load %arg7[%get3A_311] {strides = array<i32>} : memref<1600xi32, #tpu.memory_space<vmem>>, vector<16xi32>,
        %get3A_313 = vector.shape_cast %get3A_312 : vector<16xi32> to vector<16xi32>
        %slice3A_314 = vector.extract_strided_slice %get3A_313 {offsets = [0], sizes = [1], strides = [1]} : vector<16xi32> to vector<1xi32>
        %squeeze3A_315 = vector.extract %slice3A_314[0] : i32 from vector<1xi32>
        %eq3A = arith.constant 0 : i32
        %eq3A_316 = arith.cmpi eq, %while3A_298, %eq3A : i32
        %sub3A_317 = arith.subi %while3A_307, %add3A_276 : i32
        %jit3A_318 = arith.constant 0 : i32
        %select_n3A_319 = arith.select %eq3A_316, %jit3A_318, %sub3A_317 : i32
        %min3A_320 = arith.minsi %squeeze3A_315, %add3A_282 : i32
        %sub3A_321 = arith.subi %min3A_320, %add3A_276 : i32
        %parallel_loop3A = arith.constant 1 : i32
        %parallel_loop3A_322:8 = scf.for %parallel_loop3A_337 = %select_n3A_319 to %sub3A_321 step %parallel_loop3A iter_args(%parallel_loop3A_338 = %while3A_299, %parallel_loop3A_339 = %while3A_300, %parallel_loop3A_340 = %while3A_301, %parallel_loop3A_341 = %while3A_302, %parallel_loop3A_342 = %while3A_303, %parallel_loop3A_343 = %while3A_304, %parallel_loop3A_344 = %while3A_305, %parallel_loop3A_345 = %while3A_306) -> (vector<16xf32>, vector<16xf32>, vector<16xf32>, vector<16xf32>, vector<16xf32>, vector<16xf32>, vector<16xf32>, vector<16xf32>)  : i32 {
          %parallel_loop3A_346 = arith.addi %sub3A_15, %parallel_loop3A_337 : i32
          %parallel_loop3A_347 = arith.index_cast %parallel_loop3A_346 : i32 to index
          %parallel_loop3A_348 = tpu.vector_load %arg11[%parallel_loop3A_347] {strides = array<i32>} : memref<464xf32, #tpu.memory_space<vmem>>, vector<16xf32>,
          %parallel_loop3A_349 = vector.shape_cast %parallel_loop3A_348 : vector<16xf32> to vector<16xf32>
          %parallel_loop3A_350 = vector.extract_strided_slice %parallel_loop3A_349 {offsets = [0], sizes = [1], strides = [1]} : vector<16xf32> to vector<1xf32>
          %parallel_loop3A_351 = vector.extract %parallel_loop3A_350[0] : f32 from vector<1xf32>
          %parallel_loop3A_352 = vector.broadcast %parallel_loop3A_351 : f32 to vector<16xf32>
          %parallel_loop3A_353 = arith.index_cast %parallel_loop3A_346 : i32 to index
          %parallel_loop3A_354 = arith.constant 0 : index
          %parallel_loop3A_355 = tpu.vector_load %arg13[%parallel_loop3A_353, %parallel_loop3A_354] {strides = array<i32>} : memref<448x128xf32, #tpu.memory_space<vmem>>, vector<1x16xf32>,
          %parallel_loop3A_356 = vector.shape_cast %parallel_loop3A_355 : vector<1x16xf32> to vector<16xf32>
          %parallel_loop3A_357 = arith.mulf %parallel_loop3A_352, %parallel_loop3A_356 : vector<16xf32>
          %parallel_loop3A_358 = arith.addf %parallel_loop3A_338, %parallel_loop3A_357 : vector<16xf32>
          %parallel_loop3A_359 = arith.index_cast %parallel_loop3A_346 : i32 to index
          %parallel_loop3A_360 = arith.constant 16 : index
          %parallel_loop3A_361 = tpu.vector_load %arg13[%parallel_loop3A_359, %parallel_loop3A_360] {strides = array<i32>} : memref<448x128xf32, #tpu.memory_space<vmem>>, vector<1x16xf32>,
          %parallel_loop3A_362 = vector.shape_cast %parallel_loop3A_361 : vector<1x16xf32> to vector<16xf32>
          %parallel_loop3A_363 = arith.mulf %parallel_loop3A_352, %parallel_loop3A_362 : vector<16xf32>
          %parallel_loop3A_364 = arith.addf %parallel_loop3A_339, %parallel_loop3A_363 : vector<16xf32>
          %parallel_loop3A_365 = arith.index_cast %parallel_loop3A_346 : i32 to index
          %parallel_loop3A_366 = arith.constant 32 : index
          %parallel_loop3A_367 = tpu.vector_load %arg13[%parallel_loop3A_365, %parallel_loop3A_366] {strides = array<i32>} : memref<448x128xf32, #tpu.memory_space<vmem>>, vector<1x16xf32>,
          %parallel_loop3A_368 = vector.shape_cast %parallel_loop3A_367 : vector<1x16xf32> to vector<16xf32>
          %parallel_loop3A_369 = arith.mulf %parallel_loop3A_352, %parallel_loop3A_368 : vector<16xf32>
          %parallel_loop3A_370 = arith.addf %parallel_loop3A_340, %parallel_loop3A_369 : vector<16xf32>
          %parallel_loop3A_371 = arith.index_cast %parallel_loop3A_346 : i32 to index
          %parallel_loop3A_372 = arith.constant 48 : index
          %parallel_loop3A_373 = tpu.vector_load %arg13[%parallel_loop3A_371, %parallel_loop3A_372] {strides = array<i32>} : memref<448x128xf32, #tpu.memory_space<vmem>>, vector<1x16xf32>,
          %parallel_loop3A_374 = vector.shape_cast %parallel_loop3A_373 : vector<1x16xf32> to vector<16xf32>
          %parallel_loop3A_375 = arith.mulf %parallel_loop3A_352, %parallel_loop3A_374 : vector<16xf32>
          %parallel_loop3A_376 = arith.addf %parallel_loop3A_341, %parallel_loop3A_375 : vector<16xf32>
          %parallel_loop3A_377 = arith.index_cast %parallel_loop3A_346 : i32 to index
          %parallel_loop3A_378 = arith.constant 64 : index
          %parallel_loop3A_379 = tpu.vector_load %arg13[%parallel_loop3A_377, %parallel_loop3A_378] {strides = array<i32>} : memref<448x128xf32, #tpu.memory_space<vmem>>, vector<1x16xf32>,
          %parallel_loop3A_380 = vector.shape_cast %parallel_loop3A_379 : vector<1x16xf32> to vector<16xf32>
          %parallel_loop3A_381 = arith.mulf %parallel_loop3A_352, %parallel_loop3A_380 : vector<16xf32>
          %parallel_loop3A_382 = arith.addf %parallel_loop3A_342, %parallel_loop3A_381 : vector<16xf32>
          %parallel_loop3A_383 = arith.index_cast %parallel_loop3A_346 : i32 to index
          %parallel_loop3A_384 = arith.constant 80 : index
          %parallel_loop3A_385 = tpu.vector_load %arg13[%parallel_loop3A_383, %parallel_loop3A_384] {strides = array<i32>} : memref<448x128xf32, #tpu.memory_space<vmem>>, vector<1x16xf32>,
          %parallel_loop3A_386 = vector.shape_cast %parallel_loop3A_385 : vector<1x16xf32> to vector<16xf32>
          %parallel_loop3A_387 = arith.mulf %parallel_loop3A_352, %parallel_loop3A_386 : vector<16xf32>
          %parallel_loop3A_388 = arith.addf %parallel_loop3A_343, %parallel_loop3A_387 : vector<16xf32>
          %parallel_loop3A_389 = arith.index_cast %parallel_loop3A_346 : i32 to index
          %parallel_loop3A_390 = arith.constant 96 : index
          %parallel_loop3A_391 = tpu.vector_load %arg13[%parallel_loop3A_389, %parallel_loop3A_390] {strides = array<i32>} : memref<448x128xf32, #tpu.memory_space<vmem>>, vector<1x16xf32>,
          %parallel_loop3A_392 = vector.shape_cast %parallel_loop3A_391 : vector<1x16xf32> to vector<16xf32>
          %parallel_loop3A_393 = arith.mulf %parallel_loop3A_352, %parallel_loop3A_392 : vector<16xf32>
          %parallel_loop3A_394 = arith.addf %parallel_loop3A_344, %parallel_loop3A_393 : vector<16xf32>
          %parallel_loop3A_395 = arith.index_cast %parallel_loop3A_346 : i32 to index
          %parallel_loop3A_396 = arith.constant 112 : index
          %parallel_loop3A_397 = tpu.vector_load %arg13[%parallel_loop3A_395, %parallel_loop3A_396] {strides = array<i32>} : memref<448x128xf32, #tpu.memory_space<vmem>>, vector<1x16xf32>,
          %parallel_loop3A_398 = vector.shape_cast %parallel_loop3A_397 : vector<1x16xf32> to vector<16xf32>
          %parallel_loop3A_399 = arith.mulf %parallel_loop3A_352, %parallel_loop3A_398 : vector<16xf32>
          %parallel_loop3A_400 = arith.addf %parallel_loop3A_345, %parallel_loop3A_399 : vector<16xf32>
          scf.yield %parallel_loop3A_358, %parallel_loop3A_364, %parallel_loop3A_370, %parallel_loop3A_376, %parallel_loop3A_382, %parallel_loop3A_388, %parallel_loop3A_394, %parallel_loop3A_400 : vector<16xf32>, vector<16xf32>, vector<16xf32>, vector<16xf32>, vector<16xf32>, vector<16xf32>, vector<16xf32>, vector<16xf32>
        } {sc.loop_unroll_factor = 4 : i64, sc.parallel_access}
        %le3A_323 = arith.cmpi sle, %squeeze3A_315, %add3A_282 : i32
        %lt3A_324 = arith.cmpi slt, %add3A_308, %min3A_4 : i32
        %and3A_325 = arith.andi %le3A_323, %lt3A_324 : i1
        %convert_element_type3A_326 = arith.extui %and3A_325 : i1 to i32
        %cond3A_327 = arith.constant 0 : i32
        %cond3A_328 = arith.cmpi ne, %convert_element_type3A_326, %cond3A_327 : i32
        scf.if %cond3A_328 {
          %shift_right_logical3A = arith.constant 4 : i32
          %shift_right_logical3A_337 = arith.shrui %add3A_308, %shift_right_logical3A : i32
          %and3A_338 = arith.constant 1 : i32
          %and3A_339 = arith.andi %shift_right_logical3A_337, %and3A_338 : i32
          %and3A_340 = arith.constant 15 : i32
          %and3A_341 = arith.andi %add3A_308, %and3A_340 : i32
          %swap3A = arith.index_cast %and3A_339 : i32 to index
          %swap3A_342 = arith.index_cast %and3A_341 : i32 to index
          %swap3A_343 = arith.constant 0 : index
          %swap3A_344 = tpu.vector_load %arg14[%swap3A, %swap3A_342, %swap3A_343] {strides = array<i32>} : memref<2x16x128xf32, #tpu.memory_space<vmem>>, vector<1x1x16xf32>,
          %swap3A_345 = vector.shape_cast %swap3A_344 : vector<1x1x16xf32> to vector<16xf32>
          %swap3A_346 = vector.shape_cast %parallel_loop3A_322#0 : vector<16xf32> to vector<1x1x16xf32>
          tpu.vector_store %arg14[%swap3A, %swap3A_342, %swap3A_343], %swap3A_346 {strides = array<i32>} : memref<2x16x128xf32, #tpu.memory_space<vmem>>, vector<1x1x16xf32>,
          %swap3A_347 = arith.index_cast %and3A_339 : i32 to index
          %swap3A_348 = arith.index_cast %and3A_341 : i32 to index
          %swap3A_349 = arith.constant 16 : index
          %swap3A_350 = tpu.vector_load %arg14[%swap3A_347, %swap3A_348, %swap3A_349] {strides = array<i32>} : memref<2x16x128xf32, #tpu.memory_space<vmem>>, vector<1x1x16xf32>,
          %swap3A_351 = vector.shape_cast %swap3A_350 : vector<1x1x16xf32> to vector<16xf32>
          %swap3A_352 = vector.shape_cast %parallel_loop3A_322#1 : vector<16xf32> to vector<1x1x16xf32>
          tpu.vector_store %arg14[%swap3A_347, %swap3A_348, %swap3A_349], %swap3A_352 {strides = array<i32>} : memref<2x16x128xf32, #tpu.memory_space<vmem>>, vector<1x1x16xf32>,
          %swap3A_353 = arith.index_cast %and3A_339 : i32 to index
          %swap3A_354 = arith.index_cast %and3A_341 : i32 to index
          %swap3A_355 = arith.constant 32 : index
          %swap3A_356 = tpu.vector_load %arg14[%swap3A_353, %swap3A_354, %swap3A_355] {strides = array<i32>} : memref<2x16x128xf32, #tpu.memory_space<vmem>>, vector<1x1x16xf32>,
          %swap3A_357 = vector.shape_cast %swap3A_356 : vector<1x1x16xf32> to vector<16xf32>
          %swap3A_358 = vector.shape_cast %parallel_loop3A_322#2 : vector<16xf32> to vector<1x1x16xf32>
          tpu.vector_store %arg14[%swap3A_353, %swap3A_354, %swap3A_355], %swap3A_358 {strides = array<i32>} : memref<2x16x128xf32, #tpu.memory_space<vmem>>, vector<1x1x16xf32>,
          %swap3A_359 = arith.index_cast %and3A_339 : i32 to index
          %swap3A_360 = arith.index_cast %and3A_341 : i32 to index
          %swap3A_361 = arith.constant 48 : index
          %swap3A_362 = tpu.vector_load %arg14[%swap3A_359, %swap3A_360, %swap3A_361] {strides = array<i32>} : memref<2x16x128xf32, #tpu.memory_space<vmem>>, vector<1x1x16xf32>,
          %swap3A_363 = vector.shape_cast %swap3A_362 : vector<1x1x16xf32> to vector<16xf32>
          %swap3A_364 = vector.shape_cast %parallel_loop3A_322#3 : vector<16xf32> to vector<1x1x16xf32>
          tpu.vector_store %arg14[%swap3A_359, %swap3A_360, %swap3A_361], %swap3A_364 {strides = array<i32>} : memref<2x16x128xf32, #tpu.memory_space<vmem>>, vector<1x1x16xf32>,
          %swap3A_365 = arith.index_cast %and3A_339 : i32 to index
          %swap3A_366 = arith.index_cast %and3A_341 : i32 to index
          %swap3A_367 = arith.constant 64 : index
          %swap3A_368 = tpu.vector_load %arg14[%swap3A_365, %swap3A_366, %swap3A_367] {strides = array<i32>} : memref<2x16x128xf32, #tpu.memory_space<vmem>>, vector<1x1x16xf32>,
          %swap3A_369 = vector.shape_cast %swap3A_368 : vector<1x1x16xf32> to vector<16xf32>
          %swap3A_370 = vector.shape_cast %parallel_loop3A_322#4 : vector<16xf32> to vector<1x1x16xf32>
          tpu.vector_store %arg14[%swap3A_365, %swap3A_366, %swap3A_367], %swap3A_370 {strides = array<i32>} : memref<2x16x128xf32, #tpu.memory_space<vmem>>, vector<1x1x16xf32>,
          %swap3A_371 = arith.index_cast %and3A_339 : i32 to index
          %swap3A_372 = arith.index_cast %and3A_341 : i32 to index
          %swap3A_373 = arith.constant 80 : index
          %swap3A_374 = tpu.vector_load %arg14[%swap3A_371, %swap3A_372, %swap3A_373] {strides = array<i32>} : memref<2x16x128xf32, #tpu.memory_space<vmem>>, vector<1x1x16xf32>,
          %swap3A_375 = vector.shape_cast %swap3A_374 : vector<1x1x16xf32> to vector<16xf32>
          %swap3A_376 = vector.shape_cast %parallel_loop3A_322#5 : vector<16xf32> to vector<1x1x16xf32>
          tpu.vector_store %arg14[%swap3A_371, %swap3A_372, %swap3A_373], %swap3A_376 {strides = array<i32>} : memref<2x16x128xf32, #tpu.memory_space<vmem>>, vector<1x1x16xf32>,
          %swap3A_377 = arith.index_cast %and3A_339 : i32 to index
          %swap3A_378 = arith.index_cast %and3A_341 : i32 to index
          %swap3A_379 = arith.constant 96 : index
          %swap3A_380 = tpu.vector_load %arg14[%swap3A_377, %swap3A_378, %swap3A_379] {strides = array<i32>} : memref<2x16x128xf32, #tpu.memory_space<vmem>>, vector<1x1x16xf32>,
          %swap3A_381 = vector.shape_cast %swap3A_380 : vector<1x1x16xf32> to vector<16xf32>
          %swap3A_382 = vector.shape_cast %parallel_loop3A_322#6 : vector<16xf32> to vector<1x1x16xf32>
          tpu.vector_store %arg14[%swap3A_377, %swap3A_378, %swap3A_379], %swap3A_382 {strides = array<i32>} : memref<2x16x128xf32, #tpu.memory_space<vmem>>, vector<1x1x16xf32>,
          %swap3A_383 = arith.index_cast %and3A_339 : i32 to index
          %swap3A_384 = arith.index_cast %and3A_341 : i32 to index
          %swap3A_385 = arith.constant 112 : index
          %swap3A_386 = tpu.vector_load %arg14[%swap3A_383, %swap3A_384, %swap3A_385] {strides = array<i32>} : memref<2x16x128xf32, #tpu.memory_space<vmem>>, vector<1x1x16xf32>,
          %swap3A_387 = vector.shape_cast %swap3A_386 : vector<1x1x16xf32> to vector<16xf32>
          %swap3A_388 = vector.shape_cast %parallel_loop3A_322#7 : vector<16xf32> to vector<1x1x16xf32>
          tpu.vector_store %arg14[%swap3A_383, %swap3A_384, %swap3A_385], %swap3A_388 {strides = array<i32>} : memref<2x16x128xf32, #tpu.memory_space<vmem>>, vector<1x1x16xf32>,
          %and3A_389 = arith.constant 15 : i32
          %and3A_390 = arith.andi %add3A_308, %and3A_389 : i32
          %eq3A_391 = arith.constant 15 : i32
          %eq3A_392 = arith.cmpi eq, %and3A_390, %eq3A_391 : i32
          %convert_element_type3A_393 = arith.extui %eq3A_392 : i1 to i32
          %cond3A_394 = arith.constant 0 : i32
          %cond3A_395 = arith.cmpi ne, %convert_element_type3A_393, %cond3A_394 : i32
          scf.if %cond3A_395 {
            %shift_right_logical3A_396 = arith.constant 4 : i32
            %shift_right_logical3A_397 = arith.shrui %add3A_308, %shift_right_logical3A_396 : i32
            %and3A_398 = arith.constant 1 : i32
            %and3A_399 = arith.andi %shift_right_logical3A_397, %and3A_398 : i32
            %ge3A = arith.constant 1 : i32
            %ge3A_400 = arith.cmpi sge, %shift_right_logical3A_397, %ge3A : i32
            %convert_element_type3A_401 = arith.extui %ge3A_400 : i1 to i32
            %cond3A_402 = arith.constant 0 : i32
            %cond3A_403 = arith.cmpi ne, %convert_element_type3A_401, %cond3A_402 : i32
            scf.if %cond3A_403 {
              %dma_wait3A_420 = arith.constant 0 : i32
              %dma_wait3A_421 = arith.constant 0 : i32
              %dma_wait3A_422 = arith.constant 0 : i32
              %dma_wait3A_423 = tpu.memref_slice %arg14[%dma_wait3A_420, %dma_wait3A_421, %dma_wait3A_422] : memref<2x16x128xf32, #tpu.memory_space<vmem>> -> memref<1x16x128xf32, #tpu.memory_space<vmem>>
              %dma_wait3A_424 = tpu.memref_squeeze %dma_wait3A_423 : memref<1x16x128xf32, #tpu.memory_space<vmem>> -> memref<16x128xf32, #tpu.memory_space<vmem>>
              %dma_wait3A_425 = arith.constant 0 : i32
              %dma_wait3A_426 = arith.constant 0 : i32
              %dma_wait3A_427 = tpu.memref_slice %arg6[%dma_wait3A_425, %dma_wait3A_426] : memref<50000x128xf32, #tpu.memory_space<hbm>> -> memref<16x128xf32, #tpu.memory_space<hbm>>
              %dma_wait3A_428 = arith.constant 0 : i32
              %dma_wait3A_429 = arith.constant 0 : i32
              %dma_wait3A_430 = tpu.memref_slice %arg6[%dma_wait3A_428, %dma_wait3A_429] : memref<50000x128xf32, #tpu.memory_space<hbm>> -> memref<16x128xf32, #tpu.memory_space<hbm>>
              %dma_wait3A_431 = arith.constant 0 : i32
              %dma_wait3A_432 = arith.constant 0 : i32
              %dma_wait3A_433 = tpu.memref_slice %arg14[%dma_wait3A_420, %dma_wait3A_431, %dma_wait3A_432] : memref<2x16x128xf32, #tpu.memory_space<vmem>> -> memref<1x16x128xf32, #tpu.memory_space<vmem>>
              %dma_wait3A_434 = tpu.memref_squeeze %dma_wait3A_433 : memref<1x16x128xf32, #tpu.memory_space<vmem>> -> memref<16x128xf32, #tpu.memory_space<vmem>>
              tpu.wait_dma2 semaphore(%arg22 : memref<!tpu.dma_semaphore, #tpu.memory_space<semaphore_mem>>) src(%dma_wait3A_434 : memref<16x128xf32, #tpu.memory_space<vmem>>) dst(%dma_wait3A_430 : memref<16x128xf32, #tpu.memory_space<hbm>>)
            } else {
            }
            %add3A_404 = arith.addi %multiple_of3A, %add3A_308 : i32
            %sub3A_405 = arith.constant 15 : i32
            %sub3A_406 = arith.subi %add3A_404, %sub3A_405 : i32
            %multiple_of3A_407 = tpu.assume_multiple %sub3A_406, 16 : i32
            %dma_start3A_408 = arith.constant 0 : i32
            %dma_start3A_409 = arith.constant 0 : i32
            %dma_start3A_410 = tpu.memref_slice %arg14[%and3A_399, %dma_start3A_408, %dma_start3A_409] : memref<2x16x128xf32, #tpu.memory_space<vmem>> -> memref<1x16x128xf32, #tpu.memory_space<vmem>>
            %dma_start3A_411 = tpu.memref_squeeze %dma_start3A_410 : memref<1x16x128xf32, #tpu.memory_space<vmem>> -> memref<16x128xf32, #tpu.memory_space<vmem>>
            %dma_start3A_412 = arith.constant 0 : i32
            %dma_start3A_413 = tpu.memref_slice %arg6[%multiple_of3A_407, %dma_start3A_412] : memref<50000x128xf32, #tpu.memory_space<hbm>> -> memref<16x128xf32, #tpu.memory_space<hbm>>
            %dma_start3A_414 = arith.constant 0 : i32
            %dma_start3A_415 = tpu.memref_slice %arg6[%multiple_of3A_407, %dma_start3A_414] : memref<50000x128xf32, #tpu.memory_space<hbm>> -> memref<16x128xf32, #tpu.memory_space<hbm>>
            %dma_start3A_416 = arith.constant 0 : i32
            %dma_start3A_417 = arith.constant 0 : i32
            %dma_start3A_418 = tpu.memref_slice %arg14[%and3A_399, %dma_start3A_416, %dma_start3A_417] : memref<2x16x128xf32, #tpu.memory_space<vmem>> -> memref<1x16x128xf32, #tpu.memory_space<vmem>>
            %dma_start3A_419 = tpu.memref_squeeze %dma_start3A_418 : memref<1x16x128xf32, #tpu.memory_space<vmem>> -> memref<16x128xf32, #tpu.memory_space<vmem>>
            tpu.enqueue_dma source(%dma_start3A_419 : memref<16x128xf32, #tpu.memory_space<vmem>>) target(%dma_start3A_415 : memref<16x128xf32, #tpu.memory_space<hbm>>) target_semaphore(%arg22 : memref<!tpu.dma_semaphore, #tpu.memory_space<semaphore_mem>>)
          } else {
          }
        } else {
        }
        %select_n3A_329 = arith.select %and3A_325, %broadcast_in_dim3A_37, %parallel_loop3A_322#0 : vector<16xf32>
        %select_n3A_330 = arith.select %and3A_325, %broadcast_in_dim3A_39, %parallel_loop3A_322#1 : vector<16xf32>
        %select_n3A_331 = arith.select %and3A_325, %broadcast_in_dim3A_41, %parallel_loop3A_322#2 : vector<16xf32>
        %select_n3A_332 = arith.select %and3A_325, %broadcast_in_dim3A_43, %parallel_loop3A_322#3 : vector<16xf32>
        %select_n3A_333 = arith.select %and3A_325, %broadcast_in_dim3A_45, %parallel_loop3A_322#4 : vector<16xf32>
        %select_n3A_334 = arith.select %and3A_325, %broadcast_in_dim3A_47, %parallel_loop3A_322#5 : vector<16xf32>
        %select_n3A_335 = arith.select %and3A_325, %broadcast_in_dim3A_49, %parallel_loop3A_322#6 : vector<16xf32>
        %select_n3A_336 = arith.select %and3A_325, %broadcast_in_dim3A_51, %parallel_loop3A_322#7 : vector<16xf32>
        scf.yield %select_n3A_329, %select_n3A_330, %select_n3A_331, %select_n3A_332, %select_n3A_333, %select_n3A_334, %select_n3A_335, %select_n3A_336, %squeeze3A_315 : vector<16xf32>, vector<16xf32>, vector<16xf32>, vector<16xf32>, vector<16xf32>, vector<16xf32>, vector<16xf32>, vector<16xf32>, i32
      }
      scf.yield %select_n3A_269, %while3A_297#0, %while3A_297#1, %while3A_297#2, %while3A_297#3, %while3A_297#4, %while3A_297#5, %while3A_297#6, %while3A_297#7 : i32, vector<16xf32>, vector<16xf32>, vector<16xf32>, vector<16xf32>, vector<16xf32>, vector<16xf32>, vector<16xf32>, vector<16xf32>
    }
    %while3A_89 = arith.constant 1 : i32
    %while3A_90:9 = scf.for %while3A_116 = %while3A_86 to %while3A_82 step %while3A_89 iter_args(%while3A_117 = %while3A_88#0, %while3A_118 = %while3A_88#1, %while3A_119 = %while3A_88#2, %while3A_120 = %while3A_88#3, %while3A_121 = %while3A_88#4, %while3A_122 = %while3A_88#5, %while3A_123 = %while3A_88#6, %while3A_124 = %while3A_88#7, %while3A_125 = %while3A_88#8) -> (i32, vector<16xf32>, vector<16xf32>, vector<16xf32>, vector<16xf32>, vector<16xf32>, vector<16xf32>, vector<16xf32>, vector<16xf32>)  : i32 {
      %mul3A_126 = arith.constant 2 : i32
      %mul3A_127 = arith.muli %mul3A_126, %while3A_116 : i32
      %add3A_128 = arith.constant 1 : i32
      %add3A_129 = arith.addi %mul3A_127, %add3A_128 : i32
      %mul3A_130 = arith.constant 432 : i32
      %mul3A_131 = arith.muli %mul3A_127, %mul3A_130 : i32
      %add3A_132 = arith.addi %squeeze3A, %mul3A_131 : i32
      %sub3A_133 = arith.subi %squeeze3A_13, %add3A_132 : i32
      %jit3A_134 = arith.constant 0 : i32
      %jit3A_135 = arith.constant 432 : i32
      %max3A = arith.maxsi %jit3A_134, %sub3A_133 : i32
      %min3A_136 = arith.minsi %jit3A_135, %max3A : i32
      %add3A_137 = arith.addi %add3A_132, %min3A_136 : i32
      %scan3A = arith.constant 0 : i32
      %scan3A_138 = arith.constant 11 : i32
      %scan3A_139 = arith.addi %scan3A, %scan3A_138 : i32
      %scan3A_140 = arith.constant 1 : i32
      %scan3A_141:2 = scf.for %scan3A_298 = %scan3A to %scan3A_139 step %scan3A_140 iter_args(%scan3A_299 = %while3A_117, %scan3A_300 = %min3A_4) -> (i32, i32)  : i32 {
        %add3A_301 = arith.addi %scan3A_299, %scan3A_300 : i32
        %jit3A_302 = arith.constant 2 : i32
        %div3A_303 = arith.divsi %add3A_301, %jit3A_302 : i32
        %sign3A_304 = arith.constant 0 : i32
        %sign3A_305 = arith.cmpi sgt, %add3A_301, %sign3A_304 : i32
        %sign3A_306 = arith.extui %sign3A_305 : i1 to i32
        %sign3A_307 = arith.constant 0 : i32
        %sign3A_308 = arith.cmpi slt, %add3A_301, %sign3A_307 : i32
        %sign3A_309 = arith.extui %sign3A_308 : i1 to i32
        %sign3A_310 = arith.subi %sign3A_306, %sign3A_309 : i32
        %sign3A_311 = arith.constant 0 : i32
        %sign3A_312 = arith.cmpi sgt, %jit3A_302, %sign3A_311 : i32
        %sign3A_313 = arith.extui %sign3A_312 : i1 to i32
        %sign3A_314 = arith.constant 0 : i32
        %sign3A_315 = arith.cmpi slt, %jit3A_302, %sign3A_314 : i32
        %sign3A_316 = arith.extui %sign3A_315 : i1 to i32
        %sign3A_317 = arith.subi %sign3A_313, %sign3A_316 : i32
        %ne3A_318 = arith.cmpi ne, %sign3A_310, %sign3A_317 : i32
        %rem3A_319 = arith.remsi %add3A_301, %jit3A_302 : i32
        %ne3A_320 = arith.constant 0 : i32
        %ne3A_321 = arith.cmpi ne, %rem3A_319, %ne3A_320 : i32
        %and3A_322 = arith.andi %ne3A_318, %ne3A_321 : i1
        %sub3A_323 = arith.constant 1 : i32
        %sub3A_324 = arith.subi %div3A_303, %sub3A_323 : i32
        %select_n3A_325 = arith.select %and3A_322, %sub3A_324, %div3A_303 : i32
        %get3A_326 = arith.index_cast %select_n3A_325 : i32 to index
        %get3A_327 = tpu.vector_load %arg7[%get3A_326] {strides = array<i32>} : memref<1600xi32, #tpu.memory_space<vmem>>, vector<16xi32>,
        %get3A_328 = vector.shape_cast %get3A_327 : vector<16xi32> to vector<16xi32>
        %slice3A_329 = vector.extract_strided_slice %get3A_328 {offsets = [0], sizes = [1], strides = [1]} : vector<16xi32> to vector<1xi32>
        %squeeze3A_330 = vector.extract %slice3A_329[0] : i32 from vector<1xi32>
        %sub3A_331 = arith.constant 1 : i32
        %sub3A_332 = arith.subi %add3A_137, %sub3A_331 : i32
        %le3A_333 = arith.cmpi sle, %squeeze3A_330, %sub3A_332 : i32
        %select_n3A_334 = arith.select %le3A_333, %select_n3A_325, %scan3A_299 : i32
        %select_n3A_335 = arith.select %le3A_333, %scan3A_300, %select_n3A_325 : i32
        scf.yield %select_n3A_334, %select_n3A_335 : i32, i32
      }
      %scan3A_142 = arith.constant 11 : i32
      %add3A_143 = arith.constant 1 : i32
      %add3A_144 = arith.addi %scan3A_141#0, %add3A_143 : i32
      %get3A_145 = arith.index_cast %add3A_144 : i32 to index
      %get3A_146 = tpu.vector_load %arg7[%get3A_145] {strides = array<i32>} : memref<1600xi32, #tpu.memory_space<vmem>>, vector<16xi32>,
      %get3A_147 = vector.shape_cast %get3A_146 : vector<16xi32> to vector<16xi32>
      %slice3A_148 = vector.extract_strided_slice %get3A_147 {offsets = [0], sizes = [1], strides = [1]} : vector<16xi32> to vector<1xi32>
      %squeeze3A_149 = vector.extract %slice3A_148[0] : i32 from vector<1xi32>
      %le3A = arith.cmpi sle, %squeeze3A_149, %add3A_137 : i32
      %add3A_150 = arith.constant 1 : i32
      %add3A_151 = arith.addi %scan3A_141#0, %add3A_150 : i32
      %select_n3A_152 = arith.select %le3A, %add3A_151, %scan3A_141#0 : i32
      %lt3A = arith.cmpi slt, %add3A_129, %select_n3A : i32
      %convert_element_type3A_153 = arith.extui %lt3A : i1 to i32
      %cond3A_154 = arith.constant 0 : i32
      %cond3A_155 = arith.cmpi ne, %convert_element_type3A_153, %cond3A_154 : i32
      scf.if %cond3A_155 {
        %mul3A_298 = arith.constant 432 : i32
        %mul3A_299 = arith.muli %add3A_129, %mul3A_298 : i32
        %add3A_300 = arith.addi %and3A_14, %mul3A_299 : i32
        %multiple_of3A_301 = tpu.assume_multiple %add3A_300, 8 : i32
        %dma_start3A_302 = tpu.memref_slice %arg2[%multiple_of3A_301] : memref<800896xi32, #tpu.memory_space<hbm>> -> memref<448xi32, #tpu.memory_space<hbm>>
        %dma_start3A_303 = tpu.memref_slice %arg2[%multiple_of3A_301] : memref<800896xi32, #tpu.memory_space<hbm>> -> memref<448xi32, #tpu.memory_space<hbm>>
        tpu.enqueue_dma source(%dma_start3A_303 : memref<448xi32, #tpu.memory_space<hbm>>) target(%arg9 : memref<448xi32, #tpu.memory_space<vmem>>) target_semaphore(%arg17 : memref<!tpu.dma_semaphore, #tpu.memory_space<semaphore_mem>>)
        %dma_wait3A_304 = arith.constant 0 : i32
        %dma_wait3A_305 = tpu.memref_slice %arg2[%dma_wait3A_304] : memref<800896xi32, #tpu.memory_space<hbm>> -> memref<448xi32, #tpu.memory_space<hbm>>
        %dma_wait3A_306 = arith.constant 0 : i32
        %dma_wait3A_307 = tpu.memref_slice %arg2[%dma_wait3A_306] : memref<800896xi32, #tpu.memory_space<hbm>> -> memref<448xi32, #tpu.memory_space<hbm>>
        tpu.wait_dma2 semaphore(%arg17 : memref<!tpu.dma_semaphore, #tpu.memory_space<semaphore_mem>>) src(%dma_wait3A_307 : memref<448xi32, #tpu.memory_space<hbm>>) dst(%arg9 : memref<448xi32, #tpu.memory_space<vmem>>)
        %dma_start3A_308 = arith.constant 0 : i32
        %dma_start3A_309 = arith.constant 0 : i32
        %dma_start3A_310 = tpu.memref_slice %arg13[%dma_start3A_308, %dma_start3A_309] : memref<448x128xf32, #tpu.memory_space<vmem>> -> memref<128x128xf32, #tpu.memory_space<vmem>>
        %dma_start3A_311 = arith.constant 0 : i32
        %dma_start3A_312 = tpu.memref_slice %arg9[%dma_start3A_311] : memref<448xi32, #tpu.memory_space<vmem>> -> memref<128xi32, #tpu.memory_space<vmem>>
        %dma_start3A_313 = arith.constant 0 : i32
        %dma_start3A_314 = arith.constant 0 : i32
        %dma_start3A_315 = tpu.memref_slice %arg5[%dma_start3A_313, %dma_start3A_314] : memref<100000x128xf32, #tpu.memory_space<hbm>> -> memref<100000x128xf32, #tpu.memory_space<hbm>>
        tpu.enqueue_indirect_dma source(%dma_start3A_315 : memref<100000x128xf32, #tpu.memory_space<hbm>>) target(%dma_start3A_310 : memref<128x128xf32, #tpu.memory_space<vmem>>) offsets(%dma_start3A_312 : memref<128xi32, #tpu.memory_space<vmem>>) semaphore(%arg19 : memref<!tpu.dma_semaphore, #tpu.memory_space<semaphore_mem>>)
        %dma_start3A_316 = arith.constant 128 : i32
        %dma_start3A_317 = arith.constant 0 : i32
        %dma_start3A_318 = tpu.memref_slice %arg13[%dma_start3A_316, %dma_start3A_317] : memref<448x128xf32, #tpu.memory_space<vmem>> -> memref<128x128xf32, #tpu.memory_space<vmem>>
        %dma_start3A_319 = arith.constant 128 : i32
        %dma_start3A_320 = tpu.memref_slice %arg9[%dma_start3A_319] : memref<448xi32, #tpu.memory_space<vmem>> -> memref<128xi32, #tpu.memory_space<vmem>>
        %dma_start3A_321 = arith.constant 0 : i32
        %dma_start3A_322 = arith.constant 0 : i32
        %dma_start3A_323 = tpu.memref_slice %arg5[%dma_start3A_321, %dma_start3A_322] : memref<100000x128xf32, #tpu.memory_space<hbm>> -> memref<100000x128xf32, #tpu.memory_space<hbm>>
        tpu.enqueue_indirect_dma source(%dma_start3A_323 : memref<100000x128xf32, #tpu.memory_space<hbm>>) target(%dma_start3A_318 : memref<128x128xf32, #tpu.memory_space<vmem>>) offsets(%dma_start3A_320 : memref<128xi32, #tpu.memory_space<vmem>>) semaphore(%arg19 : memref<!tpu.dma_semaphore, #tpu.memory_space<semaphore_mem>>)
        %dma_start3A_324 = arith.constant 256 : i32
        %dma_start3A_325 = arith.constant 0 : i32
        %dma_start3A_326 = tpu.memref_slice %arg13[%dma_start3A_324, %dma_start3A_325] : memref<448x128xf32, #tpu.memory_space<vmem>> -> memref<128x128xf32, #tpu.memory_space<vmem>>
        %dma_start3A_327 = arith.constant 256 : i32
        %dma_start3A_328 = tpu.memref_slice %arg9[%dma_start3A_327] : memref<448xi32, #tpu.memory_space<vmem>> -> memref<128xi32, #tpu.memory_space<vmem>>
        %dma_start3A_329 = arith.constant 0 : i32
        %dma_start3A_330 = arith.constant 0 : i32
        %dma_start3A_331 = tpu.memref_slice %arg5[%dma_start3A_329, %dma_start3A_330] : memref<100000x128xf32, #tpu.memory_space<hbm>> -> memref<100000x128xf32, #tpu.memory_space<hbm>>
        tpu.enqueue_indirect_dma source(%dma_start3A_331 : memref<100000x128xf32, #tpu.memory_space<hbm>>) target(%dma_start3A_326 : memref<128x128xf32, #tpu.memory_space<vmem>>) offsets(%dma_start3A_328 : memref<128xi32, #tpu.memory_space<vmem>>) semaphore(%arg19 : memref<!tpu.dma_semaphore, #tpu.memory_space<semaphore_mem>>)
        %dma_start3A_332 = arith.constant 384 : i32
        %dma_start3A_333 = arith.constant 0 : i32
        %dma_start3A_334 = tpu.memref_slice %arg13[%dma_start3A_332, %dma_start3A_333] : memref<448x128xf32, #tpu.memory_space<vmem>> -> memref<64x128xf32, #tpu.memory_space<vmem>>
        %dma_start3A_335 = arith.constant 384 : i32
        %dma_start3A_336 = tpu.memref_slice %arg9[%dma_start3A_335] : memref<448xi32, #tpu.memory_space<vmem>> -> memref<64xi32, #tpu.memory_space<vmem>>
        %dma_start3A_337 = arith.constant 0 : i32
        %dma_start3A_338 = arith.constant 0 : i32
        %dma_start3A_339 = tpu.memref_slice %arg5[%dma_start3A_337, %dma_start3A_338] : memref<100000x128xf32, #tpu.memory_space<hbm>> -> memref<100000x128xf32, #tpu.memory_space<hbm>>
        tpu.enqueue_indirect_dma source(%dma_start3A_339 : memref<100000x128xf32, #tpu.memory_space<hbm>>) target(%dma_start3A_334 : memref<64x128xf32, #tpu.memory_space<vmem>>) offsets(%dma_start3A_336 : memref<64xi32, #tpu.memory_space<vmem>>) semaphore(%arg19 : memref<!tpu.dma_semaphore, #tpu.memory_space<semaphore_mem>>)
        %mul3A_340 = arith.constant 432 : i32
        %mul3A_341 = arith.muli %add3A_129, %mul3A_340 : i32
        %add3A_342 = arith.addi %and3A_14, %mul3A_341 : i32
        %multiple_of3A_343 = tpu.assume_multiple %add3A_342, 8 : i32
        %dma_start3A_344 = tpu.memref_slice %arg4[%multiple_of3A_343] : memref<800896xf32, #tpu.memory_space<hbm>> -> memref<464xf32, #tpu.memory_space<hbm>>
        %dma_start3A_345 = tpu.memref_slice %arg4[%multiple_of3A_343] : memref<800896xf32, #tpu.memory_space<hbm>> -> memref<464xf32, #tpu.memory_space<hbm>>
        tpu.enqueue_dma source(%dma_start3A_345 : memref<464xf32, #tpu.memory_space<hbm>>) target(%arg11 : memref<464xf32, #tpu.memory_space<vmem>>) target_semaphore(%arg21 : memref<!tpu.dma_semaphore, #tpu.memory_space<semaphore_mem>>)
      } else {
      }
      %dma_wait3A_156 = arith.constant 0 : i32
      %dma_wait3A_157 = arith.constant 0 : i32
      %dma_wait3A_158 = tpu.memref_slice %arg12[%dma_wait3A_156, %dma_wait3A_157] : memref<448x128xf32, #tpu.memory_space<vmem>> -> memref<128x128xf32, #tpu.memory_space<vmem>>
      %dma_wait3A_159 = arith.constant 0 : i32
      %dma_wait3A_160 = arith.constant 0 : i32
      %dma_wait3A_161 = tpu.memref_slice %arg5[%dma_wait3A_159, %dma_wait3A_160] : memref<100000x128xf32, #tpu.memory_space<hbm>> -> memref<128x128xf32, #tpu.memory_space<hbm>>
      %dma_wait3A_162 = arith.constant 0 : i32
      %dma_wait3A_163 = arith.constant 0 : i32
      %dma_wait3A_164 = tpu.memref_slice %arg12[%dma_wait3A_162, %dma_wait3A_163] : memref<448x128xf32, #tpu.memory_space<vmem>> -> memref<128x128xf32, #tpu.memory_space<vmem>>
      %dma_wait3A_165 = arith.constant 0 : i32
      %dma_wait3A_166 = arith.constant 0 : i32
      %dma_wait3A_167 = tpu.memref_slice %arg5[%dma_wait3A_165, %dma_wait3A_166] : memref<100000x128xf32, #tpu.memory_space<hbm>> -> memref<128x128xf32, #tpu.memory_space<hbm>>
      tpu.wait_dma2 semaphore(%arg18 : memref<!tpu.dma_semaphore, #tpu.memory_space<semaphore_mem>>) src(%dma_wait3A_167 : memref<128x128xf32, #tpu.memory_space<hbm>>) dst(%dma_wait3A_164 : memref<128x128xf32, #tpu.memory_space<vmem>>)
      %dma_wait3A_168 = arith.constant 128 : i32
      %dma_wait3A_169 = arith.constant 0 : i32
      %dma_wait3A_170 = tpu.memref_slice %arg12[%dma_wait3A_168, %dma_wait3A_169] : memref<448x128xf32, #tpu.memory_space<vmem>> -> memref<128x128xf32, #tpu.memory_space<vmem>>
      %dma_wait3A_171 = arith.constant 0 : i32
      %dma_wait3A_172 = arith.constant 0 : i32
      %dma_wait3A_173 = tpu.memref_slice %arg5[%dma_wait3A_171, %dma_wait3A_172] : memref<100000x128xf32, #tpu.memory_space<hbm>> -> memref<128x128xf32, #tpu.memory_space<hbm>>
      %dma_wait3A_174 = arith.constant 128 : i32
      %dma_wait3A_175 = arith.constant 0 : i32
      %dma_wait3A_176 = tpu.memref_slice %arg12[%dma_wait3A_174, %dma_wait3A_175] : memref<448x128xf32, #tpu.memory_space<vmem>> -> memref<128x128xf32, #tpu.memory_space<vmem>>
      %dma_wait3A_177 = arith.constant 0 : i32
      %dma_wait3A_178 = arith.constant 0 : i32
      %dma_wait3A_179 = tpu.memref_slice %arg5[%dma_wait3A_177, %dma_wait3A_178] : memref<100000x128xf32, #tpu.memory_space<hbm>> -> memref<128x128xf32, #tpu.memory_space<hbm>>
      tpu.wait_dma2 semaphore(%arg18 : memref<!tpu.dma_semaphore, #tpu.memory_space<semaphore_mem>>) src(%dma_wait3A_179 : memref<128x128xf32, #tpu.memory_space<hbm>>) dst(%dma_wait3A_176 : memref<128x128xf32, #tpu.memory_space<vmem>>)
      %dma_wait3A_180 = arith.constant 256 : i32
      %dma_wait3A_181 = arith.constant 0 : i32
      %dma_wait3A_182 = tpu.memref_slice %arg12[%dma_wait3A_180, %dma_wait3A_181] : memref<448x128xf32, #tpu.memory_space<vmem>> -> memref<128x128xf32, #tpu.memory_space<vmem>>
      %dma_wait3A_183 = arith.constant 0 : i32
      %dma_wait3A_184 = arith.constant 0 : i32
      %dma_wait3A_185 = tpu.memref_slice %arg5[%dma_wait3A_183, %dma_wait3A_184] : memref<100000x128xf32, #tpu.memory_space<hbm>> -> memref<128x128xf32, #tpu.memory_space<hbm>>
      %dma_wait3A_186 = arith.constant 256 : i32
      %dma_wait3A_187 = arith.constant 0 : i32
      %dma_wait3A_188 = tpu.memref_slice %arg12[%dma_wait3A_186, %dma_wait3A_187] : memref<448x128xf32, #tpu.memory_space<vmem>> -> memref<128x128xf32, #tpu.memory_space<vmem>>
      %dma_wait3A_189 = arith.constant 0 : i32
      %dma_wait3A_190 = arith.constant 0 : i32
      %dma_wait3A_191 = tpu.memref_slice %arg5[%dma_wait3A_189, %dma_wait3A_190] : memref<100000x128xf32, #tpu.memory_space<hbm>> -> memref<128x128xf32, #tpu.memory_space<hbm>>
      tpu.wait_dma2 semaphore(%arg18 : memref<!tpu.dma_semaphore, #tpu.memory_space<semaphore_mem>>) src(%dma_wait3A_191 : memref<128x128xf32, #tpu.memory_space<hbm>>) dst(%dma_wait3A_188 : memref<128x128xf32, #tpu.memory_space<vmem>>)
      %dma_wait3A_192 = arith.constant 384 : i32
      %dma_wait3A_193 = arith.constant 0 : i32
      %dma_wait3A_194 = tpu.memref_slice %arg12[%dma_wait3A_192, %dma_wait3A_193] : memref<448x128xf32, #tpu.memory_space<vmem>> -> memref<64x128xf32, #tpu.memory_space<vmem>>
      %dma_wait3A_195 = arith.constant 0 : i32
      %dma_wait3A_196 = arith.constant 0 : i32
      %dma_wait3A_197 = tpu.memref_slice %arg5[%dma_wait3A_195, %dma_wait3A_196] : memref<100000x128xf32, #tpu.memory_space<hbm>> -> memref<64x128xf32, #tpu.memory_space<hbm>>
      %dma_wait3A_198 = arith.constant 384 : i32
      %dma_wait3A_199 = arith.constant 0 : i32
      %dma_wait3A_200 = tpu.memref_slice %arg12[%dma_wait3A_198, %dma_wait3A_199] : memref<448x128xf32, #tpu.memory_space<vmem>> -> memref<64x128xf32, #tpu.memory_space<vmem>>
      %dma_wait3A_201 = arith.constant 0 : i32
      %dma_wait3A_202 = arith.constant 0 : i32
      %dma_wait3A_203 = tpu.memref_slice %arg5[%dma_wait3A_201, %dma_wait3A_202] : memref<100000x128xf32, #tpu.memory_space<hbm>> -> memref<64x128xf32, #tpu.memory_space<hbm>>
      tpu.wait_dma2 semaphore(%arg18 : memref<!tpu.dma_semaphore, #tpu.memory_space<semaphore_mem>>) src(%dma_wait3A_203 : memref<64x128xf32, #tpu.memory_space<hbm>>) dst(%dma_wait3A_200 : memref<64x128xf32, #tpu.memory_space<vmem>>)
      %dma_wait3A_204 = arith.constant 0 : i32
      %dma_wait3A_205 = tpu.memref_slice %arg4[%dma_wait3A_204] : memref<800896xf32, #tpu.memory_space<hbm>> -> memref<464xf32, #tpu.memory_space<hbm>>
      %dma_wait3A_206 = arith.constant 0 : i32
      %dma_wait3A_207 = tpu.memref_slice %arg4[%dma_wait3A_206] : memref<800896xf32, #tpu.memory_space<hbm>> -> memref<464xf32, #tpu.memory_space<hbm>>
      tpu.wait_dma2 semaphore(%arg20 : memref<!tpu.dma_semaphore, #tpu.memory_space<semaphore_mem>>) src(%dma_wait3A_207 : memref<464xf32, #tpu.memory_space<hbm>>) dst(%arg10 : memref<464xf32, #tpu.memory_space<vmem>>)
      %add3A_208 = arith.constant 2 : i32
      %add3A_209 = arith.addi %mul3A_127, %add3A_208 : i32
      %lt3A_210 = arith.cmpi slt, %add3A_209, %select_n3A : i32
      %convert_element_type3A_211 = arith.extui %lt3A_210 : i1 to i32
      %cond3A_212 = arith.constant 0 : i32
      %cond3A_213 = arith.cmpi ne, %convert_element_type3A_211, %cond3A_212 : i32
      scf.if %cond3A_213 {
        %add3A_298 = arith.constant 2 : i32
        %add3A_299 = arith.addi %mul3A_127, %add3A_298 : i32
        %mul3A_300 = arith.constant 432 : i32
        %mul3A_301 = arith.muli %add3A_299, %mul3A_300 : i32
        %add3A_302 = arith.addi %and3A_14, %mul3A_301 : i32
        %multiple_of3A_303 = tpu.assume_multiple %add3A_302, 8 : i32
        %dma_start3A_304 = tpu.memref_slice %arg2[%multiple_of3A_303] : memref<800896xi32, #tpu.memory_space<hbm>> -> memref<448xi32, #tpu.memory_space<hbm>>
        %dma_start3A_305 = tpu.memref_slice %arg2[%multiple_of3A_303] : memref<800896xi32, #tpu.memory_space<hbm>> -> memref<448xi32, #tpu.memory_space<hbm>>
        tpu.enqueue_dma source(%dma_start3A_305 : memref<448xi32, #tpu.memory_space<hbm>>) target(%arg8 : memref<448xi32, #tpu.memory_space<vmem>>) target_semaphore(%arg16 : memref<!tpu.dma_semaphore, #tpu.memory_space<semaphore_mem>>)
      } else {
      }
      %mul3A_214 = arith.constant 432 : i32
      %mul3A_215 = arith.muli %mul3A_127, %mul3A_214 : i32
      %add3A_216 = arith.addi %squeeze3A, %mul3A_215 : i32
      %sub3A_217 = arith.subi %squeeze3A_13, %add3A_216 : i32
      %jit3A_218 = arith.constant 0 : i32
      %jit3A_219 = arith.constant 432 : i32
      %max3A_220 = arith.maxsi %jit3A_218, %sub3A_217 : i32
      %min3A_221 = arith.minsi %jit3A_219, %max3A_220 : i32
      %add3A_222 = arith.addi %add3A_216, %min3A_221 : i32
      %sub3A_223 = arith.subi %scan3A_141#0, %while3A_117 : i32
      %add3A_224 = arith.constant 1 : i32
      %add3A_225 = arith.addi %sub3A_223, %add3A_224 : i32
      %while3A_226 = arith.constant 0 : i32
      %while3A_227 = arith.constant 0 : i32
      %while3A_228 = arith.subi %add3A_225, %while3A_226 : i32
      %while3A_229 = arith.addi %while3A_226, %while3A_228 : i32
      %while3A_230 = arith.constant 1 : i32
      %while3A_231 = arith.divsi %while3A_228, %while3A_230 : i32
      %while3A_232 = arith.muli %while3A_231, %while3A_230 : i32
      %while3A_233 = arith.addi %while3A_226, %while3A_232 : i32
      %while3A_234 = arith.constant 1 : i32
      %while3A_235:9 = scf.for %while3A_298 = %while3A_226 to %while3A_233 step %while3A_234 iter_args(%while3A_299 = %while3A_118, %while3A_300 = %while3A_119, %while3A_301 = %while3A_120, %while3A_302 = %while3A_121, %while3A_303 = %while3A_122, %while3A_304 = %while3A_123, %while3A_305 = %while3A_124, %while3A_306 = %while3A_125, %while3A_307 = %while3A_227) -> (vector<16xf32>, vector<16xf32>, vector<16xf32>, vector<16xf32>, vector<16xf32>, vector<16xf32>, vector<16xf32>, vector<16xf32>, i32)  : i32 {
        %add3A_308 = arith.addi %while3A_117, %while3A_298 : i32
        %add3A_309 = arith.constant 1 : i32
        %add3A_310 = arith.addi %add3A_308, %add3A_309 : i32
        %get3A_311 = arith.index_cast %add3A_310 : i32 to index
        %get3A_312 = tpu.vector_load %arg7[%get3A_311] {strides = array<i32>} : memref<1600xi32, #tpu.memory_space<vmem>>, vector<16xi32>,
        %get3A_313 = vector.shape_cast %get3A_312 : vector<16xi32> to vector<16xi32>
        %slice3A_314 = vector.extract_strided_slice %get3A_313 {offsets = [0], sizes = [1], strides = [1]} : vector<16xi32> to vector<1xi32>
        %squeeze3A_315 = vector.extract %slice3A_314[0] : i32 from vector<1xi32>
        %eq3A = arith.constant 0 : i32
        %eq3A_316 = arith.cmpi eq, %while3A_298, %eq3A : i32
        %sub3A_317 = arith.subi %while3A_307, %add3A_216 : i32
        %jit3A_318 = arith.constant 0 : i32
        %select_n3A_319 = arith.select %eq3A_316, %jit3A_318, %sub3A_317 : i32
        %min3A_320 = arith.minsi %squeeze3A_315, %add3A_222 : i32
        %sub3A_321 = arith.subi %min3A_320, %add3A_216 : i32
        %parallel_loop3A = arith.constant 1 : i32
        %parallel_loop3A_322:8 = scf.for %parallel_loop3A_337 = %select_n3A_319 to %sub3A_321 step %parallel_loop3A iter_args(%parallel_loop3A_338 = %while3A_299, %parallel_loop3A_339 = %while3A_300, %parallel_loop3A_340 = %while3A_301, %parallel_loop3A_341 = %while3A_302, %parallel_loop3A_342 = %while3A_303, %parallel_loop3A_343 = %while3A_304, %parallel_loop3A_344 = %while3A_305, %parallel_loop3A_345 = %while3A_306) -> (vector<16xf32>, vector<16xf32>, vector<16xf32>, vector<16xf32>, vector<16xf32>, vector<16xf32>, vector<16xf32>, vector<16xf32>)  : i32 {
          %parallel_loop3A_346 = arith.addi %sub3A_15, %parallel_loop3A_337 : i32
          %parallel_loop3A_347 = arith.index_cast %parallel_loop3A_346 : i32 to index
          %parallel_loop3A_348 = tpu.vector_load %arg10[%parallel_loop3A_347] {strides = array<i32>} : memref<464xf32, #tpu.memory_space<vmem>>, vector<16xf32>,
          %parallel_loop3A_349 = vector.shape_cast %parallel_loop3A_348 : vector<16xf32> to vector<16xf32>
          %parallel_loop3A_350 = vector.extract_strided_slice %parallel_loop3A_349 {offsets = [0], sizes = [1], strides = [1]} : vector<16xf32> to vector<1xf32>
          %parallel_loop3A_351 = vector.extract %parallel_loop3A_350[0] : f32 from vector<1xf32>
          %parallel_loop3A_352 = vector.broadcast %parallel_loop3A_351 : f32 to vector<16xf32>
          %parallel_loop3A_353 = arith.index_cast %parallel_loop3A_346 : i32 to index
          %parallel_loop3A_354 = arith.constant 0 : index
          %parallel_loop3A_355 = tpu.vector_load %arg12[%parallel_loop3A_353, %parallel_loop3A_354] {strides = array<i32>} : memref<448x128xf32, #tpu.memory_space<vmem>>, vector<1x16xf32>,
          %parallel_loop3A_356 = vector.shape_cast %parallel_loop3A_355 : vector<1x16xf32> to vector<16xf32>
          %parallel_loop3A_357 = arith.mulf %parallel_loop3A_352, %parallel_loop3A_356 : vector<16xf32>
          %parallel_loop3A_358 = arith.addf %parallel_loop3A_338, %parallel_loop3A_357 : vector<16xf32>
          %parallel_loop3A_359 = arith.index_cast %parallel_loop3A_346 : i32 to index
          %parallel_loop3A_360 = arith.constant 16 : index
          %parallel_loop3A_361 = tpu.vector_load %arg12[%parallel_loop3A_359, %parallel_loop3A_360] {strides = array<i32>} : memref<448x128xf32, #tpu.memory_space<vmem>>, vector<1x16xf32>,
          %parallel_loop3A_362 = vector.shape_cast %parallel_loop3A_361 : vector<1x16xf32> to vector<16xf32>
          %parallel_loop3A_363 = arith.mulf %parallel_loop3A_352, %parallel_loop3A_362 : vector<16xf32>
          %parallel_loop3A_364 = arith.addf %parallel_loop3A_339, %parallel_loop3A_363 : vector<16xf32>
          %parallel_loop3A_365 = arith.index_cast %parallel_loop3A_346 : i32 to index
          %parallel_loop3A_366 = arith.constant 32 : index
          %parallel_loop3A_367 = tpu.vector_load %arg12[%parallel_loop3A_365, %parallel_loop3A_366] {strides = array<i32>} : memref<448x128xf32, #tpu.memory_space<vmem>>, vector<1x16xf32>,
          %parallel_loop3A_368 = vector.shape_cast %parallel_loop3A_367 : vector<1x16xf32> to vector<16xf32>
          %parallel_loop3A_369 = arith.mulf %parallel_loop3A_352, %parallel_loop3A_368 : vector<16xf32>
          %parallel_loop3A_370 = arith.addf %parallel_loop3A_340, %parallel_loop3A_369 : vector<16xf32>
          %parallel_loop3A_371 = arith.index_cast %parallel_loop3A_346 : i32 to index
          %parallel_loop3A_372 = arith.constant 48 : index
          %parallel_loop3A_373 = tpu.vector_load %arg12[%parallel_loop3A_371, %parallel_loop3A_372] {strides = array<i32>} : memref<448x128xf32, #tpu.memory_space<vmem>>, vector<1x16xf32>,
          %parallel_loop3A_374 = vector.shape_cast %parallel_loop3A_373 : vector<1x16xf32> to vector<16xf32>
          %parallel_loop3A_375 = arith.mulf %parallel_loop3A_352, %parallel_loop3A_374 : vector<16xf32>
          %parallel_loop3A_376 = arith.addf %parallel_loop3A_341, %parallel_loop3A_375 : vector<16xf32>
          %parallel_loop3A_377 = arith.index_cast %parallel_loop3A_346 : i32 to index
          %parallel_loop3A_378 = arith.constant 64 : index
          %parallel_loop3A_379 = tpu.vector_load %arg12[%parallel_loop3A_377, %parallel_loop3A_378] {strides = array<i32>} : memref<448x128xf32, #tpu.memory_space<vmem>>, vector<1x16xf32>,
          %parallel_loop3A_380 = vector.shape_cast %parallel_loop3A_379 : vector<1x16xf32> to vector<16xf32>
          %parallel_loop3A_381 = arith.mulf %parallel_loop3A_352, %parallel_loop3A_380 : vector<16xf32>
          %parallel_loop3A_382 = arith.addf %parallel_loop3A_342, %parallel_loop3A_381 : vector<16xf32>
          %parallel_loop3A_383 = arith.index_cast %parallel_loop3A_346 : i32 to index
          %parallel_loop3A_384 = arith.constant 80 : index
          %parallel_loop3A_385 = tpu.vector_load %arg12[%parallel_loop3A_383, %parallel_loop3A_384] {strides = array<i32>} : memref<448x128xf32, #tpu.memory_space<vmem>>, vector<1x16xf32>,
          %parallel_loop3A_386 = vector.shape_cast %parallel_loop3A_385 : vector<1x16xf32> to vector<16xf32>
          %parallel_loop3A_387 = arith.mulf %parallel_loop3A_352, %parallel_loop3A_386 : vector<16xf32>
          %parallel_loop3A_388 = arith.addf %parallel_loop3A_343, %parallel_loop3A_387 : vector<16xf32>
          %parallel_loop3A_389 = arith.index_cast %parallel_loop3A_346 : i32 to index
          %parallel_loop3A_390 = arith.constant 96 : index
          %parallel_loop3A_391 = tpu.vector_load %arg12[%parallel_loop3A_389, %parallel_loop3A_390] {strides = array<i32>} : memref<448x128xf32, #tpu.memory_space<vmem>>, vector<1x16xf32>,
          %parallel_loop3A_392 = vector.shape_cast %parallel_loop3A_391 : vector<1x16xf32> to vector<16xf32>
          %parallel_loop3A_393 = arith.mulf %parallel_loop3A_352, %parallel_loop3A_392 : vector<16xf32>
          %parallel_loop3A_394 = arith.addf %parallel_loop3A_344, %parallel_loop3A_393 : vector<16xf32>
          %parallel_loop3A_395 = arith.index_cast %parallel_loop3A_346 : i32 to index
          %parallel_loop3A_396 = arith.constant 112 : index
          %parallel_loop3A_397 = tpu.vector_load %arg12[%parallel_loop3A_395, %parallel_loop3A_396] {strides = array<i32>} : memref<448x128xf32, #tpu.memory_space<vmem>>, vector<1x16xf32>,
          %parallel_loop3A_398 = vector.shape_cast %parallel_loop3A_397 : vector<1x16xf32> to vector<16xf32>
          %parallel_loop3A_399 = arith.mulf %parallel_loop3A_352, %parallel_loop3A_398 : vector<16xf32>
          %parallel_loop3A_400 = arith.addf %parallel_loop3A_345, %parallel_loop3A_399 : vector<16xf32>
          scf.yield %parallel_loop3A_358, %parallel_loop3A_364, %parallel_loop3A_370, %parallel_loop3A_376, %parallel_loop3A_382, %parallel_loop3A_388, %parallel_loop3A_394, %parallel_loop3A_400 : vector<16xf32>, vector<16xf32>, vector<16xf32>, vector<16xf32>, vector<16xf32>, vector<16xf32>, vector<16xf32>, vector<16xf32>
        } {sc.loop_unroll_factor = 4 : i64, sc.parallel_access}
        %le3A_323 = arith.cmpi sle, %squeeze3A_315, %add3A_222 : i32
        %lt3A_324 = arith.cmpi slt, %add3A_308, %min3A_4 : i32
        %and3A_325 = arith.andi %le3A_323, %lt3A_324 : i1
        %convert_element_type3A_326 = arith.extui %and3A_325 : i1 to i32
        %cond3A_327 = arith.constant 0 : i32
        %cond3A_328 = arith.cmpi ne, %convert_element_type3A_326, %cond3A_327 : i32
        scf.if %cond3A_328 {
          %shift_right_logical3A = arith.constant 4 : i32
          %shift_right_logical3A_337 = arith.shrui %add3A_308, %shift_right_logical3A : i32
          %and3A_338 = arith.constant 1 : i32
          %and3A_339 = arith.andi %shift_right_logical3A_337, %and3A_338 : i32
          %and3A_340 = arith.constant 15 : i32
          %and3A_341 = arith.andi %add3A_308, %and3A_340 : i32
          %swap3A = arith.index_cast %and3A_339 : i32 to index
          %swap3A_342 = arith.index_cast %and3A_341 : i32 to index
          %swap3A_343 = arith.constant 0 : index
          %swap3A_344 = tpu.vector_load %arg14[%swap3A, %swap3A_342, %swap3A_343] {strides = array<i32>} : memref<2x16x128xf32, #tpu.memory_space<vmem>>, vector<1x1x16xf32>,
          %swap3A_345 = vector.shape_cast %swap3A_344 : vector<1x1x16xf32> to vector<16xf32>
          %swap3A_346 = vector.shape_cast %parallel_loop3A_322#0 : vector<16xf32> to vector<1x1x16xf32>
          tpu.vector_store %arg14[%swap3A, %swap3A_342, %swap3A_343], %swap3A_346 {strides = array<i32>} : memref<2x16x128xf32, #tpu.memory_space<vmem>>, vector<1x1x16xf32>,
          %swap3A_347 = arith.index_cast %and3A_339 : i32 to index
          %swap3A_348 = arith.index_cast %and3A_341 : i32 to index
          %swap3A_349 = arith.constant 16 : index
          %swap3A_350 = tpu.vector_load %arg14[%swap3A_347, %swap3A_348, %swap3A_349] {strides = array<i32>} : memref<2x16x128xf32, #tpu.memory_space<vmem>>, vector<1x1x16xf32>,
          %swap3A_351 = vector.shape_cast %swap3A_350 : vector<1x1x16xf32> to vector<16xf32>
          %swap3A_352 = vector.shape_cast %parallel_loop3A_322#1 : vector<16xf32> to vector<1x1x16xf32>
          tpu.vector_store %arg14[%swap3A_347, %swap3A_348, %swap3A_349], %swap3A_352 {strides = array<i32>} : memref<2x16x128xf32, #tpu.memory_space<vmem>>, vector<1x1x16xf32>,
          %swap3A_353 = arith.index_cast %and3A_339 : i32 to index
          %swap3A_354 = arith.index_cast %and3A_341 : i32 to index
          %swap3A_355 = arith.constant 32 : index
          %swap3A_356 = tpu.vector_load %arg14[%swap3A_353, %swap3A_354, %swap3A_355] {strides = array<i32>} : memref<2x16x128xf32, #tpu.memory_space<vmem>>, vector<1x1x16xf32>,
          %swap3A_357 = vector.shape_cast %swap3A_356 : vector<1x1x16xf32> to vector<16xf32>
          %swap3A_358 = vector.shape_cast %parallel_loop3A_322#2 : vector<16xf32> to vector<1x1x16xf32>
          tpu.vector_store %arg14[%swap3A_353, %swap3A_354, %swap3A_355], %swap3A_358 {strides = array<i32>} : memref<2x16x128xf32, #tpu.memory_space<vmem>>, vector<1x1x16xf32>,
          %swap3A_359 = arith.index_cast %and3A_339 : i32 to index
          %swap3A_360 = arith.index_cast %and3A_341 : i32 to index
          %swap3A_361 = arith.constant 48 : index
          %swap3A_362 = tpu.vector_load %arg14[%swap3A_359, %swap3A_360, %swap3A_361] {strides = array<i32>} : memref<2x16x128xf32, #tpu.memory_space<vmem>>, vector<1x1x16xf32>,
          %swap3A_363 = vector.shape_cast %swap3A_362 : vector<1x1x16xf32> to vector<16xf32>
          %swap3A_364 = vector.shape_cast %parallel_loop3A_322#3 : vector<16xf32> to vector<1x1x16xf32>
          tpu.vector_store %arg14[%swap3A_359, %swap3A_360, %swap3A_361], %swap3A_364 {strides = array<i32>} : memref<2x16x128xf32, #tpu.memory_space<vmem>>, vector<1x1x16xf32>,
          %swap3A_365 = arith.index_cast %and3A_339 : i32 to index
          %swap3A_366 = arith.index_cast %and3A_341 : i32 to index
          %swap3A_367 = arith.constant 64 : index
          %swap3A_368 = tpu.vector_load %arg14[%swap3A_365, %swap3A_366, %swap3A_367] {strides = array<i32>} : memref<2x16x128xf32, #tpu.memory_space<vmem>>, vector<1x1x16xf32>,
          %swap3A_369 = vector.shape_cast %swap3A_368 : vector<1x1x16xf32> to vector<16xf32>
          %swap3A_370 = vector.shape_cast %parallel_loop3A_322#4 : vector<16xf32> to vector<1x1x16xf32>
          tpu.vector_store %arg14[%swap3A_365, %swap3A_366, %swap3A_367], %swap3A_370 {strides = array<i32>} : memref<2x16x128xf32, #tpu.memory_space<vmem>>, vector<1x1x16xf32>,
          %swap3A_371 = arith.index_cast %and3A_339 : i32 to index
          %swap3A_372 = arith.index_cast %and3A_341 : i32 to index
          %swap3A_373 = arith.constant 80 : index
          %swap3A_374 = tpu.vector_load %arg14[%swap3A_371, %swap3A_372, %swap3A_373] {strides = array<i32>} : memref<2x16x128xf32, #tpu.memory_space<vmem>>, vector<1x1x16xf32>,
          %swap3A_375 = vector.shape_cast %swap3A_374 : vector<1x1x16xf32> to vector<16xf32>
          %swap3A_376 = vector.shape_cast %parallel_loop3A_322#5 : vector<16xf32> to vector<1x1x16xf32>
          tpu.vector_store %arg14[%swap3A_371, %swap3A_372, %swap3A_373], %swap3A_376 {strides = array<i32>} : memref<2x16x128xf32, #tpu.memory_space<vmem>>, vector<1x1x16xf32>,
          %swap3A_377 = arith.index_cast %and3A_339 : i32 to index
          %swap3A_378 = arith.index_cast %and3A_341 : i32 to index
          %swap3A_379 = arith.constant 96 : index
          %swap3A_380 = tpu.vector_load %arg14[%swap3A_377, %swap3A_378, %swap3A_379] {strides = array<i32>} : memref<2x16x128xf32, #tpu.memory_space<vmem>>, vector<1x1x16xf32>,
          %swap3A_381 = vector.shape_cast %swap3A_380 : vector<1x1x16xf32> to vector<16xf32>
          %swap3A_382 = vector.shape_cast %parallel_loop3A_322#6 : vector<16xf32> to vector<1x1x16xf32>
          tpu.vector_store %arg14[%swap3A_377, %swap3A_378, %swap3A_379], %swap3A_382 {strides = array<i32>} : memref<2x16x128xf32, #tpu.memory_space<vmem>>, vector<1x1x16xf32>,
          %swap3A_383 = arith.index_cast %and3A_339 : i32 to index
          %swap3A_384 = arith.index_cast %and3A_341 : i32 to index
          %swap3A_385 = arith.constant 112 : index
          %swap3A_386 = tpu.vector_load %arg14[%swap3A_383, %swap3A_384, %swap3A_385] {strides = array<i32>} : memref<2x16x128xf32, #tpu.memory_space<vmem>>, vector<1x1x16xf32>,
          %swap3A_387 = vector.shape_cast %swap3A_386 : vector<1x1x16xf32> to vector<16xf32>
          %swap3A_388 = vector.shape_cast %parallel_loop3A_322#7 : vector<16xf32> to vector<1x1x16xf32>
          tpu.vector_store %arg14[%swap3A_383, %swap3A_384, %swap3A_385], %swap3A_388 {strides = array<i32>} : memref<2x16x128xf32, #tpu.memory_space<vmem>>, vector<1x1x16xf32>,
          %and3A_389 = arith.constant 15 : i32
          %and3A_390 = arith.andi %add3A_308, %and3A_389 : i32
          %eq3A_391 = arith.constant 15 : i32
          %eq3A_392 = arith.cmpi eq, %and3A_390, %eq3A_391 : i32
          %convert_element_type3A_393 = arith.extui %eq3A_392 : i1 to i32
          %cond3A_394 = arith.constant 0 : i32
          %cond3A_395 = arith.cmpi ne, %convert_element_type3A_393, %cond3A_394 : i32
          scf.if %cond3A_395 {
            %shift_right_logical3A_396 = arith.constant 4 : i32
            %shift_right_logical3A_397 = arith.shrui %add3A_308, %shift_right_logical3A_396 : i32
            %and3A_398 = arith.constant 1 : i32
            %and3A_399 = arith.andi %shift_right_logical3A_397, %and3A_398 : i32
            %ge3A = arith.constant 1 : i32
            %ge3A_400 = arith.cmpi sge, %shift_right_logical3A_397, %ge3A : i32
            %convert_element_type3A_401 = arith.extui %ge3A_400 : i1 to i32
            %cond3A_402 = arith.constant 0 : i32
            %cond3A_403 = arith.cmpi ne, %convert_element_type3A_401, %cond3A_402 : i32
            scf.if %cond3A_403 {
              %dma_wait3A_420 = arith.constant 0 : i32
              %dma_wait3A_421 = arith.constant 0 : i32
              %dma_wait3A_422 = arith.constant 0 : i32
              %dma_wait3A_423 = tpu.memref_slice %arg14[%dma_wait3A_420, %dma_wait3A_421, %dma_wait3A_422] : memref<2x16x128xf32, #tpu.memory_space<vmem>> -> memref<1x16x128xf32, #tpu.memory_space<vmem>>
              %dma_wait3A_424 = tpu.memref_squeeze %dma_wait3A_423 : memref<1x16x128xf32, #tpu.memory_space<vmem>> -> memref<16x128xf32, #tpu.memory_space<vmem>>
              %dma_wait3A_425 = arith.constant 0 : i32
              %dma_wait3A_426 = arith.constant 0 : i32
              %dma_wait3A_427 = tpu.memref_slice %arg6[%dma_wait3A_425, %dma_wait3A_426] : memref<50000x128xf32, #tpu.memory_space<hbm>> -> memref<16x128xf32, #tpu.memory_space<hbm>>
              %dma_wait3A_428 = arith.constant 0 : i32
              %dma_wait3A_429 = arith.constant 0 : i32
              %dma_wait3A_430 = tpu.memref_slice %arg6[%dma_wait3A_428, %dma_wait3A_429] : memref<50000x128xf32, #tpu.memory_space<hbm>> -> memref<16x128xf32, #tpu.memory_space<hbm>>
              %dma_wait3A_431 = arith.constant 0 : i32
              %dma_wait3A_432 = arith.constant 0 : i32
              %dma_wait3A_433 = tpu.memref_slice %arg14[%dma_wait3A_420, %dma_wait3A_431, %dma_wait3A_432] : memref<2x16x128xf32, #tpu.memory_space<vmem>> -> memref<1x16x128xf32, #tpu.memory_space<vmem>>
              %dma_wait3A_434 = tpu.memref_squeeze %dma_wait3A_433 : memref<1x16x128xf32, #tpu.memory_space<vmem>> -> memref<16x128xf32, #tpu.memory_space<vmem>>
              tpu.wait_dma2 semaphore(%arg22 : memref<!tpu.dma_semaphore, #tpu.memory_space<semaphore_mem>>) src(%dma_wait3A_434 : memref<16x128xf32, #tpu.memory_space<vmem>>) dst(%dma_wait3A_430 : memref<16x128xf32, #tpu.memory_space<hbm>>)
            } else {
            }
            %add3A_404 = arith.addi %multiple_of3A, %add3A_308 : i32
            %sub3A_405 = arith.constant 15 : i32
            %sub3A_406 = arith.subi %add3A_404, %sub3A_405 : i32
            %multiple_of3A_407 = tpu.assume_multiple %sub3A_406, 16 : i32
            %dma_start3A_408 = arith.constant 0 : i32
            %dma_start3A_409 = arith.constant 0 : i32
            %dma_start3A_410 = tpu.memref_slice %arg14[%and3A_399, %dma_start3A_408, %dma_start3A_409] : memref<2x16x128xf32, #tpu.memory_space<vmem>> -> memref<1x16x128xf32, #tpu.memory_space<vmem>>
            %dma_start3A_411 = tpu.memref_squeeze %dma_start3A_410 : memref<1x16x128xf32, #tpu.memory_space<vmem>> -> memref<16x128xf32, #tpu.memory_space<vmem>>
            %dma_start3A_412 = arith.constant 0 : i32
            %dma_start3A_413 = tpu.memref_slice %arg6[%multiple_of3A_407, %dma_start3A_412] : memref<50000x128xf32, #tpu.memory_space<hbm>> -> memref<16x128xf32, #tpu.memory_space<hbm>>
            %dma_start3A_414 = arith.constant 0 : i32
            %dma_start3A_415 = tpu.memref_slice %arg6[%multiple_of3A_407, %dma_start3A_414] : memref<50000x128xf32, #tpu.memory_space<hbm>> -> memref<16x128xf32, #tpu.memory_space<hbm>>
            %dma_start3A_416 = arith.constant 0 : i32
            %dma_start3A_417 = arith.constant 0 : i32
            %dma_start3A_418 = tpu.memref_slice %arg14[%and3A_399, %dma_start3A_416, %dma_start3A_417] : memref<2x16x128xf32, #tpu.memory_space<vmem>> -> memref<1x16x128xf32, #tpu.memory_space<vmem>>
            %dma_start3A_419 = tpu.memref_squeeze %dma_start3A_418 : memref<1x16x128xf32, #tpu.memory_space<vmem>> -> memref<16x128xf32, #tpu.memory_space<vmem>>
            tpu.enqueue_dma source(%dma_start3A_419 : memref<16x128xf32, #tpu.memory_space<vmem>>) target(%dma_start3A_415 : memref<16x128xf32, #tpu.memory_space<hbm>>) target_semaphore(%arg22 : memref<!tpu.dma_semaphore, #tpu.memory_space<semaphore_mem>>)
          } else {
          }
        } else {
        }
        %select_n3A_329 = arith.select %and3A_325, %broadcast_in_dim3A_37, %parallel_loop3A_322#0 : vector<16xf32>
        %select_n3A_330 = arith.select %and3A_325, %broadcast_in_dim3A_39, %parallel_loop3A_322#1 : vector<16xf32>
        %select_n3A_331 = arith.select %and3A_325, %broadcast_in_dim3A_41, %parallel_loop3A_322#2 : vector<16xf32>
        %select_n3A_332 = arith.select %and3A_325, %broadcast_in_dim3A_43, %parallel_loop3A_322#3 : vector<16xf32>
        %select_n3A_333 = arith.select %and3A_325, %broadcast_in_dim3A_45, %parallel_loop3A_322#4 : vector<16xf32>
        %select_n3A_334 = arith.select %and3A_325, %broadcast_in_dim3A_47, %parallel_loop3A_322#5 : vector<16xf32>
        %select_n3A_335 = arith.select %and3A_325, %broadcast_in_dim3A_49, %parallel_loop3A_322#6 : vector<16xf32>
        %select_n3A_336 = arith.select %and3A_325, %broadcast_in_dim3A_51, %parallel_loop3A_322#7 : vector<16xf32>
        scf.yield %select_n3A_329, %select_n3A_330, %select_n3A_331, %select_n3A_332, %select_n3A_333, %select_n3A_334, %select_n3A_335, %select_n3A_336, %squeeze3A_315 : vector<16xf32>, vector<16xf32>, vector<16xf32>, vector<16xf32>, vector<16xf32>, vector<16xf32>, vector<16xf32>, vector<16xf32>, i32
      }
      %while3A_236 = arith.constant 1 : i32
      %while3A_237:9 = scf.for %while3A_298 = %while3A_233 to %while3A_229 step %while3A_236 iter_args(%while3A_299 = %while3A_235#0, %while3A_300 = %while3A_235#1, %while3A_301 = %while3A_235#2, %while3A_302 = %while3A_235#3, %while3A_303 = %while3A_235#4, %while3A_304 = %while3A_235#5, %while3A_305 = %while3A_235#6, %while3A_306 = %while3A_235#7, %while3A_307 = %while3A_235#8) -> (vector<16xf32>, vector<16xf32>, vector<16xf32>, vector<16xf32>, vector<16xf32>, vector<16xf32>, vector<16xf32>, vector<16xf32>, i32)  : i32 {
        %add3A_308 = arith.addi %while3A_117, %while3A_298 : i32
        %add3A_309 = arith.constant 1 : i32
        %add3A_310 = arith.addi %add3A_308, %add3A_309 : i32
        %get3A_311 = arith.index_cast %add3A_310 : i32 to index
        %get3A_312 = tpu.vector_load %arg7[%get3A_311] {strides = array<i32>} : memref<1600xi32, #tpu.memory_space<vmem>>, vector<16xi32>,
        %get3A_313 = vector.shape_cast %get3A_312 : vector<16xi32> to vector<16xi32>
        %slice3A_314 = vector.extract_strided_slice %get3A_313 {offsets = [0], sizes = [1], strides = [1]} : vector<16xi32> to vector<1xi32>
        %squeeze3A_315 = vector.extract %slice3A_314[0] : i32 from vector<1xi32>
        %eq3A = arith.constant 0 : i32
        %eq3A_316 = arith.cmpi eq, %while3A_298, %eq3A : i32
        %sub3A_317 = arith.subi %while3A_307, %add3A_216 : i32
        %jit3A_318 = arith.constant 0 : i32
        %select_n3A_319 = arith.select %eq3A_316, %jit3A_318, %sub3A_317 : i32
        %min3A_320 = arith.minsi %squeeze3A_315, %add3A_222 : i32
        %sub3A_321 = arith.subi %min3A_320, %add3A_216 : i32
        %parallel_loop3A = arith.constant 1 : i32
        %parallel_loop3A_322:8 = scf.for %parallel_loop3A_337 = %select_n3A_319 to %sub3A_321 step %parallel_loop3A iter_args(%parallel_loop3A_338 = %while3A_299, %parallel_loop3A_339 = %while3A_300, %parallel_loop3A_340 = %while3A_301, %parallel_loop3A_341 = %while3A_302, %parallel_loop3A_342 = %while3A_303, %parallel_loop3A_343 = %while3A_304, %parallel_loop3A_344 = %while3A_305, %parallel_loop3A_345 = %while3A_306) -> (vector<16xf32>, vector<16xf32>, vector<16xf32>, vector<16xf32>, vector<16xf32>, vector<16xf32>, vector<16xf32>, vector<16xf32>)  : i32 {
          %parallel_loop3A_346 = arith.addi %sub3A_15, %parallel_loop3A_337 : i32
          %parallel_loop3A_347 = arith.index_cast %parallel_loop3A_346 : i32 to index
          %parallel_loop3A_348 = tpu.vector_load %arg10[%parallel_loop3A_347] {strides = array<i32>} : memref<464xf32, #tpu.memory_space<vmem>>, vector<16xf32>,
          %parallel_loop3A_349 = vector.shape_cast %parallel_loop3A_348 : vector<16xf32> to vector<16xf32>
          %parallel_loop3A_350 = vector.extract_strided_slice %parallel_loop3A_349 {offsets = [0], sizes = [1], strides = [1]} : vector<16xf32> to vector<1xf32>
          %parallel_loop3A_351 = vector.extract %parallel_loop3A_350[0] : f32 from vector<1xf32>
          %parallel_loop3A_352 = vector.broadcast %parallel_loop3A_351 : f32 to vector<16xf32>
          %parallel_loop3A_353 = arith.index_cast %parallel_loop3A_346 : i32 to index
          %parallel_loop3A_354 = arith.constant 0 : index
          %parallel_loop3A_355 = tpu.vector_load %arg12[%parallel_loop3A_353, %parallel_loop3A_354] {strides = array<i32>} : memref<448x128xf32, #tpu.memory_space<vmem>>, vector<1x16xf32>,
          %parallel_loop3A_356 = vector.shape_cast %parallel_loop3A_355 : vector<1x16xf32> to vector<16xf32>
          %parallel_loop3A_357 = arith.mulf %parallel_loop3A_352, %parallel_loop3A_356 : vector<16xf32>
          %parallel_loop3A_358 = arith.addf %parallel_loop3A_338, %parallel_loop3A_357 : vector<16xf32>
          %parallel_loop3A_359 = arith.index_cast %parallel_loop3A_346 : i32 to index
          %parallel_loop3A_360 = arith.constant 16 : index
          %parallel_loop3A_361 = tpu.vector_load %arg12[%parallel_loop3A_359, %parallel_loop3A_360] {strides = array<i32>} : memref<448x128xf32, #tpu.memory_space<vmem>>, vector<1x16xf32>,
          %parallel_loop3A_362 = vector.shape_cast %parallel_loop3A_361 : vector<1x16xf32> to vector<16xf32>
          %parallel_loop3A_363 = arith.mulf %parallel_loop3A_352, %parallel_loop3A_362 : vector<16xf32>
          %parallel_loop3A_364 = arith.addf %parallel_loop3A_339, %parallel_loop3A_363 : vector<16xf32>
          %parallel_loop3A_365 = arith.index_cast %parallel_loop3A_346 : i32 to index
          %parallel_loop3A_366 = arith.constant 32 : index
          %parallel_loop3A_367 = tpu.vector_load %arg12[%parallel_loop3A_365, %parallel_loop3A_366] {strides = array<i32>} : memref<448x128xf32, #tpu.memory_space<vmem>>, vector<1x16xf32>,
          %parallel_loop3A_368 = vector.shape_cast %parallel_loop3A_367 : vector<1x16xf32> to vector<16xf32>
          %parallel_loop3A_369 = arith.mulf %parallel_loop3A_352, %parallel_loop3A_368 : vector<16xf32>
          %parallel_loop3A_370 = arith.addf %parallel_loop3A_340, %parallel_loop3A_369 : vector<16xf32>
          %parallel_loop3A_371 = arith.index_cast %parallel_loop3A_346 : i32 to index
          %parallel_loop3A_372 = arith.constant 48 : index
          %parallel_loop3A_373 = tpu.vector_load %arg12[%parallel_loop3A_371, %parallel_loop3A_372] {strides = array<i32>} : memref<448x128xf32, #tpu.memory_space<vmem>>, vector<1x16xf32>,
          %parallel_loop3A_374 = vector.shape_cast %parallel_loop3A_373 : vector<1x16xf32> to vector<16xf32>
          %parallel_loop3A_375 = arith.mulf %parallel_loop3A_352, %parallel_loop3A_374 : vector<16xf32>
          %parallel_loop3A_376 = arith.addf %parallel_loop3A_341, %parallel_loop3A_375 : vector<16xf32>
          %parallel_loop3A_377 = arith.index_cast %parallel_loop3A_346 : i32 to index
          %parallel_loop3A_378 = arith.constant 64 : index
          %parallel_loop3A_379 = tpu.vector_load %arg12[%parallel_loop3A_377, %parallel_loop3A_378] {strides = array<i32>} : memref<448x128xf32, #tpu.memory_space<vmem>>, vector<1x16xf32>,
          %parallel_loop3A_380 = vector.shape_cast %parallel_loop3A_379 : vector<1x16xf32> to vector<16xf32>
          %parallel_loop3A_381 = arith.mulf %parallel_loop3A_352, %parallel_loop3A_380 : vector<16xf32>
          %parallel_loop3A_382 = arith.addf %parallel_loop3A_342, %parallel_loop3A_381 : vector<16xf32>
          %parallel_loop3A_383 = arith.index_cast %parallel_loop3A_346 : i32 to index
          %parallel_loop3A_384 = arith.constant 80 : index
          %parallel_loop3A_385 = tpu.vector_load %arg12[%parallel_loop3A_383, %parallel_loop3A_384] {strides = array<i32>} : memref<448x128xf32, #tpu.memory_space<vmem>>, vector<1x16xf32>,
          %parallel_loop3A_386 = vector.shape_cast %parallel_loop3A_385 : vector<1x16xf32> to vector<16xf32>
          %parallel_loop3A_387 = arith.mulf %parallel_loop3A_352, %parallel_loop3A_386 : vector<16xf32>
          %parallel_loop3A_388 = arith.addf %parallel_loop3A_343, %parallel_loop3A_387 : vector<16xf32>
          %parallel_loop3A_389 = arith.index_cast %parallel_loop3A_346 : i32 to index
          %parallel_loop3A_390 = arith.constant 96 : index
          %parallel_loop3A_391 = tpu.vector_load %arg12[%parallel_loop3A_389, %parallel_loop3A_390] {strides = array<i32>} : memref<448x128xf32, #tpu.memory_space<vmem>>, vector<1x16xf32>,
          %parallel_loop3A_392 = vector.shape_cast %parallel_loop3A_391 : vector<1x16xf32> to vector<16xf32>
          %parallel_loop3A_393 = arith.mulf %parallel_loop3A_352, %parallel_loop3A_392 : vector<16xf32>
          %parallel_loop3A_394 = arith.addf %parallel_loop3A_344, %parallel_loop3A_393 : vector<16xf32>
          %parallel_loop3A_395 = arith.index_cast %parallel_loop3A_346 : i32 to index
          %parallel_loop3A_396 = arith.constant 112 : index
          %parallel_loop3A_397 = tpu.vector_load %arg12[%parallel_loop3A_395, %parallel_loop3A_396] {strides = array<i32>} : memref<448x128xf32, #tpu.memory_space<vmem>>, vector<1x16xf32>,
          %parallel_loop3A_398 = vector.shape_cast %parallel_loop3A_397 : vector<1x16xf32> to vector<16xf32>
          %parallel_loop3A_399 = arith.mulf %parallel_loop3A_352, %parallel_loop3A_398 : vector<16xf32>
          %parallel_loop3A_400 = arith.addf %parallel_loop3A_345, %parallel_loop3A_399 : vector<16xf32>
          scf.yield %parallel_loop3A_358, %parallel_loop3A_364, %parallel_loop3A_370, %parallel_loop3A_376, %parallel_loop3A_382, %parallel_loop3A_388, %parallel_loop3A_394, %parallel_loop3A_400 : vector<16xf32>, vector<16xf32>, vector<16xf32>, vector<16xf32>, vector<16xf32>, vector<16xf32>, vector<16xf32>, vector<16xf32>
        } {sc.loop_unroll_factor = 4 : i64, sc.parallel_access}
        %le3A_323 = arith.cmpi sle, %squeeze3A_315, %add3A_222 : i32
        %lt3A_324 = arith.cmpi slt, %add3A_308, %min3A_4 : i32
        %and3A_325 = arith.andi %le3A_323, %lt3A_324 : i1
        %convert_element_type3A_326 = arith.extui %and3A_325 : i1 to i32
        %cond3A_327 = arith.constant 0 : i32
        %cond3A_328 = arith.cmpi ne, %convert_element_type3A_326, %cond3A_327 : i32
        scf.if %cond3A_328 {
          %shift_right_logical3A = arith.constant 4 : i32
          %shift_right_logical3A_337 = arith.shrui %add3A_308, %shift_right_logical3A : i32
          %and3A_338 = arith.constant 1 : i32
          %and3A_339 = arith.andi %shift_right_logical3A_337, %and3A_338 : i32
          %and3A_340 = arith.constant 15 : i32
          %and3A_341 = arith.andi %add3A_308, %and3A_340 : i32
          %swap3A = arith.index_cast %and3A_339 : i32 to index
          %swap3A_342 = arith.index_cast %and3A_341 : i32 to index
          %swap3A_343 = arith.constant 0 : index
          %swap3A_344 = tpu.vector_load %arg14[%swap3A, %swap3A_342, %swap3A_343] {strides = array<i32>} : memref<2x16x128xf32, #tpu.memory_space<vmem>>, vector<1x1x16xf32>,
          %swap3A_345 = vector.shape_cast %swap3A_344 : vector<1x1x16xf32> to vector<16xf32>
          %swap3A_346 = vector.shape_cast %parallel_loop3A_322#0 : vector<16xf32> to vector<1x1x16xf32>
          tpu.vector_store %arg14[%swap3A, %swap3A_342, %swap3A_343], %swap3A_346 {strides = array<i32>} : memref<2x16x128xf32, #tpu.memory_space<vmem>>, vector<1x1x16xf32>,
          %swap3A_347 = arith.index_cast %and3A_339 : i32 to index
          %swap3A_348 = arith.index_cast %and3A_341 : i32 to index
          %swap3A_349 = arith.constant 16 : index
          %swap3A_350 = tpu.vector_load %arg14[%swap3A_347, %swap3A_348, %swap3A_349] {strides = array<i32>} : memref<2x16x128xf32, #tpu.memory_space<vmem>>, vector<1x1x16xf32>,
          %swap3A_351 = vector.shape_cast %swap3A_350 : vector<1x1x16xf32> to vector<16xf32>
          %swap3A_352 = vector.shape_cast %parallel_loop3A_322#1 : vector<16xf32> to vector<1x1x16xf32>
          tpu.vector_store %arg14[%swap3A_347, %swap3A_348, %swap3A_349], %swap3A_352 {strides = array<i32>} : memref<2x16x128xf32, #tpu.memory_space<vmem>>, vector<1x1x16xf32>,
          %swap3A_353 = arith.index_cast %and3A_339 : i32 to index
          %swap3A_354 = arith.index_cast %and3A_341 : i32 to index
          %swap3A_355 = arith.constant 32 : index
          %swap3A_356 = tpu.vector_load %arg14[%swap3A_353, %swap3A_354, %swap3A_355] {strides = array<i32>} : memref<2x16x128xf32, #tpu.memory_space<vmem>>, vector<1x1x16xf32>,
          %swap3A_357 = vector.shape_cast %swap3A_356 : vector<1x1x16xf32> to vector<16xf32>
          %swap3A_358 = vector.shape_cast %parallel_loop3A_322#2 : vector<16xf32> to vector<1x1x16xf32>
          tpu.vector_store %arg14[%swap3A_353, %swap3A_354, %swap3A_355], %swap3A_358 {strides = array<i32>} : memref<2x16x128xf32, #tpu.memory_space<vmem>>, vector<1x1x16xf32>,
          %swap3A_359 = arith.index_cast %and3A_339 : i32 to index
          %swap3A_360 = arith.index_cast %and3A_341 : i32 to index
          %swap3A_361 = arith.constant 48 : index
          %swap3A_362 = tpu.vector_load %arg14[%swap3A_359, %swap3A_360, %swap3A_361] {strides = array<i32>} : memref<2x16x128xf32, #tpu.memory_space<vmem>>, vector<1x1x16xf32>,
          %swap3A_363 = vector.shape_cast %swap3A_362 : vector<1x1x16xf32> to vector<16xf32>
          %swap3A_364 = vector.shape_cast %parallel_loop3A_322#3 : vector<16xf32> to vector<1x1x16xf32>
          tpu.vector_store %arg14[%swap3A_359, %swap3A_360, %swap3A_361], %swap3A_364 {strides = array<i32>} : memref<2x16x128xf32, #tpu.memory_space<vmem>>, vector<1x1x16xf32>,
          %swap3A_365 = arith.index_cast %and3A_339 : i32 to index
          %swap3A_366 = arith.index_cast %and3A_341 : i32 to index
          %swap3A_367 = arith.constant 64 : index
          %swap3A_368 = tpu.vector_load %arg14[%swap3A_365, %swap3A_366, %swap3A_367] {strides = array<i32>} : memref<2x16x128xf32, #tpu.memory_space<vmem>>, vector<1x1x16xf32>,
          %swap3A_369 = vector.shape_cast %swap3A_368 : vector<1x1x16xf32> to vector<16xf32>
          %swap3A_370 = vector.shape_cast %parallel_loop3A_322#4 : vector<16xf32> to vector<1x1x16xf32>
          tpu.vector_store %arg14[%swap3A_365, %swap3A_366, %swap3A_367], %swap3A_370 {strides = array<i32>} : memref<2x16x128xf32, #tpu.memory_space<vmem>>, vector<1x1x16xf32>,
          %swap3A_371 = arith.index_cast %and3A_339 : i32 to index
          %swap3A_372 = arith.index_cast %and3A_341 : i32 to index
          %swap3A_373 = arith.constant 80 : index
          %swap3A_374 = tpu.vector_load %arg14[%swap3A_371, %swap3A_372, %swap3A_373] {strides = array<i32>} : memref<2x16x128xf32, #tpu.memory_space<vmem>>, vector<1x1x16xf32>,
          %swap3A_375 = vector.shape_cast %swap3A_374 : vector<1x1x16xf32> to vector<16xf32>
          %swap3A_376 = vector.shape_cast %parallel_loop3A_322#5 : vector<16xf32> to vector<1x1x16xf32>
          tpu.vector_store %arg14[%swap3A_371, %swap3A_372, %swap3A_373], %swap3A_376 {strides = array<i32>} : memref<2x16x128xf32, #tpu.memory_space<vmem>>, vector<1x1x16xf32>,
          %swap3A_377 = arith.index_cast %and3A_339 : i32 to index
          %swap3A_378 = arith.index_cast %and3A_341 : i32 to index
          %swap3A_379 = arith.constant 96 : index
          %swap3A_380 = tpu.vector_load %arg14[%swap3A_377, %swap3A_378, %swap3A_379] {strides = array<i32>} : memref<2x16x128xf32, #tpu.memory_space<vmem>>, vector<1x1x16xf32>,
          %swap3A_381 = vector.shape_cast %swap3A_380 : vector<1x1x16xf32> to vector<16xf32>
          %swap3A_382 = vector.shape_cast %parallel_loop3A_322#6 : vector<16xf32> to vector<1x1x16xf32>
          tpu.vector_store %arg14[%swap3A_377, %swap3A_378, %swap3A_379], %swap3A_382 {strides = array<i32>} : memref<2x16x128xf32, #tpu.memory_space<vmem>>, vector<1x1x16xf32>,
          %swap3A_383 = arith.index_cast %and3A_339 : i32 to index
          %swap3A_384 = arith.index_cast %and3A_341 : i32 to index
          %swap3A_385 = arith.constant 112 : index
          %swap3A_386 = tpu.vector_load %arg14[%swap3A_383, %swap3A_384, %swap3A_385] {strides = array<i32>} : memref<2x16x128xf32, #tpu.memory_space<vmem>>, vector<1x1x16xf32>,
          %swap3A_387 = vector.shape_cast %swap3A_386 : vector<1x1x16xf32> to vector<16xf32>
          %swap3A_388 = vector.shape_cast %parallel_loop3A_322#7 : vector<16xf32> to vector<1x1x16xf32>
          tpu.vector_store %arg14[%swap3A_383, %swap3A_384, %swap3A_385], %swap3A_388 {strides = array<i32>} : memref<2x16x128xf32, #tpu.memory_space<vmem>>, vector<1x1x16xf32>,
          %and3A_389 = arith.constant 15 : i32
          %and3A_390 = arith.andi %add3A_308, %and3A_389 : i32
          %eq3A_391 = arith.constant 15 : i32
          %eq3A_392 = arith.cmpi eq, %and3A_390, %eq3A_391 : i32
          %convert_element_type3A_393 = arith.extui %eq3A_392 : i1 to i32
          %cond3A_394 = arith.constant 0 : i32
          %cond3A_395 = arith.cmpi ne, %convert_element_type3A_393, %cond3A_394 : i32
          scf.if %cond3A_395 {
            %shift_right_logical3A_396 = arith.constant 4 : i32
            %shift_right_logical3A_397 = arith.shrui %add3A_308, %shift_right_logical3A_396 : i32
            %and3A_398 = arith.constant 1 : i32
            %and3A_399 = arith.andi %shift_right_logical3A_397, %and3A_398 : i32
            %ge3A = arith.constant 1 : i32
            %ge3A_400 = arith.cmpi sge, %shift_right_logical3A_397, %ge3A : i32
            %convert_element_type3A_401 = arith.extui %ge3A_400 : i1 to i32
            %cond3A_402 = arith.constant 0 : i32
            %cond3A_403 = arith.cmpi ne, %convert_element_type3A_401, %cond3A_402 : i32
            scf.if %cond3A_403 {
              %dma_wait3A_420 = arith.constant 0 : i32
              %dma_wait3A_421 = arith.constant 0 : i32
              %dma_wait3A_422 = arith.constant 0 : i32
              %dma_wait3A_423 = tpu.memref_slice %arg14[%dma_wait3A_420, %dma_wait3A_421, %dma_wait3A_422] : memref<2x16x128xf32, #tpu.memory_space<vmem>> -> memref<1x16x128xf32, #tpu.memory_space<vmem>>
              %dma_wait3A_424 = tpu.memref_squeeze %dma_wait3A_423 : memref<1x16x128xf32, #tpu.memory_space<vmem>> -> memref<16x128xf32, #tpu.memory_space<vmem>>
              %dma_wait3A_425 = arith.constant 0 : i32
              %dma_wait3A_426 = arith.constant 0 : i32
              %dma_wait3A_427 = tpu.memref_slice %arg6[%dma_wait3A_425, %dma_wait3A_426] : memref<50000x128xf32, #tpu.memory_space<hbm>> -> memref<16x128xf32, #tpu.memory_space<hbm>>
              %dma_wait3A_428 = arith.constant 0 : i32
              %dma_wait3A_429 = arith.constant 0 : i32
              %dma_wait3A_430 = tpu.memref_slice %arg6[%dma_wait3A_428, %dma_wait3A_429] : memref<50000x128xf32, #tpu.memory_space<hbm>> -> memref<16x128xf32, #tpu.memory_space<hbm>>
              %dma_wait3A_431 = arith.constant 0 : i32
              %dma_wait3A_432 = arith.constant 0 : i32
              %dma_wait3A_433 = tpu.memref_slice %arg14[%dma_wait3A_420, %dma_wait3A_431, %dma_wait3A_432] : memref<2x16x128xf32, #tpu.memory_space<vmem>> -> memref<1x16x128xf32, #tpu.memory_space<vmem>>
              %dma_wait3A_434 = tpu.memref_squeeze %dma_wait3A_433 : memref<1x16x128xf32, #tpu.memory_space<vmem>> -> memref<16x128xf32, #tpu.memory_space<vmem>>
              tpu.wait_dma2 semaphore(%arg22 : memref<!tpu.dma_semaphore, #tpu.memory_space<semaphore_mem>>) src(%dma_wait3A_434 : memref<16x128xf32, #tpu.memory_space<vmem>>) dst(%dma_wait3A_430 : memref<16x128xf32, #tpu.memory_space<hbm>>)
            } else {
            }
            %add3A_404 = arith.addi %multiple_of3A, %add3A_308 : i32
            %sub3A_405 = arith.constant 15 : i32
            %sub3A_406 = arith.subi %add3A_404, %sub3A_405 : i32
            %multiple_of3A_407 = tpu.assume_multiple %sub3A_406, 16 : i32
            %dma_start3A_408 = arith.constant 0 : i32
            %dma_start3A_409 = arith.constant 0 : i32
            %dma_start3A_410 = tpu.memref_slice %arg14[%and3A_399, %dma_start3A_408, %dma_start3A_409] : memref<2x16x128xf32, #tpu.memory_space<vmem>> -> memref<1x16x128xf32, #tpu.memory_space<vmem>>
            %dma_start3A_411 = tpu.memref_squeeze %dma_start3A_410 : memref<1x16x128xf32, #tpu.memory_space<vmem>> -> memref<16x128xf32, #tpu.memory_space<vmem>>
            %dma_start3A_412 = arith.constant 0 : i32
            %dma_start3A_413 = tpu.memref_slice %arg6[%multiple_of3A_407, %dma_start3A_412] : memref<50000x128xf32, #tpu.memory_space<hbm>> -> memref<16x128xf32, #tpu.memory_space<hbm>>
            %dma_start3A_414 = arith.constant 0 : i32
            %dma_start3A_415 = tpu.memref_slice %arg6[%multiple_of3A_407, %dma_start3A_414] : memref<50000x128xf32, #tpu.memory_space<hbm>> -> memref<16x128xf32, #tpu.memory_space<hbm>>
            %dma_start3A_416 = arith.constant 0 : i32
            %dma_start3A_417 = arith.constant 0 : i32
            %dma_start3A_418 = tpu.memref_slice %arg14[%and3A_399, %dma_start3A_416, %dma_start3A_417] : memref<2x16x128xf32, #tpu.memory_space<vmem>> -> memref<1x16x128xf32, #tpu.memory_space<vmem>>
            %dma_start3A_419 = tpu.memref_squeeze %dma_start3A_418 : memref<1x16x128xf32, #tpu.memory_space<vmem>> -> memref<16x128xf32, #tpu.memory_space<vmem>>
            tpu.enqueue_dma source(%dma_start3A_419 : memref<16x128xf32, #tpu.memory_space<vmem>>) target(%dma_start3A_415 : memref<16x128xf32, #tpu.memory_space<hbm>>) target_semaphore(%arg22 : memref<!tpu.dma_semaphore, #tpu.memory_space<semaphore_mem>>)
          } else {
          }
        } else {
        }
        %select_n3A_329 = arith.select %and3A_325, %broadcast_in_dim3A_37, %parallel_loop3A_322#0 : vector<16xf32>
        %select_n3A_330 = arith.select %and3A_325, %broadcast_in_dim3A_39, %parallel_loop3A_322#1 : vector<16xf32>
        %select_n3A_331 = arith.select %and3A_325, %broadcast_in_dim3A_41, %parallel_loop3A_322#2 : vector<16xf32>
        %select_n3A_332 = arith.select %and3A_325, %broadcast_in_dim3A_43, %parallel_loop3A_322#3 : vector<16xf32>
        %select_n3A_333 = arith.select %and3A_325, %broadcast_in_dim3A_45, %parallel_loop3A_322#4 : vector<16xf32>
        %select_n3A_334 = arith.select %and3A_325, %broadcast_in_dim3A_47, %parallel_loop3A_322#5 : vector<16xf32>
        %select_n3A_335 = arith.select %and3A_325, %broadcast_in_dim3A_49, %parallel_loop3A_322#6 : vector<16xf32>
        %select_n3A_336 = arith.select %and3A_325, %broadcast_in_dim3A_51, %parallel_loop3A_322#7 : vector<16xf32>
        scf.yield %select_n3A_329, %select_n3A_330, %select_n3A_331, %select_n3A_332, %select_n3A_333, %select_n3A_334, %select_n3A_335, %select_n3A_336, %squeeze3A_315 : vector<16xf32>, vector<16xf32>, vector<16xf32>, vector<16xf32>, vector<16xf32>, vector<16xf32>, vector<16xf32>, vector<16xf32>, i32
      }
      %add3A_238 = arith.constant 2 : i32
      %add3A_239 = arith.addi %mul3A_127, %add3A_238 : i32
      %lt3A_240 = arith.cmpi slt, %add3A_239, %select_n3A : i32
      %convert_element_type3A_241 = arith.extui %lt3A_240 : i1 to i32
      %cond3A_242 = arith.constant 0 : i32
      %cond3A_243 = arith.cmpi ne, %convert_element_type3A_241, %cond3A_242 : i32
      scf.if %cond3A_243 {
        %dma_wait3A_298 = arith.constant 0 : i32
        %dma_wait3A_299 = tpu.memref_slice %arg2[%dma_wait3A_298] : memref<800896xi32, #tpu.memory_space<hbm>> -> memref<448xi32, #tpu.memory_space<hbm>>
        %dma_wait3A_300 = arith.constant 0 : i32
        %dma_wait3A_301 = tpu.memref_slice %arg2[%dma_wait3A_300] : memref<800896xi32, #tpu.memory_space<hbm>> -> memref<448xi32, #tpu.memory_space<hbm>>
        tpu.wait_dma2 semaphore(%arg16 : memref<!tpu.dma_semaphore, #tpu.memory_space<semaphore_mem>>) src(%dma_wait3A_301 : memref<448xi32, #tpu.memory_space<hbm>>) dst(%arg8 : memref<448xi32, #tpu.memory_space<vmem>>)
        %dma_start3A_302 = arith.constant 0 : i32
        %dma_start3A_303 = arith.constant 0 : i32
        %dma_start3A_304 = tpu.memref_slice %arg12[%dma_start3A_302, %dma_start3A_303] : memref<448x128xf32, #tpu.memory_space<vmem>> -> memref<128x128xf32, #tpu.memory_space<vmem>>
        %dma_start3A_305 = arith.constant 0 : i32
        %dma_start3A_306 = tpu.memref_slice %arg8[%dma_start3A_305] : memref<448xi32, #tpu.memory_space<vmem>> -> memref<128xi32, #tpu.memory_space<vmem>>
        %dma_start3A_307 = arith.constant 0 : i32
        %dma_start3A_308 = arith.constant 0 : i32
        %dma_start3A_309 = tpu.memref_slice %arg5[%dma_start3A_307, %dma_start3A_308] : memref<100000x128xf32, #tpu.memory_space<hbm>> -> memref<100000x128xf32, #tpu.memory_space<hbm>>
        tpu.enqueue_indirect_dma source(%dma_start3A_309 : memref<100000x128xf32, #tpu.memory_space<hbm>>) target(%dma_start3A_304 : memref<128x128xf32, #tpu.memory_space<vmem>>) offsets(%dma_start3A_306 : memref<128xi32, #tpu.memory_space<vmem>>) semaphore(%arg18 : memref<!tpu.dma_semaphore, #tpu.memory_space<semaphore_mem>>)
        %dma_start3A_310 = arith.constant 128 : i32
        %dma_start3A_311 = arith.constant 0 : i32
        %dma_start3A_312 = tpu.memref_slice %arg12[%dma_start3A_310, %dma_start3A_311] : memref<448x128xf32, #tpu.memory_space<vmem>> -> memref<128x128xf32, #tpu.memory_space<vmem>>
        %dma_start3A_313 = arith.constant 128 : i32
        %dma_start3A_314 = tpu.memref_slice %arg8[%dma_start3A_313] : memref<448xi32, #tpu.memory_space<vmem>> -> memref<128xi32, #tpu.memory_space<vmem>>
        %dma_start3A_315 = arith.constant 0 : i32
        %dma_start3A_316 = arith.constant 0 : i32
        %dma_start3A_317 = tpu.memref_slice %arg5[%dma_start3A_315, %dma_start3A_316] : memref<100000x128xf32, #tpu.memory_space<hbm>> -> memref<100000x128xf32, #tpu.memory_space<hbm>>
        tpu.enqueue_indirect_dma source(%dma_start3A_317 : memref<100000x128xf32, #tpu.memory_space<hbm>>) target(%dma_start3A_312 : memref<128x128xf32, #tpu.memory_space<vmem>>) offsets(%dma_start3A_314 : memref<128xi32, #tpu.memory_space<vmem>>) semaphore(%arg18 : memref<!tpu.dma_semaphore, #tpu.memory_space<semaphore_mem>>)
        %dma_start3A_318 = arith.constant 256 : i32
        %dma_start3A_319 = arith.constant 0 : i32
        %dma_start3A_320 = tpu.memref_slice %arg12[%dma_start3A_318, %dma_start3A_319] : memref<448x128xf32, #tpu.memory_space<vmem>> -> memref<128x128xf32, #tpu.memory_space<vmem>>
        %dma_start3A_321 = arith.constant 256 : i32
        %dma_start3A_322 = tpu.memref_slice %arg8[%dma_start3A_321] : memref<448xi32, #tpu.memory_space<vmem>> -> memref<128xi32, #tpu.memory_space<vmem>>
        %dma_start3A_323 = arith.constant 0 : i32
        %dma_start3A_324 = arith.constant 0 : i32
        %dma_start3A_325 = tpu.memref_slice %arg5[%dma_start3A_323, %dma_start3A_324] : memref<100000x128xf32, #tpu.memory_space<hbm>> -> memref<100000x128xf32, #tpu.memory_space<hbm>>
        tpu.enqueue_indirect_dma source(%dma_start3A_325 : memref<100000x128xf32, #tpu.memory_space<hbm>>) target(%dma_start3A_320 : memref<128x128xf32, #tpu.memory_space<vmem>>) offsets(%dma_start3A_322 : memref<128xi32, #tpu.memory_space<vmem>>) semaphore(%arg18 : memref<!tpu.dma_semaphore, #tpu.memory_space<semaphore_mem>>)
        %dma_start3A_326 = arith.constant 384 : i32
        %dma_start3A_327 = arith.constant 0 : i32
        %dma_start3A_328 = tpu.memref_slice %arg12[%dma_start3A_326, %dma_start3A_327] : memref<448x128xf32, #tpu.memory_space<vmem>> -> memref<64x128xf32, #tpu.memory_space<vmem>>
        %dma_start3A_329 = arith.constant 384 : i32
        %dma_start3A_330 = tpu.memref_slice %arg8[%dma_start3A_329] : memref<448xi32, #tpu.memory_space<vmem>> -> memref<64xi32, #tpu.memory_space<vmem>>
        %dma_start3A_331 = arith.constant 0 : i32
        %dma_start3A_332 = arith.constant 0 : i32
        %dma_start3A_333 = tpu.memref_slice %arg5[%dma_start3A_331, %dma_start3A_332] : memref<100000x128xf32, #tpu.memory_space<hbm>> -> memref<100000x128xf32, #tpu.memory_space<hbm>>
        tpu.enqueue_indirect_dma source(%dma_start3A_333 : memref<100000x128xf32, #tpu.memory_space<hbm>>) target(%dma_start3A_328 : memref<64x128xf32, #tpu.memory_space<vmem>>) offsets(%dma_start3A_330 : memref<64xi32, #tpu.memory_space<vmem>>) semaphore(%arg18 : memref<!tpu.dma_semaphore, #tpu.memory_space<semaphore_mem>>)
        %add3A_334 = arith.constant 2 : i32
        %add3A_335 = arith.addi %mul3A_127, %add3A_334 : i32
        %mul3A_336 = arith.constant 432 : i32
        %mul3A_337 = arith.muli %add3A_335, %mul3A_336 : i32
        %add3A_338 = arith.addi %and3A_14, %mul3A_337 : i32
        %multiple_of3A_339 = tpu.assume_multiple %add3A_338, 8 : i32
        %dma_start3A_340 = tpu.memref_slice %arg4[%multiple_of3A_339] : memref<800896xf32, #tpu.memory_space<hbm>> -> memref<464xf32, #tpu.memory_space<hbm>>
        %dma_start3A_341 = tpu.memref_slice %arg4[%multiple_of3A_339] : memref<800896xf32, #tpu.memory_space<hbm>> -> memref<464xf32, #tpu.memory_space<hbm>>
        tpu.enqueue_dma source(%dma_start3A_341 : memref<464xf32, #tpu.memory_space<hbm>>) target(%arg10 : memref<464xf32, #tpu.memory_space<vmem>>) target_semaphore(%arg20 : memref<!tpu.dma_semaphore, #tpu.memory_space<semaphore_mem>>)
      } else {
      }
      %mul3A_244 = arith.constant 432 : i32
      %mul3A_245 = arith.muli %add3A_129, %mul3A_244 : i32
      %add3A_246 = arith.addi %squeeze3A, %mul3A_245 : i32
      %sub3A_247 = arith.subi %squeeze3A_13, %add3A_246 : i32
      %jit3A_248 = arith.constant 0 : i32
      %jit3A_249 = arith.constant 432 : i32
      %max3A_250 = arith.maxsi %jit3A_248, %sub3A_247 : i32
      %min3A_251 = arith.minsi %jit3A_249, %max3A_250 : i32
      %add3A_252 = arith.addi %add3A_246, %min3A_251 : i32
      %scan3A_253 = arith.constant 0 : i32
      %scan3A_254 = arith.constant 11 : i32
      %scan3A_255 = arith.addi %scan3A_253, %scan3A_254 : i32
      %scan3A_256 = arith.constant 1 : i32
      %scan3A_257:2 = scf.for %scan3A_298 = %scan3A_253 to %scan3A_255 step %scan3A_256 iter_args(%scan3A_299 = %select_n3A_152, %scan3A_300 = %min3A_4) -> (i32, i32)  : i32 {
        %add3A_301 = arith.addi %scan3A_299, %scan3A_300 : i32
        %jit3A_302 = arith.constant 2 : i32
        %div3A_303 = arith.divsi %add3A_301, %jit3A_302 : i32
        %sign3A_304 = arith.constant 0 : i32
        %sign3A_305 = arith.cmpi sgt, %add3A_301, %sign3A_304 : i32
        %sign3A_306 = arith.extui %sign3A_305 : i1 to i32
        %sign3A_307 = arith.constant 0 : i32
        %sign3A_308 = arith.cmpi slt, %add3A_301, %sign3A_307 : i32
        %sign3A_309 = arith.extui %sign3A_308 : i1 to i32
        %sign3A_310 = arith.subi %sign3A_306, %sign3A_309 : i32
        %sign3A_311 = arith.constant 0 : i32
        %sign3A_312 = arith.cmpi sgt, %jit3A_302, %sign3A_311 : i32
        %sign3A_313 = arith.extui %sign3A_312 : i1 to i32
        %sign3A_314 = arith.constant 0 : i32
        %sign3A_315 = arith.cmpi slt, %jit3A_302, %sign3A_314 : i32
        %sign3A_316 = arith.extui %sign3A_315 : i1 to i32
        %sign3A_317 = arith.subi %sign3A_313, %sign3A_316 : i32
        %ne3A_318 = arith.cmpi ne, %sign3A_310, %sign3A_317 : i32
        %rem3A_319 = arith.remsi %add3A_301, %jit3A_302 : i32
        %ne3A_320 = arith.constant 0 : i32
        %ne3A_321 = arith.cmpi ne, %rem3A_319, %ne3A_320 : i32
        %and3A_322 = arith.andi %ne3A_318, %ne3A_321 : i1
        %sub3A_323 = arith.constant 1 : i32
        %sub3A_324 = arith.subi %div3A_303, %sub3A_323 : i32
        %select_n3A_325 = arith.select %and3A_322, %sub3A_324, %div3A_303 : i32
        %get3A_326 = arith.index_cast %select_n3A_325 : i32 to index
        %get3A_327 = tpu.vector_load %arg7[%get3A_326] {strides = array<i32>} : memref<1600xi32, #tpu.memory_space<vmem>>, vector<16xi32>,
        %get3A_328 = vector.shape_cast %get3A_327 : vector<16xi32> to vector<16xi32>
        %slice3A_329 = vector.extract_strided_slice %get3A_328 {offsets = [0], sizes = [1], strides = [1]} : vector<16xi32> to vector<1xi32>
        %squeeze3A_330 = vector.extract %slice3A_329[0] : i32 from vector<1xi32>
        %sub3A_331 = arith.constant 1 : i32
        %sub3A_332 = arith.subi %add3A_252, %sub3A_331 : i32
        %le3A_333 = arith.cmpi sle, %squeeze3A_330, %sub3A_332 : i32
        %select_n3A_334 = arith.select %le3A_333, %select_n3A_325, %scan3A_299 : i32
        %select_n3A_335 = arith.select %le3A_333, %scan3A_300, %select_n3A_325 : i32
        scf.yield %select_n3A_334, %select_n3A_335 : i32, i32
      }
      %scan3A_258 = arith.constant 11 : i32
      %add3A_259 = arith.constant 1 : i32
      %add3A_260 = arith.addi %scan3A_257#0, %add3A_259 : i32
      %get3A_261 = arith.index_cast %add3A_260 : i32 to index
      %get3A_262 = tpu.vector_load %arg7[%get3A_261] {strides = array<i32>} : memref<1600xi32, #tpu.memory_space<vmem>>, vector<16xi32>,
      %get3A_263 = vector.shape_cast %get3A_262 : vector<16xi32> to vector<16xi32>
      %slice3A_264 = vector.extract_strided_slice %get3A_263 {offsets = [0], sizes = [1], strides = [1]} : vector<16xi32> to vector<1xi32>
      %squeeze3A_265 = vector.extract %slice3A_264[0] : i32 from vector<1xi32>
      %le3A_266 = arith.cmpi sle, %squeeze3A_265, %add3A_252 : i32
      %add3A_267 = arith.constant 1 : i32
      %add3A_268 = arith.addi %scan3A_257#0, %add3A_267 : i32
      %select_n3A_269 = arith.select %le3A_266, %add3A_268, %scan3A_257#0 : i32
      %lt3A_270 = arith.cmpi slt, %add3A_129, %select_n3A : i32
      %convert_element_type3A_271 = arith.extui %lt3A_270 : i1 to i32
      %cond3A_272 = arith.constant 0 : i32
      %cond3A_273 = arith.cmpi ne, %convert_element_type3A_271, %cond3A_272 : i32
      scf.if %cond3A_273 {
        %dma_wait3A_298 = arith.constant 0 : i32
        %dma_wait3A_299 = arith.constant 0 : i32
        %dma_wait3A_300 = tpu.memref_slice %arg13[%dma_wait3A_298, %dma_wait3A_299] : memref<448x128xf32, #tpu.memory_space<vmem>> -> memref<128x128xf32, #tpu.memory_space<vmem>>
        %dma_wait3A_301 = arith.constant 0 : i32
        %dma_wait3A_302 = arith.constant 0 : i32
        %dma_wait3A_303 = tpu.memref_slice %arg5[%dma_wait3A_301, %dma_wait3A_302] : memref<100000x128xf32, #tpu.memory_space<hbm>> -> memref<128x128xf32, #tpu.memory_space<hbm>>
        %dma_wait3A_304 = arith.constant 0 : i32
        %dma_wait3A_305 = arith.constant 0 : i32
        %dma_wait3A_306 = tpu.memref_slice %arg13[%dma_wait3A_304, %dma_wait3A_305] : memref<448x128xf32, #tpu.memory_space<vmem>> -> memref<128x128xf32, #tpu.memory_space<vmem>>
        %dma_wait3A_307 = arith.constant 0 : i32
        %dma_wait3A_308 = arith.constant 0 : i32
        %dma_wait3A_309 = tpu.memref_slice %arg5[%dma_wait3A_307, %dma_wait3A_308] : memref<100000x128xf32, #tpu.memory_space<hbm>> -> memref<128x128xf32, #tpu.memory_space<hbm>>
        tpu.wait_dma2 semaphore(%arg19 : memref<!tpu.dma_semaphore, #tpu.memory_space<semaphore_mem>>) src(%dma_wait3A_309 : memref<128x128xf32, #tpu.memory_space<hbm>>) dst(%dma_wait3A_306 : memref<128x128xf32, #tpu.memory_space<vmem>>)
        %dma_wait3A_310 = arith.constant 128 : i32
        %dma_wait3A_311 = arith.constant 0 : i32
        %dma_wait3A_312 = tpu.memref_slice %arg13[%dma_wait3A_310, %dma_wait3A_311] : memref<448x128xf32, #tpu.memory_space<vmem>> -> memref<128x128xf32, #tpu.memory_space<vmem>>
        %dma_wait3A_313 = arith.constant 0 : i32
        %dma_wait3A_314 = arith.constant 0 : i32
        %dma_wait3A_315 = tpu.memref_slice %arg5[%dma_wait3A_313, %dma_wait3A_314] : memref<100000x128xf32, #tpu.memory_space<hbm>> -> memref<128x128xf32, #tpu.memory_space<hbm>>
        %dma_wait3A_316 = arith.constant 128 : i32
        %dma_wait3A_317 = arith.constant 0 : i32
        %dma_wait3A_318 = tpu.memref_slice %arg13[%dma_wait3A_316, %dma_wait3A_317] : memref<448x128xf32, #tpu.memory_space<vmem>> -> memref<128x128xf32, #tpu.memory_space<vmem>>
        %dma_wait3A_319 = arith.constant 0 : i32
        %dma_wait3A_320 = arith.constant 0 : i32
        %dma_wait3A_321 = tpu.memref_slice %arg5[%dma_wait3A_319, %dma_wait3A_320] : memref<100000x128xf32, #tpu.memory_space<hbm>> -> memref<128x128xf32, #tpu.memory_space<hbm>>
        tpu.wait_dma2 semaphore(%arg19 : memref<!tpu.dma_semaphore, #tpu.memory_space<semaphore_mem>>) src(%dma_wait3A_321 : memref<128x128xf32, #tpu.memory_space<hbm>>) dst(%dma_wait3A_318 : memref<128x128xf32, #tpu.memory_space<vmem>>)
        %dma_wait3A_322 = arith.constant 256 : i32
        %dma_wait3A_323 = arith.constant 0 : i32
        %dma_wait3A_324 = tpu.memref_slice %arg13[%dma_wait3A_322, %dma_wait3A_323] : memref<448x128xf32, #tpu.memory_space<vmem>> -> memref<128x128xf32, #tpu.memory_space<vmem>>
        %dma_wait3A_325 = arith.constant 0 : i32
        %dma_wait3A_326 = arith.constant 0 : i32
        %dma_wait3A_327 = tpu.memref_slice %arg5[%dma_wait3A_325, %dma_wait3A_326] : memref<100000x128xf32, #tpu.memory_space<hbm>> -> memref<128x128xf32, #tpu.memory_space<hbm>>
        %dma_wait3A_328 = arith.constant 256 : i32
        %dma_wait3A_329 = arith.constant 0 : i32
        %dma_wait3A_330 = tpu.memref_slice %arg13[%dma_wait3A_328, %dma_wait3A_329] : memref<448x128xf32, #tpu.memory_space<vmem>> -> memref<128x128xf32, #tpu.memory_space<vmem>>
        %dma_wait3A_331 = arith.constant 0 : i32
        %dma_wait3A_332 = arith.constant 0 : i32
        %dma_wait3A_333 = tpu.memref_slice %arg5[%dma_wait3A_331, %dma_wait3A_332] : memref<100000x128xf32, #tpu.memory_space<hbm>> -> memref<128x128xf32, #tpu.memory_space<hbm>>
        tpu.wait_dma2 semaphore(%arg19 : memref<!tpu.dma_semaphore, #tpu.memory_space<semaphore_mem>>) src(%dma_wait3A_333 : memref<128x128xf32, #tpu.memory_space<hbm>>) dst(%dma_wait3A_330 : memref<128x128xf32, #tpu.memory_space<vmem>>)
        %dma_wait3A_334 = arith.constant 384 : i32
        %dma_wait3A_335 = arith.constant 0 : i32
        %dma_wait3A_336 = tpu.memref_slice %arg13[%dma_wait3A_334, %dma_wait3A_335] : memref<448x128xf32, #tpu.memory_space<vmem>> -> memref<64x128xf32, #tpu.memory_space<vmem>>
        %dma_wait3A_337 = arith.constant 0 : i32
        %dma_wait3A_338 = arith.constant 0 : i32
        %dma_wait3A_339 = tpu.memref_slice %arg5[%dma_wait3A_337, %dma_wait3A_338] : memref<100000x128xf32, #tpu.memory_space<hbm>> -> memref<64x128xf32, #tpu.memory_space<hbm>>
        %dma_wait3A_340 = arith.constant 384 : i32
        %dma_wait3A_341 = arith.constant 0 : i32
        %dma_wait3A_342 = tpu.memref_slice %arg13[%dma_wait3A_340, %dma_wait3A_341] : memref<448x128xf32, #tpu.memory_space<vmem>> -> memref<64x128xf32, #tpu.memory_space<vmem>>
        %dma_wait3A_343 = arith.constant 0 : i32
        %dma_wait3A_344 = arith.constant 0 : i32
        %dma_wait3A_345 = tpu.memref_slice %arg5[%dma_wait3A_343, %dma_wait3A_344] : memref<100000x128xf32, #tpu.memory_space<hbm>> -> memref<64x128xf32, #tpu.memory_space<hbm>>
        tpu.wait_dma2 semaphore(%arg19 : memref<!tpu.dma_semaphore, #tpu.memory_space<semaphore_mem>>) src(%dma_wait3A_345 : memref<64x128xf32, #tpu.memory_space<hbm>>) dst(%dma_wait3A_342 : memref<64x128xf32, #tpu.memory_space<vmem>>)
        %dma_wait3A_346 = arith.constant 0 : i32
        %dma_wait3A_347 = tpu.memref_slice %arg4[%dma_wait3A_346] : memref<800896xf32, #tpu.memory_space<hbm>> -> memref<464xf32, #tpu.memory_space<hbm>>
        %dma_wait3A_348 = arith.constant 0 : i32
        %dma_wait3A_349 = tpu.memref_slice %arg4[%dma_wait3A_348] : memref<800896xf32, #tpu.memory_space<hbm>> -> memref<464xf32, #tpu.memory_space<hbm>>
        tpu.wait_dma2 semaphore(%arg21 : memref<!tpu.dma_semaphore, #tpu.memory_space<semaphore_mem>>) src(%dma_wait3A_349 : memref<464xf32, #tpu.memory_space<hbm>>) dst(%arg11 : memref<464xf32, #tpu.memory_space<vmem>>)
      } else {
      }
      %mul3A_274 = arith.constant 432 : i32
      %mul3A_275 = arith.muli %add3A_129, %mul3A_274 : i32
      %add3A_276 = arith.addi %squeeze3A, %mul3A_275 : i32
      %sub3A_277 = arith.subi %squeeze3A_13, %add3A_276 : i32
      %jit3A_278 = arith.constant 0 : i32
      %jit3A_279 = arith.constant 432 : i32
      %max3A_280 = arith.maxsi %jit3A_278, %sub3A_277 : i32
      %min3A_281 = arith.minsi %jit3A_279, %max3A_280 : i32
      %add3A_282 = arith.addi %add3A_276, %min3A_281 : i32
      %sub3A_283 = arith.subi %scan3A_257#0, %select_n3A_152 : i32
      %add3A_284 = arith.constant 1 : i32
      %add3A_285 = arith.addi %sub3A_283, %add3A_284 : i32
      %while3A_286 = arith.constant 0 : i32
      %while3A_287 = arith.constant 0 : i32
      %while3A_288 = arith.subi %add3A_285, %while3A_286 : i32
      %while3A_289 = arith.addi %while3A_286, %while3A_288 : i32
      %while3A_290 = arith.constant 1 : i32
      %while3A_291 = arith.divsi %while3A_288, %while3A_290 : i32
      %while3A_292 = arith.muli %while3A_291, %while3A_290 : i32
      %while3A_293 = arith.addi %while3A_286, %while3A_292 : i32
      %while3A_294 = arith.constant 1 : i32
      %while3A_295:9 = scf.for %while3A_298 = %while3A_286 to %while3A_293 step %while3A_294 iter_args(%while3A_299 = %while3A_237#0, %while3A_300 = %while3A_237#1, %while3A_301 = %while3A_237#2, %while3A_302 = %while3A_237#3, %while3A_303 = %while3A_237#4, %while3A_304 = %while3A_237#5, %while3A_305 = %while3A_237#6, %while3A_306 = %while3A_237#7, %while3A_307 = %while3A_287) -> (vector<16xf32>, vector<16xf32>, vector<16xf32>, vector<16xf32>, vector<16xf32>, vector<16xf32>, vector<16xf32>, vector<16xf32>, i32)  : i32 {
        %add3A_308 = arith.addi %select_n3A_152, %while3A_298 : i32
        %add3A_309 = arith.constant 1 : i32
        %add3A_310 = arith.addi %add3A_308, %add3A_309 : i32
        %get3A_311 = arith.index_cast %add3A_310 : i32 to index
        %get3A_312 = tpu.vector_load %arg7[%get3A_311] {strides = array<i32>} : memref<1600xi32, #tpu.memory_space<vmem>>, vector<16xi32>,
        %get3A_313 = vector.shape_cast %get3A_312 : vector<16xi32> to vector<16xi32>
        %slice3A_314 = vector.extract_strided_slice %get3A_313 {offsets = [0], sizes = [1], strides = [1]} : vector<16xi32> to vector<1xi32>
        %squeeze3A_315 = vector.extract %slice3A_314[0] : i32 from vector<1xi32>
        %eq3A = arith.constant 0 : i32
        %eq3A_316 = arith.cmpi eq, %while3A_298, %eq3A : i32
        %sub3A_317 = arith.subi %while3A_307, %add3A_276 : i32
        %jit3A_318 = arith.constant 0 : i32
        %select_n3A_319 = arith.select %eq3A_316, %jit3A_318, %sub3A_317 : i32
        %min3A_320 = arith.minsi %squeeze3A_315, %add3A_282 : i32
        %sub3A_321 = arith.subi %min3A_320, %add3A_276 : i32
        %parallel_loop3A = arith.constant 1 : i32
        %parallel_loop3A_322:8 = scf.for %parallel_loop3A_337 = %select_n3A_319 to %sub3A_321 step %parallel_loop3A iter_args(%parallel_loop3A_338 = %while3A_299, %parallel_loop3A_339 = %while3A_300, %parallel_loop3A_340 = %while3A_301, %parallel_loop3A_341 = %while3A_302, %parallel_loop3A_342 = %while3A_303, %parallel_loop3A_343 = %while3A_304, %parallel_loop3A_344 = %while3A_305, %parallel_loop3A_345 = %while3A_306) -> (vector<16xf32>, vector<16xf32>, vector<16xf32>, vector<16xf32>, vector<16xf32>, vector<16xf32>, vector<16xf32>, vector<16xf32>)  : i32 {
          %parallel_loop3A_346 = arith.addi %sub3A_15, %parallel_loop3A_337 : i32
          %parallel_loop3A_347 = arith.index_cast %parallel_loop3A_346 : i32 to index
          %parallel_loop3A_348 = tpu.vector_load %arg11[%parallel_loop3A_347] {strides = array<i32>} : memref<464xf32, #tpu.memory_space<vmem>>, vector<16xf32>,
          %parallel_loop3A_349 = vector.shape_cast %parallel_loop3A_348 : vector<16xf32> to vector<16xf32>
          %parallel_loop3A_350 = vector.extract_strided_slice %parallel_loop3A_349 {offsets = [0], sizes = [1], strides = [1]} : vector<16xf32> to vector<1xf32>
          %parallel_loop3A_351 = vector.extract %parallel_loop3A_350[0] : f32 from vector<1xf32>
          %parallel_loop3A_352 = vector.broadcast %parallel_loop3A_351 : f32 to vector<16xf32>
          %parallel_loop3A_353 = arith.index_cast %parallel_loop3A_346 : i32 to index
          %parallel_loop3A_354 = arith.constant 0 : index
          %parallel_loop3A_355 = tpu.vector_load %arg13[%parallel_loop3A_353, %parallel_loop3A_354] {strides = array<i32>} : memref<448x128xf32, #tpu.memory_space<vmem>>, vector<1x16xf32>,
          %parallel_loop3A_356 = vector.shape_cast %parallel_loop3A_355 : vector<1x16xf32> to vector<16xf32>
          %parallel_loop3A_357 = arith.mulf %parallel_loop3A_352, %parallel_loop3A_356 : vector<16xf32>
          %parallel_loop3A_358 = arith.addf %parallel_loop3A_338, %parallel_loop3A_357 : vector<16xf32>
          %parallel_loop3A_359 = arith.index_cast %parallel_loop3A_346 : i32 to index
          %parallel_loop3A_360 = arith.constant 16 : index
          %parallel_loop3A_361 = tpu.vector_load %arg13[%parallel_loop3A_359, %parallel_loop3A_360] {strides = array<i32>} : memref<448x128xf32, #tpu.memory_space<vmem>>, vector<1x16xf32>,
          %parallel_loop3A_362 = vector.shape_cast %parallel_loop3A_361 : vector<1x16xf32> to vector<16xf32>
          %parallel_loop3A_363 = arith.mulf %parallel_loop3A_352, %parallel_loop3A_362 : vector<16xf32>
          %parallel_loop3A_364 = arith.addf %parallel_loop3A_339, %parallel_loop3A_363 : vector<16xf32>
          %parallel_loop3A_365 = arith.index_cast %parallel_loop3A_346 : i32 to index
          %parallel_loop3A_366 = arith.constant 32 : index
          %parallel_loop3A_367 = tpu.vector_load %arg13[%parallel_loop3A_365, %parallel_loop3A_366] {strides = array<i32>} : memref<448x128xf32, #tpu.memory_space<vmem>>, vector<1x16xf32>,
          %parallel_loop3A_368 = vector.shape_cast %parallel_loop3A_367 : vector<1x16xf32> to vector<16xf32>
          %parallel_loop3A_369 = arith.mulf %parallel_loop3A_352, %parallel_loop3A_368 : vector<16xf32>
          %parallel_loop3A_370 = arith.addf %parallel_loop3A_340, %parallel_loop3A_369 : vector<16xf32>
          %parallel_loop3A_371 = arith.index_cast %parallel_loop3A_346 : i32 to index
          %parallel_loop3A_372 = arith.constant 48 : index
          %parallel_loop3A_373 = tpu.vector_load %arg13[%parallel_loop3A_371, %parallel_loop3A_372] {strides = array<i32>} : memref<448x128xf32, #tpu.memory_space<vmem>>, vector<1x16xf32>,
          %parallel_loop3A_374 = vector.shape_cast %parallel_loop3A_373 : vector<1x16xf32> to vector<16xf32>
          %parallel_loop3A_375 = arith.mulf %parallel_loop3A_352, %parallel_loop3A_374 : vector<16xf32>
          %parallel_loop3A_376 = arith.addf %parallel_loop3A_341, %parallel_loop3A_375 : vector<16xf32>
          %parallel_loop3A_377 = arith.index_cast %parallel_loop3A_346 : i32 to index
          %parallel_loop3A_378 = arith.constant 64 : index
          %parallel_loop3A_379 = tpu.vector_load %arg13[%parallel_loop3A_377, %parallel_loop3A_378] {strides = array<i32>} : memref<448x128xf32, #tpu.memory_space<vmem>>, vector<1x16xf32>,
          %parallel_loop3A_380 = vector.shape_cast %parallel_loop3A_379 : vector<1x16xf32> to vector<16xf32>
          %parallel_loop3A_381 = arith.mulf %parallel_loop3A_352, %parallel_loop3A_380 : vector<16xf32>
          %parallel_loop3A_382 = arith.addf %parallel_loop3A_342, %parallel_loop3A_381 : vector<16xf32>
          %parallel_loop3A_383 = arith.index_cast %parallel_loop3A_346 : i32 to index
          %parallel_loop3A_384 = arith.constant 80 : index
          %parallel_loop3A_385 = tpu.vector_load %arg13[%parallel_loop3A_383, %parallel_loop3A_384] {strides = array<i32>} : memref<448x128xf32, #tpu.memory_space<vmem>>, vector<1x16xf32>,
          %parallel_loop3A_386 = vector.shape_cast %parallel_loop3A_385 : vector<1x16xf32> to vector<16xf32>
          %parallel_loop3A_387 = arith.mulf %parallel_loop3A_352, %parallel_loop3A_386 : vector<16xf32>
          %parallel_loop3A_388 = arith.addf %parallel_loop3A_343, %parallel_loop3A_387 : vector<16xf32>
          %parallel_loop3A_389 = arith.index_cast %parallel_loop3A_346 : i32 to index
          %parallel_loop3A_390 = arith.constant 96 : index
          %parallel_loop3A_391 = tpu.vector_load %arg13[%parallel_loop3A_389, %parallel_loop3A_390] {strides = array<i32>} : memref<448x128xf32, #tpu.memory_space<vmem>>, vector<1x16xf32>,
          %parallel_loop3A_392 = vector.shape_cast %parallel_loop3A_391 : vector<1x16xf32> to vector<16xf32>
          %parallel_loop3A_393 = arith.mulf %parallel_loop3A_352, %parallel_loop3A_392 : vector<16xf32>
          %parallel_loop3A_394 = arith.addf %parallel_loop3A_344, %parallel_loop3A_393 : vector<16xf32>
          %parallel_loop3A_395 = arith.index_cast %parallel_loop3A_346 : i32 to index
          %parallel_loop3A_396 = arith.constant 112 : index
          %parallel_loop3A_397 = tpu.vector_load %arg13[%parallel_loop3A_395, %parallel_loop3A_396] {strides = array<i32>} : memref<448x128xf32, #tpu.memory_space<vmem>>, vector<1x16xf32>,
          %parallel_loop3A_398 = vector.shape_cast %parallel_loop3A_397 : vector<1x16xf32> to vector<16xf32>
          %parallel_loop3A_399 = arith.mulf %parallel_loop3A_352, %parallel_loop3A_398 : vector<16xf32>
          %parallel_loop3A_400 = arith.addf %parallel_loop3A_345, %parallel_loop3A_399 : vector<16xf32>
          scf.yield %parallel_loop3A_358, %parallel_loop3A_364, %parallel_loop3A_370, %parallel_loop3A_376, %parallel_loop3A_382, %parallel_loop3A_388, %parallel_loop3A_394, %parallel_loop3A_400 : vector<16xf32>, vector<16xf32>, vector<16xf32>, vector<16xf32>, vector<16xf32>, vector<16xf32>, vector<16xf32>, vector<16xf32>
        } {sc.loop_unroll_factor = 4 : i64, sc.parallel_access}
        %le3A_323 = arith.cmpi sle, %squeeze3A_315, %add3A_282 : i32
        %lt3A_324 = arith.cmpi slt, %add3A_308, %min3A_4 : i32
        %and3A_325 = arith.andi %le3A_323, %lt3A_324 : i1
        %convert_element_type3A_326 = arith.extui %and3A_325 : i1 to i32
        %cond3A_327 = arith.constant 0 : i32
        %cond3A_328 = arith.cmpi ne, %convert_element_type3A_326, %cond3A_327 : i32
        scf.if %cond3A_328 {
          %shift_right_logical3A = arith.constant 4 : i32
          %shift_right_logical3A_337 = arith.shrui %add3A_308, %shift_right_logical3A : i32
          %and3A_338 = arith.constant 1 : i32
          %and3A_339 = arith.andi %shift_right_logical3A_337, %and3A_338 : i32
          %and3A_340 = arith.constant 15 : i32
          %and3A_341 = arith.andi %add3A_308, %and3A_340 : i32
          %swap3A = arith.index_cast %and3A_339 : i32 to index
          %swap3A_342 = arith.index_cast %and3A_341 : i32 to index
          %swap3A_343 = arith.constant 0 : index
          %swap3A_344 = tpu.vector_load %arg14[%swap3A, %swap3A_342, %swap3A_343] {strides = array<i32>} : memref<2x16x128xf32, #tpu.memory_space<vmem>>, vector<1x1x16xf32>,
          %swap3A_345 = vector.shape_cast %swap3A_344 : vector<1x1x16xf32> to vector<16xf32>
          %swap3A_346 = vector.shape_cast %parallel_loop3A_322#0 : vector<16xf32> to vector<1x1x16xf32>
          tpu.vector_store %arg14[%swap3A, %swap3A_342, %swap3A_343], %swap3A_346 {strides = array<i32>} : memref<2x16x128xf32, #tpu.memory_space<vmem>>, vector<1x1x16xf32>,
          %swap3A_347 = arith.index_cast %and3A_339 : i32 to index
          %swap3A_348 = arith.index_cast %and3A_341 : i32 to index
          %swap3A_349 = arith.constant 16 : index
          %swap3A_350 = tpu.vector_load %arg14[%swap3A_347, %swap3A_348, %swap3A_349] {strides = array<i32>} : memref<2x16x128xf32, #tpu.memory_space<vmem>>, vector<1x1x16xf32>,
          %swap3A_351 = vector.shape_cast %swap3A_350 : vector<1x1x16xf32> to vector<16xf32>
          %swap3A_352 = vector.shape_cast %parallel_loop3A_322#1 : vector<16xf32> to vector<1x1x16xf32>
          tpu.vector_store %arg14[%swap3A_347, %swap3A_348, %swap3A_349], %swap3A_352 {strides = array<i32>} : memref<2x16x128xf32, #tpu.memory_space<vmem>>, vector<1x1x16xf32>,
          %swap3A_353 = arith.index_cast %and3A_339 : i32 to index
          %swap3A_354 = arith.index_cast %and3A_341 : i32 to index
          %swap3A_355 = arith.constant 32 : index
          %swap3A_356 = tpu.vector_load %arg14[%swap3A_353, %swap3A_354, %swap3A_355] {strides = array<i32>} : memref<2x16x128xf32, #tpu.memory_space<vmem>>, vector<1x1x16xf32>,
          %swap3A_357 = vector.shape_cast %swap3A_356 : vector<1x1x16xf32> to vector<16xf32>
          %swap3A_358 = vector.shape_cast %parallel_loop3A_322#2 : vector<16xf32> to vector<1x1x16xf32>
          tpu.vector_store %arg14[%swap3A_353, %swap3A_354, %swap3A_355], %swap3A_358 {strides = array<i32>} : memref<2x16x128xf32, #tpu.memory_space<vmem>>, vector<1x1x16xf32>,
          %swap3A_359 = arith.index_cast %and3A_339 : i32 to index
          %swap3A_360 = arith.index_cast %and3A_341 : i32 to index
          %swap3A_361 = arith.constant 48 : index
          %swap3A_362 = tpu.vector_load %arg14[%swap3A_359, %swap3A_360, %swap3A_361] {strides = array<i32>} : memref<2x16x128xf32, #tpu.memory_space<vmem>>, vector<1x1x16xf32>,
          %swap3A_363 = vector.shape_cast %swap3A_362 : vector<1x1x16xf32> to vector<16xf32>
          %swap3A_364 = vector.shape_cast %parallel_loop3A_322#3 : vector<16xf32> to vector<1x1x16xf32>
          tpu.vector_store %arg14[%swap3A_359, %swap3A_360, %swap3A_361], %swap3A_364 {strides = array<i32>} : memref<2x16x128xf32, #tpu.memory_space<vmem>>, vector<1x1x16xf32>,
          %swap3A_365 = arith.index_cast %and3A_339 : i32 to index
          %swap3A_366 = arith.index_cast %and3A_341 : i32 to index
          %swap3A_367 = arith.constant 64 : index
          %swap3A_368 = tpu.vector_load %arg14[%swap3A_365, %swap3A_366, %swap3A_367] {strides = array<i32>} : memref<2x16x128xf32, #tpu.memory_space<vmem>>, vector<1x1x16xf32>,
          %swap3A_369 = vector.shape_cast %swap3A_368 : vector<1x1x16xf32> to vector<16xf32>
          %swap3A_370 = vector.shape_cast %parallel_loop3A_322#4 : vector<16xf32> to vector<1x1x16xf32>
          tpu.vector_store %arg14[%swap3A_365, %swap3A_366, %swap3A_367], %swap3A_370 {strides = array<i32>} : memref<2x16x128xf32, #tpu.memory_space<vmem>>, vector<1x1x16xf32>,
          %swap3A_371 = arith.index_cast %and3A_339 : i32 to index
          %swap3A_372 = arith.index_cast %and3A_341 : i32 to index
          %swap3A_373 = arith.constant 80 : index
          %swap3A_374 = tpu.vector_load %arg14[%swap3A_371, %swap3A_372, %swap3A_373] {strides = array<i32>} : memref<2x16x128xf32, #tpu.memory_space<vmem>>, vector<1x1x16xf32>,
          %swap3A_375 = vector.shape_cast %swap3A_374 : vector<1x1x16xf32> to vector<16xf32>
          %swap3A_376 = vector.shape_cast %parallel_loop3A_322#5 : vector<16xf32> to vector<1x1x16xf32>
          tpu.vector_store %arg14[%swap3A_371, %swap3A_372, %swap3A_373], %swap3A_376 {strides = array<i32>} : memref<2x16x128xf32, #tpu.memory_space<vmem>>, vector<1x1x16xf32>,
          %swap3A_377 = arith.index_cast %and3A_339 : i32 to index
          %swap3A_378 = arith.index_cast %and3A_341 : i32 to index
          %swap3A_379 = arith.constant 96 : index
          %swap3A_380 = tpu.vector_load %arg14[%swap3A_377, %swap3A_378, %swap3A_379] {strides = array<i32>} : memref<2x16x128xf32, #tpu.memory_space<vmem>>, vector<1x1x16xf32>,
          %swap3A_381 = vector.shape_cast %swap3A_380 : vector<1x1x16xf32> to vector<16xf32>
          %swap3A_382 = vector.shape_cast %parallel_loop3A_322#6 : vector<16xf32> to vector<1x1x16xf32>
          tpu.vector_store %arg14[%swap3A_377, %swap3A_378, %swap3A_379], %swap3A_382 {strides = array<i32>} : memref<2x16x128xf32, #tpu.memory_space<vmem>>, vector<1x1x16xf32>,
          %swap3A_383 = arith.index_cast %and3A_339 : i32 to index
          %swap3A_384 = arith.index_cast %and3A_341 : i32 to index
          %swap3A_385 = arith.constant 112 : index
          %swap3A_386 = tpu.vector_load %arg14[%swap3A_383, %swap3A_384, %swap3A_385] {strides = array<i32>} : memref<2x16x128xf32, #tpu.memory_space<vmem>>, vector<1x1x16xf32>,
          %swap3A_387 = vector.shape_cast %swap3A_386 : vector<1x1x16xf32> to vector<16xf32>
          %swap3A_388 = vector.shape_cast %parallel_loop3A_322#7 : vector<16xf32> to vector<1x1x16xf32>
          tpu.vector_store %arg14[%swap3A_383, %swap3A_384, %swap3A_385], %swap3A_388 {strides = array<i32>} : memref<2x16x128xf32, #tpu.memory_space<vmem>>, vector<1x1x16xf32>,
          %and3A_389 = arith.constant 15 : i32
          %and3A_390 = arith.andi %add3A_308, %and3A_389 : i32
          %eq3A_391 = arith.constant 15 : i32
          %eq3A_392 = arith.cmpi eq, %and3A_390, %eq3A_391 : i32
          %convert_element_type3A_393 = arith.extui %eq3A_392 : i1 to i32
          %cond3A_394 = arith.constant 0 : i32
          %cond3A_395 = arith.cmpi ne, %convert_element_type3A_393, %cond3A_394 : i32
          scf.if %cond3A_395 {
            %shift_right_logical3A_396 = arith.constant 4 : i32
            %shift_right_logical3A_397 = arith.shrui %add3A_308, %shift_right_logical3A_396 : i32
            %and3A_398 = arith.constant 1 : i32
            %and3A_399 = arith.andi %shift_right_logical3A_397, %and3A_398 : i32
            %ge3A = arith.constant 1 : i32
            %ge3A_400 = arith.cmpi sge, %shift_right_logical3A_397, %ge3A : i32
            %convert_element_type3A_401 = arith.extui %ge3A_400 : i1 to i32
            %cond3A_402 = arith.constant 0 : i32
            %cond3A_403 = arith.cmpi ne, %convert_element_type3A_401, %cond3A_402 : i32
            scf.if %cond3A_403 {
              %dma_wait3A_420 = arith.constant 0 : i32
              %dma_wait3A_421 = arith.constant 0 : i32
              %dma_wait3A_422 = arith.constant 0 : i32
              %dma_wait3A_423 = tpu.memref_slice %arg14[%dma_wait3A_420, %dma_wait3A_421, %dma_wait3A_422] : memref<2x16x128xf32, #tpu.memory_space<vmem>> -> memref<1x16x128xf32, #tpu.memory_space<vmem>>
              %dma_wait3A_424 = tpu.memref_squeeze %dma_wait3A_423 : memref<1x16x128xf32, #tpu.memory_space<vmem>> -> memref<16x128xf32, #tpu.memory_space<vmem>>
              %dma_wait3A_425 = arith.constant 0 : i32
              %dma_wait3A_426 = arith.constant 0 : i32
              %dma_wait3A_427 = tpu.memref_slice %arg6[%dma_wait3A_425, %dma_wait3A_426] : memref<50000x128xf32, #tpu.memory_space<hbm>> -> memref<16x128xf32, #tpu.memory_space<hbm>>
              %dma_wait3A_428 = arith.constant 0 : i32
              %dma_wait3A_429 = arith.constant 0 : i32
              %dma_wait3A_430 = tpu.memref_slice %arg6[%dma_wait3A_428, %dma_wait3A_429] : memref<50000x128xf32, #tpu.memory_space<hbm>> -> memref<16x128xf32, #tpu.memory_space<hbm>>
              %dma_wait3A_431 = arith.constant 0 : i32
              %dma_wait3A_432 = arith.constant 0 : i32
              %dma_wait3A_433 = tpu.memref_slice %arg14[%dma_wait3A_420, %dma_wait3A_431, %dma_wait3A_432] : memref<2x16x128xf32, #tpu.memory_space<vmem>> -> memref<1x16x128xf32, #tpu.memory_space<vmem>>
              %dma_wait3A_434 = tpu.memref_squeeze %dma_wait3A_433 : memref<1x16x128xf32, #tpu.memory_space<vmem>> -> memref<16x128xf32, #tpu.memory_space<vmem>>
              tpu.wait_dma2 semaphore(%arg22 : memref<!tpu.dma_semaphore, #tpu.memory_space<semaphore_mem>>) src(%dma_wait3A_434 : memref<16x128xf32, #tpu.memory_space<vmem>>) dst(%dma_wait3A_430 : memref<16x128xf32, #tpu.memory_space<hbm>>)
            } else {
            }
            %add3A_404 = arith.addi %multiple_of3A, %add3A_308 : i32
            %sub3A_405 = arith.constant 15 : i32
            %sub3A_406 = arith.subi %add3A_404, %sub3A_405 : i32
            %multiple_of3A_407 = tpu.assume_multiple %sub3A_406, 16 : i32
            %dma_start3A_408 = arith.constant 0 : i32
            %dma_start3A_409 = arith.constant 0 : i32
            %dma_start3A_410 = tpu.memref_slice %arg14[%and3A_399, %dma_start3A_408, %dma_start3A_409] : memref<2x16x128xf32, #tpu.memory_space<vmem>> -> memref<1x16x128xf32, #tpu.memory_space<vmem>>
            %dma_start3A_411 = tpu.memref_squeeze %dma_start3A_410 : memref<1x16x128xf32, #tpu.memory_space<vmem>> -> memref<16x128xf32, #tpu.memory_space<vmem>>
            %dma_start3A_412 = arith.constant 0 : i32
            %dma_start3A_413 = tpu.memref_slice %arg6[%multiple_of3A_407, %dma_start3A_412] : memref<50000x128xf32, #tpu.memory_space<hbm>> -> memref<16x128xf32, #tpu.memory_space<hbm>>
            %dma_start3A_414 = arith.constant 0 : i32
            %dma_start3A_415 = tpu.memref_slice %arg6[%multiple_of3A_407, %dma_start3A_414] : memref<50000x128xf32, #tpu.memory_space<hbm>> -> memref<16x128xf32, #tpu.memory_space<hbm>>
            %dma_start3A_416 = arith.constant 0 : i32
            %dma_start3A_417 = arith.constant 0 : i32
            %dma_start3A_418 = tpu.memref_slice %arg14[%and3A_399, %dma_start3A_416, %dma_start3A_417] : memref<2x16x128xf32, #tpu.memory_space<vmem>> -> memref<1x16x128xf32, #tpu.memory_space<vmem>>
            %dma_start3A_419 = tpu.memref_squeeze %dma_start3A_418 : memref<1x16x128xf32, #tpu.memory_space<vmem>> -> memref<16x128xf32, #tpu.memory_space<vmem>>
            tpu.enqueue_dma source(%dma_start3A_419 : memref<16x128xf32, #tpu.memory_space<vmem>>) target(%dma_start3A_415 : memref<16x128xf32, #tpu.memory_space<hbm>>) target_semaphore(%arg22 : memref<!tpu.dma_semaphore, #tpu.memory_space<semaphore_mem>>)
          } else {
          }
        } else {
        }
        %select_n3A_329 = arith.select %and3A_325, %broadcast_in_dim3A_37, %parallel_loop3A_322#0 : vector<16xf32>
        %select_n3A_330 = arith.select %and3A_325, %broadcast_in_dim3A_39, %parallel_loop3A_322#1 : vector<16xf32>
        %select_n3A_331 = arith.select %and3A_325, %broadcast_in_dim3A_41, %parallel_loop3A_322#2 : vector<16xf32>
        %select_n3A_332 = arith.select %and3A_325, %broadcast_in_dim3A_43, %parallel_loop3A_322#3 : vector<16xf32>
        %select_n3A_333 = arith.select %and3A_325, %broadcast_in_dim3A_45, %parallel_loop3A_322#4 : vector<16xf32>
        %select_n3A_334 = arith.select %and3A_325, %broadcast_in_dim3A_47, %parallel_loop3A_322#5 : vector<16xf32>
        %select_n3A_335 = arith.select %and3A_325, %broadcast_in_dim3A_49, %parallel_loop3A_322#6 : vector<16xf32>
        %select_n3A_336 = arith.select %and3A_325, %broadcast_in_dim3A_51, %parallel_loop3A_322#7 : vector<16xf32>
        scf.yield %select_n3A_329, %select_n3A_330, %select_n3A_331, %select_n3A_332, %select_n3A_333, %select_n3A_334, %select_n3A_335, %select_n3A_336, %squeeze3A_315 : vector<16xf32>, vector<16xf32>, vector<16xf32>, vector<16xf32>, vector<16xf32>, vector<16xf32>, vector<16xf32>, vector<16xf32>, i32
      }
      %while3A_296 = arith.constant 1 : i32
      %while3A_297:9 = scf.for %while3A_298 = %while3A_293 to %while3A_289 step %while3A_296 iter_args(%while3A_299 = %while3A_295#0, %while3A_300 = %while3A_295#1, %while3A_301 = %while3A_295#2, %while3A_302 = %while3A_295#3, %while3A_303 = %while3A_295#4, %while3A_304 = %while3A_295#5, %while3A_305 = %while3A_295#6, %while3A_306 = %while3A_295#7, %while3A_307 = %while3A_295#8) -> (vector<16xf32>, vector<16xf32>, vector<16xf32>, vector<16xf32>, vector<16xf32>, vector<16xf32>, vector<16xf32>, vector<16xf32>, i32)  : i32 {
        %add3A_308 = arith.addi %select_n3A_152, %while3A_298 : i32
        %add3A_309 = arith.constant 1 : i32
        %add3A_310 = arith.addi %add3A_308, %add3A_309 : i32
        %get3A_311 = arith.index_cast %add3A_310 : i32 to index
        %get3A_312 = tpu.vector_load %arg7[%get3A_311] {strides = array<i32>} : memref<1600xi32, #tpu.memory_space<vmem>>, vector<16xi32>,
        %get3A_313 = vector.shape_cast %get3A_312 : vector<16xi32> to vector<16xi32>
        %slice3A_314 = vector.extract_strided_slice %get3A_313 {offsets = [0], sizes = [1], strides = [1]} : vector<16xi32> to vector<1xi32>
        %squeeze3A_315 = vector.extract %slice3A_314[0] : i32 from vector<1xi32>
        %eq3A = arith.constant 0 : i32
        %eq3A_316 = arith.cmpi eq, %while3A_298, %eq3A : i32
        %sub3A_317 = arith.subi %while3A_307, %add3A_276 : i32
        %jit3A_318 = arith.constant 0 : i32
        %select_n3A_319 = arith.select %eq3A_316, %jit3A_318, %sub3A_317 : i32
        %min3A_320 = arith.minsi %squeeze3A_315, %add3A_282 : i32
        %sub3A_321 = arith.subi %min3A_320, %add3A_276 : i32
        %parallel_loop3A = arith.constant 1 : i32
        %parallel_loop3A_322:8 = scf.for %parallel_loop3A_337 = %select_n3A_319 to %sub3A_321 step %parallel_loop3A iter_args(%parallel_loop3A_338 = %while3A_299, %parallel_loop3A_339 = %while3A_300, %parallel_loop3A_340 = %while3A_301, %parallel_loop3A_341 = %while3A_302, %parallel_loop3A_342 = %while3A_303, %parallel_loop3A_343 = %while3A_304, %parallel_loop3A_344 = %while3A_305, %parallel_loop3A_345 = %while3A_306) -> (vector<16xf32>, vector<16xf32>, vector<16xf32>, vector<16xf32>, vector<16xf32>, vector<16xf32>, vector<16xf32>, vector<16xf32>)  : i32 {
          %parallel_loop3A_346 = arith.addi %sub3A_15, %parallel_loop3A_337 : i32
          %parallel_loop3A_347 = arith.index_cast %parallel_loop3A_346 : i32 to index
          %parallel_loop3A_348 = tpu.vector_load %arg11[%parallel_loop3A_347] {strides = array<i32>} : memref<464xf32, #tpu.memory_space<vmem>>, vector<16xf32>,
          %parallel_loop3A_349 = vector.shape_cast %parallel_loop3A_348 : vector<16xf32> to vector<16xf32>
          %parallel_loop3A_350 = vector.extract_strided_slice %parallel_loop3A_349 {offsets = [0], sizes = [1], strides = [1]} : vector<16xf32> to vector<1xf32>
          %parallel_loop3A_351 = vector.extract %parallel_loop3A_350[0] : f32 from vector<1xf32>
          %parallel_loop3A_352 = vector.broadcast %parallel_loop3A_351 : f32 to vector<16xf32>
          %parallel_loop3A_353 = arith.index_cast %parallel_loop3A_346 : i32 to index
          %parallel_loop3A_354 = arith.constant 0 : index
          %parallel_loop3A_355 = tpu.vector_load %arg13[%parallel_loop3A_353, %parallel_loop3A_354] {strides = array<i32>} : memref<448x128xf32, #tpu.memory_space<vmem>>, vector<1x16xf32>,
          %parallel_loop3A_356 = vector.shape_cast %parallel_loop3A_355 : vector<1x16xf32> to vector<16xf32>
          %parallel_loop3A_357 = arith.mulf %parallel_loop3A_352, %parallel_loop3A_356 : vector<16xf32>
          %parallel_loop3A_358 = arith.addf %parallel_loop3A_338, %parallel_loop3A_357 : vector<16xf32>
          %parallel_loop3A_359 = arith.index_cast %parallel_loop3A_346 : i32 to index
          %parallel_loop3A_360 = arith.constant 16 : index
          %parallel_loop3A_361 = tpu.vector_load %arg13[%parallel_loop3A_359, %parallel_loop3A_360] {strides = array<i32>} : memref<448x128xf32, #tpu.memory_space<vmem>>, vector<1x16xf32>,
          %parallel_loop3A_362 = vector.shape_cast %parallel_loop3A_361 : vector<1x16xf32> to vector<16xf32>
          %parallel_loop3A_363 = arith.mulf %parallel_loop3A_352, %parallel_loop3A_362 : vector<16xf32>
          %parallel_loop3A_364 = arith.addf %parallel_loop3A_339, %parallel_loop3A_363 : vector<16xf32>
          %parallel_loop3A_365 = arith.index_cast %parallel_loop3A_346 : i32 to index
          %parallel_loop3A_366 = arith.constant 32 : index
          %parallel_loop3A_367 = tpu.vector_load %arg13[%parallel_loop3A_365, %parallel_loop3A_366] {strides = array<i32>} : memref<448x128xf32, #tpu.memory_space<vmem>>, vector<1x16xf32>,
          %parallel_loop3A_368 = vector.shape_cast %parallel_loop3A_367 : vector<1x16xf32> to vector<16xf32>
          %parallel_loop3A_369 = arith.mulf %parallel_loop3A_352, %parallel_loop3A_368 : vector<16xf32>
          %parallel_loop3A_370 = arith.addf %parallel_loop3A_340, %parallel_loop3A_369 : vector<16xf32>
          %parallel_loop3A_371 = arith.index_cast %parallel_loop3A_346 : i32 to index
          %parallel_loop3A_372 = arith.constant 48 : index
          %parallel_loop3A_373 = tpu.vector_load %arg13[%parallel_loop3A_371, %parallel_loop3A_372] {strides = array<i32>} : memref<448x128xf32, #tpu.memory_space<vmem>>, vector<1x16xf32>,
          %parallel_loop3A_374 = vector.shape_cast %parallel_loop3A_373 : vector<1x16xf32> to vector<16xf32>
          %parallel_loop3A_375 = arith.mulf %parallel_loop3A_352, %parallel_loop3A_374 : vector<16xf32>
          %parallel_loop3A_376 = arith.addf %parallel_loop3A_341, %parallel_loop3A_375 : vector<16xf32>
          %parallel_loop3A_377 = arith.index_cast %parallel_loop3A_346 : i32 to index
          %parallel_loop3A_378 = arith.constant 64 : index
          %parallel_loop3A_379 = tpu.vector_load %arg13[%parallel_loop3A_377, %parallel_loop3A_378] {strides = array<i32>} : memref<448x128xf32, #tpu.memory_space<vmem>>, vector<1x16xf32>,
          %parallel_loop3A_380 = vector.shape_cast %parallel_loop3A_379 : vector<1x16xf32> to vector<16xf32>
          %parallel_loop3A_381 = arith.mulf %parallel_loop3A_352, %parallel_loop3A_380 : vector<16xf32>
          %parallel_loop3A_382 = arith.addf %parallel_loop3A_342, %parallel_loop3A_381 : vector<16xf32>
          %parallel_loop3A_383 = arith.index_cast %parallel_loop3A_346 : i32 to index
          %parallel_loop3A_384 = arith.constant 80 : index
          %parallel_loop3A_385 = tpu.vector_load %arg13[%parallel_loop3A_383, %parallel_loop3A_384] {strides = array<i32>} : memref<448x128xf32, #tpu.memory_space<vmem>>, vector<1x16xf32>,
          %parallel_loop3A_386 = vector.shape_cast %parallel_loop3A_385 : vector<1x16xf32> to vector<16xf32>
          %parallel_loop3A_387 = arith.mulf %parallel_loop3A_352, %parallel_loop3A_386 : vector<16xf32>
          %parallel_loop3A_388 = arith.addf %parallel_loop3A_343, %parallel_loop3A_387 : vector<16xf32>
          %parallel_loop3A_389 = arith.index_cast %parallel_loop3A_346 : i32 to index
          %parallel_loop3A_390 = arith.constant 96 : index
          %parallel_loop3A_391 = tpu.vector_load %arg13[%parallel_loop3A_389, %parallel_loop3A_390] {strides = array<i32>} : memref<448x128xf32, #tpu.memory_space<vmem>>, vector<1x16xf32>,
          %parallel_loop3A_392 = vector.shape_cast %parallel_loop3A_391 : vector<1x16xf32> to vector<16xf32>
          %parallel_loop3A_393 = arith.mulf %parallel_loop3A_352, %parallel_loop3A_392 : vector<16xf32>
          %parallel_loop3A_394 = arith.addf %parallel_loop3A_344, %parallel_loop3A_393 : vector<16xf32>
          %parallel_loop3A_395 = arith.index_cast %parallel_loop3A_346 : i32 to index
          %parallel_loop3A_396 = arith.constant 112 : index
          %parallel_loop3A_397 = tpu.vector_load %arg13[%parallel_loop3A_395, %parallel_loop3A_396] {strides = array<i32>} : memref<448x128xf32, #tpu.memory_space<vmem>>, vector<1x16xf32>,
          %parallel_loop3A_398 = vector.shape_cast %parallel_loop3A_397 : vector<1x16xf32> to vector<16xf32>
          %parallel_loop3A_399 = arith.mulf %parallel_loop3A_352, %parallel_loop3A_398 : vector<16xf32>
          %parallel_loop3A_400 = arith.addf %parallel_loop3A_345, %parallel_loop3A_399 : vector<16xf32>
          scf.yield %parallel_loop3A_358, %parallel_loop3A_364, %parallel_loop3A_370, %parallel_loop3A_376, %parallel_loop3A_382, %parallel_loop3A_388, %parallel_loop3A_394, %parallel_loop3A_400 : vector<16xf32>, vector<16xf32>, vector<16xf32>, vector<16xf32>, vector<16xf32>, vector<16xf32>, vector<16xf32>, vector<16xf32>
        } {sc.loop_unroll_factor = 4 : i64, sc.parallel_access}
        %le3A_323 = arith.cmpi sle, %squeeze3A_315, %add3A_282 : i32
        %lt3A_324 = arith.cmpi slt, %add3A_308, %min3A_4 : i32
        %and3A_325 = arith.andi %le3A_323, %lt3A_324 : i1
        %convert_element_type3A_326 = arith.extui %and3A_325 : i1 to i32
        %cond3A_327 = arith.constant 0 : i32
        %cond3A_328 = arith.cmpi ne, %convert_element_type3A_326, %cond3A_327 : i32
        scf.if %cond3A_328 {
          %shift_right_logical3A = arith.constant 4 : i32
          %shift_right_logical3A_337 = arith.shrui %add3A_308, %shift_right_logical3A : i32
          %and3A_338 = arith.constant 1 : i32
          %and3A_339 = arith.andi %shift_right_logical3A_337, %and3A_338 : i32
          %and3A_340 = arith.constant 15 : i32
          %and3A_341 = arith.andi %add3A_308, %and3A_340 : i32
          %swap3A = arith.index_cast %and3A_339 : i32 to index
          %swap3A_342 = arith.index_cast %and3A_341 : i32 to index
          %swap3A_343 = arith.constant 0 : index
          %swap3A_344 = tpu.vector_load %arg14[%swap3A, %swap3A_342, %swap3A_343] {strides = array<i32>} : memref<2x16x128xf32, #tpu.memory_space<vmem>>, vector<1x1x16xf32>,
          %swap3A_345 = vector.shape_cast %swap3A_344 : vector<1x1x16xf32> to vector<16xf32>
          %swap3A_346 = vector.shape_cast %parallel_loop3A_322#0 : vector<16xf32> to vector<1x1x16xf32>
          tpu.vector_store %arg14[%swap3A, %swap3A_342, %swap3A_343], %swap3A_346 {strides = array<i32>} : memref<2x16x128xf32, #tpu.memory_space<vmem>>, vector<1x1x16xf32>,
          %swap3A_347 = arith.index_cast %and3A_339 : i32 to index
          %swap3A_348 = arith.index_cast %and3A_341 : i32 to index
          %swap3A_349 = arith.constant 16 : index
          %swap3A_350 = tpu.vector_load %arg14[%swap3A_347, %swap3A_348, %swap3A_349] {strides = array<i32>} : memref<2x16x128xf32, #tpu.memory_space<vmem>>, vector<1x1x16xf32>,
          %swap3A_351 = vector.shape_cast %swap3A_350 : vector<1x1x16xf32> to vector<16xf32>
          %swap3A_352 = vector.shape_cast %parallel_loop3A_322#1 : vector<16xf32> to vector<1x1x16xf32>
          tpu.vector_store %arg14[%swap3A_347, %swap3A_348, %swap3A_349], %swap3A_352 {strides = array<i32>} : memref<2x16x128xf32, #tpu.memory_space<vmem>>, vector<1x1x16xf32>,
          %swap3A_353 = arith.index_cast %and3A_339 : i32 to index
          %swap3A_354 = arith.index_cast %and3A_341 : i32 to index
          %swap3A_355 = arith.constant 32 : index
          %swap3A_356 = tpu.vector_load %arg14[%swap3A_353, %swap3A_354, %swap3A_355] {strides = array<i32>} : memref<2x16x128xf32, #tpu.memory_space<vmem>>, vector<1x1x16xf32>,
          %swap3A_357 = vector.shape_cast %swap3A_356 : vector<1x1x16xf32> to vector<16xf32>
          %swap3A_358 = vector.shape_cast %parallel_loop3A_322#2 : vector<16xf32> to vector<1x1x16xf32>
          tpu.vector_store %arg14[%swap3A_353, %swap3A_354, %swap3A_355], %swap3A_358 {strides = array<i32>} : memref<2x16x128xf32, #tpu.memory_space<vmem>>, vector<1x1x16xf32>,
          %swap3A_359 = arith.index_cast %and3A_339 : i32 to index
          %swap3A_360 = arith.index_cast %and3A_341 : i32 to index
          %swap3A_361 = arith.constant 48 : index
          %swap3A_362 = tpu.vector_load %arg14[%swap3A_359, %swap3A_360, %swap3A_361] {strides = array<i32>} : memref<2x16x128xf32, #tpu.memory_space<vmem>>, vector<1x1x16xf32>,
          %swap3A_363 = vector.shape_cast %swap3A_362 : vector<1x1x16xf32> to vector<16xf32>
          %swap3A_364 = vector.shape_cast %parallel_loop3A_322#3 : vector<16xf32> to vector<1x1x16xf32>
          tpu.vector_store %arg14[%swap3A_359, %swap3A_360, %swap3A_361], %swap3A_364 {strides = array<i32>} : memref<2x16x128xf32, #tpu.memory_space<vmem>>, vector<1x1x16xf32>,
          %swap3A_365 = arith.index_cast %and3A_339 : i32 to index
          %swap3A_366 = arith.index_cast %and3A_341 : i32 to index
          %swap3A_367 = arith.constant 64 : index
          %swap3A_368 = tpu.vector_load %arg14[%swap3A_365, %swap3A_366, %swap3A_367] {strides = array<i32>} : memref<2x16x128xf32, #tpu.memory_space<vmem>>, vector<1x1x16xf32>,
          %swap3A_369 = vector.shape_cast %swap3A_368 : vector<1x1x16xf32> to vector<16xf32>
          %swap3A_370 = vector.shape_cast %parallel_loop3A_322#4 : vector<16xf32> to vector<1x1x16xf32>
          tpu.vector_store %arg14[%swap3A_365, %swap3A_366, %swap3A_367], %swap3A_370 {strides = array<i32>} : memref<2x16x128xf32, #tpu.memory_space<vmem>>, vector<1x1x16xf32>,
          %swap3A_371 = arith.index_cast %and3A_339 : i32 to index
          %swap3A_372 = arith.index_cast %and3A_341 : i32 to index
          %swap3A_373 = arith.constant 80 : index
          %swap3A_374 = tpu.vector_load %arg14[%swap3A_371, %swap3A_372, %swap3A_373] {strides = array<i32>} : memref<2x16x128xf32, #tpu.memory_space<vmem>>, vector<1x1x16xf32>,
          %swap3A_375 = vector.shape_cast %swap3A_374 : vector<1x1x16xf32> to vector<16xf32>
          %swap3A_376 = vector.shape_cast %parallel_loop3A_322#5 : vector<16xf32> to vector<1x1x16xf32>
          tpu.vector_store %arg14[%swap3A_371, %swap3A_372, %swap3A_373], %swap3A_376 {strides = array<i32>} : memref<2x16x128xf32, #tpu.memory_space<vmem>>, vector<1x1x16xf32>,
          %swap3A_377 = arith.index_cast %and3A_339 : i32 to index
          %swap3A_378 = arith.index_cast %and3A_341 : i32 to index
          %swap3A_379 = arith.constant 96 : index
          %swap3A_380 = tpu.vector_load %arg14[%swap3A_377, %swap3A_378, %swap3A_379] {strides = array<i32>} : memref<2x16x128xf32, #tpu.memory_space<vmem>>, vector<1x1x16xf32>,
          %swap3A_381 = vector.shape_cast %swap3A_380 : vector<1x1x16xf32> to vector<16xf32>
          %swap3A_382 = vector.shape_cast %parallel_loop3A_322#6 : vector<16xf32> to vector<1x1x16xf32>
          tpu.vector_store %arg14[%swap3A_377, %swap3A_378, %swap3A_379], %swap3A_382 {strides = array<i32>} : memref<2x16x128xf32, #tpu.memory_space<vmem>>, vector<1x1x16xf32>,
          %swap3A_383 = arith.index_cast %and3A_339 : i32 to index
          %swap3A_384 = arith.index_cast %and3A_341 : i32 to index
          %swap3A_385 = arith.constant 112 : index
          %swap3A_386 = tpu.vector_load %arg14[%swap3A_383, %swap3A_384, %swap3A_385] {strides = array<i32>} : memref<2x16x128xf32, #tpu.memory_space<vmem>>, vector<1x1x16xf32>,
          %swap3A_387 = vector.shape_cast %swap3A_386 : vector<1x1x16xf32> to vector<16xf32>
          %swap3A_388 = vector.shape_cast %parallel_loop3A_322#7 : vector<16xf32> to vector<1x1x16xf32>
          tpu.vector_store %arg14[%swap3A_383, %swap3A_384, %swap3A_385], %swap3A_388 {strides = array<i32>} : memref<2x16x128xf32, #tpu.memory_space<vmem>>, vector<1x1x16xf32>,
          %and3A_389 = arith.constant 15 : i32
          %and3A_390 = arith.andi %add3A_308, %and3A_389 : i32
          %eq3A_391 = arith.constant 15 : i32
          %eq3A_392 = arith.cmpi eq, %and3A_390, %eq3A_391 : i32
          %convert_element_type3A_393 = arith.extui %eq3A_392 : i1 to i32
          %cond3A_394 = arith.constant 0 : i32
          %cond3A_395 = arith.cmpi ne, %convert_element_type3A_393, %cond3A_394 : i32
          scf.if %cond3A_395 {
            %shift_right_logical3A_396 = arith.constant 4 : i32
            %shift_right_logical3A_397 = arith.shrui %add3A_308, %shift_right_logical3A_396 : i32
            %and3A_398 = arith.constant 1 : i32
            %and3A_399 = arith.andi %shift_right_logical3A_397, %and3A_398 : i32
            %ge3A = arith.constant 1 : i32
            %ge3A_400 = arith.cmpi sge, %shift_right_logical3A_397, %ge3A : i32
            %convert_element_type3A_401 = arith.extui %ge3A_400 : i1 to i32
            %cond3A_402 = arith.constant 0 : i32
            %cond3A_403 = arith.cmpi ne, %convert_element_type3A_401, %cond3A_402 : i32
            scf.if %cond3A_403 {
              %dma_wait3A_420 = arith.constant 0 : i32
              %dma_wait3A_421 = arith.constant 0 : i32
              %dma_wait3A_422 = arith.constant 0 : i32
              %dma_wait3A_423 = tpu.memref_slice %arg14[%dma_wait3A_420, %dma_wait3A_421, %dma_wait3A_422] : memref<2x16x128xf32, #tpu.memory_space<vmem>> -> memref<1x16x128xf32, #tpu.memory_space<vmem>>
              %dma_wait3A_424 = tpu.memref_squeeze %dma_wait3A_423 : memref<1x16x128xf32, #tpu.memory_space<vmem>> -> memref<16x128xf32, #tpu.memory_space<vmem>>
              %dma_wait3A_425 = arith.constant 0 : i32
              %dma_wait3A_426 = arith.constant 0 : i32
              %dma_wait3A_427 = tpu.memref_slice %arg6[%dma_wait3A_425, %dma_wait3A_426] : memref<50000x128xf32, #tpu.memory_space<hbm>> -> memref<16x128xf32, #tpu.memory_space<hbm>>
              %dma_wait3A_428 = arith.constant 0 : i32
              %dma_wait3A_429 = arith.constant 0 : i32
              %dma_wait3A_430 = tpu.memref_slice %arg6[%dma_wait3A_428, %dma_wait3A_429] : memref<50000x128xf32, #tpu.memory_space<hbm>> -> memref<16x128xf32, #tpu.memory_space<hbm>>
              %dma_wait3A_431 = arith.constant 0 : i32
              %dma_wait3A_432 = arith.constant 0 : i32
              %dma_wait3A_433 = tpu.memref_slice %arg14[%dma_wait3A_420, %dma_wait3A_431, %dma_wait3A_432] : memref<2x16x128xf32, #tpu.memory_space<vmem>> -> memref<1x16x128xf32, #tpu.memory_space<vmem>>
              %dma_wait3A_434 = tpu.memref_squeeze %dma_wait3A_433 : memref<1x16x128xf32, #tpu.memory_space<vmem>> -> memref<16x128xf32, #tpu.memory_space<vmem>>
              tpu.wait_dma2 semaphore(%arg22 : memref<!tpu.dma_semaphore, #tpu.memory_space<semaphore_mem>>) src(%dma_wait3A_434 : memref<16x128xf32, #tpu.memory_space<vmem>>) dst(%dma_wait3A_430 : memref<16x128xf32, #tpu.memory_space<hbm>>)
            } else {
            }
            %add3A_404 = arith.addi %multiple_of3A, %add3A_308 : i32
            %sub3A_405 = arith.constant 15 : i32
            %sub3A_406 = arith.subi %add3A_404, %sub3A_405 : i32
            %multiple_of3A_407 = tpu.assume_multiple %sub3A_406, 16 : i32
            %dma_start3A_408 = arith.constant 0 : i32
            %dma_start3A_409 = arith.constant 0 : i32
            %dma_start3A_410 = tpu.memref_slice %arg14[%and3A_399, %dma_start3A_408, %dma_start3A_409] : memref<2x16x128xf32, #tpu.memory_space<vmem>> -> memref<1x16x128xf32, #tpu.memory_space<vmem>>
            %dma_start3A_411 = tpu.memref_squeeze %dma_start3A_410 : memref<1x16x128xf32, #tpu.memory_space<vmem>> -> memref<16x128xf32, #tpu.memory_space<vmem>>
            %dma_start3A_412 = arith.constant 0 : i32
            %dma_start3A_413 = tpu.memref_slice %arg6[%multiple_of3A_407, %dma_start3A_412] : memref<50000x128xf32, #tpu.memory_space<hbm>> -> memref<16x128xf32, #tpu.memory_space<hbm>>
            %dma_start3A_414 = arith.constant 0 : i32
            %dma_start3A_415 = tpu.memref_slice %arg6[%multiple_of3A_407, %dma_start3A_414] : memref<50000x128xf32, #tpu.memory_space<hbm>> -> memref<16x128xf32, #tpu.memory_space<hbm>>
            %dma_start3A_416 = arith.constant 0 : i32
            %dma_start3A_417 = arith.constant 0 : i32
            %dma_start3A_418 = tpu.memref_slice %arg14[%and3A_399, %dma_start3A_416, %dma_start3A_417] : memref<2x16x128xf32, #tpu.memory_space<vmem>> -> memref<1x16x128xf32, #tpu.memory_space<vmem>>
            %dma_start3A_419 = tpu.memref_squeeze %dma_start3A_418 : memref<1x16x128xf32, #tpu.memory_space<vmem>> -> memref<16x128xf32, #tpu.memory_space<vmem>>
            tpu.enqueue_dma source(%dma_start3A_419 : memref<16x128xf32, #tpu.memory_space<vmem>>) target(%dma_start3A_415 : memref<16x128xf32, #tpu.memory_space<hbm>>) target_semaphore(%arg22 : memref<!tpu.dma_semaphore, #tpu.memory_space<semaphore_mem>>)
          } else {
          }
        } else {
        }
        %select_n3A_329 = arith.select %and3A_325, %broadcast_in_dim3A_37, %parallel_loop3A_322#0 : vector<16xf32>
        %select_n3A_330 = arith.select %and3A_325, %broadcast_in_dim3A_39, %parallel_loop3A_322#1 : vector<16xf32>
        %select_n3A_331 = arith.select %and3A_325, %broadcast_in_dim3A_41, %parallel_loop3A_322#2 : vector<16xf32>
        %select_n3A_332 = arith.select %and3A_325, %broadcast_in_dim3A_43, %parallel_loop3A_322#3 : vector<16xf32>
        %select_n3A_333 = arith.select %and3A_325, %broadcast_in_dim3A_45, %parallel_loop3A_322#4 : vector<16xf32>
        %select_n3A_334 = arith.select %and3A_325, %broadcast_in_dim3A_47, %parallel_loop3A_322#5 : vector<16xf32>
        %select_n3A_335 = arith.select %and3A_325, %broadcast_in_dim3A_49, %parallel_loop3A_322#6 : vector<16xf32>
        %select_n3A_336 = arith.select %and3A_325, %broadcast_in_dim3A_51, %parallel_loop3A_322#7 : vector<16xf32>
        scf.yield %select_n3A_329, %select_n3A_330, %select_n3A_331, %select_n3A_332, %select_n3A_333, %select_n3A_334, %select_n3A_335, %select_n3A_336, %squeeze3A_315 : vector<16xf32>, vector<16xf32>, vector<16xf32>, vector<16xf32>, vector<16xf32>, vector<16xf32>, vector<16xf32>, vector<16xf32>, i32
      }
      scf.yield %select_n3A_269, %while3A_297#0, %while3A_297#1, %while3A_297#2, %while3A_297#3, %while3A_297#4, %while3A_297#5, %while3A_297#6, %while3A_297#7 : i32, vector<16xf32>, vector<16xf32>, vector<16xf32>, vector<16xf32>, vector<16xf32>, vector<16xf32>, vector<16xf32>, vector<16xf32>
    }
    %while3A_91 = arith.subi %min3A_4, %while3A_90#0 : i32
    %while3A_92 = arith.addi %while3A_90#0, %while3A_91 : i32
    %while3A_93 = arith.constant 1 : i32
    %while3A_94 = arith.divsi %while3A_91, %while3A_93 : i32
    %while3A_95 = arith.muli %while3A_94, %while3A_93 : i32
    %while3A_96 = arith.addi %while3A_90#0, %while3A_95 : i32
    %while3A_97 = arith.constant 1 : i32
    %while3A_98:8 = scf.for %while3A_116 = %while3A_90#0 to %while3A_96 step %while3A_97 iter_args(%while3A_117 = %while3A_90#1, %while3A_118 = %while3A_90#2, %while3A_119 = %while3A_90#3, %while3A_120 = %while3A_90#4, %while3A_121 = %while3A_90#5, %while3A_122 = %while3A_90#6, %while3A_123 = %while3A_90#7, %while3A_124 = %while3A_90#8) -> (vector<16xf32>, vector<16xf32>, vector<16xf32>, vector<16xf32>, vector<16xf32>, vector<16xf32>, vector<16xf32>, vector<16xf32>)  : i32 {
      %shift_right_logical3A = arith.constant 4 : i32
      %shift_right_logical3A_125 = arith.shrui %while3A_116, %shift_right_logical3A : i32
      %and3A_126 = arith.constant 1 : i32
      %and3A_127 = arith.andi %shift_right_logical3A_125, %and3A_126 : i32
      %and3A_128 = arith.constant 15 : i32
      %and3A_129 = arith.andi %while3A_116, %and3A_128 : i32
      %swap3A = arith.index_cast %and3A_127 : i32 to index
      %swap3A_130 = arith.index_cast %and3A_129 : i32 to index
      %swap3A_131 = arith.constant 0 : index
      %swap3A_132 = tpu.vector_load %arg14[%swap3A, %swap3A_130, %swap3A_131] {strides = array<i32>} : memref<2x16x128xf32, #tpu.memory_space<vmem>>, vector<1x1x16xf32>,
      %swap3A_133 = vector.shape_cast %swap3A_132 : vector<1x1x16xf32> to vector<16xf32>
      %swap3A_134 = vector.shape_cast %while3A_117 : vector<16xf32> to vector<1x1x16xf32>
      tpu.vector_store %arg14[%swap3A, %swap3A_130, %swap3A_131], %swap3A_134 {strides = array<i32>} : memref<2x16x128xf32, #tpu.memory_space<vmem>>, vector<1x1x16xf32>,
      %swap3A_135 = arith.index_cast %and3A_127 : i32 to index
      %swap3A_136 = arith.index_cast %and3A_129 : i32 to index
      %swap3A_137 = arith.constant 16 : index
      %swap3A_138 = tpu.vector_load %arg14[%swap3A_135, %swap3A_136, %swap3A_137] {strides = array<i32>} : memref<2x16x128xf32, #tpu.memory_space<vmem>>, vector<1x1x16xf32>,
      %swap3A_139 = vector.shape_cast %swap3A_138 : vector<1x1x16xf32> to vector<16xf32>
      %swap3A_140 = vector.shape_cast %while3A_118 : vector<16xf32> to vector<1x1x16xf32>
      tpu.vector_store %arg14[%swap3A_135, %swap3A_136, %swap3A_137], %swap3A_140 {strides = array<i32>} : memref<2x16x128xf32, #tpu.memory_space<vmem>>, vector<1x1x16xf32>,
      %swap3A_141 = arith.index_cast %and3A_127 : i32 to index
      %swap3A_142 = arith.index_cast %and3A_129 : i32 to index
      %swap3A_143 = arith.constant 32 : index
      %swap3A_144 = tpu.vector_load %arg14[%swap3A_141, %swap3A_142, %swap3A_143] {strides = array<i32>} : memref<2x16x128xf32, #tpu.memory_space<vmem>>, vector<1x1x16xf32>,
      %swap3A_145 = vector.shape_cast %swap3A_144 : vector<1x1x16xf32> to vector<16xf32>
      %swap3A_146 = vector.shape_cast %while3A_119 : vector<16xf32> to vector<1x1x16xf32>
      tpu.vector_store %arg14[%swap3A_141, %swap3A_142, %swap3A_143], %swap3A_146 {strides = array<i32>} : memref<2x16x128xf32, #tpu.memory_space<vmem>>, vector<1x1x16xf32>,
      %swap3A_147 = arith.index_cast %and3A_127 : i32 to index
      %swap3A_148 = arith.index_cast %and3A_129 : i32 to index
      %swap3A_149 = arith.constant 48 : index
      %swap3A_150 = tpu.vector_load %arg14[%swap3A_147, %swap3A_148, %swap3A_149] {strides = array<i32>} : memref<2x16x128xf32, #tpu.memory_space<vmem>>, vector<1x1x16xf32>,
      %swap3A_151 = vector.shape_cast %swap3A_150 : vector<1x1x16xf32> to vector<16xf32>
      %swap3A_152 = vector.shape_cast %while3A_120 : vector<16xf32> to vector<1x1x16xf32>
      tpu.vector_store %arg14[%swap3A_147, %swap3A_148, %swap3A_149], %swap3A_152 {strides = array<i32>} : memref<2x16x128xf32, #tpu.memory_space<vmem>>, vector<1x1x16xf32>,
      %swap3A_153 = arith.index_cast %and3A_127 : i32 to index
      %swap3A_154 = arith.index_cast %and3A_129 : i32 to index
      %swap3A_155 = arith.constant 64 : index
      %swap3A_156 = tpu.vector_load %arg14[%swap3A_153, %swap3A_154, %swap3A_155] {strides = array<i32>} : memref<2x16x128xf32, #tpu.memory_space<vmem>>, vector<1x1x16xf32>,
      %swap3A_157 = vector.shape_cast %swap3A_156 : vector<1x1x16xf32> to vector<16xf32>
      %swap3A_158 = vector.shape_cast %while3A_121 : vector<16xf32> to vector<1x1x16xf32>
      tpu.vector_store %arg14[%swap3A_153, %swap3A_154, %swap3A_155], %swap3A_158 {strides = array<i32>} : memref<2x16x128xf32, #tpu.memory_space<vmem>>, vector<1x1x16xf32>,
      %swap3A_159 = arith.index_cast %and3A_127 : i32 to index
      %swap3A_160 = arith.index_cast %and3A_129 : i32 to index
      %swap3A_161 = arith.constant 80 : index
      %swap3A_162 = tpu.vector_load %arg14[%swap3A_159, %swap3A_160, %swap3A_161] {strides = array<i32>} : memref<2x16x128xf32, #tpu.memory_space<vmem>>, vector<1x1x16xf32>,
      %swap3A_163 = vector.shape_cast %swap3A_162 : vector<1x1x16xf32> to vector<16xf32>
      %swap3A_164 = vector.shape_cast %while3A_122 : vector<16xf32> to vector<1x1x16xf32>
      tpu.vector_store %arg14[%swap3A_159, %swap3A_160, %swap3A_161], %swap3A_164 {strides = array<i32>} : memref<2x16x128xf32, #tpu.memory_space<vmem>>, vector<1x1x16xf32>,
      %swap3A_165 = arith.index_cast %and3A_127 : i32 to index
      %swap3A_166 = arith.index_cast %and3A_129 : i32 to index
      %swap3A_167 = arith.constant 96 : index
      %swap3A_168 = tpu.vector_load %arg14[%swap3A_165, %swap3A_166, %swap3A_167] {strides = array<i32>} : memref<2x16x128xf32, #tpu.memory_space<vmem>>, vector<1x1x16xf32>,
      %swap3A_169 = vector.shape_cast %swap3A_168 : vector<1x1x16xf32> to vector<16xf32>
      %swap3A_170 = vector.shape_cast %while3A_123 : vector<16xf32> to vector<1x1x16xf32>
      tpu.vector_store %arg14[%swap3A_165, %swap3A_166, %swap3A_167], %swap3A_170 {strides = array<i32>} : memref<2x16x128xf32, #tpu.memory_space<vmem>>, vector<1x1x16xf32>,
      %swap3A_171 = arith.index_cast %and3A_127 : i32 to index
      %swap3A_172 = arith.index_cast %and3A_129 : i32 to index
      %swap3A_173 = arith.constant 112 : index
      %swap3A_174 = tpu.vector_load %arg14[%swap3A_171, %swap3A_172, %swap3A_173] {strides = array<i32>} : memref<2x16x128xf32, #tpu.memory_space<vmem>>, vector<1x1x16xf32>,
      %swap3A_175 = vector.shape_cast %swap3A_174 : vector<1x1x16xf32> to vector<16xf32>
      %swap3A_176 = vector.shape_cast %while3A_124 : vector<16xf32> to vector<1x1x16xf32>
      tpu.vector_store %arg14[%swap3A_171, %swap3A_172, %swap3A_173], %swap3A_176 {strides = array<i32>} : memref<2x16x128xf32, #tpu.memory_space<vmem>>, vector<1x1x16xf32>,
      %and3A_177 = arith.constant 15 : i32
      %and3A_178 = arith.andi %while3A_116, %and3A_177 : i32
      %eq3A = arith.constant 15 : i32
      %eq3A_179 = arith.cmpi eq, %and3A_178, %eq3A : i32
      %convert_element_type3A_180 = arith.extui %eq3A_179 : i1 to i32
      %cond3A_181 = arith.constant 0 : i32
      %cond3A_182 = arith.cmpi ne, %convert_element_type3A_180, %cond3A_181 : i32
      scf.if %cond3A_182 {
        %shift_right_logical3A_183 = arith.constant 4 : i32
        %shift_right_logical3A_184 = arith.shrui %while3A_116, %shift_right_logical3A_183 : i32
        %and3A_185 = arith.constant 1 : i32
        %and3A_186 = arith.andi %shift_right_logical3A_184, %and3A_185 : i32
        %ge3A = arith.constant 1 : i32
        %ge3A_187 = arith.cmpi sge, %shift_right_logical3A_184, %ge3A : i32
        %convert_element_type3A_188 = arith.extui %ge3A_187 : i1 to i32
        %cond3A_189 = arith.constant 0 : i32
        %cond3A_190 = arith.cmpi ne, %convert_element_type3A_188, %cond3A_189 : i32
        scf.if %cond3A_190 {
          %dma_wait3A_207 = arith.constant 0 : i32
          %dma_wait3A_208 = arith.constant 0 : i32
          %dma_wait3A_209 = arith.constant 0 : i32
          %dma_wait3A_210 = tpu.memref_slice %arg14[%dma_wait3A_207, %dma_wait3A_208, %dma_wait3A_209] : memref<2x16x128xf32, #tpu.memory_space<vmem>> -> memref<1x16x128xf32, #tpu.memory_space<vmem>>
          %dma_wait3A_211 = tpu.memref_squeeze %dma_wait3A_210 : memref<1x16x128xf32, #tpu.memory_space<vmem>> -> memref<16x128xf32, #tpu.memory_space<vmem>>
          %dma_wait3A_212 = arith.constant 0 : i32
          %dma_wait3A_213 = arith.constant 0 : i32
          %dma_wait3A_214 = tpu.memref_slice %arg6[%dma_wait3A_212, %dma_wait3A_213] : memref<50000x128xf32, #tpu.memory_space<hbm>> -> memref<16x128xf32, #tpu.memory_space<hbm>>
          %dma_wait3A_215 = arith.constant 0 : i32
          %dma_wait3A_216 = arith.constant 0 : i32
          %dma_wait3A_217 = tpu.memref_slice %arg6[%dma_wait3A_215, %dma_wait3A_216] : memref<50000x128xf32, #tpu.memory_space<hbm>> -> memref<16x128xf32, #tpu.memory_space<hbm>>
          %dma_wait3A_218 = arith.constant 0 : i32
          %dma_wait3A_219 = arith.constant 0 : i32
          %dma_wait3A_220 = tpu.memref_slice %arg14[%dma_wait3A_207, %dma_wait3A_218, %dma_wait3A_219] : memref<2x16x128xf32, #tpu.memory_space<vmem>> -> memref<1x16x128xf32, #tpu.memory_space<vmem>>
          %dma_wait3A_221 = tpu.memref_squeeze %dma_wait3A_220 : memref<1x16x128xf32, #tpu.memory_space<vmem>> -> memref<16x128xf32, #tpu.memory_space<vmem>>
          tpu.wait_dma2 semaphore(%arg22 : memref<!tpu.dma_semaphore, #tpu.memory_space<semaphore_mem>>) src(%dma_wait3A_221 : memref<16x128xf32, #tpu.memory_space<vmem>>) dst(%dma_wait3A_217 : memref<16x128xf32, #tpu.memory_space<hbm>>)
        } else {
        }
        %add3A_191 = arith.addi %multiple_of3A, %while3A_116 : i32
        %sub3A_192 = arith.constant 15 : i32
        %sub3A_193 = arith.subi %add3A_191, %sub3A_192 : i32
        %multiple_of3A_194 = tpu.assume_multiple %sub3A_193, 16 : i32
        %dma_start3A_195 = arith.constant 0 : i32
        %dma_start3A_196 = arith.constant 0 : i32
        %dma_start3A_197 = tpu.memref_slice %arg14[%and3A_186, %dma_start3A_195, %dma_start3A_196] : memref<2x16x128xf32, #tpu.memory_space<vmem>> -> memref<1x16x128xf32, #tpu.memory_space<vmem>>
        %dma_start3A_198 = tpu.memref_squeeze %dma_start3A_197 : memref<1x16x128xf32, #tpu.memory_space<vmem>> -> memref<16x128xf32, #tpu.memory_space<vmem>>
        %dma_start3A_199 = arith.constant 0 : i32
        %dma_start3A_200 = tpu.memref_slice %arg6[%multiple_of3A_194, %dma_start3A_199] : memref<50000x128xf32, #tpu.memory_space<hbm>> -> memref<16x128xf32, #tpu.memory_space<hbm>>
        %dma_start3A_201 = arith.constant 0 : i32
        %dma_start3A_202 = tpu.memref_slice %arg6[%multiple_of3A_194, %dma_start3A_201] : memref<50000x128xf32, #tpu.memory_space<hbm>> -> memref<16x128xf32, #tpu.memory_space<hbm>>
        %dma_start3A_203 = arith.constant 0 : i32
        %dma_start3A_204 = arith.constant 0 : i32
        %dma_start3A_205 = tpu.memref_slice %arg14[%and3A_186, %dma_start3A_203, %dma_start3A_204] : memref<2x16x128xf32, #tpu.memory_space<vmem>> -> memref<1x16x128xf32, #tpu.memory_space<vmem>>
        %dma_start3A_206 = tpu.memref_squeeze %dma_start3A_205 : memref<1x16x128xf32, #tpu.memory_space<vmem>> -> memref<16x128xf32, #tpu.memory_space<vmem>>
        tpu.enqueue_dma source(%dma_start3A_206 : memref<16x128xf32, #tpu.memory_space<vmem>>) target(%dma_start3A_202 : memref<16x128xf32, #tpu.memory_space<hbm>>) target_semaphore(%arg22 : memref<!tpu.dma_semaphore, #tpu.memory_space<semaphore_mem>>)
      } else {
      }
      scf.yield %broadcast_in_dim3A_37, %broadcast_in_dim3A_39, %broadcast_in_dim3A_41, %broadcast_in_dim3A_43, %broadcast_in_dim3A_45, %broadcast_in_dim3A_47, %broadcast_in_dim3A_49, %broadcast_in_dim3A_51 : vector<16xf32>, vector<16xf32>, vector<16xf32>, vector<16xf32>, vector<16xf32>, vector<16xf32>, vector<16xf32>, vector<16xf32>
    }
    %while3A_99 = arith.constant 1 : i32
    %while3A_100:8 = scf.for %while3A_116 = %while3A_96 to %while3A_92 step %while3A_99 iter_args(%while3A_117 = %while3A_98#0, %while3A_118 = %while3A_98#1, %while3A_119 = %while3A_98#2, %while3A_120 = %while3A_98#3, %while3A_121 = %while3A_98#4, %while3A_122 = %while3A_98#5, %while3A_123 = %while3A_98#6, %while3A_124 = %while3A_98#7) -> (vector<16xf32>, vector<16xf32>, vector<16xf32>, vector<16xf32>, vector<16xf32>, vector<16xf32>, vector<16xf32>, vector<16xf32>)  : i32 {
      %shift_right_logical3A = arith.constant 4 : i32
      %shift_right_logical3A_125 = arith.shrui %while3A_116, %shift_right_logical3A : i32
      %and3A_126 = arith.constant 1 : i32
      %and3A_127 = arith.andi %shift_right_logical3A_125, %and3A_126 : i32
      %and3A_128 = arith.constant 15 : i32
      %and3A_129 = arith.andi %while3A_116, %and3A_128 : i32
      %swap3A = arith.index_cast %and3A_127 : i32 to index
      %swap3A_130 = arith.index_cast %and3A_129 : i32 to index
      %swap3A_131 = arith.constant 0 : index
      %swap3A_132 = tpu.vector_load %arg14[%swap3A, %swap3A_130, %swap3A_131] {strides = array<i32>} : memref<2x16x128xf32, #tpu.memory_space<vmem>>, vector<1x1x16xf32>,
      %swap3A_133 = vector.shape_cast %swap3A_132 : vector<1x1x16xf32> to vector<16xf32>
      %swap3A_134 = vector.shape_cast %while3A_117 : vector<16xf32> to vector<1x1x16xf32>
      tpu.vector_store %arg14[%swap3A, %swap3A_130, %swap3A_131], %swap3A_134 {strides = array<i32>} : memref<2x16x128xf32, #tpu.memory_space<vmem>>, vector<1x1x16xf32>,
      %swap3A_135 = arith.index_cast %and3A_127 : i32 to index
      %swap3A_136 = arith.index_cast %and3A_129 : i32 to index
      %swap3A_137 = arith.constant 16 : index
      %swap3A_138 = tpu.vector_load %arg14[%swap3A_135, %swap3A_136, %swap3A_137] {strides = array<i32>} : memref<2x16x128xf32, #tpu.memory_space<vmem>>, vector<1x1x16xf32>,
      %swap3A_139 = vector.shape_cast %swap3A_138 : vector<1x1x16xf32> to vector<16xf32>
      %swap3A_140 = vector.shape_cast %while3A_118 : vector<16xf32> to vector<1x1x16xf32>
      tpu.vector_store %arg14[%swap3A_135, %swap3A_136, %swap3A_137], %swap3A_140 {strides = array<i32>} : memref<2x16x128xf32, #tpu.memory_space<vmem>>, vector<1x1x16xf32>,
      %swap3A_141 = arith.index_cast %and3A_127 : i32 to index
      %swap3A_142 = arith.index_cast %and3A_129 : i32 to index
      %swap3A_143 = arith.constant 32 : index
      %swap3A_144 = tpu.vector_load %arg14[%swap3A_141, %swap3A_142, %swap3A_143] {strides = array<i32>} : memref<2x16x128xf32, #tpu.memory_space<vmem>>, vector<1x1x16xf32>,
      %swap3A_145 = vector.shape_cast %swap3A_144 : vector<1x1x16xf32> to vector<16xf32>
      %swap3A_146 = vector.shape_cast %while3A_119 : vector<16xf32> to vector<1x1x16xf32>
      tpu.vector_store %arg14[%swap3A_141, %swap3A_142, %swap3A_143], %swap3A_146 {strides = array<i32>} : memref<2x16x128xf32, #tpu.memory_space<vmem>>, vector<1x1x16xf32>,
      %swap3A_147 = arith.index_cast %and3A_127 : i32 to index
      %swap3A_148 = arith.index_cast %and3A_129 : i32 to index
      %swap3A_149 = arith.constant 48 : index
      %swap3A_150 = tpu.vector_load %arg14[%swap3A_147, %swap3A_148, %swap3A_149] {strides = array<i32>} : memref<2x16x128xf32, #tpu.memory_space<vmem>>, vector<1x1x16xf32>,
      %swap3A_151 = vector.shape_cast %swap3A_150 : vector<1x1x16xf32> to vector<16xf32>
      %swap3A_152 = vector.shape_cast %while3A_120 : vector<16xf32> to vector<1x1x16xf32>
      tpu.vector_store %arg14[%swap3A_147, %swap3A_148, %swap3A_149], %swap3A_152 {strides = array<i32>} : memref<2x16x128xf32, #tpu.memory_space<vmem>>, vector<1x1x16xf32>,
      %swap3A_153 = arith.index_cast %and3A_127 : i32 to index
      %swap3A_154 = arith.index_cast %and3A_129 : i32 to index
      %swap3A_155 = arith.constant 64 : index
      %swap3A_156 = tpu.vector_load %arg14[%swap3A_153, %swap3A_154, %swap3A_155] {strides = array<i32>} : memref<2x16x128xf32, #tpu.memory_space<vmem>>, vector<1x1x16xf32>,
      %swap3A_157 = vector.shape_cast %swap3A_156 : vector<1x1x16xf32> to vector<16xf32>
      %swap3A_158 = vector.shape_cast %while3A_121 : vector<16xf32> to vector<1x1x16xf32>
      tpu.vector_store %arg14[%swap3A_153, %swap3A_154, %swap3A_155], %swap3A_158 {strides = array<i32>} : memref<2x16x128xf32, #tpu.memory_space<vmem>>, vector<1x1x16xf32>,
      %swap3A_159 = arith.index_cast %and3A_127 : i32 to index
      %swap3A_160 = arith.index_cast %and3A_129 : i32 to index
      %swap3A_161 = arith.constant 80 : index
      %swap3A_162 = tpu.vector_load %arg14[%swap3A_159, %swap3A_160, %swap3A_161] {strides = array<i32>} : memref<2x16x128xf32, #tpu.memory_space<vmem>>, vector<1x1x16xf32>,
      %swap3A_163 = vector.shape_cast %swap3A_162 : vector<1x1x16xf32> to vector<16xf32>
      %swap3A_164 = vector.shape_cast %while3A_122 : vector<16xf32> to vector<1x1x16xf32>
      tpu.vector_store %arg14[%swap3A_159, %swap3A_160, %swap3A_161], %swap3A_164 {strides = array<i32>} : memref<2x16x128xf32, #tpu.memory_space<vmem>>, vector<1x1x16xf32>,
      %swap3A_165 = arith.index_cast %and3A_127 : i32 to index
      %swap3A_166 = arith.index_cast %and3A_129 : i32 to index
      %swap3A_167 = arith.constant 96 : index
      %swap3A_168 = tpu.vector_load %arg14[%swap3A_165, %swap3A_166, %swap3A_167] {strides = array<i32>} : memref<2x16x128xf32, #tpu.memory_space<vmem>>, vector<1x1x16xf32>,
      %swap3A_169 = vector.shape_cast %swap3A_168 : vector<1x1x16xf32> to vector<16xf32>
      %swap3A_170 = vector.shape_cast %while3A_123 : vector<16xf32> to vector<1x1x16xf32>
      tpu.vector_store %arg14[%swap3A_165, %swap3A_166, %swap3A_167], %swap3A_170 {strides = array<i32>} : memref<2x16x128xf32, #tpu.memory_space<vmem>>, vector<1x1x16xf32>,
      %swap3A_171 = arith.index_cast %and3A_127 : i32 to index
      %swap3A_172 = arith.index_cast %and3A_129 : i32 to index
      %swap3A_173 = arith.constant 112 : index
      %swap3A_174 = tpu.vector_load %arg14[%swap3A_171, %swap3A_172, %swap3A_173] {strides = array<i32>} : memref<2x16x128xf32, #tpu.memory_space<vmem>>, vector<1x1x16xf32>,
      %swap3A_175 = vector.shape_cast %swap3A_174 : vector<1x1x16xf32> to vector<16xf32>
      %swap3A_176 = vector.shape_cast %while3A_124 : vector<16xf32> to vector<1x1x16xf32>
      tpu.vector_store %arg14[%swap3A_171, %swap3A_172, %swap3A_173], %swap3A_176 {strides = array<i32>} : memref<2x16x128xf32, #tpu.memory_space<vmem>>, vector<1x1x16xf32>,
      %and3A_177 = arith.constant 15 : i32
      %and3A_178 = arith.andi %while3A_116, %and3A_177 : i32
      %eq3A = arith.constant 15 : i32
      %eq3A_179 = arith.cmpi eq, %and3A_178, %eq3A : i32
      %convert_element_type3A_180 = arith.extui %eq3A_179 : i1 to i32
      %cond3A_181 = arith.constant 0 : i32
      %cond3A_182 = arith.cmpi ne, %convert_element_type3A_180, %cond3A_181 : i32
      scf.if %cond3A_182 {
        %shift_right_logical3A_183 = arith.constant 4 : i32
        %shift_right_logical3A_184 = arith.shrui %while3A_116, %shift_right_logical3A_183 : i32
        %and3A_185 = arith.constant 1 : i32
        %and3A_186 = arith.andi %shift_right_logical3A_184, %and3A_185 : i32
        %ge3A = arith.constant 1 : i32
        %ge3A_187 = arith.cmpi sge, %shift_right_logical3A_184, %ge3A : i32
        %convert_element_type3A_188 = arith.extui %ge3A_187 : i1 to i32
        %cond3A_189 = arith.constant 0 : i32
        %cond3A_190 = arith.cmpi ne, %convert_element_type3A_188, %cond3A_189 : i32
        scf.if %cond3A_190 {
          %dma_wait3A_207 = arith.constant 0 : i32
          %dma_wait3A_208 = arith.constant 0 : i32
          %dma_wait3A_209 = arith.constant 0 : i32
          %dma_wait3A_210 = tpu.memref_slice %arg14[%dma_wait3A_207, %dma_wait3A_208, %dma_wait3A_209] : memref<2x16x128xf32, #tpu.memory_space<vmem>> -> memref<1x16x128xf32, #tpu.memory_space<vmem>>
          %dma_wait3A_211 = tpu.memref_squeeze %dma_wait3A_210 : memref<1x16x128xf32, #tpu.memory_space<vmem>> -> memref<16x128xf32, #tpu.memory_space<vmem>>
          %dma_wait3A_212 = arith.constant 0 : i32
          %dma_wait3A_213 = arith.constant 0 : i32
          %dma_wait3A_214 = tpu.memref_slice %arg6[%dma_wait3A_212, %dma_wait3A_213] : memref<50000x128xf32, #tpu.memory_space<hbm>> -> memref<16x128xf32, #tpu.memory_space<hbm>>
          %dma_wait3A_215 = arith.constant 0 : i32
          %dma_wait3A_216 = arith.constant 0 : i32
          %dma_wait3A_217 = tpu.memref_slice %arg6[%dma_wait3A_215, %dma_wait3A_216] : memref<50000x128xf32, #tpu.memory_space<hbm>> -> memref<16x128xf32, #tpu.memory_space<hbm>>
          %dma_wait3A_218 = arith.constant 0 : i32
          %dma_wait3A_219 = arith.constant 0 : i32
          %dma_wait3A_220 = tpu.memref_slice %arg14[%dma_wait3A_207, %dma_wait3A_218, %dma_wait3A_219] : memref<2x16x128xf32, #tpu.memory_space<vmem>> -> memref<1x16x128xf32, #tpu.memory_space<vmem>>
          %dma_wait3A_221 = tpu.memref_squeeze %dma_wait3A_220 : memref<1x16x128xf32, #tpu.memory_space<vmem>> -> memref<16x128xf32, #tpu.memory_space<vmem>>
          tpu.wait_dma2 semaphore(%arg22 : memref<!tpu.dma_semaphore, #tpu.memory_space<semaphore_mem>>) src(%dma_wait3A_221 : memref<16x128xf32, #tpu.memory_space<vmem>>) dst(%dma_wait3A_217 : memref<16x128xf32, #tpu.memory_space<hbm>>)
        } else {
        }
        %add3A_191 = arith.addi %multiple_of3A, %while3A_116 : i32
        %sub3A_192 = arith.constant 15 : i32
        %sub3A_193 = arith.subi %add3A_191, %sub3A_192 : i32
        %multiple_of3A_194 = tpu.assume_multiple %sub3A_193, 16 : i32
        %dma_start3A_195 = arith.constant 0 : i32
        %dma_start3A_196 = arith.constant 0 : i32
        %dma_start3A_197 = tpu.memref_slice %arg14[%and3A_186, %dma_start3A_195, %dma_start3A_196] : memref<2x16x128xf32, #tpu.memory_space<vmem>> -> memref<1x16x128xf32, #tpu.memory_space<vmem>>
        %dma_start3A_198 = tpu.memref_squeeze %dma_start3A_197 : memref<1x16x128xf32, #tpu.memory_space<vmem>> -> memref<16x128xf32, #tpu.memory_space<vmem>>
        %dma_start3A_199 = arith.constant 0 : i32
        %dma_start3A_200 = tpu.memref_slice %arg6[%multiple_of3A_194, %dma_start3A_199] : memref<50000x128xf32, #tpu.memory_space<hbm>> -> memref<16x128xf32, #tpu.memory_space<hbm>>
        %dma_start3A_201 = arith.constant 0 : i32
        %dma_start3A_202 = tpu.memref_slice %arg6[%multiple_of3A_194, %dma_start3A_201] : memref<50000x128xf32, #tpu.memory_space<hbm>> -> memref<16x128xf32, #tpu.memory_space<hbm>>
        %dma_start3A_203 = arith.constant 0 : i32
        %dma_start3A_204 = arith.constant 0 : i32
        %dma_start3A_205 = tpu.memref_slice %arg14[%and3A_186, %dma_start3A_203, %dma_start3A_204] : memref<2x16x128xf32, #tpu.memory_space<vmem>> -> memref<1x16x128xf32, #tpu.memory_space<vmem>>
        %dma_start3A_206 = tpu.memref_squeeze %dma_start3A_205 : memref<1x16x128xf32, #tpu.memory_space<vmem>> -> memref<16x128xf32, #tpu.memory_space<vmem>>
        tpu.enqueue_dma source(%dma_start3A_206 : memref<16x128xf32, #tpu.memory_space<vmem>>) target(%dma_start3A_202 : memref<16x128xf32, #tpu.memory_space<hbm>>) target_semaphore(%arg22 : memref<!tpu.dma_semaphore, #tpu.memory_space<semaphore_mem>>)
      } else {
      }
      scf.yield %broadcast_in_dim3A_37, %broadcast_in_dim3A_39, %broadcast_in_dim3A_41, %broadcast_in_dim3A_43, %broadcast_in_dim3A_45, %broadcast_in_dim3A_47, %broadcast_in_dim3A_49, %broadcast_in_dim3A_51 : vector<16xf32>, vector<16xf32>, vector<16xf32>, vector<16xf32>, vector<16xf32>, vector<16xf32>, vector<16xf32>, vector<16xf32>
    }
    %dma_wait3A_101 = arith.constant 0 : i32
    %dma_wait3A_102 = arith.constant 0 : i32
    %dma_wait3A_103 = arith.constant 0 : i32
    %dma_wait3A_104 = tpu.memref_slice %arg14[%dma_wait3A_101, %dma_wait3A_102, %dma_wait3A_103] : memref<2x16x128xf32, #tpu.memory_space<vmem>> -> memref<1x16x128xf32, #tpu.memory_space<vmem>>
    %dma_wait3A_105 = tpu.memref_squeeze %dma_wait3A_104 : memref<1x16x128xf32, #tpu.memory_space<vmem>> -> memref<16x128xf32, #tpu.memory_space<vmem>>
    %dma_wait3A_106 = arith.constant 0 : i32
    %dma_wait3A_107 = arith.constant 0 : i32
    %dma_wait3A_108 = tpu.memref_slice %arg6[%dma_wait3A_106, %dma_wait3A_107] : memref<50000x128xf32, #tpu.memory_space<hbm>> -> memref<16x128xf32, #tpu.memory_space<hbm>>
    %dma_wait3A_109 = arith.constant 0 : i32
    %dma_wait3A_110 = arith.constant 0 : i32
    %dma_wait3A_111 = tpu.memref_slice %arg6[%dma_wait3A_109, %dma_wait3A_110] : memref<50000x128xf32, #tpu.memory_space<hbm>> -> memref<16x128xf32, #tpu.memory_space<hbm>>
    %dma_wait3A_112 = arith.constant 0 : i32
    %dma_wait3A_113 = arith.constant 0 : i32
    %dma_wait3A_114 = tpu.memref_slice %arg14[%dma_wait3A_101, %dma_wait3A_112, %dma_wait3A_113] : memref<2x16x128xf32, #tpu.memory_space<vmem>> -> memref<1x16x128xf32, #tpu.memory_space<vmem>>
    %dma_wait3A_115 = tpu.memref_squeeze %dma_wait3A_114 : memref<1x16x128xf32, #tpu.memory_space<vmem>> -> memref<16x128xf32, #tpu.memory_space<vmem>>
    tpu.wait_dma2 semaphore(%arg22 : memref<!tpu.dma_semaphore, #tpu.memory_space<semaphore_mem>>) src(%dma_wait3A_115 : memref<16x128xf32, #tpu.memory_space<vmem>>) dst(%dma_wait3A_111 : memref<16x128xf32, #tpu.memory_space<hbm>>)
    return
  }
}

</mosaic_0001>

<sc_bundles>
// kernel: kernel.3.cloned.1.call-start
scs
__scs_entry_jumppad:
0x0: {  	(pc) =	sbr.rel $0x88, $3  }
0x1: {  	(tag) =	ssettag $0x0;
	lr =	simm.s32 $0x1  }
0x2: {  	[smem:$0x3F9D] =	sst lr;
	_ =	strace $0xD0000000  }
0x3: {  	_ = 	snop  }
0x4: {  	_ = 	snop  }
0x5: {  	_ = 	snop  }
0x6: {  	_ = 	snop  }
0x7: {  	_ = 	snop  }
__scs_overlays_trampoline_lowered:
0x8: {  	[smem:$0x3FAC] =	sst s0  }
0x9: {  	[smem:$0x3FAD] =	sst s1  }
0xa: {  	[smem:$0x3FAE] =	sst s2  }
0xb: {  	[smem:$0x3FAF] =	sst s3  }
0xc: {  	[smem:$0x3FB0] =	sst s4  }
0xd: {  	[smem:$0x3FB1] =	sst s5  }
0xe: {  	[smem:$0x3FB2] =	sst s6  }
0xf: {  	[smem:$0x3FB3] =	sst s7  }
0x10: {  	[smem:$0x3FB4] =	sst s8  }
0x11: {  	[smem:$0x3FB5] =	sst s9;
	s0 =	simm.s32 @!p0 $0x0  }
0x12: {  	s1 =	sld [smem:$0x3F9B];
	s0 =	simm.s32 @p0 $0x1  }
0x13: {  	[smem:$0x3FB6] =	sst s0;
	s0 =	simm.s32 @!p1 $0x0  }
0x14: {  	s2 =	sld [smem:$0x3F9A];
	s0 =	simm.s32 @p1 $0x1  }
0x15: {  	[smem:$0x3FB7] =	sst s0;
	s0 =	simm.s32 @!p2 $0x0  }
0x16: {  	s3 =	sld [smem:$0x3FDB];
	s0 =	simm.s32 @p2 $0x1  }
0x17: {  	s4 =	simm.s32 $0x1BF5;
	[smem:$0x3FB9] =	sst s0  }
0x18: {  	s0 =	sld [smem:$0x3F9C];
	_ =	swait.ge [sflag:s4], $0x0  }
0x19: {  	s7 =	sld [smem:$0x3F9D]  }
0x1a: {  	s8 =	sadd.s32 $0xFFFFE003, lr  }
0x1b: {  	s9 =	sadd.s32 $0xFFFFFEF7, lr;
	s5 =	simm.s32 $0xFFFFFFFF;
	p2 =	slt.u32 s8, $0xFFFFF086  }
0x1c: {  	p1 =	slt.u32 s9, $0xF7A;
	s5 =	simm.s32 @!p2 $0x0  }
0x1d: {  	s5 =	simm.s32 @p1 $0x1;
	p0 =	seq.s32 s7, s2  }
0x1e: {  	s7 =	smul.u32 @!p0 $0xF7A, s2;
	p2 =	seq.s32 @!p0 s5, $0x0  }
0x1f: {  	s9 =	smul.u32 $0xF7A, s1;
	s8 =	simm.s32 @!p0 $0x1BF5;
	p2 =	por !p2, p0  }
0x20: {  	[sflag:s8] =	ssyncset.s32 @!p0 $0xFFFFF086;
	s6 =	sadd.s32 @!p0 s3, s7;
	s7 =	simm.s32 @!p0 $0x108  }
0x21: {  	s3 =	sadd.s32 s3, s9;
	s6 =	sadd.s32 @!p0 $0x88, s6;
	s7 =	simm.s32 @p2 $0x1082  }
0x22: {  	[simem:s7], [sflag:s8] =	dma.local @!p0 [hbm:s6], $0xF7A  }
0x23: {  	s9 =	sor.u32 $0xD0000000, s2;
	s6 =	simm.s32 $0x108;
	_ =	swait.ge @!p0 [sflag:s8], $0x0  }
0x24: {  	s3 =	sadd.s32 $0x88, s3;
	s6 =	simm.s32 @!p1 $0x1082;
	[sflag:s4] =	ssyncset.s32 $0xFFFFF086  }
0x25: {  	[simem:s6], [sflag:s4] =	dma.local [hbm:s3], $0xF7A  }
0x26: {  	[smem:$0x3F9D] =	sst s1;
	(tag) =	ssettag s2;
	_ =	strace s9  }
0x27: {  	s1 =	sld [smem:$0x3FAD]  }
0x28: {  	s2 =	sld [smem:$0x3FAE]  }
0x29: {  	s4 =	sld [smem:$0x3FB0]  }
0x2a: {  	p0 =	seq.s32 s5, $0x0;
	s5 =	sld [smem:$0x3FB1]  }
0x2b: {  	s6 =	sld [smem:$0x3FB2]  }
0x2c: {  	s7 =	sld [smem:$0x3FB3]  }
0x2d: {  	s3 =	simm.s32 $0x108;
	s8 =	sld [smem:$0x3FB4]  }
0x2e: {  	s3 =	simm.s32 @!p0 $0x1082;
	s9 =	sld [smem:$0x3FB5]  }
0x2f: {  	lr =	sadd.s32 s0, s3;
	s0 =	sld [smem:$0x3FAC]  }
0x30: {  	s3 =	sld [smem:$0x3FAF]  }
0x31: {  	[smem:$0x3FB8] =	sst s10  }
0x32: {  	s10 =	sld [smem:$0x3FB6];
	_ =	sdelay $0x3  }
0x33: {  	p0 =	seq.s32 s10, $0x1;
	s10 =	sld [smem:$0x3FB8];
	_ =	sdelay $0x3  }
0x34: {  	[smem:$0x3FB8] =	sst s10  }
0x35: {  	s10 =	sld [smem:$0x3FB7];
	_ =	sdelay $0x3  }
0x36: {  	p1 =	seq.s32 s10, $0x1;
	s10 =	sld [smem:$0x3FB8];
	_ =	sdelay $0x3  }
0x37: {  	[smem:$0x3FB8] =	sst s10  }
0x38: {  	s10 =	sld [smem:$0x3FB9]  }
0x39: {  	_ = 	snop;
	(pc) =	sbr.ind lr, $3  }
0x3a: {  	_ = 	snop  }
0x3b: {  	_ = 	snop  }
0x3c: {  	p2 =	seq.s32 s10, $0x1;
	s10 =	sld [smem:$0x3FB8]  }
0x3d: {  	_ =	shalt  }
0x3e: {  	_ =	shalt  }
0x3f: {  	_ =	shalt  }
0x40: {  	_ =	shalt  }
0x41: {  	_ =	shalt  }
0x42: {  	_ =	shalt  }
0x43: {  	_ =	shalt  }
0x44: {  	_ =	shalt  }
0x45: {  	_ =	shalt  }
0x46: {  	_ =	shalt  }
0x47: {  	_ =	shalt  }
0x48: {  	_ =	shalt  }
0x49: {  	_ =	shalt  }
0x4a: {  	_ =	shalt  }
0x4b: {  	_ =	shalt  }
0x4c: {  	_ =	shalt  }
0x4d: {  	_ =	shalt  }
0x4e: {  	_ =	shalt  }
0x4f: {  	_ =	shalt  }
0x50: {  	_ =	shalt  }
0x51: {  	_ =	shalt  }
0x52: {  	_ =	shalt  }
0x53: {  	_ =	shalt  }
0x54: {  	_ =	shalt  }
0x55: {  	_ =	shalt  }
0x56: {  	_ =	shalt  }
0x57: {  	_ =	shalt  }
0x58: {  	_ =	shalt  }
0x59: {  	_ =	shalt  }
0x5a: {  	_ =	shalt  }
0x5b: {  	_ =	shalt  }
0x5c: {  	_ =	shalt  }
0x5d: {  	_ =	shalt  }
0x5e: {  	_ =	shalt  }
0x5f: {  	_ =	shalt  }
0x60: {  	_ =	shalt  }
0x61: {  	_ =	shalt  }
0x62: {  	_ =	shalt  }
0x63: {  	_ =	shalt  }
0x64: {  	_ =	shalt  }
0x65: {  	_ =	shalt  }
0x66: {  	_ =	shalt  }
0x67: {  	_ =	shalt  }
0x68: {  	_ =	shalt  }
0x69: {  	_ =	shalt  }
0x6a: {  	_ =	shalt  }
0x6b: {  	_ =	shalt  }
0x6c: {  	_ =	shalt  }
0x6d: {  	_ =	shalt  }
0x6e: {  	_ =	shalt  }
0x6f: {  	_ =	shalt  }
0x70: {  	_ =	shalt  }
0x71: {  	_ =	shalt  }
0x72: {  	_ =	shalt  }
0x73: {  	_ =	shalt  }
0x74: {  	_ =	shalt  }
0x75: {  	_ =	shalt  }
0x76: {  	_ =	shalt  }
0x77: {  	_ =	shalt  }
0x78: {  	_ =	shalt  }
0x79: {  	_ =	shalt  }
0x7a: {  	_ =	shalt  }
0x7b: {  	_ =	shalt  }
0x7c: {  	_ =	shalt  }
0x7d: {  	_ =	shalt  }
0x7e: {  	_ =	shalt  }
0x7f: {  	_ =	shalt  }
0x80: {  	_ =	shalt  }
0x81: {  	_ =	shalt  }
0x82: {  	_ =	shalt  }
0x83: {  	_ =	shalt  }
0x84: {  	_ =	shalt  }
0x85: {  	_ =	shalt  }
0x86: {  	_ =	shalt  }
0x87: {  	_ =	shalt  }
.Lfunc_end0:
.L_simem_size_0:
called_computation_lowered:
.L_overlay_start_0:
0x88: {  	s2 =	sld [smem:$0x3FD9]  }
0x89: {  	s3 =	sld [smem:$0x3FFE];
	_ =	sdelay $0x1  }
0x8a: {  	s1 =	srdreg.scid  }
0x8b: {  	s0 =	sand.u32 $0x1, s1  }
0x8c: {  	s17 =	sshll.u32 s0, $0xA;
	s2 =	sadd.s32 s3, s2  }
0x8d: {  	s2 =	sadd.s32 s2, s17  }
0x8e: {  	[smem:$0x3FC4] =	sst s2  }
0x8f: {  	_ = 	snop  }
0x90: {  	s2 =	sld [smem:$0x3FC6]  }
0x91: {  	s18 =	sld [smem:$0x3FD0];
	(tm) =	ssettm $0x1  }
0x92: {  	s4 =	sld [smem:$0x3FFB];
	_ =	sdelay $0x3  }
0x93: {  	_ =	strace s4  }
0x94: {  	s4 =	sld [smem:$0x3FFC];
	_ =	sdelay $0x3  }
0x95: {  	_ =	strace s4  }
0x96: {  	s4 =	sld [smem:$0x3FFD];
	_ =	sdelay $0x3  }
0x97: {  	_ =	strace s4  }
0x98: {  	_ =	strace $0x8FFFFFFF  }
0x99: {  	s19 =	sld [smem:$0x3FDB];
	_ =	sdelay $0x1  }
0x9a: {  	s5 =	simm.s32 $_scs_section_size  }
0x9b: {  	s6 =	simm.s32 $_size__tile_overlayer_lowered;
	s7 =	simm.s32 $_tile_overlayer_lowered  }
0x9c: {  	s22 =	simm.s32 $0x1BFF;
	s21 =	sshll.u32 s7, $0x1;
	s4 =	sadd.s32 s5, s19  }
0x9d: {  	s8 =	simm.s32 $0x0;
	s20 =	sshll.u32 s6, $0x1;
	s6 =	sadd.s32 s21, s4  }
0x9e: {  	[timem:s8], [sflag:s22] =	dma.local [hbm:s6], s20  }
0x9f: {  	_ =	swait.ge [sflag:s22], s20  }
0xa0: {  	s5 =	ssub.s32 $0x0, s20;
	[sflag:s22] =	ssyncset.done $0x0  }
0xa1: {  	[sflag:s22] =	ssyncadd.s32 s5;
	_ =	sdelay $0x1  }
0xa2: {  	s23 =	simm.s32 $0x1B8B  }
0xa3: {  	_ =	swait.ge [sflag:s23], $0x1  }
0xa4: {  	[sflag:s23] =	ssyncset.done $0x0  }
0xa5: {  	s25 =	simm.s32 $0x1B8E;
	s24 =	sld [smem:$0x3FFE];
	[sflag:s23] =	ssyncadd.s32 $0xFFFFFFFF  }
0xa6: {  	s26 =	simm.s32 $execute0_lowered;
	[smem:$0x3FD2] =	sst s25  }
0xa7: {  	s6 =	sshll.u32 s26, $0x1;
	_ =	strace $0x80000046;
	[dreg:$0x1] =	wrdreg $0xFFFFFFFF  }
0xa8: {  	s28 =	simm.s32 $_size_execute0_lowered;
	s4 =	sadd.s32 s4, s6;
	[dreg:$0x0] =	wrdreg $0x0  }
0xa9: {  	s6 =	sshll.u32 s28, $0x1;
	[dreg:$0x2] =	wrdreg s4  }
0xaa: {  	[dreg:$0x3] =	wrdreg s6  }
0xab: {  	[dreg:$0x4] =	wrdreg $0xC0  }
0xac: {  	_ =	task [dreg:s8], $0x5FFFF  }
0xad: {  	[dreg:$0x1] =	wrdreg $0xFFFFFFFF  }
0xae: {  	[dreg:$0x0] =	wrdreg $0x60  }
0xaf: {  	[dreg:$0x2] =	wrdreg s24  }
0xb0: {  	[dreg:$0x3] =	wrdreg s2  }
0xb1: {  	[dreg:$0x4] =	wrdreg s18  }
0xb2: {  	[dreg:$0x5] =	wrdreg $0x9  }
0xb3: {  	_ =	task.clear_ibuf [dreg:s8], $0x6FFFF;
	_ =	strace $0x90000046  }
0xb4: {  	s29 =	simm.s32 $0x9;
	_ =	strace $0x80000048  }
0xb5: {  	_ =	swait.ge [sflag:s29], $0x1  }
0xb6: {  	[sflag:s29] =	ssyncadd.s32 $0xFFFFFFFF  }
0xb7: {  	_ =	strace $0x90000048  }
0xb8: {  	_ =	sfence  }
0xb9: {  	s30 =	sld [smem:$0x0];
	_ =	sdelay $0x2  }
0xba: {  	s31 =	sshll.u32 s1, $0xD;
	s1 =	sshrl.u32 s1, $0x2  }
0xbb: {  	s3 =	sand.u32 $0x4000, s31;
	s1 =	sadd.s32 s1, s30  }
0xbc: {  	s0 =	sor.u32 s3, s0;
	s1 =	sshll.u32 s1, $0x11  }
0xbd: {  	s0 =	sor.u32 s1, s0  }
0xbe: {  	s0 =	sadd.s32 $0x8F2B, s0  }
0xbf: {  	[sflag:s0] =	ssyncadd.remote.s32 $0x1  }
0xc0: {  	_ =	sfence.sel $0xFFFF  }
0xc1: {  	[dreg:$0x0] =	wrdreg $0xFFFFFFFF;
	(pc) =	sbr.abs _section_cstart, $3  }
0xc2: {  	[dreg:$0x1] =	wrdreg $0xFFFFFFFF  }
0xc3: {  	_ =	task.clear_ibuf [dreg:s8], $0x2FFFF;
	_ =	strace $0x9FFFFFFF  }
0xc4: {  	(tm) =	ssettm $0x7FFFFFFF  }
0xc5: {  	_ =	shalt  }
tec
execute0_lowered:
.L_overlay_start_1:
0x0: {  	(tag) =	ssettag $0x1  }
0x1: {  	s0 =	rddreg [dreg:$0x0]  }
0x2: {  	s2 =	rddreg [dreg:$0x1];
	s1 =	srdreg.scid  }
0x3: {  	s12 =	stileid.u32;
	s3 =	rddreg [dreg:$0x2];
	s5 =	simm.s32 $0x0  }
0x4: {  	s14 =	simm.s32 $0x4;
	s15 =	simm.s32 $0x6;
	s21 =	simm.s32 $0x0  }
0x5: {  	s1 =	sand.u32 $0x1, s1;
	s4 =	sshll.u32 s12, $0x1;
	s11 =	smul.u32 $0xFFFFF3C0, s12  }
0x6: {  	[smem:$0x7FF] =	sst s5;
	s6 =	sadd.s32 $0x2000, s0;
	s12 =	smul.u32 $0x62000, s12  }
0x7: {  	s4 =	sor.u32 s1, s4;
	s8 =	ssub.s32 $0x2, s1;
	s9 =	smul.u32 $0xFFFFF9E0, s1  }
0x8: {  	s7 =	sadd.s32 $0x1A800, s0;
	s5 =	smul.u32 $0x620, s4;
	s10 =	sshrl.u32 s8, $0x1  }
0x9: {  	_ =	strace $0x80000047;
	s1 =	smul.u32 $0x31000, s1;
	s28 =	ssub.s32 s8, s10  }
.Ltmp0:
0xa: {  	s9 =	sadd.s32 s11, s9;
	s4 =	sshrl.u32 s5, $0x3;
	(pc) =	sbr.rel .LBB2_1-.Ltmp0, $4  }
0xb: {  	s31 =	sadd.s32 s1, s12;
	s4 =	sadd.s32 s4, s0;
	s0 =	smax.u32 s28, $0x1  }
0xc: {  	s29 =	ssub.s32 $0xC350, s5;
	s4 =	sadd.s32 $0x600, s4;
	[dreg:$0x5] =	wrdreg s0  }
0xd: {  	s30 =	sadd.s32 $0xC350, s9;
	s0 =	sadd.s32 $0xFFFFF900, s31;
	[dreg:$0x4] =	wrdreg s4  }
0xe: {  	v0 =	vimm.f32 $0.0e+00;
	s8 =	smin.u32 s29, $0x620;
	s10 =	smin.u32 s30, $0x620;
	[dreg:$0x6] =	wrdreg s0  }
.LBB2_28:
0xf: {  	[tilespmem:s11+$0x40] =	vst v0  }
0x10: {  	[tilespmem:s11+$0x30] =	vst v0  }
0x11: {  	[tilespmem:s11+$0x20] =	vst v0  }
0x12: {  	[tilespmem:s11+$0x0] =	vst v0  }
0x13: {  	[tilespmem:s11+$0x10] =	vst v0;
	s1 =	simm.s32 @!p0 $0x8  }
0x14: {  	_ =	swait.ge @!p0 [sflag:s1], $0x800  }
0x15: {  	[sflag:s1] =	ssyncset.done @!p0 $0x0  }
0x16: {  	s9 =	simm.s32 @!p1 $0x0;
	[sflag:s1] =	ssyncadd.s32 @!p0 $0xFFFFF800  }
0x17: {  	[hbm4b:s4+s9] =	stream.linear.scatter @!p1 [tilespmem:s0], [sflag:$0x8], $0x800, $0x38;
	[tilespmem:$0x1DE80] =	vst v63  }
.LBB2_29:
0x18: {  	s1 =	simm.s32 $0x8  }
0x19: {  	_ =	swait.ge [sflag:s1], $0x800  }
0x1a: {  	s21 =	sadd.s32 $0x1, s21;
	s0 =	rddreg [dreg:$0x5]  }
0x1b: {  	p0 =	sne.s32 s21, s0  }
.Ltmp1:
0x1c: {  	_ = 	snop;
	(pc) =	sbr.rel @!p0 .LBB2_30-.Ltmp1, $3  }
0x1d: {  	_ =	sdelay $0x1  }
0x1e: {  	[sflag:s1] =	ssyncset.done $0x0  }
0x1f: {  	[sflag:s1] =	ssyncadd.s32 $0xFFFFF800  }
.LBB2_1:
0x20: {  	s0 =	simm.s32 $0x0;
	s1 =	rddreg [dreg:$0x4];
	s25 =	simm.s32 $0x1  }
0x21: {  	[tilespmem:s0], [sflag:$0x1] =	stream.linear.gather [hbm4b:s1+s0], $0x640, $0x38;
	[tilespmem:$0x1DE80] =	vst v63  }
0x22: {  	_ =	swait.ge [sflag:s25], $0x640  }
0x23: {  	[sflag:s25] =	ssyncset.done $0x0  }
0x24: {  	[sflag:s25] =	ssyncadd.s32 $0xFFFFF9C0  }
0x25: {  	v1 =	vld [tilespmem:$0x0]  }
0x26: {  	v2 =	vld [tilespmem:s8+$0x0];
	_ =	sdelay $0x3  }
0x27: {  	(v2sf) =	vpush v1, $0x0  }
0x28: {  	(v2sf) =	vpush v2, $0x0;
	_ =	sdelay $0xd  }
0x29: {  	s18 =	spop (v2sf)  }
0x2a: {  	s19 =	spop (v2sf)  }
0x2b: {  	s26 =	ssub.s32 s19, s18  }
0x2c: {  	s28 =	sadd.s32 $0x1AF, s26  }
0x2d: {  	s4 =	smulhi.u32 $0x4BDA12F7, s28;
	s9 =	sshra.s32 s28, $0x1F  }
0x2e: {  	s9 =	smul.u32 $0x4BDA12F7, s9;
	_ =	sdelay $0x1  }
0x2f: {  	s4 =	sadd.s32 s9, s4  }
0x30: {  	s9 =	sshrl.u32 s4, $0x1F;
	s4 =	sshra.s32 s4, $0x7  }
0x31: {  	s4 =	sadd.s32 s9, s4  }
0x32: {  	s9 =	smul.u32 $0xFFFFFE50, s4  }
0x33: {  	s0 =	ssub.s32 $0xFFFFFE51, s26  }
0x34: {  	p0 =	slt.s32 s28, $0x1;
	p1 =	sne.s32 s9, s0  }
0x35: {  	p0 =	por !p0, !p1  }
0x36: {  	s0 =	simm.s32 $0x1;
	p0 =	por !p0, !p0  }
0x37: {  	s0 =	simm.s32 @!p0 $0x0  }
0x38: {  	s20 =	ssub.s32 s4, s0  }
0x39: {  	p0 =	slt.s32 s20, $0x1  }
0x3a: {  	s0 =	sshrl.u32 @!p0 s18, $0x3  }
0x3b: {  	s4 =	simm.s32 @!p0 $0x0;
	s9 =	simm.s32 @!p0 $0x680;
	s1 =	sadd.s32 @!p0 s6, s0  }
0x3c: {  	[tilespmem:s9], [sflag:$0x2] =	stream.linear.gather @!p0 [hbm4b:s1+s4], $0x1C0, $0x38;
	[tilespmem:$0x1DE80] =	vst v63  }
0x3d: {  	s1 =	simm.s32 @!p0 $0x2  }
0x3e: {  	_ =	swait.ge @!p0 [sflag:s1], $0x1C0  }
0x3f: {  	s29 =	sadd.s32 $0x1, s20;
	[sflag:s1] =	ssyncset.done @!p0 $0x0  }
0x40: {  	s11 =	simm.s32 @!p0 $0xE80;
	[sflag:s1] =	ssyncadd.s32 @!p0 $0xFFFFFE40;
	s1 =	simm.s32 @!p0 $0x80  }
0x41: {  	[tilespmem:s11], [sflag:$0x4] =	stream.indirect.gather @!p0 [hbm4b:s2+s1], $0x80, s9, s1, $0xb8;
	[tilespmem:$0x1DE80] =	vst v63  }
0x42: {  	p5 =	slt.s32 s20, $0x0;
	s9 =	simm.s32 @!p0 $0x700;
	s11 =	simm.s32 @!p0 $0x4E80  }
0x43: {  	[tilespmem:s11], [sflag:$0x4] =	stream.indirect.gather @!p0 [hbm4b:s2+s1], $0x80, s9, s1, $0xb8;
	[tilespmem:$0x1DE80] =	vst v63  }
0x44: {  	s30 =	sand.u32 $0x1, s29;
	s9 =	simm.s32 @!p0 $0x780;
	s11 =	simm.s32 @!p0 $0x8E80  }
0x45: {  	[tilespmem:s11], [sflag:$0x4] =	stream.indirect.gather @!p0 [hbm4b:s2+s1], $0x80, s9, s1, $0xb8;
	[tilespmem:$0x1DE80] =	vst v63  }
0x46: {  	s1 =	simm.s32 @!p0 $0x40;
	s9 =	simm.s32 @!p0 $0x800;
	s11 =	simm.s32 @!p0 $0xCE80  }
0x47: {  	[tilespmem:s11], [sflag:$0x4] =	stream.indirect.gather @!p0 [hbm4b:s2+s1], $0x80, s9, s1, $0xb8;
	[tilespmem:$0x1DE80] =	vst v63  }
0x48: {  	s0 =	sadd.s32 @!p0 s7, s0;
	p6 =	seq.s32 s30, $0x1;
	s1 =	simm.s32 @!p0 $0xA80  }
0x49: {  	[tilespmem:s1], [sflag:$0x6] =	stream.linear.gather @!p0 [hbm4b:s0+s4], $0x1D0, $0x38;
	[tilespmem:$0x1DE80] =	vst v63  }
0x4a: {  	s31 =	sshrl.u32 s29, $0x1F;
	p0 =	por !p5, !p6  }
0x4b: {  	s0 =	sadd.s32 s31, s29;
	s1 =	simm.s32 $0x1;
	p0 =	por !p0, !p0  }
0x4c: {  	s0 =	sshra.s32 s0, $0x1;
	s1 =	simm.s32 @!p0 $0x0  }
0x4d: {  	s0 =	ssub.s32 s0, s1  }
0x4e: {  	p0 =	sgt.s32 s0, $0x0  }
.Ltmp2:
0x4f: {  	_ = 	snop;
	(pc) =	sbr.rel @!p0 .LBB2_25-.Ltmp2, $4  }
0x50: {  	_ = 	snop  }
0x51: {  	v3 =	vimm.f32 $0.0e+00;
	v4 =	vimm.f32 $0.0e+00  }
0x52: {  	v5 =	vimm.f32 $0.0e+00;
	v6 =	vimm.f32 $0.0e+00;
	v7 =	vimm.f32 $0.0e+00  }
0x53: {  	v8 =	vimm.f32 $0.0e+00;
	s24 =	simm.s32 $0x0;
	v1 =	vimm.f32 $0.0e+00;
	v2 =	vimm.f32 $0.0e+00;
	[dreg:$0x8] =	wrdreg s0  }
.Ltmp3:
0x54: {  	(pc) =	sbr.rel .LBB2_3-.Ltmp3, $4  }
0x55: {  	_ = 	snop  }
0x56: {  	v1 =	vimm.f32 $0.0e+00;
	v2 =	vimm.f32 $0.0e+00  }
0x57: {  	[dreg:$0x7] =	wrdreg s21;
	v3 =	vimm.f32 $0.0e+00;
	v4 =	vimm.f32 $0.0e+00;
	v5 =	vimm.f32 $0.0e+00  }
0x58: {  	s22 =	sand.u32 $0x7, s18;
	v6 =	vimm.f32 $0.0e+00;
	v7 =	vimm.f32 $0.0e+00;
	v8 =	vimm.f32 $0.0e+00;
	s24 =	simm.s32 $0x0;
	s23 =	simm.s32 $0x0  }
.LBB2_23:
0x59: {  	s23 =	sadd.s32 $0x1, s23;
	s0 =	rddreg [dreg:$0x8]  }
0x5a: {  	p1 =	seq.s32 s23, s0  }
.Ltmp4:
0x5b: {  	_ = 	snop;
	(pc) =	sbr.rel @p1 .LBB2_24-.Ltmp4, $3  }
0x5c: {  	_ =	sdelay $0x1  }
0x5d: {  	s24 =	sadd.s32 $0x1, s28;
	p0 =	sgt.s32 s1, s25  }
0x5e: {  	s24 =	smov.u32 @p0 s28  }
.LBB2_3:
0x5f: {  	s0 =	smul.u32 $0x360, s23;
	_ =	sdelay $0x1  }
0x60: {  	s26 =	sadd.s32 s18, s0  }
0x61: {  	s0 =	ssub.s32 s19, s26  }
0x62: {  	p0 =	sgt.s32 s0, $0x0  }
0x63: {  	s0 =	simm.s32 @!p0 $0x0  }
0x64: {  	s0 =	smin.u32 s0, $0x1B0  }
0x65: {  	s11 =	sadd.s32 s24, s8;
	s1 =	simm.s32 $0xA;
	s25 =	sadd.s32 s26, s0  }
0x66: {  	s9 =	smov.u32 s24;
	s4 =	smov.u32 s8;
	s0 =	sadd.s32 $0xFFFFFFFF, s25  }
.LBB2_4:
0x67: {  	s12 =	smov.u32 s9  }
0x68: {  	p0 =	sne.s32 s1, $0x1;
	s9 =	sand.u32 $0x1, s11  }
0x69: {  	p1 =	slt.s32 s11, $0x1;
	p2 =	seq.s32 s9, $0x1  }
0x6a: {  	s9 =	sshrl.u32 s11, $0x1F;
	p1 =	por !p1, !p2  }
0x6b: {  	s9 =	sadd.s32 s9, s11;
	s11 =	simm.s32 $0x1;
	p1 =	por !p1, !p1  }
0x6c: {  	s9 =	sshra.s32 s9, $0x1;
	s11 =	simm.s32 @!p1 $0x0  }
0x6d: {  	s11 =	ssub.s32 s9, s11  }
0x6e: {  	v9 =	vld [tilespmem:s11+$0x0];
	_ =	sdelay $0x4  }
0x6f: {  	(v2sf) =	vpush v9, $0x0;
	_ =	sdelay $0xd  }
.Ltmp5:
0x70: {  	(pc) =	sbr.rel @p0 .LBB2_4-.Ltmp5, $4  }
0x71: {  	s9 =	spop (v2sf)  }
0x72: {  	p1 =	sgt.s32 s9, s0;
	s9 =	smov.u32 s11  }
0x73: {  	s9 =	smov.u32 @p1 s12;
	s4 =	smov.u32 @p1 s11  }
0x74: {  	s1 =	sadd.s32 $0xFFFFFFFF, s1;
	s11 =	sadd.s32 s9, s4  }
0x75: {  	s1 =	sand.u32 $0x1, s11  }
0x76: {  	p0 =	slt.s32 s11, $0x1;
	p1 =	seq.s32 s1, $0x1  }
0x77: {  	s16 =	sshrl.u32 s11, $0x1F;
	p0 =	por !p0, !p1  }
0x78: {  	s4 =	simm.s32 $0x1;
	s1 =	sadd.s32 s16, s11;
	p0 =	por !p0, !p0  }
0x79: {  	s1 =	sshra.s32 s1, $0x1;
	s4 =	simm.s32 @!p0 $0x0  }
0x7a: {  	s28 =	ssub.s32 s1, s4  }
0x7b: {  	v9 =	vld [tilespmem:s28+$0x0];
	_ =	sdelay $0x4  }
0x7c: {  	(v2sf) =	vpush v9, $0x0;
	_ =	sdelay $0xe  }
0x7d: {  	s17 =	spop (v2sf)  }
0x7e: {  	p0 =	sgt.s32 s17, s0  }
0x7f: {  	s28 =	smov.u32 @p0 s9  }
0x80: {  	v9 =	vld [tilespmem:s28+$0x1];
	_ =	sdelay $0x4  }
0x81: {  	(v2sf) =	vpush v9, $0x0;
	_ =	sdelay $0x6  }
0x82: {  	s29 =	sshllo.u32 s23, $0x1  }
0x83: {  	p0 =	sge.s32 s29, s20  }
0x84: {  	s0 =	smul.u32 @!p0 $0x1B0, s29;
	_ =	sdelay $0x1  }
0x85: {  	s0 =	sadd.s32 @!p0 s18, s0  }
0x86: {  	s0 =	sshrl.u32 @!p0 s0, $0x3  }
0x87: {  	s4 =	simm.s32 @!p0 $0x0;
	s9 =	simm.s32 @!p0 $0x880;
	s1 =	sadd.s32 @!p0 s6, s0  }
0x88: {  	[tilespmem:s9], [sflag:$0x3] =	stream.linear.gather @!p0 [hbm4b:s1+s4], $0x1C0, $0x38;
	[tilespmem:$0x1DE80] =	vst v63  }
0x89: {  	s1 =	simm.s32 @!p0 $0x3;
	s30 =	spop (v2sf)  }
0x8a: {  	_ =	swait.ge @!p0 [sflag:s1], $0x1C0  }
0x8b: {  	[sflag:s1] =	ssyncset.done @!p0 $0x0  }
0x8c: {  	s11 =	simm.s32 @!p0 $0xEE80;
	[sflag:s1] =	ssyncadd.s32 @!p0 $0xFFFFFE40;
	s1 =	simm.s32 @!p0 $0x80  }
0x8d: {  	[tilespmem:s11], [sflag:$0x5] =	stream.indirect.gather @!p0 [hbm4b:s2+s1], $0x80, s9, s1, $0xb8;
	[tilespmem:$0x1DE80] =	vst v63  }
0x8e: {  	s9 =	simm.s32 @!p0 $0x900;
	s11 =	simm.s32 @!p0 $0x12E80  }
0x8f: {  	[tilespmem:s11], [sflag:$0x5] =	stream.indirect.gather @!p0 [hbm4b:s2+s1], $0x80, s9, s1, $0xb8;
	[tilespmem:$0x1DE80] =	vst v63  }
0x90: {  	s9 =	simm.s32 @!p0 $0x980;
	s11 =	simm.s32 @!p0 $0x16E80  }
0x91: {  	[tilespmem:s11], [sflag:$0x5] =	stream.indirect.gather @!p0 [hbm4b:s2+s1], $0x80, s9, s1, $0xb8;
	[tilespmem:$0x1DE80] =	vst v63  }
0x92: {  	s1 =	simm.s32 @!p0 $0x40;
	s9 =	simm.s32 @!p0 $0xA00;
	s11 =	simm.s32 @!p0 $0x1AE80  }
0x93: {  	[tilespmem:s11], [sflag:$0x5] =	stream.indirect.gather @!p0 [hbm4b:s2+s1], $0x80, s9, s1, $0xb8;
	[tilespmem:$0x1DE80] =	vst v63  }
0x94: {  	s0 =	sadd.s32 @!p0 s7, s0;
	s1 =	simm.s32 @!p0 $0xC80  }
0x95: {  	[tilespmem:s1], [sflag:$0x7] =	stream.linear.gather @!p0 [hbm4b:s0+s4], $0x1D0, $0x38;
	[tilespmem:$0x1DE80] =	vst v63  }
0x96: {  	_ =	swait.ge [sflag:s14], $0x4000  }
0x97: {  	[sflag:s14] =	ssyncset.done $0x0  }
0x98: {  	[sflag:s14] =	ssyncadd.s32 $0xFFFFC000  }
0x99: {  	_ =	swait.ge [sflag:s14], $0x4000  }
0x9a: {  	[sflag:s14] =	ssyncset.done $0x0  }
0x9b: {  	[sflag:s14] =	ssyncadd.s32 $0xFFFFC000  }
0x9c: {  	_ =	swait.ge [sflag:s14], $0x4000  }
0x9d: {  	s21 =	sshll.u32 s23, $0x1;
	[sflag:s14] =	ssyncset.done $0x0  }
0x9e: {  	s0 =	sadd.s32 $0x2, s21;
	[sflag:s14] =	ssyncadd.s32 $0xFFFFC000  }
0x9f: {  	p1 =	sge.s32 s0, s20;
	_ =	swait.ge [sflag:s14], $0x2000  }
0xa0: {  	s12 =	ssub.s32 s28, s24;
	s0 =	smul.u32 @!p1 $0x1B0, s0;
	[sflag:s14] =	ssyncset.done $0x0  }
0xa1: {  	p2 =	sgt.u32 s12, $0x7FFFFFFE;
	[sflag:s14] =	ssyncadd.s32 $0xFFFFE000  }
.Ltmp6:
0xa2: {  	s0 =	sadd.s32 @!p1 s18, s0;
	_ =	swait.ge [sflag:s15], $0x1D0;
	(pc) =	sbr.rel @!p2 .LBB2_6-.Ltmp6, $4  }
0xa3: {  	s31 =	simm.s32 @!p1 $0x0;
	s1 =	sshrl.u32 @!p1 s0, $0x3;
	[sflag:s15] =	ssyncset.done $0x0  }
0xa4: {  	s0 =	simm.s32 @!p1 $0x680;
	s4 =	sadd.s32 @!p1 s6, s1;
	[sflag:s15] =	ssyncadd.s32 $0xFFFFFE30  }
0xa5: {  	[tilespmem:s0], [sflag:$0x2] =	stream.linear.gather @!p1 [hbm4b:s4+s31], $0x1C0, $0x38;
	[tilespmem:$0x1DE80] =	vst v63  }
0xa6: {  	s9 =	simm.s32 $0x0;
	s4 =	simm.s32 $0x0  }
.LBB2_13:
0xa7: {  	s4 =	simm.s32 @!p1 $0x2  }
0xa8: {  	_ =	swait.ge @!p1 [sflag:s4], $0x1C0  }
0xa9: {  	[sflag:s4] =	ssyncset.done @!p1 $0x0  }
0xaa: {  	s9 =	simm.s32 @!p1 $0xE80;
	[sflag:s4] =	ssyncadd.s32 @!p1 $0xFFFFFE40;
	s4 =	simm.s32 @!p1 $0x80  }
0xab: {  	[tilespmem:s9], [sflag:$0x4] =	stream.indirect.gather @!p1 [hbm4b:s2+s4], $0x80, s0, s4, $0xb8;
	[tilespmem:$0x1DE80] =	vst v63  }
0xac: {  	s0 =	simm.s32 @!p1 $0x700;
	s9 =	simm.s32 @!p1 $0x4E80  }
0xad: {  	[tilespmem:s9], [sflag:$0x4] =	stream.indirect.gather @!p1 [hbm4b:s2+s4], $0x80, s0, s4, $0xb8;
	[tilespmem:$0x1DE80] =	vst v63  }
0xae: {  	s29 =	smul.u32 $0x1B0, s29;
	s0 =	simm.s32 @!p1 $0x780;
	s9 =	simm.s32 @!p1 $0x8E80  }
0xaf: {  	[tilespmem:s9], [sflag:$0x4] =	stream.indirect.gather @!p1 [hbm4b:s2+s4], $0x80, s0, s4, $0xb8;
	[tilespmem:$0x1DE80] =	vst v63  }
0xb0: {  	s0 =	simm.s32 @!p1 $0x40;
	s4 =	simm.s32 @!p1 $0x800;
	s9 =	simm.s32 @!p1 $0xCE80  }
0xb1: {  	[tilespmem:s9], [sflag:$0x4] =	stream.indirect.gather @!p1 [hbm4b:s2+s0], $0x80, s4, s0, $0xb8;
	[tilespmem:$0x1DE80] =	vst v63  }
0xb2: {  	s24 =	sadd.s32 s18, s29;
	s0 =	sadd.s32 @!p1 s7, s1;
	s1 =	simm.s32 @!p1 $0xA80  }
0xb3: {  	[tilespmem:s1], [sflag:$0x6] =	stream.linear.gather @!p1 [hbm4b:s0+s31], $0x1D0, $0x38;
	[tilespmem:$0x1DE80] =	vst v63  }
0xb4: {  	s0 =	ssub.s32 s19, s24  }
0xb5: {  	p1 =	sgt.s32 s0, $0x0  }
0xb6: {  	s26 =	sadd.s32 $0x1, s28;
	s0 =	simm.s32 @!p1 $0x0  }
0xb7: {  	s4 =	smov.u32 s8;
	p1 =	sgt.s32 s30, s25;
	s0 =	smin.u32 s0, $0x1B0  }
0xb8: {  	s1 =	simm.s32 $0xA;
	s26 =	smov.u32 @p1 s28;
	s25 =	sadd.s32 s24, s0  }
0xb9: {  	s11 =	sadd.s32 s26, s8;
	s9 =	smov.u32 s26;
	s0 =	sadd.s32 $0xFFFFFFFF, s25  }
.LBB2_14:
0xba: {  	s12 =	smov.u32 s9  }
0xbb: {  	p1 =	sne.s32 s1, $0x1;
	s9 =	sand.u32 $0x1, s11  }
0xbc: {  	p2 =	slt.s32 s11, $0x1;
	p3 =	seq.s32 s9, $0x1  }
0xbd: {  	s9 =	sshrl.u32 s11, $0x1F;
	p2 =	por !p2, !p3  }
0xbe: {  	s9 =	sadd.s32 s9, s11;
	s11 =	simm.s32 $0x1;
	p2 =	por !p2, !p2  }
0xbf: {  	s9 =	sshra.s32 s9, $0x1;
	s11 =	simm.s32 @!p2 $0x0  }
0xc0: {  	s11 =	ssub.s32 s9, s11  }
0xc1: {  	v9 =	vld [tilespmem:s11+$0x0];
	_ =	sdelay $0x4  }
0xc2: {  	(v2sf) =	vpush v9, $0x0;
	_ =	sdelay $0xd  }
.Ltmp7:
0xc3: {  	(pc) =	sbr.rel @p1 .LBB2_14-.Ltmp7, $4  }
0xc4: {  	s9 =	spop (v2sf)  }
0xc5: {  	p2 =	sgt.s32 s9, s0;
	s9 =	smov.u32 s11  }
0xc6: {  	s9 =	smov.u32 @p2 s12;
	s4 =	smov.u32 @p2 s11  }
0xc7: {  	s1 =	sadd.s32 $0xFFFFFFFF, s1;
	s11 =	sadd.s32 s9, s4  }
0xc8: {  	s1 =	sand.u32 $0x1, s11  }
0xc9: {  	p1 =	slt.s32 s11, $0x1;
	p2 =	seq.s32 s1, $0x1  }
0xca: {  	s30 =	sshrl.u32 s11, $0x1F;
	p1 =	por !p1, !p2  }
0xcb: {  	s4 =	simm.s32 $0x1;
	s1 =	sadd.s32 s30, s11;
	p1 =	por !p1, !p1  }
0xcc: {  	s1 =	sshra.s32 s1, $0x1;
	s4 =	simm.s32 @!p1 $0x0  }
0xcd: {  	s28 =	ssub.s32 s1, s4  }
0xce: {  	v9 =	vld [tilespmem:s28+$0x0];
	_ =	sdelay $0x4  }
0xcf: {  	(v2sf) =	vpush v9, $0x0;
	_ =	sdelay $0xe  }
0xd0: {  	s31 =	spop (v2sf)  }
0xd1: {  	p1 =	sgt.s32 s31, s0  }
0xd2: {  	s28 =	smov.u32 @p1 s9  }
0xd3: {  	v9 =	vld [tilespmem:s28+$0x1];
	_ =	sdelay $0x4  }
0xd4: {  	(v2sf) =	vpush v9, $0x0;
	_ =	sdelay $0xe  }
0xd5: {  	s0 =	simm.s32 @!p0 $0x5;
	s1 =	spop (v2sf)  }
0xd6: {  	_ =	swait.ge @!p0 [sflag:s0], $0x4000  }
0xd7: {  	[sflag:s0] =	ssyncset.done @!p0 $0x0  }
0xd8: {  	[sflag:s0] =	ssyncadd.s32 @!p0 $0xFFFFC000  }
0xd9: {  	_ =	swait.ge @!p0 [sflag:s0], $0x4000  }
0xda: {  	[sflag:s0] =	ssyncset.done @!p0 $0x0  }
0xdb: {  	[sflag:s0] =	ssyncadd.s32 @!p0 $0xFFFFC000  }
0xdc: {  	_ =	swait.ge @!p0 [sflag:s0], $0x4000  }
0xdd: {  	[sflag:s0] =	ssyncset.done @!p0 $0x0  }
0xde: {  	[sflag:s0] =	ssyncadd.s32 @!p0 $0xFFFFC000  }
0xdf: {  	_ =	swait.ge @!p0 [sflag:s0], $0x2000  }
0xe0: {  	[sflag:s0] =	ssyncset.done @!p0 $0x0  }
0xe1: {  	[sflag:s0] =	ssyncadd.s32 @!p0 $0xFFFFE000;
	s0 =	ssub.s32 s28, s26  }
0xe2: {  	p1 =	sgt.u32 s0, $0x7FFFFFFE  }
.Ltmp8:
0xe3: {  	_ = 	snop;
	(pc) =	sbr.rel @p1 .LBB2_23-.Ltmp8, $4  }
.Ltmp9:
0xe4: {  	s4 =	simm.s32 @!p0 $0x7;
	(pc) =	sbr.rel @!p1 .LBB2_16-.Ltmp9, $4  }
0xe5: {  	_ =	swait.ge @!p0 [sflag:s4], $0x1D0  }
0xe6: {  	[sflag:s4] =	ssyncset.done @!p0 $0x0  }
0xe7: {  	s9 =	simm.s32 $0x0;
	[sflag:s4] =	ssyncadd.s32 @!p0 $0xFFFFFE30;
	s4 =	simm.s32 $0x0  }
0xe8: {  	_ = 	snop  }
.LBB2_12:
0xe9: {  	p2 =	sne.s32 s9, s12  }
.Ltmp10:
0xea: {  	_ = 	snop;
	(pc) =	sbr.rel @!p2 .LBB2_13-.Ltmp10, $3  }
0xeb: {  	_ =	sdelay $0x1  }
0xec: {  	s11 =	sadd.s32 $0x1, s9  }
0xed: {  	s9 =	smov.u32 s11  }
.LBB2_6:
0xee: {  	s11 =	sadd.s32 s24, s9  }
0xef: {  	v9 =	vld [tilespmem:s11+$0x1];
	_ =	sdelay $0x4  }
0xf0: {  	(v2sf) =	vpush v9, $0x0;
	_ =	sdelay $0xe  }
0xf1: {  	s13 =	smov.u32 s4;
	s4 =	spop (v2sf)  }
0xf2: {  	s16 =	smov.u32 s25;
	p2 =	slt.s32 s4, s25  }
0xf3: {  	p3 =	seq.s32 s9, $0x0;
	s17 =	ssub.s32 s13, s26;
	s16 =	smov.u32 @p2 s4  }
0xf4: {  	s17 =	simm.s32 @p3 $0x0;
	s13 =	ssub.s32 s16, s26  }
0xf5: {  	p2 =	sge.s32 s17, s13  }
.Ltmp11:
0xf6: {  	_ = 	snop;
	(pc) =	sbr.rel @p2 .LBB2_10-.Ltmp11, $1  }
0xf7: {  	_ =	sdelay $0x3  }
0xf8: {  	s16 =	sadd.s32 s17, s22  }
0xf9: {  	s21 =	sshll.u32 s16, $0x2  }
0xfa: {  	s16 =	sshll.u32 s16, $0x9;
	s21 =	sshra.s32 s21, $0x2  }
0xfb: {  	s16 =	sshra.s32 s16, $0x2;
	s21 =	sadd.s32 $0xA80, s21  }
0xfc: {  	s16 =	sadd.s32 $0xEC0, s16;
	v9 =	vld.msk [tilespmem:s21+$0x0 ss:$0x0], $0xffff  }
0xfd: {  	v13 =	vld [tilespmem:s16+$0x30]  }
0xfe: {  	s17 =	sadd.s32 $0x1, s17;
	v14 =	vld [tilespmem:s16+$0xFFFFFFC0]  }
0xff: {  	p2 =	slt.s32 s17, s13;
	v15 =	vld [tilespmem:s16+$0xFFFFFFD0]  }
.Ltmp12:
0x100: {  	v12 =	vld [tilespmem:s16+$0xFFFFFFE0];
	(pc) =	sbr.rel @!p2 .LBB2_9-.Ltmp12, $4  }
0x101: {  	v10 =	vld [tilespmem:s16+$0xFFFFFFF0]  }
0x102: {  	v11 =	vld [tilespmem:s16+$0x0];
	v17 =	vmul.f32 v13, v9  }
0x103: {  	v13 =	vld [tilespmem:s16+$0x10];
	v16 =	vmul.f32 v14, v9  }
0x104: {  	s21 =	sadd.s32 $0x1, s21;
	v15 =	vmul.f32 v15, v9;
	v14 =	vld [tilespmem:s16+$0x20];
	v1 =	vadd.f32 v17, v1  }
.LBB2_8:
0x105: {  	v17 =	vld.msk [tilespmem:s21+$0x0 ss:$0x0], $0xffff;
	s17 =	sadd.s32 $0x1, s17;
	v8 =	vadd.f32 v16, v8;
	v12 =	vmul.f32 v12, v9;
	s16 =	sadd.s32 $0x80, s16  }
0x106: {  	v16 =	vld [tilespmem:s16+$0x30];
	p2 =	slt.s32 s17, s13;
	v7 =	vadd.f32 v15, v7;
	v10 =	vmul.f32 v10, v9  }
0x107: {  	v15 =	vld [tilespmem:s16+$0xFFFFFFC0];
	v6 =	vadd.f32 v12, v6;
	v11 =	vmul.f32 v11, v9  }
0x108: {  	v18 =	vld [tilespmem:s16+$0xFFFFFFD0];
	v5 =	vadd.f32 v10, v5;
	v13 =	vmul.f32 v13, v9  }
.Ltmp13:
0x109: {  	v12 =	vld [tilespmem:s16+$0xFFFFFFE0];
	v4 =	vadd.f32 v11, v4;
	v14 =	vmul.f32 v14, v9;
	(pc) =	sbr.rel @p2 .LBB2_8-.Ltmp13, $4  }
0x10a: {  	v10 =	vld [tilespmem:s16+$0xFFFFFFF0];
	v3 =	vadd.f32 v13, v3  }
0x10b: {  	v9 =	vmov v17;
	v11 =	vld [tilespmem:s16+$0x0];
	v19 =	vmul.f32 v16, v17;
	v2 =	vadd.f32 v14, v2  }
0x10c: {  	v16 =	vmul.f32 v15, v9;
	v13 =	vld [tilespmem:s16+$0x10]  }
0x10d: {  	s21 =	sadd.s32 $0x1, s21;
	v15 =	vmul.f32 v18, v9;
	v14 =	vld [tilespmem:s16+$0x20];
	v1 =	vadd.f32 v19, v1  }
.LBB2_9:
0x10e: {  	_ =	sdelay $0x1  }
0x10f: {  	v12 =	vmul.f32 v12, v9;
	v8 =	vadd.f32 v16, v8  }
0x110: {  	v7 =	vadd.f32 v15, v7;
	v10 =	vmul.f32 v10, v9;
	v11 =	vmul.f32 v11, v9  }
0x111: {  	v6 =	vadd.f32 v12, v6;
	v63 =	vmul.f32 v13, v9;
	v9 =	vmul.f32 v14, v9  }
0x112: {  	v5 =	vadd.f32 v10, v5;
	v4 =	vadd.f32 v11, v4  }
0x113: {  	v3 =	vadd.f32 v63, v3;
	v2 =	vadd.f32 v9, v2  }
.LBB2_10:
0x114: {  	p2 =	sge.s32 s11, s8  }
.Ltmp14:
0x115: {  	_ = 	snop;
	(pc) =	sbr.rel @p2 .LBB2_12-.Ltmp14, $1  }
0x116: {  	_ =	sdelay $0x3  }
0x117: {  	p2 =	sgt.s32 s4, s25  }
0x118: {  	s13 =	sshll.u32 @!p2 s11, $0x7  }
0x119: {  	s16 =	sand.u32 @!p2 $0xF, s11;
	s13 =	sand.u32 @!p2 $0x800, s13  }
0x11a: {  	s17 =	sshll.u32 @!p2 s16, $0x7;
	s13 =	sadd.s32 @!p2 $0x1CE80, s13  }
0x11b: {  	s17 =	sadd.s32 @!p2 s17, s13  }
0x11c: {  	[tilespmem:s17+$0x0] =	vst @!p2 v8  }
0x11d: {  	[tilespmem:s17+$0x10] =	vst @!p2 v7  }
0x11e: {  	p4 =	sne.s32 @!p2 s16, $0xF;
	[tilespmem:s17+$0x20] =	vst @!p2 v6  }
0x11f: {  	s16 =	sshrl.u32 @!p2 s11, $0x4;
	p3 =	por p4, p2;
	[tilespmem:s17+$0x30] =	vst @!p2 v5  }
0x120: {  	p5 =	seq.s32 @!p3 s16, $0x0;
	[tilespmem:s17+$0x40] =	vst @!p2 v4  }
0x121: {  	s11 =	sadd.s32 @!p3 s5, s11;
	[tilespmem:s17+$0x50] =	vst @!p2 v3;
	p5 =	por @!p2 p5, p4  }
0x122: {  	[tilespmem:s17+$0x60] =	vst @!p2 v2;
	s11 =	sshll.u32 @!p3 s11, $0x7;
	p5 =	por p5, p2  }
.Ltmp15:
0x123: {  	v9 =	vimm.f32 @!p2 $0.0e+00;
	[tilespmem:s17+$0x70] =	vst @!p2 v1;
	p4 =	por !p4, p2;
	s16 =	simm.s32 @!p5 $0x8;
	(pc) =	sbr.rel .LBB2_12-.Ltmp15, $4  }
0x124: {  	s11 =	sadd.s32 @!p3 $0xFFFFF880, s11;
	v9 =	vpsel p4, $0x0, v9;
	_ =	swait.ge @!p5 [sflag:s16], $0x800  }
0x125: {  	s11 =	sshrl.u32 @!p3 s11, $0x3;
	v1 =	vpsel p2, v1, v9;
	v2 =	vpsel p2, v2, v9;
	[sflag:s16] =	ssyncset.done @!p5 $0x0  }
0x126: {  	v3 =	vpsel p2, v3, v9;
	v4 =	vpsel p2, v4, v9;
	v5 =	vpsel p2, v5, v9;
	s11 =	sadd.s32 @!p3 s3, s11;
	[sflag:s16] =	ssyncadd.s32 @!p5 $0xFFFFF800;
	s16 =	simm.s32 @!p3 $0x0  }
0x127: {  	v6 =	vpsel p2, v6, v9;
	v7 =	vpsel p2, v7, v9;
	v8 =	vpsel p2, v8, v9;
	[hbm4b:s11+s16] =	stream.linear.scatter @!p3 [tilespmem:s13], [sflag:$0x8], $0x800, $0x38;
	[tilespmem:$0x1DE80] =	vst v63  }
.LBB2_22:
0x128: {  	p0 =	sne.s32 s9, s0  }
.Ltmp16:
0x129: {  	_ = 	snop;
	(pc) =	sbr.rel @!p0 .LBB2_23-.Ltmp16, $3  }
0x12a: {  	_ =	sdelay $0x1  }
0x12b: {  	s11 =	sadd.s32 $0x1, s9  }
0x12c: {  	s9 =	smov.u32 s11  }
.LBB2_16:
0x12d: {  	s11 =	sadd.s32 s26, s9  }
0x12e: {  	v9 =	vld [tilespmem:s11+$0x1];
	_ =	sdelay $0x4  }
0x12f: {  	(v2sf) =	vpush v9, $0x0;
	_ =	sdelay $0xe  }
0x130: {  	s12 =	smov.u32 s4;
	s4 =	spop (v2sf)  }
0x131: {  	s13 =	smov.u32 s25;
	p0 =	slt.s32 s4, s25  }
0x132: {  	p1 =	seq.s32 s9, $0x0;
	s16 =	ssub.s32 s12, s24;
	s13 =	smov.u32 @p0 s4  }
0x133: {  	s16 =	simm.s32 @p1 $0x0;
	s12 =	ssub.s32 s13, s24  }
0x134: {  	p0 =	sge.s32 s16, s12  }
.Ltmp17:
0x135: {  	_ = 	snop;
	(pc) =	sbr.rel @p0 .LBB2_20-.Ltmp17, $1  }
0x136: {  	_ =	sdelay $0x3  }
0x137: {  	s13 =	sadd.s32 s16, s22  }
0x138: {  	s17 =	sshll.u32 s13, $0x2  }
0x139: {  	s13 =	sshll.u32 s13, $0x9;
	s17 =	sshra.s32 s17, $0x2  }
0x13a: {  	s13 =	sshra.s32 s13, $0x2;
	s17 =	sadd.s32 $0xC80, s17  }
0x13b: {  	s13 =	sadd.s32 $0xEEC0, s13;
	v9 =	vld.msk [tilespmem:s17+$0x0 ss:$0x0], $0xffff  }
0x13c: {  	v13 =	vld [tilespmem:s13+$0x30]  }
0x13d: {  	s16 =	sadd.s32 $0x1, s16;
	v14 =	vld [tilespmem:s13+$0xFFFFFFC0]  }
0x13e: {  	p0 =	slt.s32 s16, s12;
	v15 =	vld [tilespmem:s13+$0xFFFFFFD0]  }
.Ltmp18:
0x13f: {  	v12 =	vld [tilespmem:s13+$0xFFFFFFE0];
	(pc) =	sbr.rel @!p0 .LBB2_19-.Ltmp18, $4  }
0x140: {  	v10 =	vld [tilespmem:s13+$0xFFFFFFF0]  }
0x141: {  	v11 =	vld [tilespmem:s13+$0x0];
	v17 =	vmul.f32 v13, v9  }
0x142: {  	v13 =	vld [tilespmem:s13+$0x10];
	v16 =	vmul.f32 v14, v9  }
0x143: {  	s17 =	sadd.s32 $0x1, s17;
	v15 =	vmul.f32 v15, v9;
	v14 =	vld [tilespmem:s13+$0x20];
	v1 =	vadd.f32 v17, v1  }
.LBB2_18:
0x144: {  	v17 =	vld.msk [tilespmem:s17+$0x0 ss:$0x0], $0xffff;
	s16 =	sadd.s32 $0x1, s16;
	v8 =	vadd.f32 v16, v8;
	v12 =	vmul.f32 v12, v9;
	s13 =	sadd.s32 $0x80, s13  }
0x145: {  	v16 =	vld [tilespmem:s13+$0x30];
	p0 =	slt.s32 s16, s12;
	v7 =	vadd.f32 v15, v7;
	v10 =	vmul.f32 v10, v9  }
0x146: {  	v15 =	vld [tilespmem:s13+$0xFFFFFFC0];
	v6 =	vadd.f32 v12, v6;
	v11 =	vmul.f32 v11, v9  }
0x147: {  	v18 =	vld [tilespmem:s13+$0xFFFFFFD0];
	v5 =	vadd.f32 v10, v5;
	v13 =	vmul.f32 v13, v9  }
.Ltmp19:
0x148: {  	v12 =	vld [tilespmem:s13+$0xFFFFFFE0];
	v4 =	vadd.f32 v11, v4;
	v14 =	vmul.f32 v14, v9;
	(pc) =	sbr.rel @p0 .LBB2_18-.Ltmp19, $4  }
0x149: {  	v10 =	vld [tilespmem:s13+$0xFFFFFFF0];
	v3 =	vadd.f32 v13, v3  }
0x14a: {  	v9 =	vmov v17;
	v11 =	vld [tilespmem:s13+$0x0];
	v19 =	vmul.f32 v16, v17;
	v2 =	vadd.f32 v14, v2  }
0x14b: {  	v16 =	vmul.f32 v15, v9;
	v13 =	vld [tilespmem:s13+$0x10]  }
0x14c: {  	s17 =	sadd.s32 $0x1, s17;
	v15 =	vmul.f32 v18, v9;
	v14 =	vld [tilespmem:s13+$0x20];
	v1 =	vadd.f32 v19, v1  }
.LBB2_19:
0x14d: {  	_ =	sdelay $0x1  }
0x14e: {  	v12 =	vmul.f32 v12, v9;
	v8 =	vadd.f32 v16, v8  }
0x14f: {  	v7 =	vadd.f32 v15, v7;
	v10 =	vmul.f32 v10, v9;
	v11 =	vmul.f32 v11, v9  }
0x150: {  	v6 =	vadd.f32 v12, v6;
	v63 =	vmul.f32 v13, v9;
	v9 =	vmul.f32 v14, v9  }
0x151: {  	v5 =	vadd.f32 v10, v5;
	v4 =	vadd.f32 v11, v4  }
0x152: {  	v3 =	vadd.f32 v63, v3;
	v2 =	vadd.f32 v9, v2  }
.LBB2_20:
0x153: {  	p0 =	sge.s32 s11, s8  }
.Ltmp20:
0x154: {  	_ = 	snop;
	(pc) =	sbr.rel @p0 .LBB2_22-.Ltmp20, $1  }
0x155: {  	_ =	sdelay $0x3  }
0x156: {  	p0 =	sgt.s32 s4, s25  }
0x157: {  	s12 =	sshll.u32 @!p0 s11, $0x7  }
0x158: {  	s13 =	sand.u32 @!p0 $0xF, s11;
	s12 =	sand.u32 @!p0 $0x800, s12  }
0x159: {  	s16 =	sshll.u32 @!p0 s13, $0x7;
	s12 =	sadd.s32 @!p0 $0x1CE80, s12  }
0x15a: {  	s16 =	sadd.s32 @!p0 s16, s12  }
0x15b: {  	[tilespmem:s16+$0x0] =	vst @!p0 v8  }
0x15c: {  	[tilespmem:s16+$0x10] =	vst @!p0 v7  }
0x15d: {  	p2 =	sne.s32 @!p0 s13, $0xF;
	[tilespmem:s16+$0x20] =	vst @!p0 v6  }
0x15e: {  	s13 =	sshrl.u32 @!p0 s11, $0x4;
	p1 =	por p2, p0;
	[tilespmem:s16+$0x30] =	vst @!p0 v5  }
0x15f: {  	p3 =	seq.s32 @!p1 s13, $0x0;
	[tilespmem:s16+$0x40] =	vst @!p0 v4  }
0x160: {  	s11 =	sadd.s32 @!p1 s5, s11;
	[tilespmem:s16+$0x50] =	vst @!p0 v3;
	p3 =	por @!p0 p3, p2  }
0x161: {  	[tilespmem:s16+$0x60] =	vst @!p0 v2;
	s11 =	sshll.u32 @!p1 s11, $0x7;
	p3 =	por p3, p0  }
.Ltmp21:
0x162: {  	v9 =	vimm.f32 @!p0 $0.0e+00;
	[tilespmem:s16+$0x70] =	vst @!p0 v1;
	p2 =	por !p2, p0;
	s13 =	simm.s32 @!p3 $0x8;
	(pc) =	sbr.rel .LBB2_22-.Ltmp21, $4  }
0x163: {  	s11 =	sadd.s32 @!p1 $0xFFFFF880, s11;
	v9 =	vpsel p2, $0x0, v9;
	_ =	swait.ge @!p3 [sflag:s13], $0x800  }
0x164: {  	s11 =	sshrl.u32 @!p1 s11, $0x3;
	v1 =	vpsel p0, v1, v9;
	v2 =	vpsel p0, v2, v9;
	[sflag:s13] =	ssyncset.done @!p3 $0x0  }
0x165: {  	v3 =	vpsel p0, v3, v9;
	v4 =	vpsel p0, v4, v9;
	v5 =	vpsel p0, v5, v9;
	s11 =	sadd.s32 @!p1 s3, s11;
	[sflag:s13] =	ssyncadd.s32 @!p3 $0xFFFFF800;
	s13 =	simm.s32 @!p1 $0x0  }
0x166: {  	v6 =	vpsel p0, v6, v9;
	v7 =	vpsel p0, v7, v9;
	v8 =	vpsel p0, v8, v9;
	[hbm4b:s11+s13] =	stream.linear.scatter @!p1 [tilespmem:s12], [sflag:$0x8], $0x800, $0x38;
	[tilespmem:$0x1DE80] =	vst v63  }
.LBB2_24:
0x167: {  	p0 =	sge.s32 s24, s8  }
.Ltmp22:
0x168: {  	_ = 	snop;
	(pc) =	sbr.rel @p0 .LBB2_29-.Ltmp22, $2  }
0x169: {  	_ =	sdelay $0x2  }
0x16a: {  	s21 =	rddreg [dreg:$0x7]  }
.LBB2_25:
0x16b: {  	s0 =	sshll.u32 s24, $0x7  }
0x16c: {  	s1 =	sand.u32 $0xF, s24;
	s4 =	sand.u32 $0x800, s0  }
0x16d: {  	s9 =	sshll.u32 s1, $0x7;
	s4 =	sadd.s32 $0x1CE80, s4  }
0x16e: {  	s9 =	sadd.s32 s9, s4  }
0x16f: {  	[tilespmem:s9+$0x0] =	vst v8  }
0x170: {  	[tilespmem:s9+$0x10] =	vst v7  }
0x171: {  	[tilespmem:s9+$0x20] =	vst v6  }
0x172: {  	[tilespmem:s9+$0x30] =	vst v5  }
0x173: {  	s11 =	sshrl.u32 s24, $0x4;
	p0 =	sne.s32 s1, $0xF;
	[tilespmem:s9+$0x40] =	vst v4  }
0x174: {  	p1 =	seq.s32 @!p0 s11, $0x0;
	[tilespmem:s9+$0x50] =	vst v3  }
0x175: {  	s1 =	sadd.s32 @!p0 s5, s24;
	p1 =	por p1, p0;
	[tilespmem:s9+$0x60] =	vst v2  }
0x176: {  	s1 =	sshll.u32 @!p0 s1, $0x7;
	[tilespmem:s9+$0x70] =	vst v1;
	s9 =	simm.s32 @!p1 $0x8  }
0x177: {  	s1 =	sadd.s32 @!p0 $0xFFFFF880, s1;
	_ =	swait.ge @!p1 [sflag:s9], $0x800  }
0x178: {  	s1 =	sshrl.u32 @!p0 s1, $0x3;
	[sflag:s9] =	ssyncset.done @!p1 $0x0  }
0x179: {  	s1 =	sadd.s32 @!p0 s3, s1;
	[sflag:s9] =	ssyncadd.s32 @!p1 $0xFFFFF800;
	s9 =	simm.s32 @!p0 $0x0  }
0x17a: {  	[hbm4b:s1+s9] =	stream.linear.scatter @!p0 [tilespmem:s4], [sflag:$0x8], $0x800, $0x38;
	[tilespmem:$0x1DE80] =	vst v63  }
0x17b: {  	s4 =	sadd.s32 $0x1, s24  }
0x17c: {  	p0 =	seq.s32 s4, s10  }
.Ltmp23:
0x17d: {  	_ = 	snop;
	(pc) =	sbr.rel @p0 .LBB2_29-.Ltmp23, $1  }
0x17e: {  	_ =	sdelay $0x3  }
0x17f: {  	s1 =	rddreg [dreg:$0x6];
	s31 =	sshll.u32 s4, $0x7;
	s9 =	sand.u32 $0xF, s4  }
0x180: {  	s11 =	sshll.u32 s9, $0x7;
	p1 =	sne.s32 s9, $0xF;
	s9 =	sadd.s32 $0x1, s4  }
0x181: {  	s1 =	sadd.s32 s0, s1;
	s0 =	sand.u32 $0x800, s31;
	p2 =	sne.s32 s10, s9  }
.Ltmp24:
0x182: {  	s0 =	sadd.s32 $0x1CE80, s0;
	(pc) =	sbr.rel @!p2 .LBB2_28-.Ltmp24, $4  }
0x183: {  	s11 =	sadd.s32 s11, s0  }
0x184: {  	s4 =	sshrl.u32 s4, $0x4;
	[tilespmem:s11+$0x70] =	vst v0  }
0x185: {  	p0 =	seq.s32 @!p1 s4, $0x0;
	s4 =	sshrl.u32 @!p1 s1, $0x3;
	[tilespmem:s11+$0x60] =	vst v0  }
0x186: {  	p0 =	por p0, p1;
	s4 =	sadd.s32 @!p1 s3, s4;
	p1 =	por p1, p1;
	[tilespmem:s11+$0x50] =	vst v0  }
.LBB2_27:
0x187: {  	[tilespmem:s11+$0x40] =	vst v0;
	s1 =	sadd.s32 $0x80, s1;
	s12 =	smov.u32 s9;
	s9 =	sadd.s32 $0x1, s9  }
0x188: {  	p2 =	sne.s32 s10, s9;
	[tilespmem:s11+$0x30] =	vst v0  }
0x189: {  	s13 =	sshrl.u32 s12, $0x4;
	s16 =	sand.u32 $0xF, s12;
	s12 =	sshll.u32 s12, $0x7;
	[tilespmem:s11+$0x20] =	vst v0  }
0x18a: {  	s17 =	simm.s32 @!p1 $0x0;
	s12 =	sand.u32 $0x800, s12;
	[tilespmem:s11+$0x0] =	vst v0  }
0x18b: {  	s18 =	simm.s32 @!p0 $0x8;
	p3 =	sne.s32 s16, $0xF;
	s12 =	sadd.s32 $0x1CE80, s12;
	[tilespmem:s11+$0x10] =	vst v0  }
0x18c: {  	p4 =	seq.s32 @!p3 s13, $0x0;
	s11 =	sshll.u32 s16, $0x7;
	_ =	swait.ge @!p0 [sflag:s18], $0x800  }
0x18d: {  	s13 =	sshrl.u32 @!p3 s1, $0x3;
	s11 =	sadd.s32 s11, s12;
	[sflag:s18] =	ssyncset.done @!p0 $0x0  }
.Ltmp25:
0x18e: {  	[sflag:s18] =	ssyncadd.s32 @!p0 $0xFFFFF800;
	p0 =	por p4, p3;
	(pc) =	sbr.rel @p2 .LBB2_27-.Ltmp25, $4  }
0x18f: {  	[hbm4b:s4+s17] =	stream.linear.scatter @!p1 [tilespmem:s0], [sflag:$0x8], $0x800, $0x38;
	[tilespmem:$0x1DE80] =	vst v63  }
0x190: {  	s4 =	sadd.s32 @!p3 s3, s13;
	s0 =	smov.u32 s12;
	p1 =	por p3, p3;
	[tilespmem:s11+$0x70] =	vst v0  }
0x191: {  	[tilespmem:s11+$0x60] =	vst v0  }
0x192: {  	[tilespmem:s11+$0x50] =	vst v0  }
.Ltmp26:
0x193: {  	_ = 	snop;
	(pc) =	sbr.rel .LBB2_28-.Ltmp26, $1  }
0x194: {  	_ =	sdelay $0x3  }
.LBB2_30:
0x195: {  	_ =	sfence.sel $0x180000  }
0x196: {  	[bflag:$0x0] =	sbarrier.arrive $0xFFFF  }
0x197: {  	_ =	strace $0x90000047  }
0x198: {  	s0 =	stileid.u32;
	[bflag:$0x2] =	sbarrier.arrive $0xFFFF  }
0x199: {  	p0 =	sne.s32 s0, $0x0;
	s0 =	rddreg [dreg:$0x3]  }
0x19a: {  	s0 =	sadd.s32 @!p0 $0x100000, s0  }
0x19b: {  	[sflag:s0] =	ssyncadd.tile.s32 @!p0 $0x1;
	_ =	shalt  }
.Lfunc_end2:
_tile_overlayer_lowered:
.L_overlay_start_2:
0x19c: {  	(tag) =	ssettag $0x2  }
0x19d: {  	s0 =	rddreg [dreg:$0x0];
	s2 =	stileid.u32  }
0x19e: {  	s1 =	rddreg [dreg:$0x1];
	p0 =	sne.s32 s2, $0x0  }
0x19f: {  	s3 =	rddreg [dreg:$0x2];
	[bflag:$0x3] =	sbarrier.arrive $0xFFFF;
	s2 =	simm.s32 @!p0 $0x1C09  }
0x1a0: {  	[timem:s3], [sflag:s2] =	dma.local @!p0 [hbm:s0], s1  }
0x1a1: {  	s0 =	simm.s32 @!p0 $0x9  }
0x1a2: {  	_ =	swait.ge @!p0 [sflag:s0], s1  }
0x1a3: {  	s1 =	ssub.s32 @!p0 $0x0, s1;
	[sflag:s0] =	ssyncset.done @!p0 $0x0  }
0x1a4: {  	[sflag:s0] =	ssyncadd.s32 @!p0 s1  }
0x1a5: {  	[bflag:$0x3] =	sbarrier.arrive $0xFFFF  }
0x1a6: {  	_ =	shalt  }

</sc_bundles>
